<compile_context>
chip_gen: v7x
topology: tpu7x:2x2x1
jax: 0.10.2.dev20260603
libtpu: 0.0.44.dev20260713+nightly
codegen_flags: <defaults>
</compile_context>

<pallas_src>
import jax
import jax.numpy as jnp
from jax import lax
from jax.experimental import pallas as pl
from jax.experimental.pallas import tpu as pltpu
from jax.experimental.pallas import tpu_sc as plsc

BATCH = 128
MEM = 4096
VAL = 64
SC_B = 16
TC_B = BATCH - SC_B
B_CH = 2
NCH = TC_B // B_CH
NBUF = 7
LANES = 16
N_WORKERS = 32
ROWS_PW = SC_B * VAL // N_WORKERS


def _tc_kernel(mem_hbm, w_ref, vt_ref, out_hbm, in_buf, out_buf, in_sems, out_sems):
    def in_copy(c, slot):
        return pltpu.make_async_copy(
            mem_hbm.at[pl.ds(c * B_CH, B_CH)],
            in_buf.at[slot],
            in_sems.at[slot],
        )

    def out_copy(c, slot):
        return pltpu.make_async_copy(
            out_buf.at[slot],
            out_hbm.at[pl.ds(c * B_CH, B_CH)],
            out_sems.at[slot],
        )

    for c in range(NBUF):
        in_copy(c, c).start()

    for c in range(NCH):
        slot = c % NBUF
        in_copy(c, slot).wait()
        if c >= NBUF:
            out_copy(c - NBUF, slot).wait()
        wb = w_ref[pl.ds(c * B_CH, B_CH), :][:, None, :]
        vb = vt_ref[:, pl.ds(c * B_CH, B_CH)].T[:, :, None]
        out_buf[slot] = in_buf[slot] + wb * vb
        out_copy(c, slot).start()
        if c + NBUF < NCH:
            in_copy(c + NBUF, slot).start()

    for c in range(NCH - NBUF, NCH):
        out_copy(c, c % NBUF).wait()


def _sc_body(mem_hbm, w_hbm, vb_hbm, out_hbm, w_buf, row_buf, out_row, vv_buf):
    wid = lax.axis_index("s") * 2 + lax.axis_index("c")
    b_loc = wid // (VAL // ROWS_PW)
    j0 = (wid % (VAL // ROWS_PW)) * ROWS_PW
    pltpu.sync_copy(w_hbm.at[TC_B + b_loc], w_buf)

    @pl.loop(0, ROWS_PW)
    def _row(r):
        j = j0 + r
        pltpu.sync_copy(mem_hbm.at[TC_B + b_loc, j], row_buf)
        pltpu.sync_copy(vb_hbm.at[b_loc * VAL + j], vv_buf)

        @pl.loop(0, MEM // LANES)
        def _vec(i):
            k = i * LANES
            out_row[pl.ds(k, LANES)] = (
                row_buf[pl.ds(k, LANES)]
                + w_buf[pl.ds(k, LANES)] * vv_buf[...]
            )

        pltpu.sync_copy(out_row, out_hbm.at[b_loc, j])


def kernel(memory, w, v):
    mem_t = memory.transpose(0, 2, 1)
    vt = v.T
    vb = jnp.broadcast_to(
        v[TC_B:].reshape(SC_B * VAL, 1), (SC_B * VAL, LANES)
    )

    tc_out = pl.pallas_call(
        _tc_kernel,
        in_specs=[
            pl.BlockSpec(memory_space=pltpu.MemorySpace.HBM),
            pl.BlockSpec(memory_space=pltpu.MemorySpace.VMEM),
            pl.BlockSpec(memory_space=pltpu.MemorySpace.VMEM),
        ],
        out_specs=pl.BlockSpec(memory_space=pltpu.MemorySpace.HBM),
        out_shape=jax.ShapeDtypeStruct((TC_B, VAL, MEM), memory.dtype),
        scratch_shapes=[
            pltpu.VMEM((NBUF, B_CH, VAL, MEM), jnp.float32),
            pltpu.VMEM((NBUF, B_CH, VAL, MEM), jnp.float32),
            pltpu.SemaphoreType.DMA((NBUF,)),
            pltpu.SemaphoreType.DMA((NBUF,)),
        ],
    )(mem_t, w, vt)

    sc_kernel = pl.kernel(
        _sc_body,
        out_type=jax.ShapeDtypeStruct((SC_B, VAL, MEM), jnp.float32),
        mesh=plsc.VectorSubcoreMesh(core_axis_name="c", subcore_axis_name="s"),
        scratch_types=[
            pltpu.VMEM((MEM,), jnp.float32),
            pltpu.VMEM((MEM,), jnp.float32),
            pltpu.VMEM((MEM,), jnp.float32),
            pltpu.VMEM((LANES,), jnp.float32),
        ],
    )
    sc_out = sc_kernel(mem_t, w, vb)

    out_t = jnp.concatenate([tc_out, sc_out], axis=0)
    return out_t.transpose(0, 2, 1)

# --- scband reference (transcript-rebuilt; emitter-appended) ---
"""Pipeline reference for scband-value-memory-68573447848594 (READ-ONLY COPY).

The authoritative reference and input builder live on the scoring server;
editing this copy changes nothing except your own understanding.
"""

import jax, jax.numpy as jnp
import numpy as np

MEM_SIZE = 4096
VALUE_SIZE = 64
BATCH_SIZE = 128


def setup_inputs(seed: int = 0) -> dict:
    key = jax.random.key(seed)
    k_mem, k_w, k_v = jax.random.split(key, 3)
    stdev = 1.0 / np.sqrt(MEM_SIZE + VALUE_SIZE)
    memory = jax.random.uniform(
        k_mem, (BATCH_SIZE, MEM_SIZE, VALUE_SIZE), dtype=jnp.float32,
        minval=-stdev, maxval=stdev)
    w = jax.random.uniform(k_w, (BATCH_SIZE, MEM_SIZE), dtype=jnp.float32)
    v = jax.random.normal(k_v, (BATCH_SIZE, VALUE_SIZE), dtype=jnp.float32)
    return {"memory": memory, "w": w, "v": v}


def reference(memory, w, v):
    # Faithful translation of ValueMemory.write:
    #   write_v = matmul(w.unsqueeze(-1), v.unsqueeze(1))  -> outer product per batch
    #   memory[:B] = memory[:B] + write_v  (scatter-overwrite of updated rows)
    B = w.shape[0]
    write_v = jnp.matmul(w[:, :, None], v[:, None, :])  # (B, mem_size, value_size)
    new_mem = memory.at[:B].add(write_v)
    return new_mem

if __name__ == "__main__":
    import jax
    _d = setup_inputs()
    print(jax.jit(kernel)(*tuple(_d.values())))

</pallas_src>

<mosaic_0001>
#map = affine_map<(d0, d1) -> (0, 0, 0)>
#map1 = affine_map<(d0, d1) -> (0, 0)>
module attributes {stable_mosaic.version = 14 : i64} {
  func.func @_sc_body(%arg0: i32, %arg1: i32, %arg2: memref<128x64x4096xf32, #tpu.memory_space<hbm>>, %arg3: memref<128x4096xf32, #tpu.memory_space<hbm>>, %arg4: memref<1024x16xf32, #tpu.memory_space<hbm>>, %arg5: memref<16x64x4096xf32, #tpu.memory_space<hbm>>, %arg6: memref<4096xf32, #tpu.memory_space<vmem>>, %arg7: memref<4096xf32, #tpu.memory_space<vmem>>, %arg8: memref<4096xf32, #tpu.memory_space<vmem>>, %arg9: memref<16xf32, #tpu.memory_space<vmem>>) attributes {dimension_semantics = [#tpu.dimension_semantics<core_parallel>, #tpu.dimension_semantics<subcore_parallel>], iteration_bounds = array<i64: 2, 16>, scalar_prefetch = 0 : i64, scratch_operands = 4 : i64, tpu.core_type = #tpu.core_type<sc_vector_subcore>, window_params = [{transform_indices = #map}, {transform_indices = #map1}, {transform_indices = #map1}, {transform_indices = #map}]} {
    %mul3A = arith.constant 2 : i32
    %mul3A_0 = arith.muli %arg1, %mul3A : i32
    %add3A = arith.addi %mul3A_0, %arg0 : i32
    %jit3A = arith.constant 2 : i32
    %div3A = arith.divsi %add3A, %jit3A : i32
    %sign3A = arith.constant 0 : i32
    %sign3A_1 = arith.cmpi sgt, %add3A, %sign3A : i32
    %sign3A_2 = arith.extui %sign3A_1 : i1 to i32
    %sign3A_3 = arith.constant 0 : i32
    %sign3A_4 = arith.cmpi slt, %add3A, %sign3A_3 : i32
    %sign3A_5 = arith.extui %sign3A_4 : i1 to i32
    %sign3A_6 = arith.subi %sign3A_2, %sign3A_5 : i32
    %sign3A_7 = arith.constant 0 : i32
    %sign3A_8 = arith.cmpi sgt, %jit3A, %sign3A_7 : i32
    %sign3A_9 = arith.extui %sign3A_8 : i1 to i32
    %sign3A_10 = arith.constant 0 : i32
    %sign3A_11 = arith.cmpi slt, %jit3A, %sign3A_10 : i32
    %sign3A_12 = arith.extui %sign3A_11 : i1 to i32
    %sign3A_13 = arith.subi %sign3A_9, %sign3A_12 : i32
    %ne3A = arith.cmpi ne, %sign3A_6, %sign3A_13 : i32
    %rem3A = arith.remsi %add3A, %jit3A : i32
    %ne3A_14 = arith.constant 0 : i32
    %ne3A_15 = arith.cmpi ne, %rem3A, %ne3A_14 : i32
    %and3A = arith.andi %ne3A, %ne3A_15 : i1
    %sub3A = arith.constant 1 : i32
    %sub3A_16 = arith.subi %div3A, %sub3A : i32
    %select_n3A = arith.select %and3A, %sub3A_16, %div3A : i32
    %jit3A_17 = arith.constant 2 : i32
    %eq3A = arith.constant 0 : i32
    %eq3A_18 = arith.cmpi eq, %jit3A_17, %eq3A : i32
    %jit3A_19 = arith.constant 1 : i32
    %select_n3A_20 = arith.select %eq3A_18, %jit3A_19, %jit3A_17 : i32
    %rem3A_21 = arith.remsi %add3A, %select_n3A_20 : i32
    %ne3A_22 = arith.constant 0 : i32
    %ne3A_23 = arith.cmpi ne, %rem3A_21, %ne3A_22 : i32
    %lt3A = arith.constant 0 : i32
    %lt3A_24 = arith.cmpi slt, %rem3A_21, %lt3A : i32
    %lt3A_25 = arith.constant 0 : i32
    %lt3A_26 = arith.cmpi slt, %select_n3A_20, %lt3A_25 : i32
    %ne3A_27 = arith.xori %lt3A_24, %lt3A_26 : i1
    %and3A_28 = arith.andi %ne3A_27, %ne3A_23 : i1
    %add3A_29 = arith.addi %rem3A_21, %select_n3A_20 : i32
    %select_n3A_30 = arith.select %and3A_28, %add3A_29, %rem3A_21 : i32
    %mul3A_31 = arith.constant 32 : i32
    %mul3A_32 = arith.muli %select_n3A_30, %mul3A_31 : i32
    %add3A_33 = arith.constant 112 : i32
    %add3A_34 = arith.addi %add3A_33, %select_n3A : i32
    "tpu.region"() ({
      %run_scoped3A = tpu.sem_alloc : memref<!tpu.dma_semaphore, #tpu.memory_space<semaphore_mem>>
      %dma_start3A = arith.constant 0 : i32
      %dma_start3A_39 = tpu.memref_slice %arg3[%add3A_34, %dma_start3A] : memref<128x4096xf32, #tpu.memory_space<hbm>> -> memref<1x4096xf32, #tpu.memory_space<hbm>>
      %dma_start3A_40 = tpu.memref_squeeze %dma_start3A_39 : memref<1x4096xf32, #tpu.memory_space<hbm>> -> memref<4096xf32, #tpu.memory_space<hbm>>
      %dma_start3A_41 = arith.constant 0 : i32
      %dma_start3A_42 = tpu.memref_slice %arg3[%add3A_34, %dma_start3A_41] : memref<128x4096xf32, #tpu.memory_space<hbm>> -> memref<1x4096xf32, #tpu.memory_space<hbm>>
      %dma_start3A_43 = tpu.memref_squeeze %dma_start3A_42 : memref<1x4096xf32, #tpu.memory_space<hbm>> -> memref<4096xf32, #tpu.memory_space<hbm>>
      tpu.enqueue_dma source(%dma_start3A_43 : memref<4096xf32, #tpu.memory_space<hbm>>) target(%arg6 : memref<4096xf32, #tpu.memory_space<vmem>>) target_semaphore(%run_scoped3A : memref<!tpu.dma_semaphore, #tpu.memory_space<semaphore_mem>>)
      %dma_wait3A = arith.constant 0 : i32
      %dma_wait3A_44 = tpu.memref_slice %arg3[%add3A_34, %dma_wait3A] : memref<128x4096xf32, #tpu.memory_space<hbm>> -> memref<1x4096xf32, #tpu.memory_space<hbm>>
      %dma_wait3A_45 = tpu.memref_squeeze %dma_wait3A_44 : memref<1x4096xf32, #tpu.memory_space<hbm>> -> memref<4096xf32, #tpu.memory_space<hbm>>
      %dma_wait3A_46 = arith.constant 0 : i32
      %dma_wait3A_47 = tpu.memref_slice %arg3[%add3A_34, %dma_wait3A_46] : memref<128x4096xf32, #tpu.memory_space<hbm>> -> memref<1x4096xf32, #tpu.memory_space<hbm>>
      %dma_wait3A_48 = tpu.memref_squeeze %dma_wait3A_47 : memref<1x4096xf32, #tpu.memory_space<hbm>> -> memref<4096xf32, #tpu.memory_space<hbm>>
      tpu.wait_dma2 semaphore(%run_scoped3A : memref<!tpu.dma_semaphore, #tpu.memory_space<semaphore_mem>>) src(%dma_wait3A_48 : memref<4096xf32, #tpu.memory_space<hbm>>) dst(%arg6 : memref<4096xf32, #tpu.memory_space<vmem>>)
      tpu.yield
    }) : () -> ()
    %scan3A = arith.constant 0 : i32
    %scan3A_35 = arith.constant 32 : i32
    %scan3A_36 = arith.addi %scan3A, %scan3A_35 : i32
    %scan3A_37 = arith.constant 1 : i32
    scf.for %scan3A_39 = %scan3A to %scan3A_36 step %scan3A_37  : i32 {
      %mul3A_40 = arith.constant 1 : i32
      %mul3A_41 = arith.muli %scan3A_39, %mul3A_40 : i32
      %add3A_42 = arith.constant 0 : i32
      %add3A_43 = arith.addi %add3A_42, %mul3A_41 : i32
      %add3A_44 = arith.addi %mul3A_32, %add3A_43 : i32
      %add3A_45 = arith.constant 112 : i32
      %add3A_46 = arith.addi %add3A_45, %select_n3A : i32
      "tpu.region"() ({
        %run_scoped3A = tpu.sem_alloc : memref<!tpu.dma_semaphore, #tpu.memory_space<semaphore_mem>>
        %dma_start3A = arith.constant 0 : i32
        %dma_start3A_55 = tpu.memref_slice %arg2[%add3A_46, %add3A_44, %dma_start3A] : memref<128x64x4096xf32, #tpu.memory_space<hbm>> -> memref<1x1x4096xf32, #tpu.memory_space<hbm>>
        %dma_start3A_56 = tpu.memref_squeeze %dma_start3A_55 : memref<1x1x4096xf32, #tpu.memory_space<hbm>> -> memref<4096xf32, #tpu.memory_space<hbm>>
        %dma_start3A_57 = arith.constant 0 : i32
        %dma_start3A_58 = tpu.memref_slice %arg2[%add3A_46, %add3A_44, %dma_start3A_57] : memref<128x64x4096xf32, #tpu.memory_space<hbm>> -> memref<1x1x4096xf32, #tpu.memory_space<hbm>>
        %dma_start3A_59 = tpu.memref_squeeze %dma_start3A_58 : memref<1x1x4096xf32, #tpu.memory_space<hbm>> -> memref<4096xf32, #tpu.memory_space<hbm>>
        tpu.enqueue_dma source(%dma_start3A_59 : memref<4096xf32, #tpu.memory_space<hbm>>) target(%arg7 : memref<4096xf32, #tpu.memory_space<vmem>>) target_semaphore(%run_scoped3A : memref<!tpu.dma_semaphore, #tpu.memory_space<semaphore_mem>>)
        %dma_wait3A = arith.constant 0 : i32
        %dma_wait3A_60 = tpu.memref_slice %arg2[%add3A_46, %add3A_44, %dma_wait3A] : memref<128x64x4096xf32, #tpu.memory_space<hbm>> -> memref<1x1x4096xf32, #tpu.memory_space<hbm>>
        %dma_wait3A_61 = tpu.memref_squeeze %dma_wait3A_60 : memref<1x1x4096xf32, #tpu.memory_space<hbm>> -> memref<4096xf32, #tpu.memory_space<hbm>>
        %dma_wait3A_62 = arith.constant 0 : i32
        %dma_wait3A_63 = tpu.memref_slice %arg2[%add3A_46, %add3A_44, %dma_wait3A_62] : memref<128x64x4096xf32, #tpu.memory_space<hbm>> -> memref<1x1x4096xf32, #tpu.memory_space<hbm>>
        %dma_wait3A_64 = tpu.memref_squeeze %dma_wait3A_63 : memref<1x1x4096xf32, #tpu.memory_space<hbm>> -> memref<4096xf32, #tpu.memory_space<hbm>>
        tpu.wait_dma2 semaphore(%run_scoped3A : memref<!tpu.dma_semaphore, #tpu.memory_space<semaphore_mem>>) src(%dma_wait3A_64 : memref<4096xf32, #tpu.memory_space<hbm>>) dst(%arg7 : memref<4096xf32, #tpu.memory_space<vmem>>)
        tpu.yield
      }) : () -> ()
      %mul3A_47 = arith.constant 64 : i32
      %mul3A_48 = arith.muli %select_n3A, %mul3A_47 : i32
      %add3A_49 = arith.addi %mul3A_48, %add3A_44 : i32
      "tpu.region"() ({
        %run_scoped3A = tpu.sem_alloc : memref<!tpu.dma_semaphore, #tpu.memory_space<semaphore_mem>>
        %dma_start3A = arith.constant 0 : i32
        %dma_start3A_55 = tpu.memref_slice %arg4[%add3A_49, %dma_start3A] : memref<1024x16xf32, #tpu.memory_space<hbm>> -> memref<1x16xf32, #tpu.memory_space<hbm>>
        %dma_start3A_56 = tpu.memref_squeeze %dma_start3A_55 : memref<1x16xf32, #tpu.memory_space<hbm>> -> memref<16xf32, #tpu.memory_space<hbm>>
        %dma_start3A_57 = arith.constant 0 : i32
        %dma_start3A_58 = tpu.memref_slice %arg4[%add3A_49, %dma_start3A_57] : memref<1024x16xf32, #tpu.memory_space<hbm>> -> memref<1x16xf32, #tpu.memory_space<hbm>>
        %dma_start3A_59 = tpu.memref_squeeze %dma_start3A_58 : memref<1x16xf32, #tpu.memory_space<hbm>> -> memref<16xf32, #tpu.memory_space<hbm>>
        tpu.enqueue_dma source(%dma_start3A_59 : memref<16xf32, #tpu.memory_space<hbm>>) target(%arg9 : memref<16xf32, #tpu.memory_space<vmem>>) target_semaphore(%run_scoped3A : memref<!tpu.dma_semaphore, #tpu.memory_space<semaphore_mem>>)
        %dma_wait3A = arith.constant 0 : i32
        %dma_wait3A_60 = tpu.memref_slice %arg4[%add3A_49, %dma_wait3A] : memref<1024x16xf32, #tpu.memory_space<hbm>> -> memref<1x16xf32, #tpu.memory_space<hbm>>
        %dma_wait3A_61 = tpu.memref_squeeze %dma_wait3A_60 : memref<1x16xf32, #tpu.memory_space<hbm>> -> memref<16xf32, #tpu.memory_space<hbm>>
        %dma_wait3A_62 = arith.constant 0 : i32
        %dma_wait3A_63 = tpu.memref_slice %arg4[%add3A_49, %dma_wait3A_62] : memref<1024x16xf32, #tpu.memory_space<hbm>> -> memref<1x16xf32, #tpu.memory_space<hbm>>
        %dma_wait3A_64 = tpu.memref_squeeze %dma_wait3A_63 : memref<1x16xf32, #tpu.memory_space<hbm>> -> memref<16xf32, #tpu.memory_space<hbm>>
        tpu.wait_dma2 semaphore(%run_scoped3A : memref<!tpu.dma_semaphore, #tpu.memory_space<semaphore_mem>>) src(%dma_wait3A_64 : memref<16xf32, #tpu.memory_space<hbm>>) dst(%arg9 : memref<16xf32, #tpu.memory_space<vmem>>)
        tpu.yield
      }) : () -> ()
      %scan3A_50 = arith.constant 0 : i32
      %scan3A_51 = arith.constant 256 : i32
      %scan3A_52 = arith.addi %scan3A_50, %scan3A_51 : i32
      %scan3A_53 = arith.constant 1 : i32
      scf.for %scan3A_55 = %scan3A_50 to %scan3A_52 step %scan3A_53  : i32 {
        %mul3A_56 = arith.constant 1 : i32
        %mul3A_57 = arith.muli %scan3A_55, %mul3A_56 : i32
        %add3A_58 = arith.constant 0 : i32
        %add3A_59 = arith.addi %add3A_58, %mul3A_57 : i32
        %mul3A_60 = arith.constant 16 : i32
        %mul3A_61 = arith.muli %add3A_59, %mul3A_60 : i32
        %get3A = arith.index_cast %mul3A_61 : i32 to index
        %get3A_62 = tpu.vector_load %arg7[%get3A] {strides = array<i32>} : memref<4096xf32, #tpu.memory_space<vmem>>, vector<16xf32>,
        %get3A_63 = vector.shape_cast %get3A_62 : vector<16xf32> to vector<16xf32>
        %get3A_64 = arith.index_cast %mul3A_61 : i32 to index
        %get3A_65 = tpu.vector_load %arg6[%get3A_64] {strides = array<i32>} : memref<4096xf32, #tpu.memory_space<vmem>>, vector<16xf32>,
        %get3A_66 = vector.shape_cast %get3A_65 : vector<16xf32> to vector<16xf32>
        %get3A_67 = arith.constant 0 : index
        %get3A_68 = tpu.vector_load %arg9[%get3A_67] {strides = array<i32>} : memref<16xf32, #tpu.memory_space<vmem>>, vector<16xf32>,
        %get3A_69 = vector.shape_cast %get3A_68 : vector<16xf32> to vector<16xf32>
        %mul3A_70 = arith.mulf %get3A_66, %get3A_69 : vector<16xf32>
        %add3A_71 = arith.addf %get3A_63, %mul3A_70 : vector<16xf32>
        %swap3A = arith.index_cast %mul3A_61 : i32 to index
        %swap3A_72 = tpu.vector_load %arg8[%swap3A] {strides = array<i32>} : memref<4096xf32, #tpu.memory_space<vmem>>, vector<16xf32>,
        %swap3A_73 = vector.shape_cast %swap3A_72 : vector<16xf32> to vector<16xf32>
        %swap3A_74 = vector.shape_cast %add3A_71 : vector<16xf32> to vector<16xf32>
        tpu.vector_store %arg8[%swap3A], %swap3A_74 {strides = array<i32>} : memref<4096xf32, #tpu.memory_space<vmem>>, vector<16xf32>,
      }
      %scan3A_54 = arith.constant 256 : i32
      "tpu.region"() ({
        %run_scoped3A = tpu.sem_alloc : memref<!tpu.dma_semaphore, #tpu.memory_space<semaphore_mem>>
        %dma_start3A = arith.constant 0 : i32
        %dma_start3A_55 = tpu.memref_slice %arg5[%select_n3A, %add3A_44, %dma_start3A] : memref<16x64x4096xf32, #tpu.memory_space<hbm>> -> memref<1x1x4096xf32, #tpu.memory_space<hbm>>
        %dma_start3A_56 = tpu.memref_squeeze %dma_start3A_55 : memref<1x1x4096xf32, #tpu.memory_space<hbm>> -> memref<4096xf32, #tpu.memory_space<hbm>>
        %dma_start3A_57 = arith.constant 0 : i32
        %dma_start3A_58 = tpu.memref_slice %arg5[%select_n3A, %add3A_44, %dma_start3A_57] : memref<16x64x4096xf32, #tpu.memory_space<hbm>> -> memref<1x1x4096xf32, #tpu.memory_space<hbm>>
        %dma_start3A_59 = tpu.memref_squeeze %dma_start3A_58 : memref<1x1x4096xf32, #tpu.memory_space<hbm>> -> memref<4096xf32, #tpu.memory_space<hbm>>
        tpu.enqueue_dma source(%arg8 : memref<4096xf32, #tpu.memory_space<vmem>>) target(%dma_start3A_59 : memref<4096xf32, #tpu.memory_space<hbm>>) target_semaphore(%run_scoped3A : memref<!tpu.dma_semaphore, #tpu.memory_space<semaphore_mem>>)
        %dma_wait3A = arith.constant 0 : i32
        %dma_wait3A_60 = tpu.memref_slice %arg5[%select_n3A, %add3A_44, %dma_wait3A] : memref<16x64x4096xf32, #tpu.memory_space<hbm>> -> memref<1x1x4096xf32, #tpu.memory_space<hbm>>
        %dma_wait3A_61 = tpu.memref_squeeze %dma_wait3A_60 : memref<1x1x4096xf32, #tpu.memory_space<hbm>> -> memref<4096xf32, #tpu.memory_space<hbm>>
        %dma_wait3A_62 = arith.constant 0 : i32
        %dma_wait3A_63 = tpu.memref_slice %arg5[%select_n3A, %add3A_44, %dma_wait3A_62] : memref<16x64x4096xf32, #tpu.memory_space<hbm>> -> memref<1x1x4096xf32, #tpu.memory_space<hbm>>
        %dma_wait3A_64 = tpu.memref_squeeze %dma_wait3A_63 : memref<1x1x4096xf32, #tpu.memory_space<hbm>> -> memref<4096xf32, #tpu.memory_space<hbm>>
        tpu.wait_dma2 semaphore(%run_scoped3A : memref<!tpu.dma_semaphore, #tpu.memory_space<semaphore_mem>>) src(%arg8 : memref<4096xf32, #tpu.memory_space<vmem>>) dst(%dma_wait3A_64 : memref<4096xf32, #tpu.memory_space<hbm>>)
        tpu.yield
      }) : () -> ()
    }
    %scan3A_38 = arith.constant 32 : i32
    return
  }
}

module attributes {stable_mosaic.version = 14 : i64} {
  func.func @_tc_kernel(%arg0: memref<128x64x4096xf32, #tpu.memory_space<hbm>>, %arg1: memref<128x4096xf32, #tpu.memory_space<vmem>>, %arg2: memref<64x128xf32, #tpu.memory_space<vmem>>, %arg3: memref<112x64x4096xf32, #tpu.memory_space<hbm>>, %arg4: memref<7x2x64x4096xf32, #tpu.memory_space<vmem>>, %arg5: memref<7x2x64x4096xf32, #tpu.memory_space<vmem>>, %arg6: memref<7x!tpu.dma_semaphore, #tpu.memory_space<semaphore_mem>>, %arg7: memref<7x!tpu.dma_semaphore, #tpu.memory_space<semaphore_mem>>) attributes {dimension_semantics = [], scalar_prefetch = 0 : i64, scratch_operands = 4 : i64, tpu.core_type = #tpu.core_type<tc>} {
    %dma_start3A = arith.constant 0 : i32
    %dma_start3A_0 = arith.constant 0 : i32
    %dma_start3A_1 = tpu.memref_slice %arg6[%dma_start3A_0] : memref<7x!tpu.dma_semaphore, #tpu.memory_space<semaphore_mem>> -> memref<1x!tpu.dma_semaphore, #tpu.memory_space<semaphore_mem>>
    %dma_start3A_2 = tpu.memref_squeeze %dma_start3A_1 : memref<1x!tpu.dma_semaphore, #tpu.memory_space<semaphore_mem>> -> memref<!tpu.dma_semaphore, #tpu.memory_space<semaphore_mem>>
    %dma_start3A_3 = arith.constant 0 : i32
    %dma_start3A_4 = arith.constant 0 : i32
    %dma_start3A_5 = arith.constant 0 : i32
    %dma_start3A_6 = tpu.memref_slice %arg4[%dma_start3A, %dma_start3A_3, %dma_start3A_4, %dma_start3A_5] : memref<7x2x64x4096xf32, #tpu.memory_space<vmem>> -> memref<1x2x64x4096xf32, #tpu.memory_space<vmem>>
    %dma_start3A_7 = tpu.memref_squeeze %dma_start3A_6 : memref<1x2x64x4096xf32, #tpu.memory_space<vmem>> -> memref<2x64x4096xf32, #tpu.memory_space<vmem>>
    %dma_start3A_8 = arith.constant 0 : i32
    %dma_start3A_9 = arith.constant 0 : i32
    %dma_start3A_10 = arith.constant 0 : i32
    %dma_start3A_11 = tpu.memref_slice %arg0[%dma_start3A_8, %dma_start3A_9, %dma_start3A_10] : memref<128x64x4096xf32, #tpu.memory_space<hbm>> -> memref<2x64x4096xf32, #tpu.memory_space<hbm>>
    tpu.enqueue_dma source(%dma_start3A_11 : memref<2x64x4096xf32, #tpu.memory_space<hbm>>) target(%dma_start3A_7 : memref<2x64x4096xf32, #tpu.memory_space<vmem>>) target_semaphore(%dma_start3A_2 : memref<!tpu.dma_semaphore, #tpu.memory_space<semaphore_mem>>)
    %dma_start3A_12 = arith.constant 1 : i32
    %dma_start3A_13 = arith.constant 1 : i32
    %dma_start3A_14 = tpu.memref_slice %arg6[%dma_start3A_13] : memref<7x!tpu.dma_semaphore, #tpu.memory_space<semaphore_mem>> -> memref<1x!tpu.dma_semaphore, #tpu.memory_space<semaphore_mem>>
    %dma_start3A_15 = tpu.memref_squeeze %dma_start3A_14 : memref<1x!tpu.dma_semaphore, #tpu.memory_space<semaphore_mem>> -> memref<!tpu.dma_semaphore, #tpu.memory_space<semaphore_mem>>
    %dma_start3A_16 = arith.constant 0 : i32
    %dma_start3A_17 = arith.constant 0 : i32
    %dma_start3A_18 = arith.constant 0 : i32
    %dma_start3A_19 = tpu.memref_slice %arg4[%dma_start3A_12, %dma_start3A_16, %dma_start3A_17, %dma_start3A_18] : memref<7x2x64x4096xf32, #tpu.memory_space<vmem>> -> memref<1x2x64x4096xf32, #tpu.memory_space<vmem>>
    %dma_start3A_20 = tpu.memref_squeeze %dma_start3A_19 : memref<1x2x64x4096xf32, #tpu.memory_space<vmem>> -> memref<2x64x4096xf32, #tpu.memory_space<vmem>>
    %dma_start3A_21 = arith.constant 2 : i32
    %dma_start3A_22 = arith.constant 0 : i32
    %dma_start3A_23 = arith.constant 0 : i32
    %dma_start3A_24 = tpu.memref_slice %arg0[%dma_start3A_21, %dma_start3A_22, %dma_start3A_23] : memref<128x64x4096xf32, #tpu.memory_space<hbm>> -> memref<2x64x4096xf32, #tpu.memory_space<hbm>>
    tpu.enqueue_dma source(%dma_start3A_24 : memref<2x64x4096xf32, #tpu.memory_space<hbm>>) target(%dma_start3A_20 : memref<2x64x4096xf32, #tpu.memory_space<vmem>>) target_semaphore(%dma_start3A_15 : memref<!tpu.dma_semaphore, #tpu.memory_space<semaphore_mem>>)
    %dma_start3A_25 = arith.constant 2 : i32
    %dma_start3A_26 = arith.constant 2 : i32
    %dma_start3A_27 = tpu.memref_slice %arg6[%dma_start3A_26] : memref<7x!tpu.dma_semaphore, #tpu.memory_space<semaphore_mem>> -> memref<1x!tpu.dma_semaphore, #tpu.memory_space<semaphore_mem>>
    %dma_start3A_28 = tpu.memref_squeeze %dma_start3A_27 : memref<1x!tpu.dma_semaphore, #tpu.memory_space<semaphore_mem>> -> memref<!tpu.dma_semaphore, #tpu.memory_space<semaphore_mem>>
    %dma_start3A_29 = arith.constant 0 : i32
    %dma_start3A_30 = arith.constant 0 : i32
    %dma_start3A_31 = arith.constant 0 : i32
    %dma_start3A_32 = tpu.memref_slice %arg4[%dma_start3A_25, %dma_start3A_29, %dma_start3A_30, %dma_start3A_31] : memref<7x2x64x4096xf32, #tpu.memory_space<vmem>> -> memref<1x2x64x4096xf32, #tpu.memory_space<vmem>>
    %dma_start3A_33 = tpu.memref_squeeze %dma_start3A_32 : memref<1x2x64x4096xf32, #tpu.memory_space<vmem>> -> memref<2x64x4096xf32, #tpu.memory_space<vmem>>
    %dma_start3A_34 = arith.constant 4 : i32
    %dma_start3A_35 = arith.constant 0 : i32
    %dma_start3A_36 = arith.constant 0 : i32
    %dma_start3A_37 = tpu.memref_slice %arg0[%dma_start3A_34, %dma_start3A_35, %dma_start3A_36] : memref<128x64x4096xf32, #tpu.memory_space<hbm>> -> memref<2x64x4096xf32, #tpu.memory_space<hbm>>
    tpu.enqueue_dma source(%dma_start3A_37 : memref<2x64x4096xf32, #tpu.memory_space<hbm>>) target(%dma_start3A_33 : memref<2x64x4096xf32, #tpu.memory_space<vmem>>) target_semaphore(%dma_start3A_28 : memref<!tpu.dma_semaphore, #tpu.memory_space<semaphore_mem>>)
    %dma_start3A_38 = arith.constant 3 : i32
    %dma_start3A_39 = arith.constant 3 : i32
    %dma_start3A_40 = tpu.memref_slice %arg6[%dma_start3A_39] : memref<7x!tpu.dma_semaphore, #tpu.memory_space<semaphore_mem>> -> memref<1x!tpu.dma_semaphore, #tpu.memory_space<semaphore_mem>>
    %dma_start3A_41 = tpu.memref_squeeze %dma_start3A_40 : memref<1x!tpu.dma_semaphore, #tpu.memory_space<semaphore_mem>> -> memref<!tpu.dma_semaphore, #tpu.memory_space<semaphore_mem>>
    %dma_start3A_42 = arith.constant 0 : i32
    %dma_start3A_43 = arith.constant 0 : i32
    %dma_start3A_44 = arith.constant 0 : i32
    %dma_start3A_45 = tpu.memref_slice %arg4[%dma_start3A_38, %dma_start3A_42, %dma_start3A_43, %dma_start3A_44] : memref<7x2x64x4096xf32, #tpu.memory_space<vmem>> -> memref<1x2x64x4096xf32, #tpu.memory_space<vmem>>
    %dma_start3A_46 = tpu.memref_squeeze %dma_start3A_45 : memref<1x2x64x4096xf32, #tpu.memory_space<vmem>> -> memref<2x64x4096xf32, #tpu.memory_space<vmem>>
    %dma_start3A_47 = arith.constant 6 : i32
    %dma_start3A_48 = arith.constant 0 : i32
    %dma_start3A_49 = arith.constant 0 : i32
    %dma_start3A_50 = tpu.memref_slice %arg0[%dma_start3A_47, %dma_start3A_48, %dma_start3A_49] : memref<128x64x4096xf32, #tpu.memory_space<hbm>> -> memref<2x64x4096xf32, #tpu.memory_space<hbm>>
    tpu.enqueue_dma source(%dma_start3A_50 : memref<2x64x4096xf32, #tpu.memory_space<hbm>>) target(%dma_start3A_46 : memref<2x64x4096xf32, #tpu.memory_space<vmem>>) target_semaphore(%dma_start3A_41 : memref<!tpu.dma_semaphore, #tpu.memory_space<semaphore_mem>>)
    %dma_start3A_51 = arith.constant 4 : i32
    %dma_start3A_52 = arith.constant 4 : i32
    %dma_start3A_53 = tpu.memref_slice %arg6[%dma_start3A_52] : memref<7x!tpu.dma_semaphore, #tpu.memory_space<semaphore_mem>> -> memref<1x!tpu.dma_semaphore, #tpu.memory_space<semaphore_mem>>
    %dma_start3A_54 = tpu.memref_squeeze %dma_start3A_53 : memref<1x!tpu.dma_semaphore, #tpu.memory_space<semaphore_mem>> -> memref<!tpu.dma_semaphore, #tpu.memory_space<semaphore_mem>>
    %dma_start3A_55 = arith.constant 0 : i32
    %dma_start3A_56 = arith.constant 0 : i32
    %dma_start3A_57 = arith.constant 0 : i32
    %dma_start3A_58 = tpu.memref_slice %arg4[%dma_start3A_51, %dma_start3A_55, %dma_start3A_56, %dma_start3A_57] : memref<7x2x64x4096xf32, #tpu.memory_space<vmem>> -> memref<1x2x64x4096xf32, #tpu.memory_space<vmem>>
    %dma_start3A_59 = tpu.memref_squeeze %dma_start3A_58 : memref<1x2x64x4096xf32, #tpu.memory_space<vmem>> -> memref<2x64x4096xf32, #tpu.memory_space<vmem>>
    %dma_start3A_60 = arith.constant 8 : i32
    %dma_start3A_61 = arith.constant 0 : i32
    %dma_start3A_62 = arith.constant 0 : i32
    %dma_start3A_63 = tpu.memref_slice %arg0[%dma_start3A_60, %dma_start3A_61, %dma_start3A_62] : memref<128x64x4096xf32, #tpu.memory_space<hbm>> -> memref<2x64x4096xf32, #tpu.memory_space<hbm>>
    tpu.enqueue_dma source(%dma_start3A_63 : memref<2x64x4096xf32, #tpu.memory_space<hbm>>) target(%dma_start3A_59 : memref<2x64x4096xf32, #tpu.memory_space<vmem>>) target_semaphore(%dma_start3A_54 : memref<!tpu.dma_semaphore, #tpu.memory_space<semaphore_mem>>)
    %dma_start3A_64 = arith.constant 5 : i32
    %dma_start3A_65 = arith.constant 5 : i32
    %dma_start3A_66 = tpu.memref_slice %arg6[%dma_start3A_65] : memref<7x!tpu.dma_semaphore, #tpu.memory_space<semaphore_mem>> -> memref<1x!tpu.dma_semaphore, #tpu.memory_space<semaphore_mem>>
    %dma_start3A_67 = tpu.memref_squeeze %dma_start3A_66 : memref<1x!tpu.dma_semaphore, #tpu.memory_space<semaphore_mem>> -> memref<!tpu.dma_semaphore, #tpu.memory_space<semaphore_mem>>
    %dma_start3A_68 = arith.constant 0 : i32
    %dma_start3A_69 = arith.constant 0 : i32
    %dma_start3A_70 = arith.constant 0 : i32
    %dma_start3A_71 = tpu.memref_slice %arg4[%dma_start3A_64, %dma_start3A_68, %dma_start3A_69, %dma_start3A_70] : memref<7x2x64x4096xf32, #tpu.memory_space<vmem>> -> memref<1x2x64x4096xf32, #tpu.memory_space<vmem>>
    %dma_start3A_72 = tpu.memref_squeeze %dma_start3A_71 : memref<1x2x64x4096xf32, #tpu.memory_space<vmem>> -> memref<2x64x4096xf32, #tpu.memory_space<vmem>>
    %dma_start3A_73 = arith.constant 10 : i32
    %dma_start3A_74 = arith.constant 0 : i32
    %dma_start3A_75 = arith.constant 0 : i32
    %dma_start3A_76 = tpu.memref_slice %arg0[%dma_start3A_73, %dma_start3A_74, %dma_start3A_75] : memref<128x64x4096xf32, #tpu.memory_space<hbm>> -> memref<2x64x4096xf32, #tpu.memory_space<hbm>>
    tpu.enqueue_dma source(%dma_start3A_76 : memref<2x64x4096xf32, #tpu.memory_space<hbm>>) target(%dma_start3A_72 : memref<2x64x4096xf32, #tpu.memory_space<vmem>>) target_semaphore(%dma_start3A_67 : memref<!tpu.dma_semaphore, #tpu.memory_space<semaphore_mem>>)
    %dma_start3A_77 = arith.constant 6 : i32
    %dma_start3A_78 = arith.constant 6 : i32
    %dma_start3A_79 = tpu.memref_slice %arg6[%dma_start3A_78] : memref<7x!tpu.dma_semaphore, #tpu.memory_space<semaphore_mem>> -> memref<1x!tpu.dma_semaphore, #tpu.memory_space<semaphore_mem>>
    %dma_start3A_80 = tpu.memref_squeeze %dma_start3A_79 : memref<1x!tpu.dma_semaphore, #tpu.memory_space<semaphore_mem>> -> memref<!tpu.dma_semaphore, #tpu.memory_space<semaphore_mem>>
    %dma_start3A_81 = arith.constant 0 : i32
    %dma_start3A_82 = arith.constant 0 : i32
    %dma_start3A_83 = arith.constant 0 : i32
    %dma_start3A_84 = tpu.memref_slice %arg4[%dma_start3A_77, %dma_start3A_81, %dma_start3A_82, %dma_start3A_83] : memref<7x2x64x4096xf32, #tpu.memory_space<vmem>> -> memref<1x2x64x4096xf32, #tpu.memory_space<vmem>>
    %dma_start3A_85 = tpu.memref_squeeze %dma_start3A_84 : memref<1x2x64x4096xf32, #tpu.memory_space<vmem>> -> memref<2x64x4096xf32, #tpu.memory_space<vmem>>
    %dma_start3A_86 = arith.constant 12 : i32
    %dma_start3A_87 = arith.constant 0 : i32
    %dma_start3A_88 = arith.constant 0 : i32
    %dma_start3A_89 = tpu.memref_slice %arg0[%dma_start3A_86, %dma_start3A_87, %dma_start3A_88] : memref<128x64x4096xf32, #tpu.memory_space<hbm>> -> memref<2x64x4096xf32, #tpu.memory_space<hbm>>
    tpu.enqueue_dma source(%dma_start3A_89 : memref<2x64x4096xf32, #tpu.memory_space<hbm>>) target(%dma_start3A_85 : memref<2x64x4096xf32, #tpu.memory_space<vmem>>) target_semaphore(%dma_start3A_80 : memref<!tpu.dma_semaphore, #tpu.memory_space<semaphore_mem>>)
    %dma_wait3A = arith.constant 0 : i32
    %dma_wait3A_90 = arith.constant 0 : i32
    %dma_wait3A_91 = tpu.memref_slice %arg6[%dma_wait3A_90] : memref<7x!tpu.dma_semaphore, #tpu.memory_space<semaphore_mem>> -> memref<1x!tpu.dma_semaphore, #tpu.memory_space<semaphore_mem>>
    %dma_wait3A_92 = tpu.memref_squeeze %dma_wait3A_91 : memref<1x!tpu.dma_semaphore, #tpu.memory_space<semaphore_mem>> -> memref<!tpu.dma_semaphore, #tpu.memory_space<semaphore_mem>>
    %dma_wait3A_93 = arith.constant 0 : i32
    %dma_wait3A_94 = arith.constant 0 : i32
    %dma_wait3A_95 = arith.constant 0 : i32
    %dma_wait3A_96 = tpu.memref_slice %arg4[%dma_wait3A, %dma_wait3A_93, %dma_wait3A_94, %dma_wait3A_95] : memref<7x2x64x4096xf32, #tpu.memory_space<vmem>> -> memref<1x2x64x4096xf32, #tpu.memory_space<vmem>>
    %dma_wait3A_97 = tpu.memref_squeeze %dma_wait3A_96 : memref<1x2x64x4096xf32, #tpu.memory_space<vmem>> -> memref<2x64x4096xf32, #tpu.memory_space<vmem>>
    %dma_wait3A_98 = arith.constant 0 : i32
    %dma_wait3A_99 = arith.constant 0 : i32
    %dma_wait3A_100 = arith.constant 0 : i32
    %dma_wait3A_101 = tpu.memref_slice %arg0[%dma_wait3A_98, %dma_wait3A_99, %dma_wait3A_100] : memref<128x64x4096xf32, #tpu.memory_space<hbm>> -> memref<2x64x4096xf32, #tpu.memory_space<hbm>>
    tpu.wait_dma2 semaphore(%dma_wait3A_92 : memref<!tpu.dma_semaphore, #tpu.memory_space<semaphore_mem>>) src(%dma_wait3A_101 : memref<2x64x4096xf32, #tpu.memory_space<hbm>>) dst(%dma_wait3A_97 : memref<2x64x4096xf32, #tpu.memory_space<vmem>>)
    %get3A = arith.constant 0 : index
    %get3A_102 = arith.constant 0 : index
    %get3A_103 = vector.load %arg1[%get3A, %get3A_102] : memref<128x4096xf32, #tpu.memory_space<vmem>>, vector<2x4096xf32>
    %broadcast_in_dim3A = vector.shape_cast %get3A_103 : vector<2x4096xf32> to vector<2x1x4096xf32>
    %get3A_104 = arith.constant 0 : index
    %get3A_105 = arith.constant 0 : index
    %get3A_106 = vector.load %arg2[%get3A_104, %get3A_105] : memref<64x128xf32, #tpu.memory_space<vmem>>, vector<64x2xf32>
    %transpose3A = tpu.transpose %get3A_106, [1, 0] : vector<64x2xf32> -> vector<2x64xf32>
    %broadcast_in_dim3A_107 = vector.shape_cast %transpose3A : vector<2x64xf32> to vector<2x64x1xf32>
    %get3A_108 = arith.constant 0 : index
    %get3A_109 = arith.constant 0 : index
    %get3A_110 = arith.constant 0 : index
    %get3A_111 = arith.constant 0 : index
    %get3A_112 = vector.load %arg4[%get3A_108, %get3A_109, %get3A_110, %get3A_111] : memref<7x2x64x4096xf32, #tpu.memory_space<vmem>>, vector<1x2x64x4096xf32>
    %get3A_113 = vector.shape_cast %get3A_112 : vector<1x2x64x4096xf32> to vector<2x64x4096xf32>
    %mul3A = vector.broadcast %broadcast_in_dim3A : vector<2x1x4096xf32> to vector<2x64x4096xf32>
    %mul3A_114 = vector.broadcast %broadcast_in_dim3A_107 : vector<2x64x1xf32> to vector<2x64x4096xf32>
    %mul3A_115 = arith.mulf %mul3A, %mul3A_114 : vector<2x64x4096xf32>
    %add3A = arith.addf %get3A_113, %mul3A_115 : vector<2x64x4096xf32>
    %swap3A = arith.constant 0 : index
    %swap3A_116 = arith.constant 0 : index
    %swap3A_117 = arith.constant 0 : index
    %swap3A_118 = arith.constant 0 : index
    %swap3A_119 = vector.load %arg5[%swap3A, %swap3A_116, %swap3A_117, %swap3A_118] : memref<7x2x64x4096xf32, #tpu.memory_space<vmem>>, vector<1x2x64x4096xf32>
    %swap3A_120 = vector.shape_cast %swap3A_119 : vector<1x2x64x4096xf32> to vector<2x64x4096xf32>
    %swap3A_121 = vector.shape_cast %add3A : vector<2x64x4096xf32> to vector<1x2x64x4096xf32>
    tpu.vector_store %arg5[%swap3A, %swap3A_116, %swap3A_117, %swap3A_118], %swap3A_121 {strides = array<i32>} : memref<7x2x64x4096xf32, #tpu.memory_space<vmem>>, vector<1x2x64x4096xf32>,
    %dma_start3A_122 = arith.constant 0 : i32
    %dma_start3A_123 = arith.constant 0 : i32
    %dma_start3A_124 = tpu.memref_slice %arg7[%dma_start3A_123] : memref<7x!tpu.dma_semaphore, #tpu.memory_space<semaphore_mem>> -> memref<1x!tpu.dma_semaphore, #tpu.memory_space<semaphore_mem>>
    %dma_start3A_125 = tpu.memref_squeeze %dma_start3A_124 : memref<1x!tpu.dma_semaphore, #tpu.memory_space<semaphore_mem>> -> memref<!tpu.dma_semaphore, #tpu.memory_space<semaphore_mem>>
    %dma_start3A_126 = arith.constant 0 : i32
    %dma_start3A_127 = arith.constant 0 : i32
    %dma_start3A_128 = arith.constant 0 : i32
    %dma_start3A_129 = tpu.memref_slice %arg3[%dma_start3A_126, %dma_start3A_127, %dma_start3A_128] : memref<112x64x4096xf32, #tpu.memory_space<hbm>> -> memref<2x64x4096xf32, #tpu.memory_space<hbm>>
    %dma_start3A_130 = arith.constant 0 : i32
    %dma_start3A_131 = arith.constant 0 : i32
    %dma_start3A_132 = arith.constant 0 : i32
    %dma_start3A_133 = tpu.memref_slice %arg5[%dma_start3A_122, %dma_start3A_130, %dma_start3A_131, %dma_start3A_132] : memref<7x2x64x4096xf32, #tpu.memory_space<vmem>> -> memref<1x2x64x4096xf32, #tpu.memory_space<vmem>>
    %dma_start3A_134 = tpu.memref_squeeze %dma_start3A_133 : memref<1x2x64x4096xf32, #tpu.memory_space<vmem>> -> memref<2x64x4096xf32, #tpu.memory_space<vmem>>
    tpu.enqueue_dma source(%dma_start3A_134 : memref<2x64x4096xf32, #tpu.memory_space<vmem>>) target(%dma_start3A_129 : memref<2x64x4096xf32, #tpu.memory_space<hbm>>) target_semaphore(%dma_start3A_125 : memref<!tpu.dma_semaphore, #tpu.memory_space<semaphore_mem>>)
    %dma_start3A_135 = arith.constant 0 : i32
    %dma_start3A_136 = arith.constant 0 : i32
    %dma_start3A_137 = tpu.memref_slice %arg6[%dma_start3A_136] : memref<7x!tpu.dma_semaphore, #tpu.memory_space<semaphore_mem>> -> memref<1x!tpu.dma_semaphore, #tpu.memory_space<semaphore_mem>>
    %dma_start3A_138 = tpu.memref_squeeze %dma_start3A_137 : memref<1x!tpu.dma_semaphore, #tpu.memory_space<semaphore_mem>> -> memref<!tpu.dma_semaphore, #tpu.memory_space<semaphore_mem>>
    %dma_start3A_139 = arith.constant 0 : i32
    %dma_start3A_140 = arith.constant 0 : i32
    %dma_start3A_141 = arith.constant 0 : i32
    %dma_start3A_142 = tpu.memref_slice %arg4[%dma_start3A_135, %dma_start3A_139, %dma_start3A_140, %dma_start3A_141] : memref<7x2x64x4096xf32, #tpu.memory_space<vmem>> -> memref<1x2x64x4096xf32, #tpu.memory_space<vmem>>
    %dma_start3A_143 = tpu.memref_squeeze %dma_start3A_142 : memref<1x2x64x4096xf32, #tpu.memory_space<vmem>> -> memref<2x64x4096xf32, #tpu.memory_space<vmem>>
    %dma_start3A_144 = arith.constant 14 : i32
    %dma_start3A_145 = arith.constant 0 : i32
    %dma_start3A_146 = arith.constant 0 : i32
    %dma_start3A_147 = tpu.memref_slice %arg0[%dma_start3A_144, %dma_start3A_145, %dma_start3A_146] : memref<128x64x4096xf32, #tpu.memory_space<hbm>> -> memref<2x64x4096xf32, #tpu.memory_space<hbm>>
    tpu.enqueue_dma source(%dma_start3A_147 : memref<2x64x4096xf32, #tpu.memory_space<hbm>>) target(%dma_start3A_143 : memref<2x64x4096xf32, #tpu.memory_space<vmem>>) target_semaphore(%dma_start3A_138 : memref<!tpu.dma_semaphore, #tpu.memory_space<semaphore_mem>>)
    %dma_wait3A_148 = arith.constant 1 : i32
    %dma_wait3A_149 = arith.constant 1 : i32
    %dma_wait3A_150 = tpu.memref_slice %arg6[%dma_wait3A_149] : memref<7x!tpu.dma_semaphore, #tpu.memory_space<semaphore_mem>> -> memref<1x!tpu.dma_semaphore, #tpu.memory_space<semaphore_mem>>
    %dma_wait3A_151 = tpu.memref_squeeze %dma_wait3A_150 : memref<1x!tpu.dma_semaphore, #tpu.memory_space<semaphore_mem>> -> memref<!tpu.dma_semaphore, #tpu.memory_space<semaphore_mem>>
    %dma_wait3A_152 = arith.constant 0 : i32
    %dma_wait3A_153 = arith.constant 0 : i32
    %dma_wait3A_154 = arith.constant 0 : i32
    %dma_wait3A_155 = tpu.memref_slice %arg4[%dma_wait3A_148, %dma_wait3A_152, %dma_wait3A_153, %dma_wait3A_154] : memref<7x2x64x4096xf32, #tpu.memory_space<vmem>> -> memref<1x2x64x4096xf32, #tpu.memory_space<vmem>>
    %dma_wait3A_156 = tpu.memref_squeeze %dma_wait3A_155 : memref<1x2x64x4096xf32, #tpu.memory_space<vmem>> -> memref<2x64x4096xf32, #tpu.memory_space<vmem>>
    %dma_wait3A_157 = arith.constant 2 : i32
    %dma_wait3A_158 = arith.constant 0 : i32
    %dma_wait3A_159 = arith.constant 0 : i32
    %dma_wait3A_160 = tpu.memref_slice %arg0[%dma_wait3A_157, %dma_wait3A_158, %dma_wait3A_159] : memref<128x64x4096xf32, #tpu.memory_space<hbm>> -> memref<2x64x4096xf32, #tpu.memory_space<hbm>>
    tpu.wait_dma2 semaphore(%dma_wait3A_151 : memref<!tpu.dma_semaphore, #tpu.memory_space<semaphore_mem>>) src(%dma_wait3A_160 : memref<2x64x4096xf32, #tpu.memory_space<hbm>>) dst(%dma_wait3A_156 : memref<2x64x4096xf32, #tpu.memory_space<vmem>>)
    %get3A_161 = arith.constant 2 : index
    %get3A_162 = arith.constant 0 : index
    %get3A_163 = vector.load %arg1[%get3A_161, %get3A_162] : memref<128x4096xf32, #tpu.memory_space<vmem>>, vector<2x4096xf32>
    %broadcast_in_dim3A_164 = vector.shape_cast %get3A_163 : vector<2x4096xf32> to vector<2x1x4096xf32>
    %get3A_165 = arith.constant 0 : index
    %get3A_166 = arith.constant 2 : index
    %get3A_167 = vector.load %arg2[%get3A_165, %get3A_166] : memref<64x128xf32, #tpu.memory_space<vmem>>, vector<64x2xf32>
    %transpose3A_168 = tpu.transpose %get3A_167, [1, 0] : vector<64x2xf32> -> vector<2x64xf32>
    %broadcast_in_dim3A_169 = vector.shape_cast %transpose3A_168 : vector<2x64xf32> to vector<2x64x1xf32>
    %get3A_170 = arith.constant 1 : index
    %get3A_171 = arith.constant 0 : index
    %get3A_172 = arith.constant 0 : index
    %get3A_173 = arith.constant 0 : index
    %get3A_174 = vector.load %arg4[%get3A_170, %get3A_171, %get3A_172, %get3A_173] : memref<7x2x64x4096xf32, #tpu.memory_space<vmem>>, vector<1x2x64x4096xf32>
    %get3A_175 = vector.shape_cast %get3A_174 : vector<1x2x64x4096xf32> to vector<2x64x4096xf32>
    %mul3A_176 = vector.broadcast %broadcast_in_dim3A_164 : vector<2x1x4096xf32> to vector<2x64x4096xf32>
    %mul3A_177 = vector.broadcast %broadcast_in_dim3A_169 : vector<2x64x1xf32> to vector<2x64x4096xf32>
    %mul3A_178 = arith.mulf %mul3A_176, %mul3A_177 : vector<2x64x4096xf32>
    %add3A_179 = arith.addf %get3A_175, %mul3A_178 : vector<2x64x4096xf32>
    %swap3A_180 = arith.constant 1 : index
    %swap3A_181 = arith.constant 0 : index
    %swap3A_182 = arith.constant 0 : index
    %swap3A_183 = arith.constant 0 : index
    %swap3A_184 = vector.load %arg5[%swap3A_180, %swap3A_181, %swap3A_182, %swap3A_183] : memref<7x2x64x4096xf32, #tpu.memory_space<vmem>>, vector<1x2x64x4096xf32>
    %swap3A_185 = vector.shape_cast %swap3A_184 : vector<1x2x64x4096xf32> to vector<2x64x4096xf32>
    %swap3A_186 = vector.shape_cast %add3A_179 : vector<2x64x4096xf32> to vector<1x2x64x4096xf32>
    tpu.vector_store %arg5[%swap3A_180, %swap3A_181, %swap3A_182, %swap3A_183], %swap3A_186 {strides = array<i32>} : memref<7x2x64x4096xf32, #tpu.memory_space<vmem>>, vector<1x2x64x4096xf32>,
    %dma_start3A_187 = arith.constant 1 : i32
    %dma_start3A_188 = arith.constant 1 : i32
    %dma_start3A_189 = tpu.memref_slice %arg7[%dma_start3A_188] : memref<7x!tpu.dma_semaphore, #tpu.memory_space<semaphore_mem>> -> memref<1x!tpu.dma_semaphore, #tpu.memory_space<semaphore_mem>>
    %dma_start3A_190 = tpu.memref_squeeze %dma_start3A_189 : memref<1x!tpu.dma_semaphore, #tpu.memory_space<semaphore_mem>> -> memref<!tpu.dma_semaphore, #tpu.memory_space<semaphore_mem>>
    %dma_start3A_191 = arith.constant 2 : i32
    %dma_start3A_192 = arith.constant 0 : i32
    %dma_start3A_193 = arith.constant 0 : i32
    %dma_start3A_194 = tpu.memref_slice %arg3[%dma_start3A_191, %dma_start3A_192, %dma_start3A_193] : memref<112x64x4096xf32, #tpu.memory_space<hbm>> -> memref<2x64x4096xf32, #tpu.memory_space<hbm>>
    %dma_start3A_195 = arith.constant 0 : i32
    %dma_start3A_196 = arith.constant 0 : i32
    %dma_start3A_197 = arith.constant 0 : i32
    %dma_start3A_198 = tpu.memref_slice %arg5[%dma_start3A_187, %dma_start3A_195, %dma_start3A_196, %dma_start3A_197] : memref<7x2x64x4096xf32, #tpu.memory_space<vmem>> -> memref<1x2x64x4096xf32, #tpu.memory_space<vmem>>
    %dma_start3A_199 = tpu.memref_squeeze %dma_start3A_198 : memref<1x2x64x4096xf32, #tpu.memory_space<vmem>> -> memref<2x64x4096xf32, #tpu.memory_space<vmem>>
    tpu.enqueue_dma source(%dma_start3A_199 : memref<2x64x4096xf32, #tpu.memory_space<vmem>>) target(%dma_start3A_194 : memref<2x64x4096xf32, #tpu.memory_space<hbm>>) target_semaphore(%dma_start3A_190 : memref<!tpu.dma_semaphore, #tpu.memory_space<semaphore_mem>>)
    %dma_start3A_200 = arith.constant 1 : i32
    %dma_start3A_201 = arith.constant 1 : i32
    %dma_start3A_202 = tpu.memref_slice %arg6[%dma_start3A_201] : memref<7x!tpu.dma_semaphore, #tpu.memory_space<semaphore_mem>> -> memref<1x!tpu.dma_semaphore, #tpu.memory_space<semaphore_mem>>
    %dma_start3A_203 = tpu.memref_squeeze %dma_start3A_202 : memref<1x!tpu.dma_semaphore, #tpu.memory_space<semaphore_mem>> -> memref<!tpu.dma_semaphore, #tpu.memory_space<semaphore_mem>>
    %dma_start3A_204 = arith.constant 0 : i32
    %dma_start3A_205 = arith.constant 0 : i32
    %dma_start3A_206 = arith.constant 0 : i32
    %dma_start3A_207 = tpu.memref_slice %arg4[%dma_start3A_200, %dma_start3A_204, %dma_start3A_205, %dma_start3A_206] : memref<7x2x64x4096xf32, #tpu.memory_space<vmem>> -> memref<1x2x64x4096xf32, #tpu.memory_space<vmem>>
    %dma_start3A_208 = tpu.memref_squeeze %dma_start3A_207 : memref<1x2x64x4096xf32, #tpu.memory_space<vmem>> -> memref<2x64x4096xf32, #tpu.memory_space<vmem>>
    %dma_start3A_209 = arith.constant 16 : i32
    %dma_start3A_210 = arith.constant 0 : i32
    %dma_start3A_211 = arith.constant 0 : i32
    %dma_start3A_212 = tpu.memref_slice %arg0[%dma_start3A_209, %dma_start3A_210, %dma_start3A_211] : memref<128x64x4096xf32, #tpu.memory_space<hbm>> -> memref<2x64x4096xf32, #tpu.memory_space<hbm>>
    tpu.enqueue_dma source(%dma_start3A_212 : memref<2x64x4096xf32, #tpu.memory_space<hbm>>) target(%dma_start3A_208 : memref<2x64x4096xf32, #tpu.memory_space<vmem>>) target_semaphore(%dma_start3A_203 : memref<!tpu.dma_semaphore, #tpu.memory_space<semaphore_mem>>)
    %dma_wait3A_213 = arith.constant 2 : i32
    %dma_wait3A_214 = arith.constant 2 : i32
    %dma_wait3A_215 = tpu.memref_slice %arg6[%dma_wait3A_214] : memref<7x!tpu.dma_semaphore, #tpu.memory_space<semaphore_mem>> -> memref<1x!tpu.dma_semaphore, #tpu.memory_space<semaphore_mem>>
    %dma_wait3A_216 = tpu.memref_squeeze %dma_wait3A_215 : memref<1x!tpu.dma_semaphore, #tpu.memory_space<semaphore_mem>> -> memref<!tpu.dma_semaphore, #tpu.memory_space<semaphore_mem>>
    %dma_wait3A_217 = arith.constant 0 : i32
    %dma_wait3A_218 = arith.constant 0 : i32
    %dma_wait3A_219 = arith.constant 0 : i32
    %dma_wait3A_220 = tpu.memref_slice %arg4[%dma_wait3A_213, %dma_wait3A_217, %dma_wait3A_218, %dma_wait3A_219] : memref<7x2x64x4096xf32, #tpu.memory_space<vmem>> -> memref<1x2x64x4096xf32, #tpu.memory_space<vmem>>
    %dma_wait3A_221 = tpu.memref_squeeze %dma_wait3A_220 : memref<1x2x64x4096xf32, #tpu.memory_space<vmem>> -> memref<2x64x4096xf32, #tpu.memory_space<vmem>>
    %dma_wait3A_222 = arith.constant 4 : i32
    %dma_wait3A_223 = arith.constant 0 : i32
    %dma_wait3A_224 = arith.constant 0 : i32
    %dma_wait3A_225 = tpu.memref_slice %arg0[%dma_wait3A_222, %dma_wait3A_223, %dma_wait3A_224] : memref<128x64x4096xf32, #tpu.memory_space<hbm>> -> memref<2x64x4096xf32, #tpu.memory_space<hbm>>
    tpu.wait_dma2 semaphore(%dma_wait3A_216 : memref<!tpu.dma_semaphore, #tpu.memory_space<semaphore_mem>>) src(%dma_wait3A_225 : memref<2x64x4096xf32, #tpu.memory_space<hbm>>) dst(%dma_wait3A_221 : memref<2x64x4096xf32, #tpu.memory_space<vmem>>)
    %get3A_226 = arith.constant 4 : index
    %get3A_227 = arith.constant 0 : index
    %get3A_228 = vector.load %arg1[%get3A_226, %get3A_227] : memref<128x4096xf32, #tpu.memory_space<vmem>>, vector<2x4096xf32>
    %broadcast_in_dim3A_229 = vector.shape_cast %get3A_228 : vector<2x4096xf32> to vector<2x1x4096xf32>
    %get3A_230 = arith.constant 0 : index
    %get3A_231 = arith.constant 4 : index
    %get3A_232 = vector.load %arg2[%get3A_230, %get3A_231] : memref<64x128xf32, #tpu.memory_space<vmem>>, vector<64x2xf32>
    %transpose3A_233 = tpu.transpose %get3A_232, [1, 0] : vector<64x2xf32> -> vector<2x64xf32>
    %broadcast_in_dim3A_234 = vector.shape_cast %transpose3A_233 : vector<2x64xf32> to vector<2x64x1xf32>
    %get3A_235 = arith.constant 2 : index
    %get3A_236 = arith.constant 0 : index
    %get3A_237 = arith.constant 0 : index
    %get3A_238 = arith.constant 0 : index
    %get3A_239 = vector.load %arg4[%get3A_235, %get3A_236, %get3A_237, %get3A_238] : memref<7x2x64x4096xf32, #tpu.memory_space<vmem>>, vector<1x2x64x4096xf32>
    %get3A_240 = vector.shape_cast %get3A_239 : vector<1x2x64x4096xf32> to vector<2x64x4096xf32>
    %mul3A_241 = vector.broadcast %broadcast_in_dim3A_229 : vector<2x1x4096xf32> to vector<2x64x4096xf32>
    %mul3A_242 = vector.broadcast %broadcast_in_dim3A_234 : vector<2x64x1xf32> to vector<2x64x4096xf32>
    %mul3A_243 = arith.mulf %mul3A_241, %mul3A_242 : vector<2x64x4096xf32>
    %add3A_244 = arith.addf %get3A_240, %mul3A_243 : vector<2x64x4096xf32>
    %swap3A_245 = arith.constant 2 : index
    %swap3A_246 = arith.constant 0 : index
    %swap3A_247 = arith.constant 0 : index
    %swap3A_248 = arith.constant 0 : index
    %swap3A_249 = vector.load %arg5[%swap3A_245, %swap3A_246, %swap3A_247, %swap3A_248] : memref<7x2x64x4096xf32, #tpu.memory_space<vmem>>, vector<1x2x64x4096xf32>
    %swap3A_250 = vector.shape_cast %swap3A_249 : vector<1x2x64x4096xf32> to vector<2x64x4096xf32>
    %swap3A_251 = vector.shape_cast %add3A_244 : vector<2x64x4096xf32> to vector<1x2x64x4096xf32>
    tpu.vector_store %arg5[%swap3A_245, %swap3A_246, %swap3A_247, %swap3A_248], %swap3A_251 {strides = array<i32>} : memref<7x2x64x4096xf32, #tpu.memory_space<vmem>>, vector<1x2x64x4096xf32>,
    %dma_start3A_252 = arith.constant 2 : i32
    %dma_start3A_253 = arith.constant 2 : i32
    %dma_start3A_254 = tpu.memref_slice %arg7[%dma_start3A_253] : memref<7x!tpu.dma_semaphore, #tpu.memory_space<semaphore_mem>> -> memref<1x!tpu.dma_semaphore, #tpu.memory_space<semaphore_mem>>
    %dma_start3A_255 = tpu.memref_squeeze %dma_start3A_254 : memref<1x!tpu.dma_semaphore, #tpu.memory_space<semaphore_mem>> -> memref<!tpu.dma_semaphore, #tpu.memory_space<semaphore_mem>>
    %dma_start3A_256 = arith.constant 4 : i32
    %dma_start3A_257 = arith.constant 0 : i32
    %dma_start3A_258 = arith.constant 0 : i32
    %dma_start3A_259 = tpu.memref_slice %arg3[%dma_start3A_256, %dma_start3A_257, %dma_start3A_258] : memref<112x64x4096xf32, #tpu.memory_space<hbm>> -> memref<2x64x4096xf32, #tpu.memory_space<hbm>>
    %dma_start3A_260 = arith.constant 0 : i32
    %dma_start3A_261 = arith.constant 0 : i32
    %dma_start3A_262 = arith.constant 0 : i32
    %dma_start3A_263 = tpu.memref_slice %arg5[%dma_start3A_252, %dma_start3A_260, %dma_start3A_261, %dma_start3A_262] : memref<7x2x64x4096xf32, #tpu.memory_space<vmem>> -> memref<1x2x64x4096xf32, #tpu.memory_space<vmem>>
    %dma_start3A_264 = tpu.memref_squeeze %dma_start3A_263 : memref<1x2x64x4096xf32, #tpu.memory_space<vmem>> -> memref<2x64x4096xf32, #tpu.memory_space<vmem>>
    tpu.enqueue_dma source(%dma_start3A_264 : memref<2x64x4096xf32, #tpu.memory_space<vmem>>) target(%dma_start3A_259 : memref<2x64x4096xf32, #tpu.memory_space<hbm>>) target_semaphore(%dma_start3A_255 : memref<!tpu.dma_semaphore, #tpu.memory_space<semaphore_mem>>)
    %dma_start3A_265 = arith.constant 2 : i32
    %dma_start3A_266 = arith.constant 2 : i32
    %dma_start3A_267 = tpu.memref_slice %arg6[%dma_start3A_266] : memref<7x!tpu.dma_semaphore, #tpu.memory_space<semaphore_mem>> -> memref<1x!tpu.dma_semaphore, #tpu.memory_space<semaphore_mem>>
    %dma_start3A_268 = tpu.memref_squeeze %dma_start3A_267 : memref<1x!tpu.dma_semaphore, #tpu.memory_space<semaphore_mem>> -> memref<!tpu.dma_semaphore, #tpu.memory_space<semaphore_mem>>
    %dma_start3A_269 = arith.constant 0 : i32
    %dma_start3A_270 = arith.constant 0 : i32
    %dma_start3A_271 = arith.constant 0 : i32
    %dma_start3A_272 = tpu.memref_slice %arg4[%dma_start3A_265, %dma_start3A_269, %dma_start3A_270, %dma_start3A_271] : memref<7x2x64x4096xf32, #tpu.memory_space<vmem>> -> memref<1x2x64x4096xf32, #tpu.memory_space<vmem>>
    %dma_start3A_273 = tpu.memref_squeeze %dma_start3A_272 : memref<1x2x64x4096xf32, #tpu.memory_space<vmem>> -> memref<2x64x4096xf32, #tpu.memory_space<vmem>>
    %dma_start3A_274 = arith.constant 18 : i32
    %dma_start3A_275 = arith.constant 0 : i32
    %dma_start3A_276 = arith.constant 0 : i32
    %dma_start3A_277 = tpu.memref_slice %arg0[%dma_start3A_274, %dma_start3A_275, %dma_start3A_276] : memref<128x64x4096xf32, #tpu.memory_space<hbm>> -> memref<2x64x4096xf32, #tpu.memory_space<hbm>>
    tpu.enqueue_dma source(%dma_start3A_277 : memref<2x64x4096xf32, #tpu.memory_space<hbm>>) target(%dma_start3A_273 : memref<2x64x4096xf32, #tpu.memory_space<vmem>>) target_semaphore(%dma_start3A_268 : memref<!tpu.dma_semaphore, #tpu.memory_space<semaphore_mem>>)
    %dma_wait3A_278 = arith.constant 3 : i32
    %dma_wait3A_279 = arith.constant 3 : i32
    %dma_wait3A_280 = tpu.memref_slice %arg6[%dma_wait3A_279] : memref<7x!tpu.dma_semaphore, #tpu.memory_space<semaphore_mem>> -> memref<1x!tpu.dma_semaphore, #tpu.memory_space<semaphore_mem>>
    %dma_wait3A_281 = tpu.memref_squeeze %dma_wait3A_280 : memref<1x!tpu.dma_semaphore, #tpu.memory_space<semaphore_mem>> -> memref<!tpu.dma_semaphore, #tpu.memory_space<semaphore_mem>>
    %dma_wait3A_282 = arith.constant 0 : i32
    %dma_wait3A_283 = arith.constant 0 : i32
    %dma_wait3A_284 = arith.constant 0 : i32
    %dma_wait3A_285 = tpu.memref_slice %arg4[%dma_wait3A_278, %dma_wait3A_282, %dma_wait3A_283, %dma_wait3A_284] : memref<7x2x64x4096xf32, #tpu.memory_space<vmem>> -> memref<1x2x64x4096xf32, #tpu.memory_space<vmem>>
    %dma_wait3A_286 = tpu.memref_squeeze %dma_wait3A_285 : memref<1x2x64x4096xf32, #tpu.memory_space<vmem>> -> memref<2x64x4096xf32, #tpu.memory_space<vmem>>
    %dma_wait3A_287 = arith.constant 6 : i32
    %dma_wait3A_288 = arith.constant 0 : i32
    %dma_wait3A_289 = arith.constant 0 : i32
    %dma_wait3A_290 = tpu.memref_slice %arg0[%dma_wait3A_287, %dma_wait3A_288, %dma_wait3A_289] : memref<128x64x4096xf32, #tpu.memory_space<hbm>> -> memref<2x64x4096xf32, #tpu.memory_space<hbm>>
    tpu.wait_dma2 semaphore(%dma_wait3A_281 : memref<!tpu.dma_semaphore, #tpu.memory_space<semaphore_mem>>) src(%dma_wait3A_290 : memref<2x64x4096xf32, #tpu.memory_space<hbm>>) dst(%dma_wait3A_286 : memref<2x64x4096xf32, #tpu.memory_space<vmem>>)
    %get3A_291 = arith.constant 6 : index
    %get3A_292 = arith.constant 0 : index
    %get3A_293 = vector.load %arg1[%get3A_291, %get3A_292] : memref<128x4096xf32, #tpu.memory_space<vmem>>, vector<2x4096xf32>
    %broadcast_in_dim3A_294 = vector.shape_cast %get3A_293 : vector<2x4096xf32> to vector<2x1x4096xf32>
    %get3A_295 = arith.constant 0 : index
    %get3A_296 = arith.constant 6 : index
    %get3A_297 = vector.load %arg2[%get3A_295, %get3A_296] : memref<64x128xf32, #tpu.memory_space<vmem>>, vector<64x2xf32>
    %transpose3A_298 = tpu.transpose %get3A_297, [1, 0] : vector<64x2xf32> -> vector<2x64xf32>
    %broadcast_in_dim3A_299 = vector.shape_cast %transpose3A_298 : vector<2x64xf32> to vector<2x64x1xf32>
    %get3A_300 = arith.constant 3 : index
    %get3A_301 = arith.constant 0 : index
    %get3A_302 = arith.constant 0 : index
    %get3A_303 = arith.constant 0 : index
    %get3A_304 = vector.load %arg4[%get3A_300, %get3A_301, %get3A_302, %get3A_303] : memref<7x2x64x4096xf32, #tpu.memory_space<vmem>>, vector<1x2x64x4096xf32>
    %get3A_305 = vector.shape_cast %get3A_304 : vector<1x2x64x4096xf32> to vector<2x64x4096xf32>
    %mul3A_306 = vector.broadcast %broadcast_in_dim3A_294 : vector<2x1x4096xf32> to vector<2x64x4096xf32>
    %mul3A_307 = vector.broadcast %broadcast_in_dim3A_299 : vector<2x64x1xf32> to vector<2x64x4096xf32>
    %mul3A_308 = arith.mulf %mul3A_306, %mul3A_307 : vector<2x64x4096xf32>
    %add3A_309 = arith.addf %get3A_305, %mul3A_308 : vector<2x64x4096xf32>
    %swap3A_310 = arith.constant 3 : index
    %swap3A_311 = arith.constant 0 : index
    %swap3A_312 = arith.constant 0 : index
    %swap3A_313 = arith.constant 0 : index
    %swap3A_314 = vector.load %arg5[%swap3A_310, %swap3A_311, %swap3A_312, %swap3A_313] : memref<7x2x64x4096xf32, #tpu.memory_space<vmem>>, vector<1x2x64x4096xf32>
    %swap3A_315 = vector.shape_cast %swap3A_314 : vector<1x2x64x4096xf32> to vector<2x64x4096xf32>
    %swap3A_316 = vector.shape_cast %add3A_309 : vector<2x64x4096xf32> to vector<1x2x64x4096xf32>
    tpu.vector_store %arg5[%swap3A_310, %swap3A_311, %swap3A_312, %swap3A_313], %swap3A_316 {strides = array<i32>} : memref<7x2x64x4096xf32, #tpu.memory_space<vmem>>, vector<1x2x64x4096xf32>,
    %dma_start3A_317 = arith.constant 3 : i32
    %dma_start3A_318 = arith.constant 3 : i32
    %dma_start3A_319 = tpu.memref_slice %arg7[%dma_start3A_318] : memref<7x!tpu.dma_semaphore, #tpu.memory_space<semaphore_mem>> -> memref<1x!tpu.dma_semaphore, #tpu.memory_space<semaphore_mem>>
    %dma_start3A_320 = tpu.memref_squeeze %dma_start3A_319 : memref<1x!tpu.dma_semaphore, #tpu.memory_space<semaphore_mem>> -> memref<!tpu.dma_semaphore, #tpu.memory_space<semaphore_mem>>
    %dma_start3A_321 = arith.constant 6 : i32
    %dma_start3A_322 = arith.constant 0 : i32
    %dma_start3A_323 = arith.constant 0 : i32
    %dma_start3A_324 = tpu.memref_slice %arg3[%dma_start3A_321, %dma_start3A_322, %dma_start3A_323] : memref<112x64x4096xf32, #tpu.memory_space<hbm>> -> memref<2x64x4096xf32, #tpu.memory_space<hbm>>
    %dma_start3A_325 = arith.constant 0 : i32
    %dma_start3A_326 = arith.constant 0 : i32
    %dma_start3A_327 = arith.constant 0 : i32
    %dma_start3A_328 = tpu.memref_slice %arg5[%dma_start3A_317, %dma_start3A_325, %dma_start3A_326, %dma_start3A_327] : memref<7x2x64x4096xf32, #tpu.memory_space<vmem>> -> memref<1x2x64x4096xf32, #tpu.memory_space<vmem>>
    %dma_start3A_329 = tpu.memref_squeeze %dma_start3A_328 : memref<1x2x64x4096xf32, #tpu.memory_space<vmem>> -> memref<2x64x4096xf32, #tpu.memory_space<vmem>>
    tpu.enqueue_dma source(%dma_start3A_329 : memref<2x64x4096xf32, #tpu.memory_space<vmem>>) target(%dma_start3A_324 : memref<2x64x4096xf32, #tpu.memory_space<hbm>>) target_semaphore(%dma_start3A_320 : memref<!tpu.dma_semaphore, #tpu.memory_space<semaphore_mem>>)
    %dma_start3A_330 = arith.constant 3 : i32
    %dma_start3A_331 = arith.constant 3 : i32
    %dma_start3A_332 = tpu.memref_slice %arg6[%dma_start3A_331] : memref<7x!tpu.dma_semaphore, #tpu.memory_space<semaphore_mem>> -> memref<1x!tpu.dma_semaphore, #tpu.memory_space<semaphore_mem>>
    %dma_start3A_333 = tpu.memref_squeeze %dma_start3A_332 : memref<1x!tpu.dma_semaphore, #tpu.memory_space<semaphore_mem>> -> memref<!tpu.dma_semaphore, #tpu.memory_space<semaphore_mem>>
    %dma_start3A_334 = arith.constant 0 : i32
    %dma_start3A_335 = arith.constant 0 : i32
    %dma_start3A_336 = arith.constant 0 : i32
    %dma_start3A_337 = tpu.memref_slice %arg4[%dma_start3A_330, %dma_start3A_334, %dma_start3A_335, %dma_start3A_336] : memref<7x2x64x4096xf32, #tpu.memory_space<vmem>> -> memref<1x2x64x4096xf32, #tpu.memory_space<vmem>>
    %dma_start3A_338 = tpu.memref_squeeze %dma_start3A_337 : memref<1x2x64x4096xf32, #tpu.memory_space<vmem>> -> memref<2x64x4096xf32, #tpu.memory_space<vmem>>
    %dma_start3A_339 = arith.constant 20 : i32
    %dma_start3A_340 = arith.constant 0 : i32
    %dma_start3A_341 = arith.constant 0 : i32
    %dma_start3A_342 = tpu.memref_slice %arg0[%dma_start3A_339, %dma_start3A_340, %dma_start3A_341] : memref<128x64x4096xf32, #tpu.memory_space<hbm>> -> memref<2x64x4096xf32, #tpu.memory_space<hbm>>
    tpu.enqueue_dma source(%dma_start3A_342 : memref<2x64x4096xf32, #tpu.memory_space<hbm>>) target(%dma_start3A_338 : memref<2x64x4096xf32, #tpu.memory_space<vmem>>) target_semaphore(%dma_start3A_333 : memref<!tpu.dma_semaphore, #tpu.memory_space<semaphore_mem>>)
    %dma_wait3A_343 = arith.constant 4 : i32
    %dma_wait3A_344 = arith.constant 4 : i32
    %dma_wait3A_345 = tpu.memref_slice %arg6[%dma_wait3A_344] : memref<7x!tpu.dma_semaphore, #tpu.memory_space<semaphore_mem>> -> memref<1x!tpu.dma_semaphore, #tpu.memory_space<semaphore_mem>>
    %dma_wait3A_346 = tpu.memref_squeeze %dma_wait3A_345 : memref<1x!tpu.dma_semaphore, #tpu.memory_space<semaphore_mem>> -> memref<!tpu.dma_semaphore, #tpu.memory_space<semaphore_mem>>
    %dma_wait3A_347 = arith.constant 0 : i32
    %dma_wait3A_348 = arith.constant 0 : i32
    %dma_wait3A_349 = arith.constant 0 : i32
    %dma_wait3A_350 = tpu.memref_slice %arg4[%dma_wait3A_343, %dma_wait3A_347, %dma_wait3A_348, %dma_wait3A_349] : memref<7x2x64x4096xf32, #tpu.memory_space<vmem>> -> memref<1x2x64x4096xf32, #tpu.memory_space<vmem>>
    %dma_wait3A_351 = tpu.memref_squeeze %dma_wait3A_350 : memref<1x2x64x4096xf32, #tpu.memory_space<vmem>> -> memref<2x64x4096xf32, #tpu.memory_space<vmem>>
    %dma_wait3A_352 = arith.constant 8 : i32
    %dma_wait3A_353 = arith.constant 0 : i32
    %dma_wait3A_354 = arith.constant 0 : i32
    %dma_wait3A_355 = tpu.memref_slice %arg0[%dma_wait3A_352, %dma_wait3A_353, %dma_wait3A_354] : memref<128x64x4096xf32, #tpu.memory_space<hbm>> -> memref<2x64x4096xf32, #tpu.memory_space<hbm>>
    tpu.wait_dma2 semaphore(%dma_wait3A_346 : memref<!tpu.dma_semaphore, #tpu.memory_space<semaphore_mem>>) src(%dma_wait3A_355 : memref<2x64x4096xf32, #tpu.memory_space<hbm>>) dst(%dma_wait3A_351 : memref<2x64x4096xf32, #tpu.memory_space<vmem>>)
    %get3A_356 = arith.constant 8 : index
    %get3A_357 = arith.constant 0 : index
    %get3A_358 = vector.load %arg1[%get3A_356, %get3A_357] : memref<128x4096xf32, #tpu.memory_space<vmem>>, vector<2x4096xf32>
    %broadcast_in_dim3A_359 = vector.shape_cast %get3A_358 : vector<2x4096xf32> to vector<2x1x4096xf32>
    %get3A_360 = arith.constant 0 : index
    %get3A_361 = arith.constant 8 : index
    %get3A_362 = vector.load %arg2[%get3A_360, %get3A_361] : memref<64x128xf32, #tpu.memory_space<vmem>>, vector<64x2xf32>
    %transpose3A_363 = tpu.transpose %get3A_362, [1, 0] : vector<64x2xf32> -> vector<2x64xf32>
    %broadcast_in_dim3A_364 = vector.shape_cast %transpose3A_363 : vector<2x64xf32> to vector<2x64x1xf32>
    %get3A_365 = arith.constant 4 : index
    %get3A_366 = arith.constant 0 : index
    %get3A_367 = arith.constant 0 : index
    %get3A_368 = arith.constant 0 : index
    %get3A_369 = vector.load %arg4[%get3A_365, %get3A_366, %get3A_367, %get3A_368] : memref<7x2x64x4096xf32, #tpu.memory_space<vmem>>, vector<1x2x64x4096xf32>
    %get3A_370 = vector.shape_cast %get3A_369 : vector<1x2x64x4096xf32> to vector<2x64x4096xf32>
    %mul3A_371 = vector.broadcast %broadcast_in_dim3A_359 : vector<2x1x4096xf32> to vector<2x64x4096xf32>
    %mul3A_372 = vector.broadcast %broadcast_in_dim3A_364 : vector<2x64x1xf32> to vector<2x64x4096xf32>
    %mul3A_373 = arith.mulf %mul3A_371, %mul3A_372 : vector<2x64x4096xf32>
    %add3A_374 = arith.addf %get3A_370, %mul3A_373 : vector<2x64x4096xf32>
    %swap3A_375 = arith.constant 4 : index
    %swap3A_376 = arith.constant 0 : index
    %swap3A_377 = arith.constant 0 : index
    %swap3A_378 = arith.constant 0 : index
    %swap3A_379 = vector.load %arg5[%swap3A_375, %swap3A_376, %swap3A_377, %swap3A_378] : memref<7x2x64x4096xf32, #tpu.memory_space<vmem>>, vector<1x2x64x4096xf32>
    %swap3A_380 = vector.shape_cast %swap3A_379 : vector<1x2x64x4096xf32> to vector<2x64x4096xf32>
    %swap3A_381 = vector.shape_cast %add3A_374 : vector<2x64x4096xf32> to vector<1x2x64x4096xf32>
    tpu.vector_store %arg5[%swap3A_375, %swap3A_376, %swap3A_377, %swap3A_378], %swap3A_381 {strides = array<i32>} : memref<7x2x64x4096xf32, #tpu.memory_space<vmem>>, vector<1x2x64x4096xf32>,
    %dma_start3A_382 = arith.constant 4 : i32
    %dma_start3A_383 = arith.constant 4 : i32
    %dma_start3A_384 = tpu.memref_slice %arg7[%dma_start3A_383] : memref<7x!tpu.dma_semaphore, #tpu.memory_space<semaphore_mem>> -> memref<1x!tpu.dma_semaphore, #tpu.memory_space<semaphore_mem>>
    %dma_start3A_385 = tpu.memref_squeeze %dma_start3A_384 : memref<1x!tpu.dma_semaphore, #tpu.memory_space<semaphore_mem>> -> memref<!tpu.dma_semaphore, #tpu.memory_space<semaphore_mem>>
    %dma_start3A_386 = arith.constant 8 : i32
    %dma_start3A_387 = arith.constant 0 : i32
    %dma_start3A_388 = arith.constant 0 : i32
    %dma_start3A_389 = tpu.memref_slice %arg3[%dma_start3A_386, %dma_start3A_387, %dma_start3A_388] : memref<112x64x4096xf32, #tpu.memory_space<hbm>> -> memref<2x64x4096xf32, #tpu.memory_space<hbm>>
    %dma_start3A_390 = arith.constant 0 : i32
    %dma_start3A_391 = arith.constant 0 : i32
    %dma_start3A_392 = arith.constant 0 : i32
    %dma_start3A_393 = tpu.memref_slice %arg5[%dma_start3A_382, %dma_start3A_390, %dma_start3A_391, %dma_start3A_392] : memref<7x2x64x4096xf32, #tpu.memory_space<vmem>> -> memref<1x2x64x4096xf32, #tpu.memory_space<vmem>>
    %dma_start3A_394 = tpu.memref_squeeze %dma_start3A_393 : memref<1x2x64x4096xf32, #tpu.memory_space<vmem>> -> memref<2x64x4096xf32, #tpu.memory_space<vmem>>
    tpu.enqueue_dma source(%dma_start3A_394 : memref<2x64x4096xf32, #tpu.memory_space<vmem>>) target(%dma_start3A_389 : memref<2x64x4096xf32, #tpu.memory_space<hbm>>) target_semaphore(%dma_start3A_385 : memref<!tpu.dma_semaphore, #tpu.memory_space<semaphore_mem>>)
    %dma_start3A_395 = arith.constant 4 : i32
    %dma_start3A_396 = arith.constant 4 : i32
    %dma_start3A_397 = tpu.memref_slice %arg6[%dma_start3A_396] : memref<7x!tpu.dma_semaphore, #tpu.memory_space<semaphore_mem>> -> memref<1x!tpu.dma_semaphore, #tpu.memory_space<semaphore_mem>>
    %dma_start3A_398 = tpu.memref_squeeze %dma_start3A_397 : memref<1x!tpu.dma_semaphore, #tpu.memory_space<semaphore_mem>> -> memref<!tpu.dma_semaphore, #tpu.memory_space<semaphore_mem>>
    %dma_start3A_399 = arith.constant 0 : i32
    %dma_start3A_400 = arith.constant 0 : i32
    %dma_start3A_401 = arith.constant 0 : i32
    %dma_start3A_402 = tpu.memref_slice %arg4[%dma_start3A_395, %dma_start3A_399, %dma_start3A_400, %dma_start3A_401] : memref<7x2x64x4096xf32, #tpu.memory_space<vmem>> -> memref<1x2x64x4096xf32, #tpu.memory_space<vmem>>
    %dma_start3A_403 = tpu.memref_squeeze %dma_start3A_402 : memref<1x2x64x4096xf32, #tpu.memory_space<vmem>> -> memref<2x64x4096xf32, #tpu.memory_space<vmem>>
    %dma_start3A_404 = arith.constant 22 : i32
    %dma_start3A_405 = arith.constant 0 : i32
    %dma_start3A_406 = arith.constant 0 : i32
    %dma_start3A_407 = tpu.memref_slice %arg0[%dma_start3A_404, %dma_start3A_405, %dma_start3A_406] : memref<128x64x4096xf32, #tpu.memory_space<hbm>> -> memref<2x64x4096xf32, #tpu.memory_space<hbm>>
    tpu.enqueue_dma source(%dma_start3A_407 : memref<2x64x4096xf32, #tpu.memory_space<hbm>>) target(%dma_start3A_403 : memref<2x64x4096xf32, #tpu.memory_space<vmem>>) target_semaphore(%dma_start3A_398 : memref<!tpu.dma_semaphore, #tpu.memory_space<semaphore_mem>>)
    %dma_wait3A_408 = arith.constant 5 : i32
    %dma_wait3A_409 = arith.constant 5 : i32
    %dma_wait3A_410 = tpu.memref_slice %arg6[%dma_wait3A_409] : memref<7x!tpu.dma_semaphore, #tpu.memory_space<semaphore_mem>> -> memref<1x!tpu.dma_semaphore, #tpu.memory_space<semaphore_mem>>
    %dma_wait3A_411 = tpu.memref_squeeze %dma_wait3A_410 : memref<1x!tpu.dma_semaphore, #tpu.memory_space<semaphore_mem>> -> memref<!tpu.dma_semaphore, #tpu.memory_space<semaphore_mem>>
    %dma_wait3A_412 = arith.constant 0 : i32
    %dma_wait3A_413 = arith.constant 0 : i32
    %dma_wait3A_414 = arith.constant 0 : i32
    %dma_wait3A_415 = tpu.memref_slice %arg4[%dma_wait3A_408, %dma_wait3A_412, %dma_wait3A_413, %dma_wait3A_414] : memref<7x2x64x4096xf32, #tpu.memory_space<vmem>> -> memref<1x2x64x4096xf32, #tpu.memory_space<vmem>>
    %dma_wait3A_416 = tpu.memref_squeeze %dma_wait3A_415 : memref<1x2x64x4096xf32, #tpu.memory_space<vmem>> -> memref<2x64x4096xf32, #tpu.memory_space<vmem>>
    %dma_wait3A_417 = arith.constant 10 : i32
    %dma_wait3A_418 = arith.constant 0 : i32
    %dma_wait3A_419 = arith.constant 0 : i32
    %dma_wait3A_420 = tpu.memref_slice %arg0[%dma_wait3A_417, %dma_wait3A_418, %dma_wait3A_419] : memref<128x64x4096xf32, #tpu.memory_space<hbm>> -> memref<2x64x4096xf32, #tpu.memory_space<hbm>>
    tpu.wait_dma2 semaphore(%dma_wait3A_411 : memref<!tpu.dma_semaphore, #tpu.memory_space<semaphore_mem>>) src(%dma_wait3A_420 : memref<2x64x4096xf32, #tpu.memory_space<hbm>>) dst(%dma_wait3A_416 : memref<2x64x4096xf32, #tpu.memory_space<vmem>>)
    %get3A_421 = arith.constant 10 : index
    %get3A_422 = arith.constant 0 : index
    %get3A_423 = vector.load %arg1[%get3A_421, %get3A_422] : memref<128x4096xf32, #tpu.memory_space<vmem>>, vector<2x4096xf32>
    %broadcast_in_dim3A_424 = vector.shape_cast %get3A_423 : vector<2x4096xf32> to vector<2x1x4096xf32>
    %get3A_425 = arith.constant 0 : index
    %get3A_426 = arith.constant 10 : index
    %get3A_427 = vector.load %arg2[%get3A_425, %get3A_426] : memref<64x128xf32, #tpu.memory_space<vmem>>, vector<64x2xf32>
    %transpose3A_428 = tpu.transpose %get3A_427, [1, 0] : vector<64x2xf32> -> vector<2x64xf32>
    %broadcast_in_dim3A_429 = vector.shape_cast %transpose3A_428 : vector<2x64xf32> to vector<2x64x1xf32>
    %get3A_430 = arith.constant 5 : index
    %get3A_431 = arith.constant 0 : index
    %get3A_432 = arith.constant 0 : index
    %get3A_433 = arith.constant 0 : index
    %get3A_434 = vector.load %arg4[%get3A_430, %get3A_431, %get3A_432, %get3A_433] : memref<7x2x64x4096xf32, #tpu.memory_space<vmem>>, vector<1x2x64x4096xf32>
    %get3A_435 = vector.shape_cast %get3A_434 : vector<1x2x64x4096xf32> to vector<2x64x4096xf32>
    %mul3A_436 = vector.broadcast %broadcast_in_dim3A_424 : vector<2x1x4096xf32> to vector<2x64x4096xf32>
    %mul3A_437 = vector.broadcast %broadcast_in_dim3A_429 : vector<2x64x1xf32> to vector<2x64x4096xf32>
    %mul3A_438 = arith.mulf %mul3A_436, %mul3A_437 : vector<2x64x4096xf32>
    %add3A_439 = arith.addf %get3A_435, %mul3A_438 : vector<2x64x4096xf32>
    %swap3A_440 = arith.constant 5 : index
    %swap3A_441 = arith.constant 0 : index
    %swap3A_442 = arith.constant 0 : index
    %swap3A_443 = arith.constant 0 : index
    %swap3A_444 = vector.load %arg5[%swap3A_440, %swap3A_441, %swap3A_442, %swap3A_443] : memref<7x2x64x4096xf32, #tpu.memory_space<vmem>>, vector<1x2x64x4096xf32>
    %swap3A_445 = vector.shape_cast %swap3A_444 : vector<1x2x64x4096xf32> to vector<2x64x4096xf32>
    %swap3A_446 = vector.shape_cast %add3A_439 : vector<2x64x4096xf32> to vector<1x2x64x4096xf32>
    tpu.vector_store %arg5[%swap3A_440, %swap3A_441, %swap3A_442, %swap3A_443], %swap3A_446 {strides = array<i32>} : memref<7x2x64x4096xf32, #tpu.memory_space<vmem>>, vector<1x2x64x4096xf32>,
    %dma_start3A_447 = arith.constant 5 : i32
    %dma_start3A_448 = arith.constant 5 : i32
    %dma_start3A_449 = tpu.memref_slice %arg7[%dma_start3A_448] : memref<7x!tpu.dma_semaphore, #tpu.memory_space<semaphore_mem>> -> memref<1x!tpu.dma_semaphore, #tpu.memory_space<semaphore_mem>>
    %dma_start3A_450 = tpu.memref_squeeze %dma_start3A_449 : memref<1x!tpu.dma_semaphore, #tpu.memory_space<semaphore_mem>> -> memref<!tpu.dma_semaphore, #tpu.memory_space<semaphore_mem>>
    %dma_start3A_451 = arith.constant 10 : i32
    %dma_start3A_452 = arith.constant 0 : i32
    %dma_start3A_453 = arith.constant 0 : i32
    %dma_start3A_454 = tpu.memref_slice %arg3[%dma_start3A_451, %dma_start3A_452, %dma_start3A_453] : memref<112x64x4096xf32, #tpu.memory_space<hbm>> -> memref<2x64x4096xf32, #tpu.memory_space<hbm>>
    %dma_start3A_455 = arith.constant 0 : i32
    %dma_start3A_456 = arith.constant 0 : i32
    %dma_start3A_457 = arith.constant 0 : i32
    %dma_start3A_458 = tpu.memref_slice %arg5[%dma_start3A_447, %dma_start3A_455, %dma_start3A_456, %dma_start3A_457] : memref<7x2x64x4096xf32, #tpu.memory_space<vmem>> -> memref<1x2x64x4096xf32, #tpu.memory_space<vmem>>
    %dma_start3A_459 = tpu.memref_squeeze %dma_start3A_458 : memref<1x2x64x4096xf32, #tpu.memory_space<vmem>> -> memref<2x64x4096xf32, #tpu.memory_space<vmem>>
    tpu.enqueue_dma source(%dma_start3A_459 : memref<2x64x4096xf32, #tpu.memory_space<vmem>>) target(%dma_start3A_454 : memref<2x64x4096xf32, #tpu.memory_space<hbm>>) target_semaphore(%dma_start3A_450 : memref<!tpu.dma_semaphore, #tpu.memory_space<semaphore_mem>>)
    %dma_start3A_460 = arith.constant 5 : i32
    %dma_start3A_461 = arith.constant 5 : i32
    %dma_start3A_462 = tpu.memref_slice %arg6[%dma_start3A_461] : memref<7x!tpu.dma_semaphore, #tpu.memory_space<semaphore_mem>> -> memref<1x!tpu.dma_semaphore, #tpu.memory_space<semaphore_mem>>
    %dma_start3A_463 = tpu.memref_squeeze %dma_start3A_462 : memref<1x!tpu.dma_semaphore, #tpu.memory_space<semaphore_mem>> -> memref<!tpu.dma_semaphore, #tpu.memory_space<semaphore_mem>>
    %dma_start3A_464 = arith.constant 0 : i32
    %dma_start3A_465 = arith.constant 0 : i32
    %dma_start3A_466 = arith.constant 0 : i32
    %dma_start3A_467 = tpu.memref_slice %arg4[%dma_start3A_460, %dma_start3A_464, %dma_start3A_465, %dma_start3A_466] : memref<7x2x64x4096xf32, #tpu.memory_space<vmem>> -> memref<1x2x64x4096xf32, #tpu.memory_space<vmem>>
    %dma_start3A_468 = tpu.memref_squeeze %dma_start3A_467 : memref<1x2x64x4096xf32, #tpu.memory_space<vmem>> -> memref<2x64x4096xf32, #tpu.memory_space<vmem>>
    %dma_start3A_469 = arith.constant 24 : i32
    %dma_start3A_470 = arith.constant 0 : i32
    %dma_start3A_471 = arith.constant 0 : i32
    %dma_start3A_472 = tpu.memref_slice %arg0[%dma_start3A_469, %dma_start3A_470, %dma_start3A_471] : memref<128x64x4096xf32, #tpu.memory_space<hbm>> -> memref<2x64x4096xf32, #tpu.memory_space<hbm>>
    tpu.enqueue_dma source(%dma_start3A_472 : memref<2x64x4096xf32, #tpu.memory_space<hbm>>) target(%dma_start3A_468 : memref<2x64x4096xf32, #tpu.memory_space<vmem>>) target_semaphore(%dma_start3A_463 : memref<!tpu.dma_semaphore, #tpu.memory_space<semaphore_mem>>)
    %dma_wait3A_473 = arith.constant 6 : i32
    %dma_wait3A_474 = arith.constant 6 : i32
    %dma_wait3A_475 = tpu.memref_slice %arg6[%dma_wait3A_474] : memref<7x!tpu.dma_semaphore, #tpu.memory_space<semaphore_mem>> -> memref<1x!tpu.dma_semaphore, #tpu.memory_space<semaphore_mem>>
    %dma_wait3A_476 = tpu.memref_squeeze %dma_wait3A_475 : memref<1x!tpu.dma_semaphore, #tpu.memory_space<semaphore_mem>> -> memref<!tpu.dma_semaphore, #tpu.memory_space<semaphore_mem>>
    %dma_wait3A_477 = arith.constant 0 : i32
    %dma_wait3A_478 = arith.constant 0 : i32
    %dma_wait3A_479 = arith.constant 0 : i32
    %dma_wait3A_480 = tpu.memref_slice %arg4[%dma_wait3A_473, %dma_wait3A_477, %dma_wait3A_478, %dma_wait3A_479] : memref<7x2x64x4096xf32, #tpu.memory_space<vmem>> -> memref<1x2x64x4096xf32, #tpu.memory_space<vmem>>
    %dma_wait3A_481 = tpu.memref_squeeze %dma_wait3A_480 : memref<1x2x64x4096xf32, #tpu.memory_space<vmem>> -> memref<2x64x4096xf32, #tpu.memory_space<vmem>>
    %dma_wait3A_482 = arith.constant 12 : i32
    %dma_wait3A_483 = arith.constant 0 : i32
    %dma_wait3A_484 = arith.constant 0 : i32
    %dma_wait3A_485 = tpu.memref_slice %arg0[%dma_wait3A_482, %dma_wait3A_483, %dma_wait3A_484] : memref<128x64x4096xf32, #tpu.memory_space<hbm>> -> memref<2x64x4096xf32, #tpu.memory_space<hbm>>
    tpu.wait_dma2 semaphore(%dma_wait3A_476 : memref<!tpu.dma_semaphore, #tpu.memory_space<semaphore_mem>>) src(%dma_wait3A_485 : memref<2x64x4096xf32, #tpu.memory_space<hbm>>) dst(%dma_wait3A_481 : memref<2x64x4096xf32, #tpu.memory_space<vmem>>)
    %get3A_486 = arith.constant 12 : index
    %get3A_487 = arith.constant 0 : index
    %get3A_488 = vector.load %arg1[%get3A_486, %get3A_487] : memref<128x4096xf32, #tpu.memory_space<vmem>>, vector<2x4096xf32>
    %broadcast_in_dim3A_489 = vector.shape_cast %get3A_488 : vector<2x4096xf32> to vector<2x1x4096xf32>
    %get3A_490 = arith.constant 0 : index
    %get3A_491 = arith.constant 12 : index
    %get3A_492 = vector.load %arg2[%get3A_490, %get3A_491] : memref<64x128xf32, #tpu.memory_space<vmem>>, vector<64x2xf32>
    %transpose3A_493 = tpu.transpose %get3A_492, [1, 0] : vector<64x2xf32> -> vector<2x64xf32>
    %broadcast_in_dim3A_494 = vector.shape_cast %transpose3A_493 : vector<2x64xf32> to vector<2x64x1xf32>
    %get3A_495 = arith.constant 6 : index
    %get3A_496 = arith.constant 0 : index
    %get3A_497 = arith.constant 0 : index
    %get3A_498 = arith.constant 0 : index
    %get3A_499 = vector.load %arg4[%get3A_495, %get3A_496, %get3A_497, %get3A_498] : memref<7x2x64x4096xf32, #tpu.memory_space<vmem>>, vector<1x2x64x4096xf32>
    %get3A_500 = vector.shape_cast %get3A_499 : vector<1x2x64x4096xf32> to vector<2x64x4096xf32>
    %mul3A_501 = vector.broadcast %broadcast_in_dim3A_489 : vector<2x1x4096xf32> to vector<2x64x4096xf32>
    %mul3A_502 = vector.broadcast %broadcast_in_dim3A_494 : vector<2x64x1xf32> to vector<2x64x4096xf32>
    %mul3A_503 = arith.mulf %mul3A_501, %mul3A_502 : vector<2x64x4096xf32>
    %add3A_504 = arith.addf %get3A_500, %mul3A_503 : vector<2x64x4096xf32>
    %swap3A_505 = arith.constant 6 : index
    %swap3A_506 = arith.constant 0 : index
    %swap3A_507 = arith.constant 0 : index
    %swap3A_508 = arith.constant 0 : index
    %swap3A_509 = vector.load %arg5[%swap3A_505, %swap3A_506, %swap3A_507, %swap3A_508] : memref<7x2x64x4096xf32, #tpu.memory_space<vmem>>, vector<1x2x64x4096xf32>
    %swap3A_510 = vector.shape_cast %swap3A_509 : vector<1x2x64x4096xf32> to vector<2x64x4096xf32>
    %swap3A_511 = vector.shape_cast %add3A_504 : vector<2x64x4096xf32> to vector<1x2x64x4096xf32>
    tpu.vector_store %arg5[%swap3A_505, %swap3A_506, %swap3A_507, %swap3A_508], %swap3A_511 {strides = array<i32>} : memref<7x2x64x4096xf32, #tpu.memory_space<vmem>>, vector<1x2x64x4096xf32>,
    %dma_start3A_512 = arith.constant 6 : i32
    %dma_start3A_513 = arith.constant 6 : i32
    %dma_start3A_514 = tpu.memref_slice %arg7[%dma_start3A_513] : memref<7x!tpu.dma_semaphore, #tpu.memory_space<semaphore_mem>> -> memref<1x!tpu.dma_semaphore, #tpu.memory_space<semaphore_mem>>
    %dma_start3A_515 = tpu.memref_squeeze %dma_start3A_514 : memref<1x!tpu.dma_semaphore, #tpu.memory_space<semaphore_mem>> -> memref<!tpu.dma_semaphore, #tpu.memory_space<semaphore_mem>>
    %dma_start3A_516 = arith.constant 12 : i32
    %dma_start3A_517 = arith.constant 0 : i32
    %dma_start3A_518 = arith.constant 0 : i32
    %dma_start3A_519 = tpu.memref_slice %arg3[%dma_start3A_516, %dma_start3A_517, %dma_start3A_518] : memref<112x64x4096xf32, #tpu.memory_space<hbm>> -> memref<2x64x4096xf32, #tpu.memory_space<hbm>>
    %dma_start3A_520 = arith.constant 0 : i32
    %dma_start3A_521 = arith.constant 0 : i32
    %dma_start3A_522 = arith.constant 0 : i32
    %dma_start3A_523 = tpu.memref_slice %arg5[%dma_start3A_512, %dma_start3A_520, %dma_start3A_521, %dma_start3A_522] : memref<7x2x64x4096xf32, #tpu.memory_space<vmem>> -> memref<1x2x64x4096xf32, #tpu.memory_space<vmem>>
    %dma_start3A_524 = tpu.memref_squeeze %dma_start3A_523 : memref<1x2x64x4096xf32, #tpu.memory_space<vmem>> -> memref<2x64x4096xf32, #tpu.memory_space<vmem>>
    tpu.enqueue_dma source(%dma_start3A_524 : memref<2x64x4096xf32, #tpu.memory_space<vmem>>) target(%dma_start3A_519 : memref<2x64x4096xf32, #tpu.memory_space<hbm>>) target_semaphore(%dma_start3A_515 : memref<!tpu.dma_semaphore, #tpu.memory_space<semaphore_mem>>)
    %dma_start3A_525 = arith.constant 6 : i32
    %dma_start3A_526 = arith.constant 6 : i32
    %dma_start3A_527 = tpu.memref_slice %arg6[%dma_start3A_526] : memref<7x!tpu.dma_semaphore, #tpu.memory_space<semaphore_mem>> -> memref<1x!tpu.dma_semaphore, #tpu.memory_space<semaphore_mem>>
    %dma_start3A_528 = tpu.memref_squeeze %dma_start3A_527 : memref<1x!tpu.dma_semaphore, #tpu.memory_space<semaphore_mem>> -> memref<!tpu.dma_semaphore, #tpu.memory_space<semaphore_mem>>
    %dma_start3A_529 = arith.constant 0 : i32
    %dma_start3A_530 = arith.constant 0 : i32
    %dma_start3A_531 = arith.constant 0 : i32
    %dma_start3A_532 = tpu.memref_slice %arg4[%dma_start3A_525, %dma_start3A_529, %dma_start3A_530, %dma_start3A_531] : memref<7x2x64x4096xf32, #tpu.memory_space<vmem>> -> memref<1x2x64x4096xf32, #tpu.memory_space<vmem>>
    %dma_start3A_533 = tpu.memref_squeeze %dma_start3A_532 : memref<1x2x64x4096xf32, #tpu.memory_space<vmem>> -> memref<2x64x4096xf32, #tpu.memory_space<vmem>>
    %dma_start3A_534 = arith.constant 26 : i32
    %dma_start3A_535 = arith.constant 0 : i32
    %dma_start3A_536 = arith.constant 0 : i32
    %dma_start3A_537 = tpu.memref_slice %arg0[%dma_start3A_534, %dma_start3A_535, %dma_start3A_536] : memref<128x64x4096xf32, #tpu.memory_space<hbm>> -> memref<2x64x4096xf32, #tpu.memory_space<hbm>>
    tpu.enqueue_dma source(%dma_start3A_537 : memref<2x64x4096xf32, #tpu.memory_space<hbm>>) target(%dma_start3A_533 : memref<2x64x4096xf32, #tpu.memory_space<vmem>>) target_semaphore(%dma_start3A_528 : memref<!tpu.dma_semaphore, #tpu.memory_space<semaphore_mem>>)
    %dma_wait3A_538 = arith.constant 0 : i32
    %dma_wait3A_539 = arith.constant 0 : i32
    %dma_wait3A_540 = tpu.memref_slice %arg6[%dma_wait3A_539] : memref<7x!tpu.dma_semaphore, #tpu.memory_space<semaphore_mem>> -> memref<1x!tpu.dma_semaphore, #tpu.memory_space<semaphore_mem>>
    %dma_wait3A_541 = tpu.memref_squeeze %dma_wait3A_540 : memref<1x!tpu.dma_semaphore, #tpu.memory_space<semaphore_mem>> -> memref<!tpu.dma_semaphore, #tpu.memory_space<semaphore_mem>>
    %dma_wait3A_542 = arith.constant 0 : i32
    %dma_wait3A_543 = arith.constant 0 : i32
    %dma_wait3A_544 = arith.constant 0 : i32
    %dma_wait3A_545 = tpu.memref_slice %arg4[%dma_wait3A_538, %dma_wait3A_542, %dma_wait3A_543, %dma_wait3A_544] : memref<7x2x64x4096xf32, #tpu.memory_space<vmem>> -> memref<1x2x64x4096xf32, #tpu.memory_space<vmem>>
    %dma_wait3A_546 = tpu.memref_squeeze %dma_wait3A_545 : memref<1x2x64x4096xf32, #tpu.memory_space<vmem>> -> memref<2x64x4096xf32, #tpu.memory_space<vmem>>
    %dma_wait3A_547 = arith.constant 14 : i32
    %dma_wait3A_548 = arith.constant 0 : i32
    %dma_wait3A_549 = arith.constant 0 : i32
    %dma_wait3A_550 = tpu.memref_slice %arg0[%dma_wait3A_547, %dma_wait3A_548, %dma_wait3A_549] : memref<128x64x4096xf32, #tpu.memory_space<hbm>> -> memref<2x64x4096xf32, #tpu.memory_space<hbm>>
    tpu.wait_dma2 semaphore(%dma_wait3A_541 : memref<!tpu.dma_semaphore, #tpu.memory_space<semaphore_mem>>) src(%dma_wait3A_550 : memref<2x64x4096xf32, #tpu.memory_space<hbm>>) dst(%dma_wait3A_546 : memref<2x64x4096xf32, #tpu.memory_space<vmem>>)
    %dma_wait3A_551 = arith.constant 0 : i32
    %dma_wait3A_552 = arith.constant 0 : i32
    %dma_wait3A_553 = tpu.memref_slice %arg7[%dma_wait3A_552] : memref<7x!tpu.dma_semaphore, #tpu.memory_space<semaphore_mem>> -> memref<1x!tpu.dma_semaphore, #tpu.memory_space<semaphore_mem>>
    %dma_wait3A_554 = tpu.memref_squeeze %dma_wait3A_553 : memref<1x!tpu.dma_semaphore, #tpu.memory_space<semaphore_mem>> -> memref<!tpu.dma_semaphore, #tpu.memory_space<semaphore_mem>>
    %dma_wait3A_555 = arith.constant 0 : i32
    %dma_wait3A_556 = arith.constant 0 : i32
    %dma_wait3A_557 = arith.constant 0 : i32
    %dma_wait3A_558 = tpu.memref_slice %arg3[%dma_wait3A_555, %dma_wait3A_556, %dma_wait3A_557] : memref<112x64x4096xf32, #tpu.memory_space<hbm>> -> memref<2x64x4096xf32, #tpu.memory_space<hbm>>
    %dma_wait3A_559 = arith.constant 0 : i32
    %dma_wait3A_560 = arith.constant 0 : i32
    %dma_wait3A_561 = arith.constant 0 : i32
    %dma_wait3A_562 = tpu.memref_slice %arg5[%dma_wait3A_551, %dma_wait3A_559, %dma_wait3A_560, %dma_wait3A_561] : memref<7x2x64x4096xf32, #tpu.memory_space<vmem>> -> memref<1x2x64x4096xf32, #tpu.memory_space<vmem>>
    %dma_wait3A_563 = tpu.memref_squeeze %dma_wait3A_562 : memref<1x2x64x4096xf32, #tpu.memory_space<vmem>> -> memref<2x64x4096xf32, #tpu.memory_space<vmem>>
    tpu.wait_dma2 semaphore(%dma_wait3A_554 : memref<!tpu.dma_semaphore, #tpu.memory_space<semaphore_mem>>) src(%dma_wait3A_563 : memref<2x64x4096xf32, #tpu.memory_space<vmem>>) dst(%dma_wait3A_558 : memref<2x64x4096xf32, #tpu.memory_space<hbm>>)
    %get3A_564 = arith.constant 14 : index
    %get3A_565 = arith.constant 0 : index
    %get3A_566 = vector.load %arg1[%get3A_564, %get3A_565] : memref<128x4096xf32, #tpu.memory_space<vmem>>, vector<2x4096xf32>
    %broadcast_in_dim3A_567 = vector.shape_cast %get3A_566 : vector<2x4096xf32> to vector<2x1x4096xf32>
    %get3A_568 = arith.constant 0 : index
    %get3A_569 = arith.constant 14 : index
    %get3A_570 = vector.load %arg2[%get3A_568, %get3A_569] : memref<64x128xf32, #tpu.memory_space<vmem>>, vector<64x2xf32>
    %transpose3A_571 = tpu.transpose %get3A_570, [1, 0] : vector<64x2xf32> -> vector<2x64xf32>
    %broadcast_in_dim3A_572 = vector.shape_cast %transpose3A_571 : vector<2x64xf32> to vector<2x64x1xf32>
    %get3A_573 = arith.constant 0 : index
    %get3A_574 = arith.constant 0 : index
    %get3A_575 = arith.constant 0 : index
    %get3A_576 = arith.constant 0 : index
    %get3A_577 = vector.load %arg4[%get3A_573, %get3A_574, %get3A_575, %get3A_576] : memref<7x2x64x4096xf32, #tpu.memory_space<vmem>>, vector<1x2x64x4096xf32>
    %get3A_578 = vector.shape_cast %get3A_577 : vector<1x2x64x4096xf32> to vector<2x64x4096xf32>
    %mul3A_579 = vector.broadcast %broadcast_in_dim3A_567 : vector<2x1x4096xf32> to vector<2x64x4096xf32>
    %mul3A_580 = vector.broadcast %broadcast_in_dim3A_572 : vector<2x64x1xf32> to vector<2x64x4096xf32>
    %mul3A_581 = arith.mulf %mul3A_579, %mul3A_580 : vector<2x64x4096xf32>
    %add3A_582 = arith.addf %get3A_578, %mul3A_581 : vector<2x64x4096xf32>
    %swap3A_583 = arith.constant 0 : index
    %swap3A_584 = arith.constant 0 : index
    %swap3A_585 = arith.constant 0 : index
    %swap3A_586 = arith.constant 0 : index
    %swap3A_587 = vector.load %arg5[%swap3A_583, %swap3A_584, %swap3A_585, %swap3A_586] : memref<7x2x64x4096xf32, #tpu.memory_space<vmem>>, vector<1x2x64x4096xf32>
    %swap3A_588 = vector.shape_cast %swap3A_587 : vector<1x2x64x4096xf32> to vector<2x64x4096xf32>
    %swap3A_589 = vector.shape_cast %add3A_582 : vector<2x64x4096xf32> to vector<1x2x64x4096xf32>
    tpu.vector_store %arg5[%swap3A_583, %swap3A_584, %swap3A_585, %swap3A_586], %swap3A_589 {strides = array<i32>} : memref<7x2x64x4096xf32, #tpu.memory_space<vmem>>, vector<1x2x64x4096xf32>,
    %dma_start3A_590 = arith.constant 0 : i32
    %dma_start3A_591 = arith.constant 0 : i32
    %dma_start3A_592 = tpu.memref_slice %arg7[%dma_start3A_591] : memref<7x!tpu.dma_semaphore, #tpu.memory_space<semaphore_mem>> -> memref<1x!tpu.dma_semaphore, #tpu.memory_space<semaphore_mem>>
    %dma_start3A_593 = tpu.memref_squeeze %dma_start3A_592 : memref<1x!tpu.dma_semaphore, #tpu.memory_space<semaphore_mem>> -> memref<!tpu.dma_semaphore, #tpu.memory_space<semaphore_mem>>
    %dma_start3A_594 = arith.constant 14 : i32
    %dma_start3A_595 = arith.constant 0 : i32
    %dma_start3A_596 = arith.constant 0 : i32
    %dma_start3A_597 = tpu.memref_slice %arg3[%dma_start3A_594, %dma_start3A_595, %dma_start3A_596] : memref<112x64x4096xf32, #tpu.memory_space<hbm>> -> memref<2x64x4096xf32, #tpu.memory_space<hbm>>
    %dma_start3A_598 = arith.constant 0 : i32
    %dma_start3A_599 = arith.constant 0 : i32
    %dma_start3A_600 = arith.constant 0 : i32
    %dma_start3A_601 = tpu.memref_slice %arg5[%dma_start3A_590, %dma_start3A_598, %dma_start3A_599, %dma_start3A_600] : memref<7x2x64x4096xf32, #tpu.memory_space<vmem>> -> memref<1x2x64x4096xf32, #tpu.memory_space<vmem>>
    %dma_start3A_602 = tpu.memref_squeeze %dma_start3A_601 : memref<1x2x64x4096xf32, #tpu.memory_space<vmem>> -> memref<2x64x4096xf32, #tpu.memory_space<vmem>>
    tpu.enqueue_dma source(%dma_start3A_602 : memref<2x64x4096xf32, #tpu.memory_space<vmem>>) target(%dma_start3A_597 : memref<2x64x4096xf32, #tpu.memory_space<hbm>>) target_semaphore(%dma_start3A_593 : memref<!tpu.dma_semaphore, #tpu.memory_space<semaphore_mem>>)
    %dma_start3A_603 = arith.constant 0 : i32
    %dma_start3A_604 = arith.constant 0 : i32
    %dma_start3A_605 = tpu.memref_slice %arg6[%dma_start3A_604] : memref<7x!tpu.dma_semaphore, #tpu.memory_space<semaphore_mem>> -> memref<1x!tpu.dma_semaphore, #tpu.memory_space<semaphore_mem>>
    %dma_start3A_606 = tpu.memref_squeeze %dma_start3A_605 : memref<1x!tpu.dma_semaphore, #tpu.memory_space<semaphore_mem>> -> memref<!tpu.dma_semaphore, #tpu.memory_space<semaphore_mem>>
    %dma_start3A_607 = arith.constant 0 : i32
    %dma_start3A_608 = arith.constant 0 : i32
    %dma_start3A_609 = arith.constant 0 : i32
    %dma_start3A_610 = tpu.memref_slice %arg4[%dma_start3A_603, %dma_start3A_607, %dma_start3A_608, %dma_start3A_609] : memref<7x2x64x4096xf32, #tpu.memory_space<vmem>> -> memref<1x2x64x4096xf32, #tpu.memory_space<vmem>>
    %dma_start3A_611 = tpu.memref_squeeze %dma_start3A_610 : memref<1x2x64x4096xf32, #tpu.memory_space<vmem>> -> memref<2x64x4096xf32, #tpu.memory_space<vmem>>
    %dma_start3A_612 = arith.constant 28 : i32
    %dma_start3A_613 = arith.constant 0 : i32
    %dma_start3A_614 = arith.constant 0 : i32
    %dma_start3A_615 = tpu.memref_slice %arg0[%dma_start3A_612, %dma_start3A_613, %dma_start3A_614] : memref<128x64x4096xf32, #tpu.memory_space<hbm>> -> memref<2x64x4096xf32, #tpu.memory_space<hbm>>
    tpu.enqueue_dma source(%dma_start3A_615 : memref<2x64x4096xf32, #tpu.memory_space<hbm>>) target(%dma_start3A_611 : memref<2x64x4096xf32, #tpu.memory_space<vmem>>) target_semaphore(%dma_start3A_606 : memref<!tpu.dma_semaphore, #tpu.memory_space<semaphore_mem>>)
    %dma_wait3A_616 = arith.constant 1 : i32
    %dma_wait3A_617 = arith.constant 1 : i32
    %dma_wait3A_618 = tpu.memref_slice %arg6[%dma_wait3A_617] : memref<7x!tpu.dma_semaphore, #tpu.memory_space<semaphore_mem>> -> memref<1x!tpu.dma_semaphore, #tpu.memory_space<semaphore_mem>>
    %dma_wait3A_619 = tpu.memref_squeeze %dma_wait3A_618 : memref<1x!tpu.dma_semaphore, #tpu.memory_space<semaphore_mem>> -> memref<!tpu.dma_semaphore, #tpu.memory_space<semaphore_mem>>
    %dma_wait3A_620 = arith.constant 0 : i32
    %dma_wait3A_621 = arith.constant 0 : i32
    %dma_wait3A_622 = arith.constant 0 : i32
    %dma_wait3A_623 = tpu.memref_slice %arg4[%dma_wait3A_616, %dma_wait3A_620, %dma_wait3A_621, %dma_wait3A_622] : memref<7x2x64x4096xf32, #tpu.memory_space<vmem>> -> memref<1x2x64x4096xf32, #tpu.memory_space<vmem>>
    %dma_wait3A_624 = tpu.memref_squeeze %dma_wait3A_623 : memref<1x2x64x4096xf32, #tpu.memory_space<vmem>> -> memref<2x64x4096xf32, #tpu.memory_space<vmem>>
    %dma_wait3A_625 = arith.constant 16 : i32
    %dma_wait3A_626 = arith.constant 0 : i32
    %dma_wait3A_627 = arith.constant 0 : i32
    %dma_wait3A_628 = tpu.memref_slice %arg0[%dma_wait3A_625, %dma_wait3A_626, %dma_wait3A_627] : memref<128x64x4096xf32, #tpu.memory_space<hbm>> -> memref<2x64x4096xf32, #tpu.memory_space<hbm>>
    tpu.wait_dma2 semaphore(%dma_wait3A_619 : memref<!tpu.dma_semaphore, #tpu.memory_space<semaphore_mem>>) src(%dma_wait3A_628 : memref<2x64x4096xf32, #tpu.memory_space<hbm>>) dst(%dma_wait3A_624 : memref<2x64x4096xf32, #tpu.memory_space<vmem>>)
    %dma_wait3A_629 = arith.constant 1 : i32
    %dma_wait3A_630 = arith.constant 1 : i32
    %dma_wait3A_631 = tpu.memref_slice %arg7[%dma_wait3A_630] : memref<7x!tpu.dma_semaphore, #tpu.memory_space<semaphore_mem>> -> memref<1x!tpu.dma_semaphore, #tpu.memory_space<semaphore_mem>>
    %dma_wait3A_632 = tpu.memref_squeeze %dma_wait3A_631 : memref<1x!tpu.dma_semaphore, #tpu.memory_space<semaphore_mem>> -> memref<!tpu.dma_semaphore, #tpu.memory_space<semaphore_mem>>
    %dma_wait3A_633 = arith.constant 2 : i32
    %dma_wait3A_634 = arith.constant 0 : i32
    %dma_wait3A_635 = arith.constant 0 : i32
    %dma_wait3A_636 = tpu.memref_slice %arg3[%dma_wait3A_633, %dma_wait3A_634, %dma_wait3A_635] : memref<112x64x4096xf32, #tpu.memory_space<hbm>> -> memref<2x64x4096xf32, #tpu.memory_space<hbm>>
    %dma_wait3A_637 = arith.constant 0 : i32
    %dma_wait3A_638 = arith.constant 0 : i32
    %dma_wait3A_639 = arith.constant 0 : i32
    %dma_wait3A_640 = tpu.memref_slice %arg5[%dma_wait3A_629, %dma_wait3A_637, %dma_wait3A_638, %dma_wait3A_639] : memref<7x2x64x4096xf32, #tpu.memory_space<vmem>> -> memref<1x2x64x4096xf32, #tpu.memory_space<vmem>>
    %dma_wait3A_641 = tpu.memref_squeeze %dma_wait3A_640 : memref<1x2x64x4096xf32, #tpu.memory_space<vmem>> -> memref<2x64x4096xf32, #tpu.memory_space<vmem>>
    tpu.wait_dma2 semaphore(%dma_wait3A_632 : memref<!tpu.dma_semaphore, #tpu.memory_space<semaphore_mem>>) src(%dma_wait3A_641 : memref<2x64x4096xf32, #tpu.memory_space<vmem>>) dst(%dma_wait3A_636 : memref<2x64x4096xf32, #tpu.memory_space<hbm>>)
    %get3A_642 = arith.constant 16 : index
    %get3A_643 = arith.constant 0 : index
    %get3A_644 = vector.load %arg1[%get3A_642, %get3A_643] : memref<128x4096xf32, #tpu.memory_space<vmem>>, vector<2x4096xf32>
    %broadcast_in_dim3A_645 = vector.shape_cast %get3A_644 : vector<2x4096xf32> to vector<2x1x4096xf32>
    %get3A_646 = arith.constant 0 : index
    %get3A_647 = arith.constant 16 : index
    %get3A_648 = vector.load %arg2[%get3A_646, %get3A_647] : memref<64x128xf32, #tpu.memory_space<vmem>>, vector<64x2xf32>
    %transpose3A_649 = tpu.transpose %get3A_648, [1, 0] : vector<64x2xf32> -> vector<2x64xf32>
    %broadcast_in_dim3A_650 = vector.shape_cast %transpose3A_649 : vector<2x64xf32> to vector<2x64x1xf32>
    %get3A_651 = arith.constant 1 : index
    %get3A_652 = arith.constant 0 : index
    %get3A_653 = arith.constant 0 : index
    %get3A_654 = arith.constant 0 : index
    %get3A_655 = vector.load %arg4[%get3A_651, %get3A_652, %get3A_653, %get3A_654] : memref<7x2x64x4096xf32, #tpu.memory_space<vmem>>, vector<1x2x64x4096xf32>
    %get3A_656 = vector.shape_cast %get3A_655 : vector<1x2x64x4096xf32> to vector<2x64x4096xf32>
    %mul3A_657 = vector.broadcast %broadcast_in_dim3A_645 : vector<2x1x4096xf32> to vector<2x64x4096xf32>
    %mul3A_658 = vector.broadcast %broadcast_in_dim3A_650 : vector<2x64x1xf32> to vector<2x64x4096xf32>
    %mul3A_659 = arith.mulf %mul3A_657, %mul3A_658 : vector<2x64x4096xf32>
    %add3A_660 = arith.addf %get3A_656, %mul3A_659 : vector<2x64x4096xf32>
    %swap3A_661 = arith.constant 1 : index
    %swap3A_662 = arith.constant 0 : index
    %swap3A_663 = arith.constant 0 : index
    %swap3A_664 = arith.constant 0 : index
    %swap3A_665 = vector.load %arg5[%swap3A_661, %swap3A_662, %swap3A_663, %swap3A_664] : memref<7x2x64x4096xf32, #tpu.memory_space<vmem>>, vector<1x2x64x4096xf32>
    %swap3A_666 = vector.shape_cast %swap3A_665 : vector<1x2x64x4096xf32> to vector<2x64x4096xf32>
    %swap3A_667 = vector.shape_cast %add3A_660 : vector<2x64x4096xf32> to vector<1x2x64x4096xf32>
    tpu.vector_store %arg5[%swap3A_661, %swap3A_662, %swap3A_663, %swap3A_664], %swap3A_667 {strides = array<i32>} : memref<7x2x64x4096xf32, #tpu.memory_space<vmem>>, vector<1x2x64x4096xf32>,
    %dma_start3A_668 = arith.constant 1 : i32
    %dma_start3A_669 = arith.constant 1 : i32
    %dma_start3A_670 = tpu.memref_slice %arg7[%dma_start3A_669] : memref<7x!tpu.dma_semaphore, #tpu.memory_space<semaphore_mem>> -> memref<1x!tpu.dma_semaphore, #tpu.memory_space<semaphore_mem>>
    %dma_start3A_671 = tpu.memref_squeeze %dma_start3A_670 : memref<1x!tpu.dma_semaphore, #tpu.memory_space<semaphore_mem>> -> memref<!tpu.dma_semaphore, #tpu.memory_space<semaphore_mem>>
    %dma_start3A_672 = arith.constant 16 : i32
    %dma_start3A_673 = arith.constant 0 : i32
    %dma_start3A_674 = arith.constant 0 : i32
    %dma_start3A_675 = tpu.memref_slice %arg3[%dma_start3A_672, %dma_start3A_673, %dma_start3A_674] : memref<112x64x4096xf32, #tpu.memory_space<hbm>> -> memref<2x64x4096xf32, #tpu.memory_space<hbm>>
    %dma_start3A_676 = arith.constant 0 : i32
    %dma_start3A_677 = arith.constant 0 : i32
    %dma_start3A_678 = arith.constant 0 : i32
    %dma_start3A_679 = tpu.memref_slice %arg5[%dma_start3A_668, %dma_start3A_676, %dma_start3A_677, %dma_start3A_678] : memref<7x2x64x4096xf32, #tpu.memory_space<vmem>> -> memref<1x2x64x4096xf32, #tpu.memory_space<vmem>>
    %dma_start3A_680 = tpu.memref_squeeze %dma_start3A_679 : memref<1x2x64x4096xf32, #tpu.memory_space<vmem>> -> memref<2x64x4096xf32, #tpu.memory_space<vmem>>
    tpu.enqueue_dma source(%dma_start3A_680 : memref<2x64x4096xf32, #tpu.memory_space<vmem>>) target(%dma_start3A_675 : memref<2x64x4096xf32, #tpu.memory_space<hbm>>) target_semaphore(%dma_start3A_671 : memref<!tpu.dma_semaphore, #tpu.memory_space<semaphore_mem>>)
    %dma_start3A_681 = arith.constant 1 : i32
    %dma_start3A_682 = arith.constant 1 : i32
    %dma_start3A_683 = tpu.memref_slice %arg6[%dma_start3A_682] : memref<7x!tpu.dma_semaphore, #tpu.memory_space<semaphore_mem>> -> memref<1x!tpu.dma_semaphore, #tpu.memory_space<semaphore_mem>>
    %dma_start3A_684 = tpu.memref_squeeze %dma_start3A_683 : memref<1x!tpu.dma_semaphore, #tpu.memory_space<semaphore_mem>> -> memref<!tpu.dma_semaphore, #tpu.memory_space<semaphore_mem>>
    %dma_start3A_685 = arith.constant 0 : i32
    %dma_start3A_686 = arith.constant 0 : i32
    %dma_start3A_687 = arith.constant 0 : i32
    %dma_start3A_688 = tpu.memref_slice %arg4[%dma_start3A_681, %dma_start3A_685, %dma_start3A_686, %dma_start3A_687] : memref<7x2x64x4096xf32, #tpu.memory_space<vmem>> -> memref<1x2x64x4096xf32, #tpu.memory_space<vmem>>
    %dma_start3A_689 = tpu.memref_squeeze %dma_start3A_688 : memref<1x2x64x4096xf32, #tpu.memory_space<vmem>> -> memref<2x64x4096xf32, #tpu.memory_space<vmem>>
    %dma_start3A_690 = arith.constant 30 : i32
    %dma_start3A_691 = arith.constant 0 : i32
    %dma_start3A_692 = arith.constant 0 : i32
    %dma_start3A_693 = tpu.memref_slice %arg0[%dma_start3A_690, %dma_start3A_691, %dma_start3A_692] : memref<128x64x4096xf32, #tpu.memory_space<hbm>> -> memref<2x64x4096xf32, #tpu.memory_space<hbm>>
    tpu.enqueue_dma source(%dma_start3A_693 : memref<2x64x4096xf32, #tpu.memory_space<hbm>>) target(%dma_start3A_689 : memref<2x64x4096xf32, #tpu.memory_space<vmem>>) target_semaphore(%dma_start3A_684 : memref<!tpu.dma_semaphore, #tpu.memory_space<semaphore_mem>>)
    %dma_wait3A_694 = arith.constant 2 : i32
    %dma_wait3A_695 = arith.constant 2 : i32
    %dma_wait3A_696 = tpu.memref_slice %arg6[%dma_wait3A_695] : memref<7x!tpu.dma_semaphore, #tpu.memory_space<semaphore_mem>> -> memref<1x!tpu.dma_semaphore, #tpu.memory_space<semaphore_mem>>
    %dma_wait3A_697 = tpu.memref_squeeze %dma_wait3A_696 : memref<1x!tpu.dma_semaphore, #tpu.memory_space<semaphore_mem>> -> memref<!tpu.dma_semaphore, #tpu.memory_space<semaphore_mem>>
    %dma_wait3A_698 = arith.constant 0 : i32
    %dma_wait3A_699 = arith.constant 0 : i32
    %dma_wait3A_700 = arith.constant 0 : i32
    %dma_wait3A_701 = tpu.memref_slice %arg4[%dma_wait3A_694, %dma_wait3A_698, %dma_wait3A_699, %dma_wait3A_700] : memref<7x2x64x4096xf32, #tpu.memory_space<vmem>> -> memref<1x2x64x4096xf32, #tpu.memory_space<vmem>>
    %dma_wait3A_702 = tpu.memref_squeeze %dma_wait3A_701 : memref<1x2x64x4096xf32, #tpu.memory_space<vmem>> -> memref<2x64x4096xf32, #tpu.memory_space<vmem>>
    %dma_wait3A_703 = arith.constant 18 : i32
    %dma_wait3A_704 = arith.constant 0 : i32
    %dma_wait3A_705 = arith.constant 0 : i32
    %dma_wait3A_706 = tpu.memref_slice %arg0[%dma_wait3A_703, %dma_wait3A_704, %dma_wait3A_705] : memref<128x64x4096xf32, #tpu.memory_space<hbm>> -> memref<2x64x4096xf32, #tpu.memory_space<hbm>>
    tpu.wait_dma2 semaphore(%dma_wait3A_697 : memref<!tpu.dma_semaphore, #tpu.memory_space<semaphore_mem>>) src(%dma_wait3A_706 : memref<2x64x4096xf32, #tpu.memory_space<hbm>>) dst(%dma_wait3A_702 : memref<2x64x4096xf32, #tpu.memory_space<vmem>>)
    %dma_wait3A_707 = arith.constant 2 : i32
    %dma_wait3A_708 = arith.constant 2 : i32
    %dma_wait3A_709 = tpu.memref_slice %arg7[%dma_wait3A_708] : memref<7x!tpu.dma_semaphore, #tpu.memory_space<semaphore_mem>> -> memref<1x!tpu.dma_semaphore, #tpu.memory_space<semaphore_mem>>
    %dma_wait3A_710 = tpu.memref_squeeze %dma_wait3A_709 : memref<1x!tpu.dma_semaphore, #tpu.memory_space<semaphore_mem>> -> memref<!tpu.dma_semaphore, #tpu.memory_space<semaphore_mem>>
    %dma_wait3A_711 = arith.constant 4 : i32
    %dma_wait3A_712 = arith.constant 0 : i32
    %dma_wait3A_713 = arith.constant 0 : i32
    %dma_wait3A_714 = tpu.memref_slice %arg3[%dma_wait3A_711, %dma_wait3A_712, %dma_wait3A_713] : memref<112x64x4096xf32, #tpu.memory_space<hbm>> -> memref<2x64x4096xf32, #tpu.memory_space<hbm>>
    %dma_wait3A_715 = arith.constant 0 : i32
    %dma_wait3A_716 = arith.constant 0 : i32
    %dma_wait3A_717 = arith.constant 0 : i32
    %dma_wait3A_718 = tpu.memref_slice %arg5[%dma_wait3A_707, %dma_wait3A_715, %dma_wait3A_716, %dma_wait3A_717] : memref<7x2x64x4096xf32, #tpu.memory_space<vmem>> -> memref<1x2x64x4096xf32, #tpu.memory_space<vmem>>
    %dma_wait3A_719 = tpu.memref_squeeze %dma_wait3A_718 : memref<1x2x64x4096xf32, #tpu.memory_space<vmem>> -> memref<2x64x4096xf32, #tpu.memory_space<vmem>>
    tpu.wait_dma2 semaphore(%dma_wait3A_710 : memref<!tpu.dma_semaphore, #tpu.memory_space<semaphore_mem>>) src(%dma_wait3A_719 : memref<2x64x4096xf32, #tpu.memory_space<vmem>>) dst(%dma_wait3A_714 : memref<2x64x4096xf32, #tpu.memory_space<hbm>>)
    %get3A_720 = arith.constant 18 : index
    %get3A_721 = arith.constant 0 : index
    %get3A_722 = vector.load %arg1[%get3A_720, %get3A_721] : memref<128x4096xf32, #tpu.memory_space<vmem>>, vector<2x4096xf32>
    %broadcast_in_dim3A_723 = vector.shape_cast %get3A_722 : vector<2x4096xf32> to vector<2x1x4096xf32>
    %get3A_724 = arith.constant 0 : index
    %get3A_725 = arith.constant 18 : index
    %get3A_726 = vector.load %arg2[%get3A_724, %get3A_725] : memref<64x128xf32, #tpu.memory_space<vmem>>, vector<64x2xf32>
    %transpose3A_727 = tpu.transpose %get3A_726, [1, 0] : vector<64x2xf32> -> vector<2x64xf32>
    %broadcast_in_dim3A_728 = vector.shape_cast %transpose3A_727 : vector<2x64xf32> to vector<2x64x1xf32>
    %get3A_729 = arith.constant 2 : index
    %get3A_730 = arith.constant 0 : index
    %get3A_731 = arith.constant 0 : index
    %get3A_732 = arith.constant 0 : index
    %get3A_733 = vector.load %arg4[%get3A_729, %get3A_730, %get3A_731, %get3A_732] : memref<7x2x64x4096xf32, #tpu.memory_space<vmem>>, vector<1x2x64x4096xf32>
    %get3A_734 = vector.shape_cast %get3A_733 : vector<1x2x64x4096xf32> to vector<2x64x4096xf32>
    %mul3A_735 = vector.broadcast %broadcast_in_dim3A_723 : vector<2x1x4096xf32> to vector<2x64x4096xf32>
    %mul3A_736 = vector.broadcast %broadcast_in_dim3A_728 : vector<2x64x1xf32> to vector<2x64x4096xf32>
    %mul3A_737 = arith.mulf %mul3A_735, %mul3A_736 : vector<2x64x4096xf32>
    %add3A_738 = arith.addf %get3A_734, %mul3A_737 : vector<2x64x4096xf32>
    %swap3A_739 = arith.constant 2 : index
    %swap3A_740 = arith.constant 0 : index
    %swap3A_741 = arith.constant 0 : index
    %swap3A_742 = arith.constant 0 : index
    %swap3A_743 = vector.load %arg5[%swap3A_739, %swap3A_740, %swap3A_741, %swap3A_742] : memref<7x2x64x4096xf32, #tpu.memory_space<vmem>>, vector<1x2x64x4096xf32>
    %swap3A_744 = vector.shape_cast %swap3A_743 : vector<1x2x64x4096xf32> to vector<2x64x4096xf32>
    %swap3A_745 = vector.shape_cast %add3A_738 : vector<2x64x4096xf32> to vector<1x2x64x4096xf32>
    tpu.vector_store %arg5[%swap3A_739, %swap3A_740, %swap3A_741, %swap3A_742], %swap3A_745 {strides = array<i32>} : memref<7x2x64x4096xf32, #tpu.memory_space<vmem>>, vector<1x2x64x4096xf32>,
    %dma_start3A_746 = arith.constant 2 : i32
    %dma_start3A_747 = arith.constant 2 : i32
    %dma_start3A_748 = tpu.memref_slice %arg7[%dma_start3A_747] : memref<7x!tpu.dma_semaphore, #tpu.memory_space<semaphore_mem>> -> memref<1x!tpu.dma_semaphore, #tpu.memory_space<semaphore_mem>>
    %dma_start3A_749 = tpu.memref_squeeze %dma_start3A_748 : memref<1x!tpu.dma_semaphore, #tpu.memory_space<semaphore_mem>> -> memref<!tpu.dma_semaphore, #tpu.memory_space<semaphore_mem>>
    %dma_start3A_750 = arith.constant 18 : i32
    %dma_start3A_751 = arith.constant 0 : i32
    %dma_start3A_752 = arith.constant 0 : i32
    %dma_start3A_753 = tpu.memref_slice %arg3[%dma_start3A_750, %dma_start3A_751, %dma_start3A_752] : memref<112x64x4096xf32, #tpu.memory_space<hbm>> -> memref<2x64x4096xf32, #tpu.memory_space<hbm>>
    %dma_start3A_754 = arith.constant 0 : i32
    %dma_start3A_755 = arith.constant 0 : i32
    %dma_start3A_756 = arith.constant 0 : i32
    %dma_start3A_757 = tpu.memref_slice %arg5[%dma_start3A_746, %dma_start3A_754, %dma_start3A_755, %dma_start3A_756] : memref<7x2x64x4096xf32, #tpu.memory_space<vmem>> -> memref<1x2x64x4096xf32, #tpu.memory_space<vmem>>
    %dma_start3A_758 = tpu.memref_squeeze %dma_start3A_757 : memref<1x2x64x4096xf32, #tpu.memory_space<vmem>> -> memref<2x64x4096xf32, #tpu.memory_space<vmem>>
    tpu.enqueue_dma source(%dma_start3A_758 : memref<2x64x4096xf32, #tpu.memory_space<vmem>>) target(%dma_start3A_753 : memref<2x64x4096xf32, #tpu.memory_space<hbm>>) target_semaphore(%dma_start3A_749 : memref<!tpu.dma_semaphore, #tpu.memory_space<semaphore_mem>>)
    %dma_start3A_759 = arith.constant 2 : i32
    %dma_start3A_760 = arith.constant 2 : i32
    %dma_start3A_761 = tpu.memref_slice %arg6[%dma_start3A_760] : memref<7x!tpu.dma_semaphore, #tpu.memory_space<semaphore_mem>> -> memref<1x!tpu.dma_semaphore, #tpu.memory_space<semaphore_mem>>
    %dma_start3A_762 = tpu.memref_squeeze %dma_start3A_761 : memref<1x!tpu.dma_semaphore, #tpu.memory_space<semaphore_mem>> -> memref<!tpu.dma_semaphore, #tpu.memory_space<semaphore_mem>>
    %dma_start3A_763 = arith.constant 0 : i32
    %dma_start3A_764 = arith.constant 0 : i32
    %dma_start3A_765 = arith.constant 0 : i32
    %dma_start3A_766 = tpu.memref_slice %arg4[%dma_start3A_759, %dma_start3A_763, %dma_start3A_764, %dma_start3A_765] : memref<7x2x64x4096xf32, #tpu.memory_space<vmem>> -> memref<1x2x64x4096xf32, #tpu.memory_space<vmem>>
    %dma_start3A_767 = tpu.memref_squeeze %dma_start3A_766 : memref<1x2x64x4096xf32, #tpu.memory_space<vmem>> -> memref<2x64x4096xf32, #tpu.memory_space<vmem>>
    %dma_start3A_768 = arith.constant 32 : i32
    %dma_start3A_769 = arith.constant 0 : i32
    %dma_start3A_770 = arith.constant 0 : i32
    %dma_start3A_771 = tpu.memref_slice %arg0[%dma_start3A_768, %dma_start3A_769, %dma_start3A_770] : memref<128x64x4096xf32, #tpu.memory_space<hbm>> -> memref<2x64x4096xf32, #tpu.memory_space<hbm>>
    tpu.enqueue_dma source(%dma_start3A_771 : memref<2x64x4096xf32, #tpu.memory_space<hbm>>) target(%dma_start3A_767 : memref<2x64x4096xf32, #tpu.memory_space<vmem>>) target_semaphore(%dma_start3A_762 : memref<!tpu.dma_semaphore, #tpu.memory_space<semaphore_mem>>)
    %dma_wait3A_772 = arith.constant 3 : i32
    %dma_wait3A_773 = arith.constant 3 : i32
    %dma_wait3A_774 = tpu.memref_slice %arg6[%dma_wait3A_773] : memref<7x!tpu.dma_semaphore, #tpu.memory_space<semaphore_mem>> -> memref<1x!tpu.dma_semaphore, #tpu.memory_space<semaphore_mem>>
    %dma_wait3A_775 = tpu.memref_squeeze %dma_wait3A_774 : memref<1x!tpu.dma_semaphore, #tpu.memory_space<semaphore_mem>> -> memref<!tpu.dma_semaphore, #tpu.memory_space<semaphore_mem>>
    %dma_wait3A_776 = arith.constant 0 : i32
    %dma_wait3A_777 = arith.constant 0 : i32
    %dma_wait3A_778 = arith.constant 0 : i32
    %dma_wait3A_779 = tpu.memref_slice %arg4[%dma_wait3A_772, %dma_wait3A_776, %dma_wait3A_777, %dma_wait3A_778] : memref<7x2x64x4096xf32, #tpu.memory_space<vmem>> -> memref<1x2x64x4096xf32, #tpu.memory_space<vmem>>
    %dma_wait3A_780 = tpu.memref_squeeze %dma_wait3A_779 : memref<1x2x64x4096xf32, #tpu.memory_space<vmem>> -> memref<2x64x4096xf32, #tpu.memory_space<vmem>>
    %dma_wait3A_781 = arith.constant 20 : i32
    %dma_wait3A_782 = arith.constant 0 : i32
    %dma_wait3A_783 = arith.constant 0 : i32
    %dma_wait3A_784 = tpu.memref_slice %arg0[%dma_wait3A_781, %dma_wait3A_782, %dma_wait3A_783] : memref<128x64x4096xf32, #tpu.memory_space<hbm>> -> memref<2x64x4096xf32, #tpu.memory_space<hbm>>
    tpu.wait_dma2 semaphore(%dma_wait3A_775 : memref<!tpu.dma_semaphore, #tpu.memory_space<semaphore_mem>>) src(%dma_wait3A_784 : memref<2x64x4096xf32, #tpu.memory_space<hbm>>) dst(%dma_wait3A_780 : memref<2x64x4096xf32, #tpu.memory_space<vmem>>)
    %dma_wait3A_785 = arith.constant 3 : i32
    %dma_wait3A_786 = arith.constant 3 : i32
    %dma_wait3A_787 = tpu.memref_slice %arg7[%dma_wait3A_786] : memref<7x!tpu.dma_semaphore, #tpu.memory_space<semaphore_mem>> -> memref<1x!tpu.dma_semaphore, #tpu.memory_space<semaphore_mem>>
    %dma_wait3A_788 = tpu.memref_squeeze %dma_wait3A_787 : memref<1x!tpu.dma_semaphore, #tpu.memory_space<semaphore_mem>> -> memref<!tpu.dma_semaphore, #tpu.memory_space<semaphore_mem>>
    %dma_wait3A_789 = arith.constant 6 : i32
    %dma_wait3A_790 = arith.constant 0 : i32
    %dma_wait3A_791 = arith.constant 0 : i32
    %dma_wait3A_792 = tpu.memref_slice %arg3[%dma_wait3A_789, %dma_wait3A_790, %dma_wait3A_791] : memref<112x64x4096xf32, #tpu.memory_space<hbm>> -> memref<2x64x4096xf32, #tpu.memory_space<hbm>>
    %dma_wait3A_793 = arith.constant 0 : i32
    %dma_wait3A_794 = arith.constant 0 : i32
    %dma_wait3A_795 = arith.constant 0 : i32
    %dma_wait3A_796 = tpu.memref_slice %arg5[%dma_wait3A_785, %dma_wait3A_793, %dma_wait3A_794, %dma_wait3A_795] : memref<7x2x64x4096xf32, #tpu.memory_space<vmem>> -> memref<1x2x64x4096xf32, #tpu.memory_space<vmem>>
    %dma_wait3A_797 = tpu.memref_squeeze %dma_wait3A_796 : memref<1x2x64x4096xf32, #tpu.memory_space<vmem>> -> memref<2x64x4096xf32, #tpu.memory_space<vmem>>
    tpu.wait_dma2 semaphore(%dma_wait3A_788 : memref<!tpu.dma_semaphore, #tpu.memory_space<semaphore_mem>>) src(%dma_wait3A_797 : memref<2x64x4096xf32, #tpu.memory_space<vmem>>) dst(%dma_wait3A_792 : memref<2x64x4096xf32, #tpu.memory_space<hbm>>)
    %get3A_798 = arith.constant 20 : index
    %get3A_799 = arith.constant 0 : index
    %get3A_800 = vector.load %arg1[%get3A_798, %get3A_799] : memref<128x4096xf32, #tpu.memory_space<vmem>>, vector<2x4096xf32>
    %broadcast_in_dim3A_801 = vector.shape_cast %get3A_800 : vector<2x4096xf32> to vector<2x1x4096xf32>
    %get3A_802 = arith.constant 0 : index
    %get3A_803 = arith.constant 20 : index
    %get3A_804 = vector.load %arg2[%get3A_802, %get3A_803] : memref<64x128xf32, #tpu.memory_space<vmem>>, vector<64x2xf32>
    %transpose3A_805 = tpu.transpose %get3A_804, [1, 0] : vector<64x2xf32> -> vector<2x64xf32>
    %broadcast_in_dim3A_806 = vector.shape_cast %transpose3A_805 : vector<2x64xf32> to vector<2x64x1xf32>
    %get3A_807 = arith.constant 3 : index
    %get3A_808 = arith.constant 0 : index
    %get3A_809 = arith.constant 0 : index
    %get3A_810 = arith.constant 0 : index
    %get3A_811 = vector.load %arg4[%get3A_807, %get3A_808, %get3A_809, %get3A_810] : memref<7x2x64x4096xf32, #tpu.memory_space<vmem>>, vector<1x2x64x4096xf32>
    %get3A_812 = vector.shape_cast %get3A_811 : vector<1x2x64x4096xf32> to vector<2x64x4096xf32>
    %mul3A_813 = vector.broadcast %broadcast_in_dim3A_801 : vector<2x1x4096xf32> to vector<2x64x4096xf32>
    %mul3A_814 = vector.broadcast %broadcast_in_dim3A_806 : vector<2x64x1xf32> to vector<2x64x4096xf32>
    %mul3A_815 = arith.mulf %mul3A_813, %mul3A_814 : vector<2x64x4096xf32>
    %add3A_816 = arith.addf %get3A_812, %mul3A_815 : vector<2x64x4096xf32>
    %swap3A_817 = arith.constant 3 : index
    %swap3A_818 = arith.constant 0 : index
    %swap3A_819 = arith.constant 0 : index
    %swap3A_820 = arith.constant 0 : index
    %swap3A_821 = vector.load %arg5[%swap3A_817, %swap3A_818, %swap3A_819, %swap3A_820] : memref<7x2x64x4096xf32, #tpu.memory_space<vmem>>, vector<1x2x64x4096xf32>
    %swap3A_822 = vector.shape_cast %swap3A_821 : vector<1x2x64x4096xf32> to vector<2x64x4096xf32>
    %swap3A_823 = vector.shape_cast %add3A_816 : vector<2x64x4096xf32> to vector<1x2x64x4096xf32>
    tpu.vector_store %arg5[%swap3A_817, %swap3A_818, %swap3A_819, %swap3A_820], %swap3A_823 {strides = array<i32>} : memref<7x2x64x4096xf32, #tpu.memory_space<vmem>>, vector<1x2x64x4096xf32>,
    %dma_start3A_824 = arith.constant 3 : i32
    %dma_start3A_825 = arith.constant 3 : i32
    %dma_start3A_826 = tpu.memref_slice %arg7[%dma_start3A_825] : memref<7x!tpu.dma_semaphore, #tpu.memory_space<semaphore_mem>> -> memref<1x!tpu.dma_semaphore, #tpu.memory_space<semaphore_mem>>
    %dma_start3A_827 = tpu.memref_squeeze %dma_start3A_826 : memref<1x!tpu.dma_semaphore, #tpu.memory_space<semaphore_mem>> -> memref<!tpu.dma_semaphore, #tpu.memory_space<semaphore_mem>>
    %dma_start3A_828 = arith.constant 20 : i32
    %dma_start3A_829 = arith.constant 0 : i32
    %dma_start3A_830 = arith.constant 0 : i32
    %dma_start3A_831 = tpu.memref_slice %arg3[%dma_start3A_828, %dma_start3A_829, %dma_start3A_830] : memref<112x64x4096xf32, #tpu.memory_space<hbm>> -> memref<2x64x4096xf32, #tpu.memory_space<hbm>>
    %dma_start3A_832 = arith.constant 0 : i32
    %dma_start3A_833 = arith.constant 0 : i32
    %dma_start3A_834 = arith.constant 0 : i32
    %dma_start3A_835 = tpu.memref_slice %arg5[%dma_start3A_824, %dma_start3A_832, %dma_start3A_833, %dma_start3A_834] : memref<7x2x64x4096xf32, #tpu.memory_space<vmem>> -> memref<1x2x64x4096xf32, #tpu.memory_space<vmem>>
    %dma_start3A_836 = tpu.memref_squeeze %dma_start3A_835 : memref<1x2x64x4096xf32, #tpu.memory_space<vmem>> -> memref<2x64x4096xf32, #tpu.memory_space<vmem>>
    tpu.enqueue_dma source(%dma_start3A_836 : memref<2x64x4096xf32, #tpu.memory_space<vmem>>) target(%dma_start3A_831 : memref<2x64x4096xf32, #tpu.memory_space<hbm>>) target_semaphore(%dma_start3A_827 : memref<!tpu.dma_semaphore, #tpu.memory_space<semaphore_mem>>)
    %dma_start3A_837 = arith.constant 3 : i32
    %dma_start3A_838 = arith.constant 3 : i32
    %dma_start3A_839 = tpu.memref_slice %arg6[%dma_start3A_838] : memref<7x!tpu.dma_semaphore, #tpu.memory_space<semaphore_mem>> -> memref<1x!tpu.dma_semaphore, #tpu.memory_space<semaphore_mem>>
    %dma_start3A_840 = tpu.memref_squeeze %dma_start3A_839 : memref<1x!tpu.dma_semaphore, #tpu.memory_space<semaphore_mem>> -> memref<!tpu.dma_semaphore, #tpu.memory_space<semaphore_mem>>
    %dma_start3A_841 = arith.constant 0 : i32
    %dma_start3A_842 = arith.constant 0 : i32
    %dma_start3A_843 = arith.constant 0 : i32
    %dma_start3A_844 = tpu.memref_slice %arg4[%dma_start3A_837, %dma_start3A_841, %dma_start3A_842, %dma_start3A_843] : memref<7x2x64x4096xf32, #tpu.memory_space<vmem>> -> memref<1x2x64x4096xf32, #tpu.memory_space<vmem>>
    %dma_start3A_845 = tpu.memref_squeeze %dma_start3A_844 : memref<1x2x64x4096xf32, #tpu.memory_space<vmem>> -> memref<2x64x4096xf32, #tpu.memory_space<vmem>>
    %dma_start3A_846 = arith.constant 34 : i32
    %dma_start3A_847 = arith.constant 0 : i32
    %dma_start3A_848 = arith.constant 0 : i32
    %dma_start3A_849 = tpu.memref_slice %arg0[%dma_start3A_846, %dma_start3A_847, %dma_start3A_848] : memref<128x64x4096xf32, #tpu.memory_space<hbm>> -> memref<2x64x4096xf32, #tpu.memory_space<hbm>>
    tpu.enqueue_dma source(%dma_start3A_849 : memref<2x64x4096xf32, #tpu.memory_space<hbm>>) target(%dma_start3A_845 : memref<2x64x4096xf32, #tpu.memory_space<vmem>>) target_semaphore(%dma_start3A_840 : memref<!tpu.dma_semaphore, #tpu.memory_space<semaphore_mem>>)
    %dma_wait3A_850 = arith.constant 4 : i32
    %dma_wait3A_851 = arith.constant 4 : i32
    %dma_wait3A_852 = tpu.memref_slice %arg6[%dma_wait3A_851] : memref<7x!tpu.dma_semaphore, #tpu.memory_space<semaphore_mem>> -> memref<1x!tpu.dma_semaphore, #tpu.memory_space<semaphore_mem>>
    %dma_wait3A_853 = tpu.memref_squeeze %dma_wait3A_852 : memref<1x!tpu.dma_semaphore, #tpu.memory_space<semaphore_mem>> -> memref<!tpu.dma_semaphore, #tpu.memory_space<semaphore_mem>>
    %dma_wait3A_854 = arith.constant 0 : i32
    %dma_wait3A_855 = arith.constant 0 : i32
    %dma_wait3A_856 = arith.constant 0 : i32
    %dma_wait3A_857 = tpu.memref_slice %arg4[%dma_wait3A_850, %dma_wait3A_854, %dma_wait3A_855, %dma_wait3A_856] : memref<7x2x64x4096xf32, #tpu.memory_space<vmem>> -> memref<1x2x64x4096xf32, #tpu.memory_space<vmem>>
    %dma_wait3A_858 = tpu.memref_squeeze %dma_wait3A_857 : memref<1x2x64x4096xf32, #tpu.memory_space<vmem>> -> memref<2x64x4096xf32, #tpu.memory_space<vmem>>
    %dma_wait3A_859 = arith.constant 22 : i32
    %dma_wait3A_860 = arith.constant 0 : i32
    %dma_wait3A_861 = arith.constant 0 : i32
    %dma_wait3A_862 = tpu.memref_slice %arg0[%dma_wait3A_859, %dma_wait3A_860, %dma_wait3A_861] : memref<128x64x4096xf32, #tpu.memory_space<hbm>> -> memref<2x64x4096xf32, #tpu.memory_space<hbm>>
    tpu.wait_dma2 semaphore(%dma_wait3A_853 : memref<!tpu.dma_semaphore, #tpu.memory_space<semaphore_mem>>) src(%dma_wait3A_862 : memref<2x64x4096xf32, #tpu.memory_space<hbm>>) dst(%dma_wait3A_858 : memref<2x64x4096xf32, #tpu.memory_space<vmem>>)
    %dma_wait3A_863 = arith.constant 4 : i32
    %dma_wait3A_864 = arith.constant 4 : i32
    %dma_wait3A_865 = tpu.memref_slice %arg7[%dma_wait3A_864] : memref<7x!tpu.dma_semaphore, #tpu.memory_space<semaphore_mem>> -> memref<1x!tpu.dma_semaphore, #tpu.memory_space<semaphore_mem>>
    %dma_wait3A_866 = tpu.memref_squeeze %dma_wait3A_865 : memref<1x!tpu.dma_semaphore, #tpu.memory_space<semaphore_mem>> -> memref<!tpu.dma_semaphore, #tpu.memory_space<semaphore_mem>>
    %dma_wait3A_867 = arith.constant 8 : i32
    %dma_wait3A_868 = arith.constant 0 : i32
    %dma_wait3A_869 = arith.constant 0 : i32
    %dma_wait3A_870 = tpu.memref_slice %arg3[%dma_wait3A_867, %dma_wait3A_868, %dma_wait3A_869] : memref<112x64x4096xf32, #tpu.memory_space<hbm>> -> memref<2x64x4096xf32, #tpu.memory_space<hbm>>
    %dma_wait3A_871 = arith.constant 0 : i32
    %dma_wait3A_872 = arith.constant 0 : i32
    %dma_wait3A_873 = arith.constant 0 : i32
    %dma_wait3A_874 = tpu.memref_slice %arg5[%dma_wait3A_863, %dma_wait3A_871, %dma_wait3A_872, %dma_wait3A_873] : memref<7x2x64x4096xf32, #tpu.memory_space<vmem>> -> memref<1x2x64x4096xf32, #tpu.memory_space<vmem>>
    %dma_wait3A_875 = tpu.memref_squeeze %dma_wait3A_874 : memref<1x2x64x4096xf32, #tpu.memory_space<vmem>> -> memref<2x64x4096xf32, #tpu.memory_space<vmem>>
    tpu.wait_dma2 semaphore(%dma_wait3A_866 : memref<!tpu.dma_semaphore, #tpu.memory_space<semaphore_mem>>) src(%dma_wait3A_875 : memref<2x64x4096xf32, #tpu.memory_space<vmem>>) dst(%dma_wait3A_870 : memref<2x64x4096xf32, #tpu.memory_space<hbm>>)
    %get3A_876 = arith.constant 22 : index
    %get3A_877 = arith.constant 0 : index
    %get3A_878 = vector.load %arg1[%get3A_876, %get3A_877] : memref<128x4096xf32, #tpu.memory_space<vmem>>, vector<2x4096xf32>
    %broadcast_in_dim3A_879 = vector.shape_cast %get3A_878 : vector<2x4096xf32> to vector<2x1x4096xf32>
    %get3A_880 = arith.constant 0 : index
    %get3A_881 = arith.constant 22 : index
    %get3A_882 = vector.load %arg2[%get3A_880, %get3A_881] : memref<64x128xf32, #tpu.memory_space<vmem>>, vector<64x2xf32>
    %transpose3A_883 = tpu.transpose %get3A_882, [1, 0] : vector<64x2xf32> -> vector<2x64xf32>
    %broadcast_in_dim3A_884 = vector.shape_cast %transpose3A_883 : vector<2x64xf32> to vector<2x64x1xf32>
    %get3A_885 = arith.constant 4 : index
    %get3A_886 = arith.constant 0 : index
    %get3A_887 = arith.constant 0 : index
    %get3A_888 = arith.constant 0 : index
    %get3A_889 = vector.load %arg4[%get3A_885, %get3A_886, %get3A_887, %get3A_888] : memref<7x2x64x4096xf32, #tpu.memory_space<vmem>>, vector<1x2x64x4096xf32>
    %get3A_890 = vector.shape_cast %get3A_889 : vector<1x2x64x4096xf32> to vector<2x64x4096xf32>
    %mul3A_891 = vector.broadcast %broadcast_in_dim3A_879 : vector<2x1x4096xf32> to vector<2x64x4096xf32>
    %mul3A_892 = vector.broadcast %broadcast_in_dim3A_884 : vector<2x64x1xf32> to vector<2x64x4096xf32>
    %mul3A_893 = arith.mulf %mul3A_891, %mul3A_892 : vector<2x64x4096xf32>
    %add3A_894 = arith.addf %get3A_890, %mul3A_893 : vector<2x64x4096xf32>
    %swap3A_895 = arith.constant 4 : index
    %swap3A_896 = arith.constant 0 : index
    %swap3A_897 = arith.constant 0 : index
    %swap3A_898 = arith.constant 0 : index
    %swap3A_899 = vector.load %arg5[%swap3A_895, %swap3A_896, %swap3A_897, %swap3A_898] : memref<7x2x64x4096xf32, #tpu.memory_space<vmem>>, vector<1x2x64x4096xf32>
    %swap3A_900 = vector.shape_cast %swap3A_899 : vector<1x2x64x4096xf32> to vector<2x64x4096xf32>
    %swap3A_901 = vector.shape_cast %add3A_894 : vector<2x64x4096xf32> to vector<1x2x64x4096xf32>
    tpu.vector_store %arg5[%swap3A_895, %swap3A_896, %swap3A_897, %swap3A_898], %swap3A_901 {strides = array<i32>} : memref<7x2x64x4096xf32, #tpu.memory_space<vmem>>, vector<1x2x64x4096xf32>,
    %dma_start3A_902 = arith.constant 4 : i32
    %dma_start3A_903 = arith.constant 4 : i32
    %dma_start3A_904 = tpu.memref_slice %arg7[%dma_start3A_903] : memref<7x!tpu.dma_semaphore, #tpu.memory_space<semaphore_mem>> -> memref<1x!tpu.dma_semaphore, #tpu.memory_space<semaphore_mem>>
    %dma_start3A_905 = tpu.memref_squeeze %dma_start3A_904 : memref<1x!tpu.dma_semaphore, #tpu.memory_space<semaphore_mem>> -> memref<!tpu.dma_semaphore, #tpu.memory_space<semaphore_mem>>
    %dma_start3A_906 = arith.constant 22 : i32
    %dma_start3A_907 = arith.constant 0 : i32
    %dma_start3A_908 = arith.constant 0 : i32
    %dma_start3A_909 = tpu.memref_slice %arg3[%dma_start3A_906, %dma_start3A_907, %dma_start3A_908] : memref<112x64x4096xf32, #tpu.memory_space<hbm>> -> memref<2x64x4096xf32, #tpu.memory_space<hbm>>
    %dma_start3A_910 = arith.constant 0 : i32
    %dma_start3A_911 = arith.constant 0 : i32
    %dma_start3A_912 = arith.constant 0 : i32
    %dma_start3A_913 = tpu.memref_slice %arg5[%dma_start3A_902, %dma_start3A_910, %dma_start3A_911, %dma_start3A_912] : memref<7x2x64x4096xf32, #tpu.memory_space<vmem>> -> memref<1x2x64x4096xf32, #tpu.memory_space<vmem>>
    %dma_start3A_914 = tpu.memref_squeeze %dma_start3A_913 : memref<1x2x64x4096xf32, #tpu.memory_space<vmem>> -> memref<2x64x4096xf32, #tpu.memory_space<vmem>>
    tpu.enqueue_dma source(%dma_start3A_914 : memref<2x64x4096xf32, #tpu.memory_space<vmem>>) target(%dma_start3A_909 : memref<2x64x4096xf32, #tpu.memory_space<hbm>>) target_semaphore(%dma_start3A_905 : memref<!tpu.dma_semaphore, #tpu.memory_space<semaphore_mem>>)
    %dma_start3A_915 = arith.constant 4 : i32
    %dma_start3A_916 = arith.constant 4 : i32
    %dma_start3A_917 = tpu.memref_slice %arg6[%dma_start3A_916] : memref<7x!tpu.dma_semaphore, #tpu.memory_space<semaphore_mem>> -> memref<1x!tpu.dma_semaphore, #tpu.memory_space<semaphore_mem>>
    %dma_start3A_918 = tpu.memref_squeeze %dma_start3A_917 : memref<1x!tpu.dma_semaphore, #tpu.memory_space<semaphore_mem>> -> memref<!tpu.dma_semaphore, #tpu.memory_space<semaphore_mem>>
    %dma_start3A_919 = arith.constant 0 : i32
    %dma_start3A_920 = arith.constant 0 : i32
    %dma_start3A_921 = arith.constant 0 : i32
    %dma_start3A_922 = tpu.memref_slice %arg4[%dma_start3A_915, %dma_start3A_919, %dma_start3A_920, %dma_start3A_921] : memref<7x2x64x4096xf32, #tpu.memory_space<vmem>> -> memref<1x2x64x4096xf32, #tpu.memory_space<vmem>>
    %dma_start3A_923 = tpu.memref_squeeze %dma_start3A_922 : memref<1x2x64x4096xf32, #tpu.memory_space<vmem>> -> memref<2x64x4096xf32, #tpu.memory_space<vmem>>
    %dma_start3A_924 = arith.constant 36 : i32
    %dma_start3A_925 = arith.constant 0 : i32
    %dma_start3A_926 = arith.constant 0 : i32
    %dma_start3A_927 = tpu.memref_slice %arg0[%dma_start3A_924, %dma_start3A_925, %dma_start3A_926] : memref<128x64x4096xf32, #tpu.memory_space<hbm>> -> memref<2x64x4096xf32, #tpu.memory_space<hbm>>
    tpu.enqueue_dma source(%dma_start3A_927 : memref<2x64x4096xf32, #tpu.memory_space<hbm>>) target(%dma_start3A_923 : memref<2x64x4096xf32, #tpu.memory_space<vmem>>) target_semaphore(%dma_start3A_918 : memref<!tpu.dma_semaphore, #tpu.memory_space<semaphore_mem>>)
    %dma_wait3A_928 = arith.constant 5 : i32
    %dma_wait3A_929 = arith.constant 5 : i32
    %dma_wait3A_930 = tpu.memref_slice %arg6[%dma_wait3A_929] : memref<7x!tpu.dma_semaphore, #tpu.memory_space<semaphore_mem>> -> memref<1x!tpu.dma_semaphore, #tpu.memory_space<semaphore_mem>>
    %dma_wait3A_931 = tpu.memref_squeeze %dma_wait3A_930 : memref<1x!tpu.dma_semaphore, #tpu.memory_space<semaphore_mem>> -> memref<!tpu.dma_semaphore, #tpu.memory_space<semaphore_mem>>
    %dma_wait3A_932 = arith.constant 0 : i32
    %dma_wait3A_933 = arith.constant 0 : i32
    %dma_wait3A_934 = arith.constant 0 : i32
    %dma_wait3A_935 = tpu.memref_slice %arg4[%dma_wait3A_928, %dma_wait3A_932, %dma_wait3A_933, %dma_wait3A_934] : memref<7x2x64x4096xf32, #tpu.memory_space<vmem>> -> memref<1x2x64x4096xf32, #tpu.memory_space<vmem>>
    %dma_wait3A_936 = tpu.memref_squeeze %dma_wait3A_935 : memref<1x2x64x4096xf32, #tpu.memory_space<vmem>> -> memref<2x64x4096xf32, #tpu.memory_space<vmem>>
    %dma_wait3A_937 = arith.constant 24 : i32
    %dma_wait3A_938 = arith.constant 0 : i32
    %dma_wait3A_939 = arith.constant 0 : i32
    %dma_wait3A_940 = tpu.memref_slice %arg0[%dma_wait3A_937, %dma_wait3A_938, %dma_wait3A_939] : memref<128x64x4096xf32, #tpu.memory_space<hbm>> -> memref<2x64x4096xf32, #tpu.memory_space<hbm>>
    tpu.wait_dma2 semaphore(%dma_wait3A_931 : memref<!tpu.dma_semaphore, #tpu.memory_space<semaphore_mem>>) src(%dma_wait3A_940 : memref<2x64x4096xf32, #tpu.memory_space<hbm>>) dst(%dma_wait3A_936 : memref<2x64x4096xf32, #tpu.memory_space<vmem>>)
    %dma_wait3A_941 = arith.constant 5 : i32
    %dma_wait3A_942 = arith.constant 5 : i32
    %dma_wait3A_943 = tpu.memref_slice %arg7[%dma_wait3A_942] : memref<7x!tpu.dma_semaphore, #tpu.memory_space<semaphore_mem>> -> memref<1x!tpu.dma_semaphore, #tpu.memory_space<semaphore_mem>>
    %dma_wait3A_944 = tpu.memref_squeeze %dma_wait3A_943 : memref<1x!tpu.dma_semaphore, #tpu.memory_space<semaphore_mem>> -> memref<!tpu.dma_semaphore, #tpu.memory_space<semaphore_mem>>
    %dma_wait3A_945 = arith.constant 10 : i32
    %dma_wait3A_946 = arith.constant 0 : i32
    %dma_wait3A_947 = arith.constant 0 : i32
    %dma_wait3A_948 = tpu.memref_slice %arg3[%dma_wait3A_945, %dma_wait3A_946, %dma_wait3A_947] : memref<112x64x4096xf32, #tpu.memory_space<hbm>> -> memref<2x64x4096xf32, #tpu.memory_space<hbm>>
    %dma_wait3A_949 = arith.constant 0 : i32
    %dma_wait3A_950 = arith.constant 0 : i32
    %dma_wait3A_951 = arith.constant 0 : i32
    %dma_wait3A_952 = tpu.memref_slice %arg5[%dma_wait3A_941, %dma_wait3A_949, %dma_wait3A_950, %dma_wait3A_951] : memref<7x2x64x4096xf32, #tpu.memory_space<vmem>> -> memref<1x2x64x4096xf32, #tpu.memory_space<vmem>>
    %dma_wait3A_953 = tpu.memref_squeeze %dma_wait3A_952 : memref<1x2x64x4096xf32, #tpu.memory_space<vmem>> -> memref<2x64x4096xf32, #tpu.memory_space<vmem>>
    tpu.wait_dma2 semaphore(%dma_wait3A_944 : memref<!tpu.dma_semaphore, #tpu.memory_space<semaphore_mem>>) src(%dma_wait3A_953 : memref<2x64x4096xf32, #tpu.memory_space<vmem>>) dst(%dma_wait3A_948 : memref<2x64x4096xf32, #tpu.memory_space<hbm>>)
    %get3A_954 = arith.constant 24 : index
    %get3A_955 = arith.constant 0 : index
    %get3A_956 = vector.load %arg1[%get3A_954, %get3A_955] : memref<128x4096xf32, #tpu.memory_space<vmem>>, vector<2x4096xf32>
    %broadcast_in_dim3A_957 = vector.shape_cast %get3A_956 : vector<2x4096xf32> to vector<2x1x4096xf32>
    %get3A_958 = arith.constant 0 : index
    %get3A_959 = arith.constant 24 : index
    %get3A_960 = vector.load %arg2[%get3A_958, %get3A_959] : memref<64x128xf32, #tpu.memory_space<vmem>>, vector<64x2xf32>
    %transpose3A_961 = tpu.transpose %get3A_960, [1, 0] : vector<64x2xf32> -> vector<2x64xf32>
    %broadcast_in_dim3A_962 = vector.shape_cast %transpose3A_961 : vector<2x64xf32> to vector<2x64x1xf32>
    %get3A_963 = arith.constant 5 : index
    %get3A_964 = arith.constant 0 : index
    %get3A_965 = arith.constant 0 : index
    %get3A_966 = arith.constant 0 : index
    %get3A_967 = vector.load %arg4[%get3A_963, %get3A_964, %get3A_965, %get3A_966] : memref<7x2x64x4096xf32, #tpu.memory_space<vmem>>, vector<1x2x64x4096xf32>
    %get3A_968 = vector.shape_cast %get3A_967 : vector<1x2x64x4096xf32> to vector<2x64x4096xf32>
    %mul3A_969 = vector.broadcast %broadcast_in_dim3A_957 : vector<2x1x4096xf32> to vector<2x64x4096xf32>
    %mul3A_970 = vector.broadcast %broadcast_in_dim3A_962 : vector<2x64x1xf32> to vector<2x64x4096xf32>
    %mul3A_971 = arith.mulf %mul3A_969, %mul3A_970 : vector<2x64x4096xf32>
    %add3A_972 = arith.addf %get3A_968, %mul3A_971 : vector<2x64x4096xf32>
    %swap3A_973 = arith.constant 5 : index
    %swap3A_974 = arith.constant 0 : index
    %swap3A_975 = arith.constant 0 : index
    %swap3A_976 = arith.constant 0 : index
    %swap3A_977 = vector.load %arg5[%swap3A_973, %swap3A_974, %swap3A_975, %swap3A_976] : memref<7x2x64x4096xf32, #tpu.memory_space<vmem>>, vector<1x2x64x4096xf32>
    %swap3A_978 = vector.shape_cast %swap3A_977 : vector<1x2x64x4096xf32> to vector<2x64x4096xf32>
    %swap3A_979 = vector.shape_cast %add3A_972 : vector<2x64x4096xf32> to vector<1x2x64x4096xf32>
    tpu.vector_store %arg5[%swap3A_973, %swap3A_974, %swap3A_975, %swap3A_976], %swap3A_979 {strides = array<i32>} : memref<7x2x64x4096xf32, #tpu.memory_space<vmem>>, vector<1x2x64x4096xf32>,
    %dma_start3A_980 = arith.constant 5 : i32
    %dma_start3A_981 = arith.constant 5 : i32
    %dma_start3A_982 = tpu.memref_slice %arg7[%dma_start3A_981] : memref<7x!tpu.dma_semaphore, #tpu.memory_space<semaphore_mem>> -> memref<1x!tpu.dma_semaphore, #tpu.memory_space<semaphore_mem>>
    %dma_start3A_983 = tpu.memref_squeeze %dma_start3A_982 : memref<1x!tpu.dma_semaphore, #tpu.memory_space<semaphore_mem>> -> memref<!tpu.dma_semaphore, #tpu.memory_space<semaphore_mem>>
    %dma_start3A_984 = arith.constant 24 : i32
    %dma_start3A_985 = arith.constant 0 : i32
    %dma_start3A_986 = arith.constant 0 : i32
    %dma_start3A_987 = tpu.memref_slice %arg3[%dma_start3A_984, %dma_start3A_985, %dma_start3A_986] : memref<112x64x4096xf32, #tpu.memory_space<hbm>> -> memref<2x64x4096xf32, #tpu.memory_space<hbm>>
    %dma_start3A_988 = arith.constant 0 : i32
    %dma_start3A_989 = arith.constant 0 : i32
    %dma_start3A_990 = arith.constant 0 : i32
    %dma_start3A_991 = tpu.memref_slice %arg5[%dma_start3A_980, %dma_start3A_988, %dma_start3A_989, %dma_start3A_990] : memref<7x2x64x4096xf32, #tpu.memory_space<vmem>> -> memref<1x2x64x4096xf32, #tpu.memory_space<vmem>>
    %dma_start3A_992 = tpu.memref_squeeze %dma_start3A_991 : memref<1x2x64x4096xf32, #tpu.memory_space<vmem>> -> memref<2x64x4096xf32, #tpu.memory_space<vmem>>
    tpu.enqueue_dma source(%dma_start3A_992 : memref<2x64x4096xf32, #tpu.memory_space<vmem>>) target(%dma_start3A_987 : memref<2x64x4096xf32, #tpu.memory_space<hbm>>) target_semaphore(%dma_start3A_983 : memref<!tpu.dma_semaphore, #tpu.memory_space<semaphore_mem>>)
    %dma_start3A_993 = arith.constant 5 : i32
    %dma_start3A_994 = arith.constant 5 : i32
    %dma_start3A_995 = tpu.memref_slice %arg6[%dma_start3A_994] : memref<7x!tpu.dma_semaphore, #tpu.memory_space<semaphore_mem>> -> memref<1x!tpu.dma_semaphore, #tpu.memory_space<semaphore_mem>>
    %dma_start3A_996 = tpu.memref_squeeze %dma_start3A_995 : memref<1x!tpu.dma_semaphore, #tpu.memory_space<semaphore_mem>> -> memref<!tpu.dma_semaphore, #tpu.memory_space<semaphore_mem>>
    %dma_start3A_997 = arith.constant 0 : i32
    %dma_start3A_998 = arith.constant 0 : i32
    %dma_start3A_999 = arith.constant 0 : i32
    %dma_start3A_1000 = tpu.memref_slice %arg4[%dma_start3A_993, %dma_start3A_997, %dma_start3A_998, %dma_start3A_999] : memref<7x2x64x4096xf32, #tpu.memory_space<vmem>> -> memref<1x2x64x4096xf32, #tpu.memory_space<vmem>>
    %dma_start3A_1001 = tpu.memref_squeeze %dma_start3A_1000 : memref<1x2x64x4096xf32, #tpu.memory_space<vmem>> -> memref<2x64x4096xf32, #tpu.memory_space<vmem>>
    %dma_start3A_1002 = arith.constant 38 : i32
    %dma_start3A_1003 = arith.constant 0 : i32
    %dma_start3A_1004 = arith.constant 0 : i32
    %dma_start3A_1005 = tpu.memref_slice %arg0[%dma_start3A_1002, %dma_start3A_1003, %dma_start3A_1004] : memref<128x64x4096xf32, #tpu.memory_space<hbm>> -> memref<2x64x4096xf32, #tpu.memory_space<hbm>>
    tpu.enqueue_dma source(%dma_start3A_1005 : memref<2x64x4096xf32, #tpu.memory_space<hbm>>) target(%dma_start3A_1001 : memref<2x64x4096xf32, #tpu.memory_space<vmem>>) target_semaphore(%dma_start3A_996 : memref<!tpu.dma_semaphore, #tpu.memory_space<semaphore_mem>>)
    %dma_wait3A_1006 = arith.constant 6 : i32
    %dma_wait3A_1007 = arith.constant 6 : i32
    %dma_wait3A_1008 = tpu.memref_slice %arg6[%dma_wait3A_1007] : memref<7x!tpu.dma_semaphore, #tpu.memory_space<semaphore_mem>> -> memref<1x!tpu.dma_semaphore, #tpu.memory_space<semaphore_mem>>
    %dma_wait3A_1009 = tpu.memref_squeeze %dma_wait3A_1008 : memref<1x!tpu.dma_semaphore, #tpu.memory_space<semaphore_mem>> -> memref<!tpu.dma_semaphore, #tpu.memory_space<semaphore_mem>>
    %dma_wait3A_1010 = arith.constant 0 : i32
    %dma_wait3A_1011 = arith.constant 0 : i32
    %dma_wait3A_1012 = arith.constant 0 : i32
    %dma_wait3A_1013 = tpu.memref_slice %arg4[%dma_wait3A_1006, %dma_wait3A_1010, %dma_wait3A_1011, %dma_wait3A_1012] : memref<7x2x64x4096xf32, #tpu.memory_space<vmem>> -> memref<1x2x64x4096xf32, #tpu.memory_space<vmem>>
    %dma_wait3A_1014 = tpu.memref_squeeze %dma_wait3A_1013 : memref<1x2x64x4096xf32, #tpu.memory_space<vmem>> -> memref<2x64x4096xf32, #tpu.memory_space<vmem>>
    %dma_wait3A_1015 = arith.constant 26 : i32
    %dma_wait3A_1016 = arith.constant 0 : i32
    %dma_wait3A_1017 = arith.constant 0 : i32
    %dma_wait3A_1018 = tpu.memref_slice %arg0[%dma_wait3A_1015, %dma_wait3A_1016, %dma_wait3A_1017] : memref<128x64x4096xf32, #tpu.memory_space<hbm>> -> memref<2x64x4096xf32, #tpu.memory_space<hbm>>
    tpu.wait_dma2 semaphore(%dma_wait3A_1009 : memref<!tpu.dma_semaphore, #tpu.memory_space<semaphore_mem>>) src(%dma_wait3A_1018 : memref<2x64x4096xf32, #tpu.memory_space<hbm>>) dst(%dma_wait3A_1014 : memref<2x64x4096xf32, #tpu.memory_space<vmem>>)
    %dma_wait3A_1019 = arith.constant 6 : i32
    %dma_wait3A_1020 = arith.constant 6 : i32
    %dma_wait3A_1021 = tpu.memref_slice %arg7[%dma_wait3A_1020] : memref<7x!tpu.dma_semaphore, #tpu.memory_space<semaphore_mem>> -> memref<1x!tpu.dma_semaphore, #tpu.memory_space<semaphore_mem>>
    %dma_wait3A_1022 = tpu.memref_squeeze %dma_wait3A_1021 : memref<1x!tpu.dma_semaphore, #tpu.memory_space<semaphore_mem>> -> memref<!tpu.dma_semaphore, #tpu.memory_space<semaphore_mem>>
    %dma_wait3A_1023 = arith.constant 12 : i32
    %dma_wait3A_1024 = arith.constant 0 : i32
    %dma_wait3A_1025 = arith.constant 0 : i32
    %dma_wait3A_1026 = tpu.memref_slice %arg3[%dma_wait3A_1023, %dma_wait3A_1024, %dma_wait3A_1025] : memref<112x64x4096xf32, #tpu.memory_space<hbm>> -> memref<2x64x4096xf32, #tpu.memory_space<hbm>>
    %dma_wait3A_1027 = arith.constant 0 : i32
    %dma_wait3A_1028 = arith.constant 0 : i32
    %dma_wait3A_1029 = arith.constant 0 : i32
    %dma_wait3A_1030 = tpu.memref_slice %arg5[%dma_wait3A_1019, %dma_wait3A_1027, %dma_wait3A_1028, %dma_wait3A_1029] : memref<7x2x64x4096xf32, #tpu.memory_space<vmem>> -> memref<1x2x64x4096xf32, #tpu.memory_space<vmem>>
    %dma_wait3A_1031 = tpu.memref_squeeze %dma_wait3A_1030 : memref<1x2x64x4096xf32, #tpu.memory_space<vmem>> -> memref<2x64x4096xf32, #tpu.memory_space<vmem>>
    tpu.wait_dma2 semaphore(%dma_wait3A_1022 : memref<!tpu.dma_semaphore, #tpu.memory_space<semaphore_mem>>) src(%dma_wait3A_1031 : memref<2x64x4096xf32, #tpu.memory_space<vmem>>) dst(%dma_wait3A_1026 : memref<2x64x4096xf32, #tpu.memory_space<hbm>>)
    %get3A_1032 = arith.constant 26 : index
    %get3A_1033 = arith.constant 0 : index
    %get3A_1034 = vector.load %arg1[%get3A_1032, %get3A_1033] : memref<128x4096xf32, #tpu.memory_space<vmem>>, vector<2x4096xf32>
    %broadcast_in_dim3A_1035 = vector.shape_cast %get3A_1034 : vector<2x4096xf32> to vector<2x1x4096xf32>
    %get3A_1036 = arith.constant 0 : index
    %get3A_1037 = arith.constant 26 : index
    %get3A_1038 = vector.load %arg2[%get3A_1036, %get3A_1037] : memref<64x128xf32, #tpu.memory_space<vmem>>, vector<64x2xf32>
    %transpose3A_1039 = tpu.transpose %get3A_1038, [1, 0] : vector<64x2xf32> -> vector<2x64xf32>
    %broadcast_in_dim3A_1040 = vector.shape_cast %transpose3A_1039 : vector<2x64xf32> to vector<2x64x1xf32>
    %get3A_1041 = arith.constant 6 : index
    %get3A_1042 = arith.constant 0 : index
    %get3A_1043 = arith.constant 0 : index
    %get3A_1044 = arith.constant 0 : index
    %get3A_1045 = vector.load %arg4[%get3A_1041, %get3A_1042, %get3A_1043, %get3A_1044] : memref<7x2x64x4096xf32, #tpu.memory_space<vmem>>, vector<1x2x64x4096xf32>
    %get3A_1046 = vector.shape_cast %get3A_1045 : vector<1x2x64x4096xf32> to vector<2x64x4096xf32>
    %mul3A_1047 = vector.broadcast %broadcast_in_dim3A_1035 : vector<2x1x4096xf32> to vector<2x64x4096xf32>
    %mul3A_1048 = vector.broadcast %broadcast_in_dim3A_1040 : vector<2x64x1xf32> to vector<2x64x4096xf32>
    %mul3A_1049 = arith.mulf %mul3A_1047, %mul3A_1048 : vector<2x64x4096xf32>
    %add3A_1050 = arith.addf %get3A_1046, %mul3A_1049 : vector<2x64x4096xf32>
    %swap3A_1051 = arith.constant 6 : index
    %swap3A_1052 = arith.constant 0 : index
    %swap3A_1053 = arith.constant 0 : index
    %swap3A_1054 = arith.constant 0 : index
    %swap3A_1055 = vector.load %arg5[%swap3A_1051, %swap3A_1052, %swap3A_1053, %swap3A_1054] : memref<7x2x64x4096xf32, #tpu.memory_space<vmem>>, vector<1x2x64x4096xf32>
    %swap3A_1056 = vector.shape_cast %swap3A_1055 : vector<1x2x64x4096xf32> to vector<2x64x4096xf32>
    %swap3A_1057 = vector.shape_cast %add3A_1050 : vector<2x64x4096xf32> to vector<1x2x64x4096xf32>
    tpu.vector_store %arg5[%swap3A_1051, %swap3A_1052, %swap3A_1053, %swap3A_1054], %swap3A_1057 {strides = array<i32>} : memref<7x2x64x4096xf32, #tpu.memory_space<vmem>>, vector<1x2x64x4096xf32>,
    %dma_start3A_1058 = arith.constant 6 : i32
    %dma_start3A_1059 = arith.constant 6 : i32
    %dma_start3A_1060 = tpu.memref_slice %arg7[%dma_start3A_1059] : memref<7x!tpu.dma_semaphore, #tpu.memory_space<semaphore_mem>> -> memref<1x!tpu.dma_semaphore, #tpu.memory_space<semaphore_mem>>
    %dma_start3A_1061 = tpu.memref_squeeze %dma_start3A_1060 : memref<1x!tpu.dma_semaphore, #tpu.memory_space<semaphore_mem>> -> memref<!tpu.dma_semaphore, #tpu.memory_space<semaphore_mem>>
    %dma_start3A_1062 = arith.constant 26 : i32
    %dma_start3A_1063 = arith.constant 0 : i32
    %dma_start3A_1064 = arith.constant 0 : i32
    %dma_start3A_1065 = tpu.memref_slice %arg3[%dma_start3A_1062, %dma_start3A_1063, %dma_start3A_1064] : memref<112x64x4096xf32, #tpu.memory_space<hbm>> -> memref<2x64x4096xf32, #tpu.memory_space<hbm>>
    %dma_start3A_1066 = arith.constant 0 : i32
    %dma_start3A_1067 = arith.constant 0 : i32
    %dma_start3A_1068 = arith.constant 0 : i32
    %dma_start3A_1069 = tpu.memref_slice %arg5[%dma_start3A_1058, %dma_start3A_1066, %dma_start3A_1067, %dma_start3A_1068] : memref<7x2x64x4096xf32, #tpu.memory_space<vmem>> -> memref<1x2x64x4096xf32, #tpu.memory_space<vmem>>
    %dma_start3A_1070 = tpu.memref_squeeze %dma_start3A_1069 : memref<1x2x64x4096xf32, #tpu.memory_space<vmem>> -> memref<2x64x4096xf32, #tpu.memory_space<vmem>>
    tpu.enqueue_dma source(%dma_start3A_1070 : memref<2x64x4096xf32, #tpu.memory_space<vmem>>) target(%dma_start3A_1065 : memref<2x64x4096xf32, #tpu.memory_space<hbm>>) target_semaphore(%dma_start3A_1061 : memref<!tpu.dma_semaphore, #tpu.memory_space<semaphore_mem>>)
    %dma_start3A_1071 = arith.constant 6 : i32
    %dma_start3A_1072 = arith.constant 6 : i32
    %dma_start3A_1073 = tpu.memref_slice %arg6[%dma_start3A_1072] : memref<7x!tpu.dma_semaphore, #tpu.memory_space<semaphore_mem>> -> memref<1x!tpu.dma_semaphore, #tpu.memory_space<semaphore_mem>>
    %dma_start3A_1074 = tpu.memref_squeeze %dma_start3A_1073 : memref<1x!tpu.dma_semaphore, #tpu.memory_space<semaphore_mem>> -> memref<!tpu.dma_semaphore, #tpu.memory_space<semaphore_mem>>
    %dma_start3A_1075 = arith.constant 0 : i32
    %dma_start3A_1076 = arith.constant 0 : i32
    %dma_start3A_1077 = arith.constant 0 : i32
    %dma_start3A_1078 = tpu.memref_slice %arg4[%dma_start3A_1071, %dma_start3A_1075, %dma_start3A_1076, %dma_start3A_1077] : memref<7x2x64x4096xf32, #tpu.memory_space<vmem>> -> memref<1x2x64x4096xf32, #tpu.memory_space<vmem>>
    %dma_start3A_1079 = tpu.memref_squeeze %dma_start3A_1078 : memref<1x2x64x4096xf32, #tpu.memory_space<vmem>> -> memref<2x64x4096xf32, #tpu.memory_space<vmem>>
    %dma_start3A_1080 = arith.constant 40 : i32
    %dma_start3A_1081 = arith.constant 0 : i32
    %dma_start3A_1082 = arith.constant 0 : i32
    %dma_start3A_1083 = tpu.memref_slice %arg0[%dma_start3A_1080, %dma_start3A_1081, %dma_start3A_1082] : memref<128x64x4096xf32, #tpu.memory_space<hbm>> -> memref<2x64x4096xf32, #tpu.memory_space<hbm>>
    tpu.enqueue_dma source(%dma_start3A_1083 : memref<2x64x4096xf32, #tpu.memory_space<hbm>>) target(%dma_start3A_1079 : memref<2x64x4096xf32, #tpu.memory_space<vmem>>) target_semaphore(%dma_start3A_1074 : memref<!tpu.dma_semaphore, #tpu.memory_space<semaphore_mem>>)
    %dma_wait3A_1084 = arith.constant 0 : i32
    %dma_wait3A_1085 = arith.constant 0 : i32
    %dma_wait3A_1086 = tpu.memref_slice %arg6[%dma_wait3A_1085] : memref<7x!tpu.dma_semaphore, #tpu.memory_space<semaphore_mem>> -> memref<1x!tpu.dma_semaphore, #tpu.memory_space<semaphore_mem>>
    %dma_wait3A_1087 = tpu.memref_squeeze %dma_wait3A_1086 : memref<1x!tpu.dma_semaphore, #tpu.memory_space<semaphore_mem>> -> memref<!tpu.dma_semaphore, #tpu.memory_space<semaphore_mem>>
    %dma_wait3A_1088 = arith.constant 0 : i32
    %dma_wait3A_1089 = arith.constant 0 : i32
    %dma_wait3A_1090 = arith.constant 0 : i32
    %dma_wait3A_1091 = tpu.memref_slice %arg4[%dma_wait3A_1084, %dma_wait3A_1088, %dma_wait3A_1089, %dma_wait3A_1090] : memref<7x2x64x4096xf32, #tpu.memory_space<vmem>> -> memref<1x2x64x4096xf32, #tpu.memory_space<vmem>>
    %dma_wait3A_1092 = tpu.memref_squeeze %dma_wait3A_1091 : memref<1x2x64x4096xf32, #tpu.memory_space<vmem>> -> memref<2x64x4096xf32, #tpu.memory_space<vmem>>
    %dma_wait3A_1093 = arith.constant 28 : i32
    %dma_wait3A_1094 = arith.constant 0 : i32
    %dma_wait3A_1095 = arith.constant 0 : i32
    %dma_wait3A_1096 = tpu.memref_slice %arg0[%dma_wait3A_1093, %dma_wait3A_1094, %dma_wait3A_1095] : memref<128x64x4096xf32, #tpu.memory_space<hbm>> -> memref<2x64x4096xf32, #tpu.memory_space<hbm>>
    tpu.wait_dma2 semaphore(%dma_wait3A_1087 : memref<!tpu.dma_semaphore, #tpu.memory_space<semaphore_mem>>) src(%dma_wait3A_1096 : memref<2x64x4096xf32, #tpu.memory_space<hbm>>) dst(%dma_wait3A_1092 : memref<2x64x4096xf32, #tpu.memory_space<vmem>>)
    %dma_wait3A_1097 = arith.constant 0 : i32
    %dma_wait3A_1098 = arith.constant 0 : i32
    %dma_wait3A_1099 = tpu.memref_slice %arg7[%dma_wait3A_1098] : memref<7x!tpu.dma_semaphore, #tpu.memory_space<semaphore_mem>> -> memref<1x!tpu.dma_semaphore, #tpu.memory_space<semaphore_mem>>
    %dma_wait3A_1100 = tpu.memref_squeeze %dma_wait3A_1099 : memref<1x!tpu.dma_semaphore, #tpu.memory_space<semaphore_mem>> -> memref<!tpu.dma_semaphore, #tpu.memory_space<semaphore_mem>>
    %dma_wait3A_1101 = arith.constant 14 : i32
    %dma_wait3A_1102 = arith.constant 0 : i32
    %dma_wait3A_1103 = arith.constant 0 : i32
    %dma_wait3A_1104 = tpu.memref_slice %arg3[%dma_wait3A_1101, %dma_wait3A_1102, %dma_wait3A_1103] : memref<112x64x4096xf32, #tpu.memory_space<hbm>> -> memref<2x64x4096xf32, #tpu.memory_space<hbm>>
    %dma_wait3A_1105 = arith.constant 0 : i32
    %dma_wait3A_1106 = arith.constant 0 : i32
    %dma_wait3A_1107 = arith.constant 0 : i32
    %dma_wait3A_1108 = tpu.memref_slice %arg5[%dma_wait3A_1097, %dma_wait3A_1105, %dma_wait3A_1106, %dma_wait3A_1107] : memref<7x2x64x4096xf32, #tpu.memory_space<vmem>> -> memref<1x2x64x4096xf32, #tpu.memory_space<vmem>>
    %dma_wait3A_1109 = tpu.memref_squeeze %dma_wait3A_1108 : memref<1x2x64x4096xf32, #tpu.memory_space<vmem>> -> memref<2x64x4096xf32, #tpu.memory_space<vmem>>
    tpu.wait_dma2 semaphore(%dma_wait3A_1100 : memref<!tpu.dma_semaphore, #tpu.memory_space<semaphore_mem>>) src(%dma_wait3A_1109 : memref<2x64x4096xf32, #tpu.memory_space<vmem>>) dst(%dma_wait3A_1104 : memref<2x64x4096xf32, #tpu.memory_space<hbm>>)
    %get3A_1110 = arith.constant 28 : index
    %get3A_1111 = arith.constant 0 : index
    %get3A_1112 = vector.load %arg1[%get3A_1110, %get3A_1111] : memref<128x4096xf32, #tpu.memory_space<vmem>>, vector<2x4096xf32>
    %broadcast_in_dim3A_1113 = vector.shape_cast %get3A_1112 : vector<2x4096xf32> to vector<2x1x4096xf32>
    %get3A_1114 = arith.constant 0 : index
    %get3A_1115 = arith.constant 28 : index
    %get3A_1116 = vector.load %arg2[%get3A_1114, %get3A_1115] : memref<64x128xf32, #tpu.memory_space<vmem>>, vector<64x2xf32>
    %transpose3A_1117 = tpu.transpose %get3A_1116, [1, 0] : vector<64x2xf32> -> vector<2x64xf32>
    %broadcast_in_dim3A_1118 = vector.shape_cast %transpose3A_1117 : vector<2x64xf32> to vector<2x64x1xf32>
    %get3A_1119 = arith.constant 0 : index
    %get3A_1120 = arith.constant 0 : index
    %get3A_1121 = arith.constant 0 : index
    %get3A_1122 = arith.constant 0 : index
    %get3A_1123 = vector.load %arg4[%get3A_1119, %get3A_1120, %get3A_1121, %get3A_1122] : memref<7x2x64x4096xf32, #tpu.memory_space<vmem>>, vector<1x2x64x4096xf32>
    %get3A_1124 = vector.shape_cast %get3A_1123 : vector<1x2x64x4096xf32> to vector<2x64x4096xf32>
    %mul3A_1125 = vector.broadcast %broadcast_in_dim3A_1113 : vector<2x1x4096xf32> to vector<2x64x4096xf32>
    %mul3A_1126 = vector.broadcast %broadcast_in_dim3A_1118 : vector<2x64x1xf32> to vector<2x64x4096xf32>
    %mul3A_1127 = arith.mulf %mul3A_1125, %mul3A_1126 : vector<2x64x4096xf32>
    %add3A_1128 = arith.addf %get3A_1124, %mul3A_1127 : vector<2x64x4096xf32>
    %swap3A_1129 = arith.constant 0 : index
    %swap3A_1130 = arith.constant 0 : index
    %swap3A_1131 = arith.constant 0 : index
    %swap3A_1132 = arith.constant 0 : index
    %swap3A_1133 = vector.load %arg5[%swap3A_1129, %swap3A_1130, %swap3A_1131, %swap3A_1132] : memref<7x2x64x4096xf32, #tpu.memory_space<vmem>>, vector<1x2x64x4096xf32>
    %swap3A_1134 = vector.shape_cast %swap3A_1133 : vector<1x2x64x4096xf32> to vector<2x64x4096xf32>
    %swap3A_1135 = vector.shape_cast %add3A_1128 : vector<2x64x4096xf32> to vector<1x2x64x4096xf32>
    tpu.vector_store %arg5[%swap3A_1129, %swap3A_1130, %swap3A_1131, %swap3A_1132], %swap3A_1135 {strides = array<i32>} : memref<7x2x64x4096xf32, #tpu.memory_space<vmem>>, vector<1x2x64x4096xf32>,
    %dma_start3A_1136 = arith.constant 0 : i32
    %dma_start3A_1137 = arith.constant 0 : i32
    %dma_start3A_1138 = tpu.memref_slice %arg7[%dma_start3A_1137] : memref<7x!tpu.dma_semaphore, #tpu.memory_space<semaphore_mem>> -> memref<1x!tpu.dma_semaphore, #tpu.memory_space<semaphore_mem>>
    %dma_start3A_1139 = tpu.memref_squeeze %dma_start3A_1138 : memref<1x!tpu.dma_semaphore, #tpu.memory_space<semaphore_mem>> -> memref<!tpu.dma_semaphore, #tpu.memory_space<semaphore_mem>>
    %dma_start3A_1140 = arith.constant 28 : i32
    %dma_start3A_1141 = arith.constant 0 : i32
    %dma_start3A_1142 = arith.constant 0 : i32
    %dma_start3A_1143 = tpu.memref_slice %arg3[%dma_start3A_1140, %dma_start3A_1141, %dma_start3A_1142] : memref<112x64x4096xf32, #tpu.memory_space<hbm>> -> memref<2x64x4096xf32, #tpu.memory_space<hbm>>
    %dma_start3A_1144 = arith.constant 0 : i32
    %dma_start3A_1145 = arith.constant 0 : i32
    %dma_start3A_1146 = arith.constant 0 : i32
    %dma_start3A_1147 = tpu.memref_slice %arg5[%dma_start3A_1136, %dma_start3A_1144, %dma_start3A_1145, %dma_start3A_1146] : memref<7x2x64x4096xf32, #tpu.memory_space<vmem>> -> memref<1x2x64x4096xf32, #tpu.memory_space<vmem>>
    %dma_start3A_1148 = tpu.memref_squeeze %dma_start3A_1147 : memref<1x2x64x4096xf32, #tpu.memory_space<vmem>> -> memref<2x64x4096xf32, #tpu.memory_space<vmem>>
    tpu.enqueue_dma source(%dma_start3A_1148 : memref<2x64x4096xf32, #tpu.memory_space<vmem>>) target(%dma_start3A_1143 : memref<2x64x4096xf32, #tpu.memory_space<hbm>>) target_semaphore(%dma_start3A_1139 : memref<!tpu.dma_semaphore, #tpu.memory_space<semaphore_mem>>)
    %dma_start3A_1149 = arith.constant 0 : i32
    %dma_start3A_1150 = arith.constant 0 : i32
    %dma_start3A_1151 = tpu.memref_slice %arg6[%dma_start3A_1150] : memref<7x!tpu.dma_semaphore, #tpu.memory_space<semaphore_mem>> -> memref<1x!tpu.dma_semaphore, #tpu.memory_space<semaphore_mem>>
    %dma_start3A_1152 = tpu.memref_squeeze %dma_start3A_1151 : memref<1x!tpu.dma_semaphore, #tpu.memory_space<semaphore_mem>> -> memref<!tpu.dma_semaphore, #tpu.memory_space<semaphore_mem>>
    %dma_start3A_1153 = arith.constant 0 : i32
    %dma_start3A_1154 = arith.constant 0 : i32
    %dma_start3A_1155 = arith.constant 0 : i32
    %dma_start3A_1156 = tpu.memref_slice %arg4[%dma_start3A_1149, %dma_start3A_1153, %dma_start3A_1154, %dma_start3A_1155] : memref<7x2x64x4096xf32, #tpu.memory_space<vmem>> -> memref<1x2x64x4096xf32, #tpu.memory_space<vmem>>
    %dma_start3A_1157 = tpu.memref_squeeze %dma_start3A_1156 : memref<1x2x64x4096xf32, #tpu.memory_space<vmem>> -> memref<2x64x4096xf32, #tpu.memory_space<vmem>>
    %dma_start3A_1158 = arith.constant 42 : i32
    %dma_start3A_1159 = arith.constant 0 : i32
    %dma_start3A_1160 = arith.constant 0 : i32
    %dma_start3A_1161 = tpu.memref_slice %arg0[%dma_start3A_1158, %dma_start3A_1159, %dma_start3A_1160] : memref<128x64x4096xf32, #tpu.memory_space<hbm>> -> memref<2x64x4096xf32, #tpu.memory_space<hbm>>
    tpu.enqueue_dma source(%dma_start3A_1161 : memref<2x64x4096xf32, #tpu.memory_space<hbm>>) target(%dma_start3A_1157 : memref<2x64x4096xf32, #tpu.memory_space<vmem>>) target_semaphore(%dma_start3A_1152 : memref<!tpu.dma_semaphore, #tpu.memory_space<semaphore_mem>>)
    %dma_wait3A_1162 = arith.constant 1 : i32
    %dma_wait3A_1163 = arith.constant 1 : i32
    %dma_wait3A_1164 = tpu.memref_slice %arg6[%dma_wait3A_1163] : memref<7x!tpu.dma_semaphore, #tpu.memory_space<semaphore_mem>> -> memref<1x!tpu.dma_semaphore, #tpu.memory_space<semaphore_mem>>
    %dma_wait3A_1165 = tpu.memref_squeeze %dma_wait3A_1164 : memref<1x!tpu.dma_semaphore, #tpu.memory_space<semaphore_mem>> -> memref<!tpu.dma_semaphore, #tpu.memory_space<semaphore_mem>>
    %dma_wait3A_1166 = arith.constant 0 : i32
    %dma_wait3A_1167 = arith.constant 0 : i32
    %dma_wait3A_1168 = arith.constant 0 : i32
    %dma_wait3A_1169 = tpu.memref_slice %arg4[%dma_wait3A_1162, %dma_wait3A_1166, %dma_wait3A_1167, %dma_wait3A_1168] : memref<7x2x64x4096xf32, #tpu.memory_space<vmem>> -> memref<1x2x64x4096xf32, #tpu.memory_space<vmem>>
    %dma_wait3A_1170 = tpu.memref_squeeze %dma_wait3A_1169 : memref<1x2x64x4096xf32, #tpu.memory_space<vmem>> -> memref<2x64x4096xf32, #tpu.memory_space<vmem>>
    %dma_wait3A_1171 = arith.constant 30 : i32
    %dma_wait3A_1172 = arith.constant 0 : i32
    %dma_wait3A_1173 = arith.constant 0 : i32
    %dma_wait3A_1174 = tpu.memref_slice %arg0[%dma_wait3A_1171, %dma_wait3A_1172, %dma_wait3A_1173] : memref<128x64x4096xf32, #tpu.memory_space<hbm>> -> memref<2x64x4096xf32, #tpu.memory_space<hbm>>
    tpu.wait_dma2 semaphore(%dma_wait3A_1165 : memref<!tpu.dma_semaphore, #tpu.memory_space<semaphore_mem>>) src(%dma_wait3A_1174 : memref<2x64x4096xf32, #tpu.memory_space<hbm>>) dst(%dma_wait3A_1170 : memref<2x64x4096xf32, #tpu.memory_space<vmem>>)
    %dma_wait3A_1175 = arith.constant 1 : i32
    %dma_wait3A_1176 = arith.constant 1 : i32
    %dma_wait3A_1177 = tpu.memref_slice %arg7[%dma_wait3A_1176] : memref<7x!tpu.dma_semaphore, #tpu.memory_space<semaphore_mem>> -> memref<1x!tpu.dma_semaphore, #tpu.memory_space<semaphore_mem>>
    %dma_wait3A_1178 = tpu.memref_squeeze %dma_wait3A_1177 : memref<1x!tpu.dma_semaphore, #tpu.memory_space<semaphore_mem>> -> memref<!tpu.dma_semaphore, #tpu.memory_space<semaphore_mem>>
    %dma_wait3A_1179 = arith.constant 16 : i32
    %dma_wait3A_1180 = arith.constant 0 : i32
    %dma_wait3A_1181 = arith.constant 0 : i32
    %dma_wait3A_1182 = tpu.memref_slice %arg3[%dma_wait3A_1179, %dma_wait3A_1180, %dma_wait3A_1181] : memref<112x64x4096xf32, #tpu.memory_space<hbm>> -> memref<2x64x4096xf32, #tpu.memory_space<hbm>>
    %dma_wait3A_1183 = arith.constant 0 : i32
    %dma_wait3A_1184 = arith.constant 0 : i32
    %dma_wait3A_1185 = arith.constant 0 : i32
    %dma_wait3A_1186 = tpu.memref_slice %arg5[%dma_wait3A_1175, %dma_wait3A_1183, %dma_wait3A_1184, %dma_wait3A_1185] : memref<7x2x64x4096xf32, #tpu.memory_space<vmem>> -> memref<1x2x64x4096xf32, #tpu.memory_space<vmem>>
    %dma_wait3A_1187 = tpu.memref_squeeze %dma_wait3A_1186 : memref<1x2x64x4096xf32, #tpu.memory_space<vmem>> -> memref<2x64x4096xf32, #tpu.memory_space<vmem>>
    tpu.wait_dma2 semaphore(%dma_wait3A_1178 : memref<!tpu.dma_semaphore, #tpu.memory_space<semaphore_mem>>) src(%dma_wait3A_1187 : memref<2x64x4096xf32, #tpu.memory_space<vmem>>) dst(%dma_wait3A_1182 : memref<2x64x4096xf32, #tpu.memory_space<hbm>>)
    %get3A_1188 = arith.constant 30 : index
    %get3A_1189 = arith.constant 0 : index
    %get3A_1190 = vector.load %arg1[%get3A_1188, %get3A_1189] : memref<128x4096xf32, #tpu.memory_space<vmem>>, vector<2x4096xf32>
    %broadcast_in_dim3A_1191 = vector.shape_cast %get3A_1190 : vector<2x4096xf32> to vector<2x1x4096xf32>
    %get3A_1192 = arith.constant 0 : index
    %get3A_1193 = arith.constant 30 : index
    %get3A_1194 = vector.load %arg2[%get3A_1192, %get3A_1193] : memref<64x128xf32, #tpu.memory_space<vmem>>, vector<64x2xf32>
    %transpose3A_1195 = tpu.transpose %get3A_1194, [1, 0] : vector<64x2xf32> -> vector<2x64xf32>
    %broadcast_in_dim3A_1196 = vector.shape_cast %transpose3A_1195 : vector<2x64xf32> to vector<2x64x1xf32>
    %get3A_1197 = arith.constant 1 : index
    %get3A_1198 = arith.constant 0 : index
    %get3A_1199 = arith.constant 0 : index
    %get3A_1200 = arith.constant 0 : index
    %get3A_1201 = vector.load %arg4[%get3A_1197, %get3A_1198, %get3A_1199, %get3A_1200] : memref<7x2x64x4096xf32, #tpu.memory_space<vmem>>, vector<1x2x64x4096xf32>
    %get3A_1202 = vector.shape_cast %get3A_1201 : vector<1x2x64x4096xf32> to vector<2x64x4096xf32>
    %mul3A_1203 = vector.broadcast %broadcast_in_dim3A_1191 : vector<2x1x4096xf32> to vector<2x64x4096xf32>
    %mul3A_1204 = vector.broadcast %broadcast_in_dim3A_1196 : vector<2x64x1xf32> to vector<2x64x4096xf32>
    %mul3A_1205 = arith.mulf %mul3A_1203, %mul3A_1204 : vector<2x64x4096xf32>
    %add3A_1206 = arith.addf %get3A_1202, %mul3A_1205 : vector<2x64x4096xf32>
    %swap3A_1207 = arith.constant 1 : index
    %swap3A_1208 = arith.constant 0 : index
    %swap3A_1209 = arith.constant 0 : index
    %swap3A_1210 = arith.constant 0 : index
    %swap3A_1211 = vector.load %arg5[%swap3A_1207, %swap3A_1208, %swap3A_1209, %swap3A_1210] : memref<7x2x64x4096xf32, #tpu.memory_space<vmem>>, vector<1x2x64x4096xf32>
    %swap3A_1212 = vector.shape_cast %swap3A_1211 : vector<1x2x64x4096xf32> to vector<2x64x4096xf32>
    %swap3A_1213 = vector.shape_cast %add3A_1206 : vector<2x64x4096xf32> to vector<1x2x64x4096xf32>
    tpu.vector_store %arg5[%swap3A_1207, %swap3A_1208, %swap3A_1209, %swap3A_1210], %swap3A_1213 {strides = array<i32>} : memref<7x2x64x4096xf32, #tpu.memory_space<vmem>>, vector<1x2x64x4096xf32>,
    %dma_start3A_1214 = arith.constant 1 : i32
    %dma_start3A_1215 = arith.constant 1 : i32
    %dma_start3A_1216 = tpu.memref_slice %arg7[%dma_start3A_1215] : memref<7x!tpu.dma_semaphore, #tpu.memory_space<semaphore_mem>> -> memref<1x!tpu.dma_semaphore, #tpu.memory_space<semaphore_mem>>
    %dma_start3A_1217 = tpu.memref_squeeze %dma_start3A_1216 : memref<1x!tpu.dma_semaphore, #tpu.memory_space<semaphore_mem>> -> memref<!tpu.dma_semaphore, #tpu.memory_space<semaphore_mem>>
    %dma_start3A_1218 = arith.constant 30 : i32
    %dma_start3A_1219 = arith.constant 0 : i32
    %dma_start3A_1220 = arith.constant 0 : i32
    %dma_start3A_1221 = tpu.memref_slice %arg3[%dma_start3A_1218, %dma_start3A_1219, %dma_start3A_1220] : memref<112x64x4096xf32, #tpu.memory_space<hbm>> -> memref<2x64x4096xf32, #tpu.memory_space<hbm>>
    %dma_start3A_1222 = arith.constant 0 : i32
    %dma_start3A_1223 = arith.constant 0 : i32
    %dma_start3A_1224 = arith.constant 0 : i32
    %dma_start3A_1225 = tpu.memref_slice %arg5[%dma_start3A_1214, %dma_start3A_1222, %dma_start3A_1223, %dma_start3A_1224] : memref<7x2x64x4096xf32, #tpu.memory_space<vmem>> -> memref<1x2x64x4096xf32, #tpu.memory_space<vmem>>
    %dma_start3A_1226 = tpu.memref_squeeze %dma_start3A_1225 : memref<1x2x64x4096xf32, #tpu.memory_space<vmem>> -> memref<2x64x4096xf32, #tpu.memory_space<vmem>>
    tpu.enqueue_dma source(%dma_start3A_1226 : memref<2x64x4096xf32, #tpu.memory_space<vmem>>) target(%dma_start3A_1221 : memref<2x64x4096xf32, #tpu.memory_space<hbm>>) target_semaphore(%dma_start3A_1217 : memref<!tpu.dma_semaphore, #tpu.memory_space<semaphore_mem>>)
    %dma_start3A_1227 = arith.constant 1 : i32
    %dma_start3A_1228 = arith.constant 1 : i32
    %dma_start3A_1229 = tpu.memref_slice %arg6[%dma_start3A_1228] : memref<7x!tpu.dma_semaphore, #tpu.memory_space<semaphore_mem>> -> memref<1x!tpu.dma_semaphore, #tpu.memory_space<semaphore_mem>>
    %dma_start3A_1230 = tpu.memref_squeeze %dma_start3A_1229 : memref<1x!tpu.dma_semaphore, #tpu.memory_space<semaphore_mem>> -> memref<!tpu.dma_semaphore, #tpu.memory_space<semaphore_mem>>
    %dma_start3A_1231 = arith.constant 0 : i32
    %dma_start3A_1232 = arith.constant 0 : i32
    %dma_start3A_1233 = arith.constant 0 : i32
    %dma_start3A_1234 = tpu.memref_slice %arg4[%dma_start3A_1227, %dma_start3A_1231, %dma_start3A_1232, %dma_start3A_1233] : memref<7x2x64x4096xf32, #tpu.memory_space<vmem>> -> memref<1x2x64x4096xf32, #tpu.memory_space<vmem>>
    %dma_start3A_1235 = tpu.memref_squeeze %dma_start3A_1234 : memref<1x2x64x4096xf32, #tpu.memory_space<vmem>> -> memref<2x64x4096xf32, #tpu.memory_space<vmem>>
    %dma_start3A_1236 = arith.constant 44 : i32
    %dma_start3A_1237 = arith.constant 0 : i32
    %dma_start3A_1238 = arith.constant 0 : i32
    %dma_start3A_1239 = tpu.memref_slice %arg0[%dma_start3A_1236, %dma_start3A_1237, %dma_start3A_1238] : memref<128x64x4096xf32, #tpu.memory_space<hbm>> -> memref<2x64x4096xf32, #tpu.memory_space<hbm>>
    tpu.enqueue_dma source(%dma_start3A_1239 : memref<2x64x4096xf32, #tpu.memory_space<hbm>>) target(%dma_start3A_1235 : memref<2x64x4096xf32, #tpu.memory_space<vmem>>) target_semaphore(%dma_start3A_1230 : memref<!tpu.dma_semaphore, #tpu.memory_space<semaphore_mem>>)
    %dma_wait3A_1240 = arith.constant 2 : i32
    %dma_wait3A_1241 = arith.constant 2 : i32
    %dma_wait3A_1242 = tpu.memref_slice %arg6[%dma_wait3A_1241] : memref<7x!tpu.dma_semaphore, #tpu.memory_space<semaphore_mem>> -> memref<1x!tpu.dma_semaphore, #tpu.memory_space<semaphore_mem>>
    %dma_wait3A_1243 = tpu.memref_squeeze %dma_wait3A_1242 : memref<1x!tpu.dma_semaphore, #tpu.memory_space<semaphore_mem>> -> memref<!tpu.dma_semaphore, #tpu.memory_space<semaphore_mem>>
    %dma_wait3A_1244 = arith.constant 0 : i32
    %dma_wait3A_1245 = arith.constant 0 : i32
    %dma_wait3A_1246 = arith.constant 0 : i32
    %dma_wait3A_1247 = tpu.memref_slice %arg4[%dma_wait3A_1240, %dma_wait3A_1244, %dma_wait3A_1245, %dma_wait3A_1246] : memref<7x2x64x4096xf32, #tpu.memory_space<vmem>> -> memref<1x2x64x4096xf32, #tpu.memory_space<vmem>>
    %dma_wait3A_1248 = tpu.memref_squeeze %dma_wait3A_1247 : memref<1x2x64x4096xf32, #tpu.memory_space<vmem>> -> memref<2x64x4096xf32, #tpu.memory_space<vmem>>
    %dma_wait3A_1249 = arith.constant 32 : i32
    %dma_wait3A_1250 = arith.constant 0 : i32
    %dma_wait3A_1251 = arith.constant 0 : i32
    %dma_wait3A_1252 = tpu.memref_slice %arg0[%dma_wait3A_1249, %dma_wait3A_1250, %dma_wait3A_1251] : memref<128x64x4096xf32, #tpu.memory_space<hbm>> -> memref<2x64x4096xf32, #tpu.memory_space<hbm>>
    tpu.wait_dma2 semaphore(%dma_wait3A_1243 : memref<!tpu.dma_semaphore, #tpu.memory_space<semaphore_mem>>) src(%dma_wait3A_1252 : memref<2x64x4096xf32, #tpu.memory_space<hbm>>) dst(%dma_wait3A_1248 : memref<2x64x4096xf32, #tpu.memory_space<vmem>>)
    %dma_wait3A_1253 = arith.constant 2 : i32
    %dma_wait3A_1254 = arith.constant 2 : i32
    %dma_wait3A_1255 = tpu.memref_slice %arg7[%dma_wait3A_1254] : memref<7x!tpu.dma_semaphore, #tpu.memory_space<semaphore_mem>> -> memref<1x!tpu.dma_semaphore, #tpu.memory_space<semaphore_mem>>
    %dma_wait3A_1256 = tpu.memref_squeeze %dma_wait3A_1255 : memref<1x!tpu.dma_semaphore, #tpu.memory_space<semaphore_mem>> -> memref<!tpu.dma_semaphore, #tpu.memory_space<semaphore_mem>>
    %dma_wait3A_1257 = arith.constant 18 : i32
    %dma_wait3A_1258 = arith.constant 0 : i32
    %dma_wait3A_1259 = arith.constant 0 : i32
    %dma_wait3A_1260 = tpu.memref_slice %arg3[%dma_wait3A_1257, %dma_wait3A_1258, %dma_wait3A_1259] : memref<112x64x4096xf32, #tpu.memory_space<hbm>> -> memref<2x64x4096xf32, #tpu.memory_space<hbm>>
    %dma_wait3A_1261 = arith.constant 0 : i32
    %dma_wait3A_1262 = arith.constant 0 : i32
    %dma_wait3A_1263 = arith.constant 0 : i32
    %dma_wait3A_1264 = tpu.memref_slice %arg5[%dma_wait3A_1253, %dma_wait3A_1261, %dma_wait3A_1262, %dma_wait3A_1263] : memref<7x2x64x4096xf32, #tpu.memory_space<vmem>> -> memref<1x2x64x4096xf32, #tpu.memory_space<vmem>>
    %dma_wait3A_1265 = tpu.memref_squeeze %dma_wait3A_1264 : memref<1x2x64x4096xf32, #tpu.memory_space<vmem>> -> memref<2x64x4096xf32, #tpu.memory_space<vmem>>
    tpu.wait_dma2 semaphore(%dma_wait3A_1256 : memref<!tpu.dma_semaphore, #tpu.memory_space<semaphore_mem>>) src(%dma_wait3A_1265 : memref<2x64x4096xf32, #tpu.memory_space<vmem>>) dst(%dma_wait3A_1260 : memref<2x64x4096xf32, #tpu.memory_space<hbm>>)
    %get3A_1266 = arith.constant 32 : index
    %get3A_1267 = arith.constant 0 : index
    %get3A_1268 = vector.load %arg1[%get3A_1266, %get3A_1267] : memref<128x4096xf32, #tpu.memory_space<vmem>>, vector<2x4096xf32>
    %broadcast_in_dim3A_1269 = vector.shape_cast %get3A_1268 : vector<2x4096xf32> to vector<2x1x4096xf32>
    %get3A_1270 = arith.constant 0 : index
    %get3A_1271 = arith.constant 32 : index
    %get3A_1272 = vector.load %arg2[%get3A_1270, %get3A_1271] : memref<64x128xf32, #tpu.memory_space<vmem>>, vector<64x2xf32>
    %transpose3A_1273 = tpu.transpose %get3A_1272, [1, 0] : vector<64x2xf32> -> vector<2x64xf32>
    %broadcast_in_dim3A_1274 = vector.shape_cast %transpose3A_1273 : vector<2x64xf32> to vector<2x64x1xf32>
    %get3A_1275 = arith.constant 2 : index
    %get3A_1276 = arith.constant 0 : index
    %get3A_1277 = arith.constant 0 : index
    %get3A_1278 = arith.constant 0 : index
    %get3A_1279 = vector.load %arg4[%get3A_1275, %get3A_1276, %get3A_1277, %get3A_1278] : memref<7x2x64x4096xf32, #tpu.memory_space<vmem>>, vector<1x2x64x4096xf32>
    %get3A_1280 = vector.shape_cast %get3A_1279 : vector<1x2x64x4096xf32> to vector<2x64x4096xf32>
    %mul3A_1281 = vector.broadcast %broadcast_in_dim3A_1269 : vector<2x1x4096xf32> to vector<2x64x4096xf32>
    %mul3A_1282 = vector.broadcast %broadcast_in_dim3A_1274 : vector<2x64x1xf32> to vector<2x64x4096xf32>
    %mul3A_1283 = arith.mulf %mul3A_1281, %mul3A_1282 : vector<2x64x4096xf32>
    %add3A_1284 = arith.addf %get3A_1280, %mul3A_1283 : vector<2x64x4096xf32>
    %swap3A_1285 = arith.constant 2 : index
    %swap3A_1286 = arith.constant 0 : index
    %swap3A_1287 = arith.constant 0 : index
    %swap3A_1288 = arith.constant 0 : index
    %swap3A_1289 = vector.load %arg5[%swap3A_1285, %swap3A_1286, %swap3A_1287, %swap3A_1288] : memref<7x2x64x4096xf32, #tpu.memory_space<vmem>>, vector<1x2x64x4096xf32>
    %swap3A_1290 = vector.shape_cast %swap3A_1289 : vector<1x2x64x4096xf32> to vector<2x64x4096xf32>
    %swap3A_1291 = vector.shape_cast %add3A_1284 : vector<2x64x4096xf32> to vector<1x2x64x4096xf32>
    tpu.vector_store %arg5[%swap3A_1285, %swap3A_1286, %swap3A_1287, %swap3A_1288], %swap3A_1291 {strides = array<i32>} : memref<7x2x64x4096xf32, #tpu.memory_space<vmem>>, vector<1x2x64x4096xf32>,
    %dma_start3A_1292 = arith.constant 2 : i32
    %dma_start3A_1293 = arith.constant 2 : i32
    %dma_start3A_1294 = tpu.memref_slice %arg7[%dma_start3A_1293] : memref<7x!tpu.dma_semaphore, #tpu.memory_space<semaphore_mem>> -> memref<1x!tpu.dma_semaphore, #tpu.memory_space<semaphore_mem>>
    %dma_start3A_1295 = tpu.memref_squeeze %dma_start3A_1294 : memref<1x!tpu.dma_semaphore, #tpu.memory_space<semaphore_mem>> -> memref<!tpu.dma_semaphore, #tpu.memory_space<semaphore_mem>>
    %dma_start3A_1296 = arith.constant 32 : i32
    %dma_start3A_1297 = arith.constant 0 : i32
    %dma_start3A_1298 = arith.constant 0 : i32
    %dma_start3A_1299 = tpu.memref_slice %arg3[%dma_start3A_1296, %dma_start3A_1297, %dma_start3A_1298] : memref<112x64x4096xf32, #tpu.memory_space<hbm>> -> memref<2x64x4096xf32, #tpu.memory_space<hbm>>
    %dma_start3A_1300 = arith.constant 0 : i32
    %dma_start3A_1301 = arith.constant 0 : i32
    %dma_start3A_1302 = arith.constant 0 : i32
    %dma_start3A_1303 = tpu.memref_slice %arg5[%dma_start3A_1292, %dma_start3A_1300, %dma_start3A_1301, %dma_start3A_1302] : memref<7x2x64x4096xf32, #tpu.memory_space<vmem>> -> memref<1x2x64x4096xf32, #tpu.memory_space<vmem>>
    %dma_start3A_1304 = tpu.memref_squeeze %dma_start3A_1303 : memref<1x2x64x4096xf32, #tpu.memory_space<vmem>> -> memref<2x64x4096xf32, #tpu.memory_space<vmem>>
    tpu.enqueue_dma source(%dma_start3A_1304 : memref<2x64x4096xf32, #tpu.memory_space<vmem>>) target(%dma_start3A_1299 : memref<2x64x4096xf32, #tpu.memory_space<hbm>>) target_semaphore(%dma_start3A_1295 : memref<!tpu.dma_semaphore, #tpu.memory_space<semaphore_mem>>)
    %dma_start3A_1305 = arith.constant 2 : i32
    %dma_start3A_1306 = arith.constant 2 : i32
    %dma_start3A_1307 = tpu.memref_slice %arg6[%dma_start3A_1306] : memref<7x!tpu.dma_semaphore, #tpu.memory_space<semaphore_mem>> -> memref<1x!tpu.dma_semaphore, #tpu.memory_space<semaphore_mem>>
    %dma_start3A_1308 = tpu.memref_squeeze %dma_start3A_1307 : memref<1x!tpu.dma_semaphore, #tpu.memory_space<semaphore_mem>> -> memref<!tpu.dma_semaphore, #tpu.memory_space<semaphore_mem>>
    %dma_start3A_1309 = arith.constant 0 : i32
    %dma_start3A_1310 = arith.constant 0 : i32
    %dma_start3A_1311 = arith.constant 0 : i32
    %dma_start3A_1312 = tpu.memref_slice %arg4[%dma_start3A_1305, %dma_start3A_1309, %dma_start3A_1310, %dma_start3A_1311] : memref<7x2x64x4096xf32, #tpu.memory_space<vmem>> -> memref<1x2x64x4096xf32, #tpu.memory_space<vmem>>
    %dma_start3A_1313 = tpu.memref_squeeze %dma_start3A_1312 : memref<1x2x64x4096xf32, #tpu.memory_space<vmem>> -> memref<2x64x4096xf32, #tpu.memory_space<vmem>>
    %dma_start3A_1314 = arith.constant 46 : i32
    %dma_start3A_1315 = arith.constant 0 : i32
    %dma_start3A_1316 = arith.constant 0 : i32
    %dma_start3A_1317 = tpu.memref_slice %arg0[%dma_start3A_1314, %dma_start3A_1315, %dma_start3A_1316] : memref<128x64x4096xf32, #tpu.memory_space<hbm>> -> memref<2x64x4096xf32, #tpu.memory_space<hbm>>
    tpu.enqueue_dma source(%dma_start3A_1317 : memref<2x64x4096xf32, #tpu.memory_space<hbm>>) target(%dma_start3A_1313 : memref<2x64x4096xf32, #tpu.memory_space<vmem>>) target_semaphore(%dma_start3A_1308 : memref<!tpu.dma_semaphore, #tpu.memory_space<semaphore_mem>>)
    %dma_wait3A_1318 = arith.constant 3 : i32
    %dma_wait3A_1319 = arith.constant 3 : i32
    %dma_wait3A_1320 = tpu.memref_slice %arg6[%dma_wait3A_1319] : memref<7x!tpu.dma_semaphore, #tpu.memory_space<semaphore_mem>> -> memref<1x!tpu.dma_semaphore, #tpu.memory_space<semaphore_mem>>
    %dma_wait3A_1321 = tpu.memref_squeeze %dma_wait3A_1320 : memref<1x!tpu.dma_semaphore, #tpu.memory_space<semaphore_mem>> -> memref<!tpu.dma_semaphore, #tpu.memory_space<semaphore_mem>>
    %dma_wait3A_1322 = arith.constant 0 : i32
    %dma_wait3A_1323 = arith.constant 0 : i32
    %dma_wait3A_1324 = arith.constant 0 : i32
    %dma_wait3A_1325 = tpu.memref_slice %arg4[%dma_wait3A_1318, %dma_wait3A_1322, %dma_wait3A_1323, %dma_wait3A_1324] : memref<7x2x64x4096xf32, #tpu.memory_space<vmem>> -> memref<1x2x64x4096xf32, #tpu.memory_space<vmem>>
    %dma_wait3A_1326 = tpu.memref_squeeze %dma_wait3A_1325 : memref<1x2x64x4096xf32, #tpu.memory_space<vmem>> -> memref<2x64x4096xf32, #tpu.memory_space<vmem>>
    %dma_wait3A_1327 = arith.constant 34 : i32
    %dma_wait3A_1328 = arith.constant 0 : i32
    %dma_wait3A_1329 = arith.constant 0 : i32
    %dma_wait3A_1330 = tpu.memref_slice %arg0[%dma_wait3A_1327, %dma_wait3A_1328, %dma_wait3A_1329] : memref<128x64x4096xf32, #tpu.memory_space<hbm>> -> memref<2x64x4096xf32, #tpu.memory_space<hbm>>
    tpu.wait_dma2 semaphore(%dma_wait3A_1321 : memref<!tpu.dma_semaphore, #tpu.memory_space<semaphore_mem>>) src(%dma_wait3A_1330 : memref<2x64x4096xf32, #tpu.memory_space<hbm>>) dst(%dma_wait3A_1326 : memref<2x64x4096xf32, #tpu.memory_space<vmem>>)
    %dma_wait3A_1331 = arith.constant 3 : i32
    %dma_wait3A_1332 = arith.constant 3 : i32
    %dma_wait3A_1333 = tpu.memref_slice %arg7[%dma_wait3A_1332] : memref<7x!tpu.dma_semaphore, #tpu.memory_space<semaphore_mem>> -> memref<1x!tpu.dma_semaphore, #tpu.memory_space<semaphore_mem>>
    %dma_wait3A_1334 = tpu.memref_squeeze %dma_wait3A_1333 : memref<1x!tpu.dma_semaphore, #tpu.memory_space<semaphore_mem>> -> memref<!tpu.dma_semaphore, #tpu.memory_space<semaphore_mem>>
    %dma_wait3A_1335 = arith.constant 20 : i32
    %dma_wait3A_1336 = arith.constant 0 : i32
    %dma_wait3A_1337 = arith.constant 0 : i32
    %dma_wait3A_1338 = tpu.memref_slice %arg3[%dma_wait3A_1335, %dma_wait3A_1336, %dma_wait3A_1337] : memref<112x64x4096xf32, #tpu.memory_space<hbm>> -> memref<2x64x4096xf32, #tpu.memory_space<hbm>>
    %dma_wait3A_1339 = arith.constant 0 : i32
    %dma_wait3A_1340 = arith.constant 0 : i32
    %dma_wait3A_1341 = arith.constant 0 : i32
    %dma_wait3A_1342 = tpu.memref_slice %arg5[%dma_wait3A_1331, %dma_wait3A_1339, %dma_wait3A_1340, %dma_wait3A_1341] : memref<7x2x64x4096xf32, #tpu.memory_space<vmem>> -> memref<1x2x64x4096xf32, #tpu.memory_space<vmem>>
    %dma_wait3A_1343 = tpu.memref_squeeze %dma_wait3A_1342 : memref<1x2x64x4096xf32, #tpu.memory_space<vmem>> -> memref<2x64x4096xf32, #tpu.memory_space<vmem>>
    tpu.wait_dma2 semaphore(%dma_wait3A_1334 : memref<!tpu.dma_semaphore, #tpu.memory_space<semaphore_mem>>) src(%dma_wait3A_1343 : memref<2x64x4096xf32, #tpu.memory_space<vmem>>) dst(%dma_wait3A_1338 : memref<2x64x4096xf32, #tpu.memory_space<hbm>>)
    %get3A_1344 = arith.constant 34 : index
    %get3A_1345 = arith.constant 0 : index
    %get3A_1346 = vector.load %arg1[%get3A_1344, %get3A_1345] : memref<128x4096xf32, #tpu.memory_space<vmem>>, vector<2x4096xf32>
    %broadcast_in_dim3A_1347 = vector.shape_cast %get3A_1346 : vector<2x4096xf32> to vector<2x1x4096xf32>
    %get3A_1348 = arith.constant 0 : index
    %get3A_1349 = arith.constant 34 : index
    %get3A_1350 = vector.load %arg2[%get3A_1348, %get3A_1349] : memref<64x128xf32, #tpu.memory_space<vmem>>, vector<64x2xf32>
    %transpose3A_1351 = tpu.transpose %get3A_1350, [1, 0] : vector<64x2xf32> -> vector<2x64xf32>
    %broadcast_in_dim3A_1352 = vector.shape_cast %transpose3A_1351 : vector<2x64xf32> to vector<2x64x1xf32>
    %get3A_1353 = arith.constant 3 : index
    %get3A_1354 = arith.constant 0 : index
    %get3A_1355 = arith.constant 0 : index
    %get3A_1356 = arith.constant 0 : index
    %get3A_1357 = vector.load %arg4[%get3A_1353, %get3A_1354, %get3A_1355, %get3A_1356] : memref<7x2x64x4096xf32, #tpu.memory_space<vmem>>, vector<1x2x64x4096xf32>
    %get3A_1358 = vector.shape_cast %get3A_1357 : vector<1x2x64x4096xf32> to vector<2x64x4096xf32>
    %mul3A_1359 = vector.broadcast %broadcast_in_dim3A_1347 : vector<2x1x4096xf32> to vector<2x64x4096xf32>
    %mul3A_1360 = vector.broadcast %broadcast_in_dim3A_1352 : vector<2x64x1xf32> to vector<2x64x4096xf32>
    %mul3A_1361 = arith.mulf %mul3A_1359, %mul3A_1360 : vector<2x64x4096xf32>
    %add3A_1362 = arith.addf %get3A_1358, %mul3A_1361 : vector<2x64x4096xf32>
    %swap3A_1363 = arith.constant 3 : index
    %swap3A_1364 = arith.constant 0 : index
    %swap3A_1365 = arith.constant 0 : index
    %swap3A_1366 = arith.constant 0 : index
    %swap3A_1367 = vector.load %arg5[%swap3A_1363, %swap3A_1364, %swap3A_1365, %swap3A_1366] : memref<7x2x64x4096xf32, #tpu.memory_space<vmem>>, vector<1x2x64x4096xf32>
    %swap3A_1368 = vector.shape_cast %swap3A_1367 : vector<1x2x64x4096xf32> to vector<2x64x4096xf32>
    %swap3A_1369 = vector.shape_cast %add3A_1362 : vector<2x64x4096xf32> to vector<1x2x64x4096xf32>
    tpu.vector_store %arg5[%swap3A_1363, %swap3A_1364, %swap3A_1365, %swap3A_1366], %swap3A_1369 {strides = array<i32>} : memref<7x2x64x4096xf32, #tpu.memory_space<vmem>>, vector<1x2x64x4096xf32>,
    %dma_start3A_1370 = arith.constant 3 : i32
    %dma_start3A_1371 = arith.constant 3 : i32
    %dma_start3A_1372 = tpu.memref_slice %arg7[%dma_start3A_1371] : memref<7x!tpu.dma_semaphore, #tpu.memory_space<semaphore_mem>> -> memref<1x!tpu.dma_semaphore, #tpu.memory_space<semaphore_mem>>
    %dma_start3A_1373 = tpu.memref_squeeze %dma_start3A_1372 : memref<1x!tpu.dma_semaphore, #tpu.memory_space<semaphore_mem>> -> memref<!tpu.dma_semaphore, #tpu.memory_space<semaphore_mem>>
    %dma_start3A_1374 = arith.constant 34 : i32
    %dma_start3A_1375 = arith.constant 0 : i32
    %dma_start3A_1376 = arith.constant 0 : i32
    %dma_start3A_1377 = tpu.memref_slice %arg3[%dma_start3A_1374, %dma_start3A_1375, %dma_start3A_1376] : memref<112x64x4096xf32, #tpu.memory_space<hbm>> -> memref<2x64x4096xf32, #tpu.memory_space<hbm>>
    %dma_start3A_1378 = arith.constant 0 : i32
    %dma_start3A_1379 = arith.constant 0 : i32
    %dma_start3A_1380 = arith.constant 0 : i32
    %dma_start3A_1381 = tpu.memref_slice %arg5[%dma_start3A_1370, %dma_start3A_1378, %dma_start3A_1379, %dma_start3A_1380] : memref<7x2x64x4096xf32, #tpu.memory_space<vmem>> -> memref<1x2x64x4096xf32, #tpu.memory_space<vmem>>
    %dma_start3A_1382 = tpu.memref_squeeze %dma_start3A_1381 : memref<1x2x64x4096xf32, #tpu.memory_space<vmem>> -> memref<2x64x4096xf32, #tpu.memory_space<vmem>>
    tpu.enqueue_dma source(%dma_start3A_1382 : memref<2x64x4096xf32, #tpu.memory_space<vmem>>) target(%dma_start3A_1377 : memref<2x64x4096xf32, #tpu.memory_space<hbm>>) target_semaphore(%dma_start3A_1373 : memref<!tpu.dma_semaphore, #tpu.memory_space<semaphore_mem>>)
    %dma_start3A_1383 = arith.constant 3 : i32
    %dma_start3A_1384 = arith.constant 3 : i32
    %dma_start3A_1385 = tpu.memref_slice %arg6[%dma_start3A_1384] : memref<7x!tpu.dma_semaphore, #tpu.memory_space<semaphore_mem>> -> memref<1x!tpu.dma_semaphore, #tpu.memory_space<semaphore_mem>>
    %dma_start3A_1386 = tpu.memref_squeeze %dma_start3A_1385 : memref<1x!tpu.dma_semaphore, #tpu.memory_space<semaphore_mem>> -> memref<!tpu.dma_semaphore, #tpu.memory_space<semaphore_mem>>
    %dma_start3A_1387 = arith.constant 0 : i32
    %dma_start3A_1388 = arith.constant 0 : i32
    %dma_start3A_1389 = arith.constant 0 : i32
    %dma_start3A_1390 = tpu.memref_slice %arg4[%dma_start3A_1383, %dma_start3A_1387, %dma_start3A_1388, %dma_start3A_1389] : memref<7x2x64x4096xf32, #tpu.memory_space<vmem>> -> memref<1x2x64x4096xf32, #tpu.memory_space<vmem>>
    %dma_start3A_1391 = tpu.memref_squeeze %dma_start3A_1390 : memref<1x2x64x4096xf32, #tpu.memory_space<vmem>> -> memref<2x64x4096xf32, #tpu.memory_space<vmem>>
    %dma_start3A_1392 = arith.constant 48 : i32
    %dma_start3A_1393 = arith.constant 0 : i32
    %dma_start3A_1394 = arith.constant 0 : i32
    %dma_start3A_1395 = tpu.memref_slice %arg0[%dma_start3A_1392, %dma_start3A_1393, %dma_start3A_1394] : memref<128x64x4096xf32, #tpu.memory_space<hbm>> -> memref<2x64x4096xf32, #tpu.memory_space<hbm>>
    tpu.enqueue_dma source(%dma_start3A_1395 : memref<2x64x4096xf32, #tpu.memory_space<hbm>>) target(%dma_start3A_1391 : memref<2x64x4096xf32, #tpu.memory_space<vmem>>) target_semaphore(%dma_start3A_1386 : memref<!tpu.dma_semaphore, #tpu.memory_space<semaphore_mem>>)
    %dma_wait3A_1396 = arith.constant 4 : i32
    %dma_wait3A_1397 = arith.constant 4 : i32
    %dma_wait3A_1398 = tpu.memref_slice %arg6[%dma_wait3A_1397] : memref<7x!tpu.dma_semaphore, #tpu.memory_space<semaphore_mem>> -> memref<1x!tpu.dma_semaphore, #tpu.memory_space<semaphore_mem>>
    %dma_wait3A_1399 = tpu.memref_squeeze %dma_wait3A_1398 : memref<1x!tpu.dma_semaphore, #tpu.memory_space<semaphore_mem>> -> memref<!tpu.dma_semaphore, #tpu.memory_space<semaphore_mem>>
    %dma_wait3A_1400 = arith.constant 0 : i32
    %dma_wait3A_1401 = arith.constant 0 : i32
    %dma_wait3A_1402 = arith.constant 0 : i32
    %dma_wait3A_1403 = tpu.memref_slice %arg4[%dma_wait3A_1396, %dma_wait3A_1400, %dma_wait3A_1401, %dma_wait3A_1402] : memref<7x2x64x4096xf32, #tpu.memory_space<vmem>> -> memref<1x2x64x4096xf32, #tpu.memory_space<vmem>>
    %dma_wait3A_1404 = tpu.memref_squeeze %dma_wait3A_1403 : memref<1x2x64x4096xf32, #tpu.memory_space<vmem>> -> memref<2x64x4096xf32, #tpu.memory_space<vmem>>
    %dma_wait3A_1405 = arith.constant 36 : i32
    %dma_wait3A_1406 = arith.constant 0 : i32
    %dma_wait3A_1407 = arith.constant 0 : i32
    %dma_wait3A_1408 = tpu.memref_slice %arg0[%dma_wait3A_1405, %dma_wait3A_1406, %dma_wait3A_1407] : memref<128x64x4096xf32, #tpu.memory_space<hbm>> -> memref<2x64x4096xf32, #tpu.memory_space<hbm>>
    tpu.wait_dma2 semaphore(%dma_wait3A_1399 : memref<!tpu.dma_semaphore, #tpu.memory_space<semaphore_mem>>) src(%dma_wait3A_1408 : memref<2x64x4096xf32, #tpu.memory_space<hbm>>) dst(%dma_wait3A_1404 : memref<2x64x4096xf32, #tpu.memory_space<vmem>>)
    %dma_wait3A_1409 = arith.constant 4 : i32
    %dma_wait3A_1410 = arith.constant 4 : i32
    %dma_wait3A_1411 = tpu.memref_slice %arg7[%dma_wait3A_1410] : memref<7x!tpu.dma_semaphore, #tpu.memory_space<semaphore_mem>> -> memref<1x!tpu.dma_semaphore, #tpu.memory_space<semaphore_mem>>
    %dma_wait3A_1412 = tpu.memref_squeeze %dma_wait3A_1411 : memref<1x!tpu.dma_semaphore, #tpu.memory_space<semaphore_mem>> -> memref<!tpu.dma_semaphore, #tpu.memory_space<semaphore_mem>>
    %dma_wait3A_1413 = arith.constant 22 : i32
    %dma_wait3A_1414 = arith.constant 0 : i32
    %dma_wait3A_1415 = arith.constant 0 : i32
    %dma_wait3A_1416 = tpu.memref_slice %arg3[%dma_wait3A_1413, %dma_wait3A_1414, %dma_wait3A_1415] : memref<112x64x4096xf32, #tpu.memory_space<hbm>> -> memref<2x64x4096xf32, #tpu.memory_space<hbm>>
    %dma_wait3A_1417 = arith.constant 0 : i32
    %dma_wait3A_1418 = arith.constant 0 : i32
    %dma_wait3A_1419 = arith.constant 0 : i32
    %dma_wait3A_1420 = tpu.memref_slice %arg5[%dma_wait3A_1409, %dma_wait3A_1417, %dma_wait3A_1418, %dma_wait3A_1419] : memref<7x2x64x4096xf32, #tpu.memory_space<vmem>> -> memref<1x2x64x4096xf32, #tpu.memory_space<vmem>>
    %dma_wait3A_1421 = tpu.memref_squeeze %dma_wait3A_1420 : memref<1x2x64x4096xf32, #tpu.memory_space<vmem>> -> memref<2x64x4096xf32, #tpu.memory_space<vmem>>
    tpu.wait_dma2 semaphore(%dma_wait3A_1412 : memref<!tpu.dma_semaphore, #tpu.memory_space<semaphore_mem>>) src(%dma_wait3A_1421 : memref<2x64x4096xf32, #tpu.memory_space<vmem>>) dst(%dma_wait3A_1416 : memref<2x64x4096xf32, #tpu.memory_space<hbm>>)
    %get3A_1422 = arith.constant 36 : index
    %get3A_1423 = arith.constant 0 : index
    %get3A_1424 = vector.load %arg1[%get3A_1422, %get3A_1423] : memref<128x4096xf32, #tpu.memory_space<vmem>>, vector<2x4096xf32>
    %broadcast_in_dim3A_1425 = vector.shape_cast %get3A_1424 : vector<2x4096xf32> to vector<2x1x4096xf32>
    %get3A_1426 = arith.constant 0 : index
    %get3A_1427 = arith.constant 36 : index
    %get3A_1428 = vector.load %arg2[%get3A_1426, %get3A_1427] : memref<64x128xf32, #tpu.memory_space<vmem>>, vector<64x2xf32>
    %transpose3A_1429 = tpu.transpose %get3A_1428, [1, 0] : vector<64x2xf32> -> vector<2x64xf32>
    %broadcast_in_dim3A_1430 = vector.shape_cast %transpose3A_1429 : vector<2x64xf32> to vector<2x64x1xf32>
    %get3A_1431 = arith.constant 4 : index
    %get3A_1432 = arith.constant 0 : index
    %get3A_1433 = arith.constant 0 : index
    %get3A_1434 = arith.constant 0 : index
    %get3A_1435 = vector.load %arg4[%get3A_1431, %get3A_1432, %get3A_1433, %get3A_1434] : memref<7x2x64x4096xf32, #tpu.memory_space<vmem>>, vector<1x2x64x4096xf32>
    %get3A_1436 = vector.shape_cast %get3A_1435 : vector<1x2x64x4096xf32> to vector<2x64x4096xf32>
    %mul3A_1437 = vector.broadcast %broadcast_in_dim3A_1425 : vector<2x1x4096xf32> to vector<2x64x4096xf32>
    %mul3A_1438 = vector.broadcast %broadcast_in_dim3A_1430 : vector<2x64x1xf32> to vector<2x64x4096xf32>
    %mul3A_1439 = arith.mulf %mul3A_1437, %mul3A_1438 : vector<2x64x4096xf32>
    %add3A_1440 = arith.addf %get3A_1436, %mul3A_1439 : vector<2x64x4096xf32>
    %swap3A_1441 = arith.constant 4 : index
    %swap3A_1442 = arith.constant 0 : index
    %swap3A_1443 = arith.constant 0 : index
    %swap3A_1444 = arith.constant 0 : index
    %swap3A_1445 = vector.load %arg5[%swap3A_1441, %swap3A_1442, %swap3A_1443, %swap3A_1444] : memref<7x2x64x4096xf32, #tpu.memory_space<vmem>>, vector<1x2x64x4096xf32>
    %swap3A_1446 = vector.shape_cast %swap3A_1445 : vector<1x2x64x4096xf32> to vector<2x64x4096xf32>
    %swap3A_1447 = vector.shape_cast %add3A_1440 : vector<2x64x4096xf32> to vector<1x2x64x4096xf32>
    tpu.vector_store %arg5[%swap3A_1441, %swap3A_1442, %swap3A_1443, %swap3A_1444], %swap3A_1447 {strides = array<i32>} : memref<7x2x64x4096xf32, #tpu.memory_space<vmem>>, vector<1x2x64x4096xf32>,
    %dma_start3A_1448 = arith.constant 4 : i32
    %dma_start3A_1449 = arith.constant 4 : i32
    %dma_start3A_1450 = tpu.memref_slice %arg7[%dma_start3A_1449] : memref<7x!tpu.dma_semaphore, #tpu.memory_space<semaphore_mem>> -> memref<1x!tpu.dma_semaphore, #tpu.memory_space<semaphore_mem>>
    %dma_start3A_1451 = tpu.memref_squeeze %dma_start3A_1450 : memref<1x!tpu.dma_semaphore, #tpu.memory_space<semaphore_mem>> -> memref<!tpu.dma_semaphore, #tpu.memory_space<semaphore_mem>>
    %dma_start3A_1452 = arith.constant 36 : i32
    %dma_start3A_1453 = arith.constant 0 : i32
    %dma_start3A_1454 = arith.constant 0 : i32
    %dma_start3A_1455 = tpu.memref_slice %arg3[%dma_start3A_1452, %dma_start3A_1453, %dma_start3A_1454] : memref<112x64x4096xf32, #tpu.memory_space<hbm>> -> memref<2x64x4096xf32, #tpu.memory_space<hbm>>
    %dma_start3A_1456 = arith.constant 0 : i32
    %dma_start3A_1457 = arith.constant 0 : i32
    %dma_start3A_1458 = arith.constant 0 : i32
    %dma_start3A_1459 = tpu.memref_slice %arg5[%dma_start3A_1448, %dma_start3A_1456, %dma_start3A_1457, %dma_start3A_1458] : memref<7x2x64x4096xf32, #tpu.memory_space<vmem>> -> memref<1x2x64x4096xf32, #tpu.memory_space<vmem>>
    %dma_start3A_1460 = tpu.memref_squeeze %dma_start3A_1459 : memref<1x2x64x4096xf32, #tpu.memory_space<vmem>> -> memref<2x64x4096xf32, #tpu.memory_space<vmem>>
    tpu.enqueue_dma source(%dma_start3A_1460 : memref<2x64x4096xf32, #tpu.memory_space<vmem>>) target(%dma_start3A_1455 : memref<2x64x4096xf32, #tpu.memory_space<hbm>>) target_semaphore(%dma_start3A_1451 : memref<!tpu.dma_semaphore, #tpu.memory_space<semaphore_mem>>)
    %dma_start3A_1461 = arith.constant 4 : i32
    %dma_start3A_1462 = arith.constant 4 : i32
    %dma_start3A_1463 = tpu.memref_slice %arg6[%dma_start3A_1462] : memref<7x!tpu.dma_semaphore, #tpu.memory_space<semaphore_mem>> -> memref<1x!tpu.dma_semaphore, #tpu.memory_space<semaphore_mem>>
    %dma_start3A_1464 = tpu.memref_squeeze %dma_start3A_1463 : memref<1x!tpu.dma_semaphore, #tpu.memory_space<semaphore_mem>> -> memref<!tpu.dma_semaphore, #tpu.memory_space<semaphore_mem>>
    %dma_start3A_1465 = arith.constant 0 : i32
    %dma_start3A_1466 = arith.constant 0 : i32
    %dma_start3A_1467 = arith.constant 0 : i32
    %dma_start3A_1468 = tpu.memref_slice %arg4[%dma_start3A_1461, %dma_start3A_1465, %dma_start3A_1466, %dma_start3A_1467] : memref<7x2x64x4096xf32, #tpu.memory_space<vmem>> -> memref<1x2x64x4096xf32, #tpu.memory_space<vmem>>
    %dma_start3A_1469 = tpu.memref_squeeze %dma_start3A_1468 : memref<1x2x64x4096xf32, #tpu.memory_space<vmem>> -> memref<2x64x4096xf32, #tpu.memory_space<vmem>>
    %dma_start3A_1470 = arith.constant 50 : i32
    %dma_start3A_1471 = arith.constant 0 : i32
    %dma_start3A_1472 = arith.constant 0 : i32
    %dma_start3A_1473 = tpu.memref_slice %arg0[%dma_start3A_1470, %dma_start3A_1471, %dma_start3A_1472] : memref<128x64x4096xf32, #tpu.memory_space<hbm>> -> memref<2x64x4096xf32, #tpu.memory_space<hbm>>
    tpu.enqueue_dma source(%dma_start3A_1473 : memref<2x64x4096xf32, #tpu.memory_space<hbm>>) target(%dma_start3A_1469 : memref<2x64x4096xf32, #tpu.memory_space<vmem>>) target_semaphore(%dma_start3A_1464 : memref<!tpu.dma_semaphore, #tpu.memory_space<semaphore_mem>>)
    %dma_wait3A_1474 = arith.constant 5 : i32
    %dma_wait3A_1475 = arith.constant 5 : i32
    %dma_wait3A_1476 = tpu.memref_slice %arg6[%dma_wait3A_1475] : memref<7x!tpu.dma_semaphore, #tpu.memory_space<semaphore_mem>> -> memref<1x!tpu.dma_semaphore, #tpu.memory_space<semaphore_mem>>
    %dma_wait3A_1477 = tpu.memref_squeeze %dma_wait3A_1476 : memref<1x!tpu.dma_semaphore, #tpu.memory_space<semaphore_mem>> -> memref<!tpu.dma_semaphore, #tpu.memory_space<semaphore_mem>>
    %dma_wait3A_1478 = arith.constant 0 : i32
    %dma_wait3A_1479 = arith.constant 0 : i32
    %dma_wait3A_1480 = arith.constant 0 : i32
    %dma_wait3A_1481 = tpu.memref_slice %arg4[%dma_wait3A_1474, %dma_wait3A_1478, %dma_wait3A_1479, %dma_wait3A_1480] : memref<7x2x64x4096xf32, #tpu.memory_space<vmem>> -> memref<1x2x64x4096xf32, #tpu.memory_space<vmem>>
    %dma_wait3A_1482 = tpu.memref_squeeze %dma_wait3A_1481 : memref<1x2x64x4096xf32, #tpu.memory_space<vmem>> -> memref<2x64x4096xf32, #tpu.memory_space<vmem>>
    %dma_wait3A_1483 = arith.constant 38 : i32
    %dma_wait3A_1484 = arith.constant 0 : i32
    %dma_wait3A_1485 = arith.constant 0 : i32
    %dma_wait3A_1486 = tpu.memref_slice %arg0[%dma_wait3A_1483, %dma_wait3A_1484, %dma_wait3A_1485] : memref<128x64x4096xf32, #tpu.memory_space<hbm>> -> memref<2x64x4096xf32, #tpu.memory_space<hbm>>
    tpu.wait_dma2 semaphore(%dma_wait3A_1477 : memref<!tpu.dma_semaphore, #tpu.memory_space<semaphore_mem>>) src(%dma_wait3A_1486 : memref<2x64x4096xf32, #tpu.memory_space<hbm>>) dst(%dma_wait3A_1482 : memref<2x64x4096xf32, #tpu.memory_space<vmem>>)
    %dma_wait3A_1487 = arith.constant 5 : i32
    %dma_wait3A_1488 = arith.constant 5 : i32
    %dma_wait3A_1489 = tpu.memref_slice %arg7[%dma_wait3A_1488] : memref<7x!tpu.dma_semaphore, #tpu.memory_space<semaphore_mem>> -> memref<1x!tpu.dma_semaphore, #tpu.memory_space<semaphore_mem>>
    %dma_wait3A_1490 = tpu.memref_squeeze %dma_wait3A_1489 : memref<1x!tpu.dma_semaphore, #tpu.memory_space<semaphore_mem>> -> memref<!tpu.dma_semaphore, #tpu.memory_space<semaphore_mem>>
    %dma_wait3A_1491 = arith.constant 24 : i32
    %dma_wait3A_1492 = arith.constant 0 : i32
    %dma_wait3A_1493 = arith.constant 0 : i32
    %dma_wait3A_1494 = tpu.memref_slice %arg3[%dma_wait3A_1491, %dma_wait3A_1492, %dma_wait3A_1493] : memref<112x64x4096xf32, #tpu.memory_space<hbm>> -> memref<2x64x4096xf32, #tpu.memory_space<hbm>>
    %dma_wait3A_1495 = arith.constant 0 : i32
    %dma_wait3A_1496 = arith.constant 0 : i32
    %dma_wait3A_1497 = arith.constant 0 : i32
    %dma_wait3A_1498 = tpu.memref_slice %arg5[%dma_wait3A_1487, %dma_wait3A_1495, %dma_wait3A_1496, %dma_wait3A_1497] : memref<7x2x64x4096xf32, #tpu.memory_space<vmem>> -> memref<1x2x64x4096xf32, #tpu.memory_space<vmem>>
    %dma_wait3A_1499 = tpu.memref_squeeze %dma_wait3A_1498 : memref<1x2x64x4096xf32, #tpu.memory_space<vmem>> -> memref<2x64x4096xf32, #tpu.memory_space<vmem>>
    tpu.wait_dma2 semaphore(%dma_wait3A_1490 : memref<!tpu.dma_semaphore, #tpu.memory_space<semaphore_mem>>) src(%dma_wait3A_1499 : memref<2x64x4096xf32, #tpu.memory_space<vmem>>) dst(%dma_wait3A_1494 : memref<2x64x4096xf32, #tpu.memory_space<hbm>>)
    %get3A_1500 = arith.constant 38 : index
    %get3A_1501 = arith.constant 0 : index
    %get3A_1502 = vector.load %arg1[%get3A_1500, %get3A_1501] : memref<128x4096xf32, #tpu.memory_space<vmem>>, vector<2x4096xf32>
    %broadcast_in_dim3A_1503 = vector.shape_cast %get3A_1502 : vector<2x4096xf32> to vector<2x1x4096xf32>
    %get3A_1504 = arith.constant 0 : index
    %get3A_1505 = arith.constant 38 : index
    %get3A_1506 = vector.load %arg2[%get3A_1504, %get3A_1505] : memref<64x128xf32, #tpu.memory_space<vmem>>, vector<64x2xf32>
    %transpose3A_1507 = tpu.transpose %get3A_1506, [1, 0] : vector<64x2xf32> -> vector<2x64xf32>
    %broadcast_in_dim3A_1508 = vector.shape_cast %transpose3A_1507 : vector<2x64xf32> to vector<2x64x1xf32>
    %get3A_1509 = arith.constant 5 : index
    %get3A_1510 = arith.constant 0 : index
    %get3A_1511 = arith.constant 0 : index
    %get3A_1512 = arith.constant 0 : index
    %get3A_1513 = vector.load %arg4[%get3A_1509, %get3A_1510, %get3A_1511, %get3A_1512] : memref<7x2x64x4096xf32, #tpu.memory_space<vmem>>, vector<1x2x64x4096xf32>
    %get3A_1514 = vector.shape_cast %get3A_1513 : vector<1x2x64x4096xf32> to vector<2x64x4096xf32>
    %mul3A_1515 = vector.broadcast %broadcast_in_dim3A_1503 : vector<2x1x4096xf32> to vector<2x64x4096xf32>
    %mul3A_1516 = vector.broadcast %broadcast_in_dim3A_1508 : vector<2x64x1xf32> to vector<2x64x4096xf32>
    %mul3A_1517 = arith.mulf %mul3A_1515, %mul3A_1516 : vector<2x64x4096xf32>
    %add3A_1518 = arith.addf %get3A_1514, %mul3A_1517 : vector<2x64x4096xf32>
    %swap3A_1519 = arith.constant 5 : index
    %swap3A_1520 = arith.constant 0 : index
    %swap3A_1521 = arith.constant 0 : index
    %swap3A_1522 = arith.constant 0 : index
    %swap3A_1523 = vector.load %arg5[%swap3A_1519, %swap3A_1520, %swap3A_1521, %swap3A_1522] : memref<7x2x64x4096xf32, #tpu.memory_space<vmem>>, vector<1x2x64x4096xf32>
    %swap3A_1524 = vector.shape_cast %swap3A_1523 : vector<1x2x64x4096xf32> to vector<2x64x4096xf32>
    %swap3A_1525 = vector.shape_cast %add3A_1518 : vector<2x64x4096xf32> to vector<1x2x64x4096xf32>
    tpu.vector_store %arg5[%swap3A_1519, %swap3A_1520, %swap3A_1521, %swap3A_1522], %swap3A_1525 {strides = array<i32>} : memref<7x2x64x4096xf32, #tpu.memory_space<vmem>>, vector<1x2x64x4096xf32>,
    %dma_start3A_1526 = arith.constant 5 : i32
    %dma_start3A_1527 = arith.constant 5 : i32
    %dma_start3A_1528 = tpu.memref_slice %arg7[%dma_start3A_1527] : memref<7x!tpu.dma_semaphore, #tpu.memory_space<semaphore_mem>> -> memref<1x!tpu.dma_semaphore, #tpu.memory_space<semaphore_mem>>
    %dma_start3A_1529 = tpu.memref_squeeze %dma_start3A_1528 : memref<1x!tpu.dma_semaphore, #tpu.memory_space<semaphore_mem>> -> memref<!tpu.dma_semaphore, #tpu.memory_space<semaphore_mem>>
    %dma_start3A_1530 = arith.constant 38 : i32
    %dma_start3A_1531 = arith.constant 0 : i32
    %dma_start3A_1532 = arith.constant 0 : i32
    %dma_start3A_1533 = tpu.memref_slice %arg3[%dma_start3A_1530, %dma_start3A_1531, %dma_start3A_1532] : memref<112x64x4096xf32, #tpu.memory_space<hbm>> -> memref<2x64x4096xf32, #tpu.memory_space<hbm>>
    %dma_start3A_1534 = arith.constant 0 : i32
    %dma_start3A_1535 = arith.constant 0 : i32
    %dma_start3A_1536 = arith.constant 0 : i32
    %dma_start3A_1537 = tpu.memref_slice %arg5[%dma_start3A_1526, %dma_start3A_1534, %dma_start3A_1535, %dma_start3A_1536] : memref<7x2x64x4096xf32, #tpu.memory_space<vmem>> -> memref<1x2x64x4096xf32, #tpu.memory_space<vmem>>
    %dma_start3A_1538 = tpu.memref_squeeze %dma_start3A_1537 : memref<1x2x64x4096xf32, #tpu.memory_space<vmem>> -> memref<2x64x4096xf32, #tpu.memory_space<vmem>>
    tpu.enqueue_dma source(%dma_start3A_1538 : memref<2x64x4096xf32, #tpu.memory_space<vmem>>) target(%dma_start3A_1533 : memref<2x64x4096xf32, #tpu.memory_space<hbm>>) target_semaphore(%dma_start3A_1529 : memref<!tpu.dma_semaphore, #tpu.memory_space<semaphore_mem>>)
    %dma_start3A_1539 = arith.constant 5 : i32
    %dma_start3A_1540 = arith.constant 5 : i32
    %dma_start3A_1541 = tpu.memref_slice %arg6[%dma_start3A_1540] : memref<7x!tpu.dma_semaphore, #tpu.memory_space<semaphore_mem>> -> memref<1x!tpu.dma_semaphore, #tpu.memory_space<semaphore_mem>>
    %dma_start3A_1542 = tpu.memref_squeeze %dma_start3A_1541 : memref<1x!tpu.dma_semaphore, #tpu.memory_space<semaphore_mem>> -> memref<!tpu.dma_semaphore, #tpu.memory_space<semaphore_mem>>
    %dma_start3A_1543 = arith.constant 0 : i32
    %dma_start3A_1544 = arith.constant 0 : i32
    %dma_start3A_1545 = arith.constant 0 : i32
    %dma_start3A_1546 = tpu.memref_slice %arg4[%dma_start3A_1539, %dma_start3A_1543, %dma_start3A_1544, %dma_start3A_1545] : memref<7x2x64x4096xf32, #tpu.memory_space<vmem>> -> memref<1x2x64x4096xf32, #tpu.memory_space<vmem>>
    %dma_start3A_1547 = tpu.memref_squeeze %dma_start3A_1546 : memref<1x2x64x4096xf32, #tpu.memory_space<vmem>> -> memref<2x64x4096xf32, #tpu.memory_space<vmem>>
    %dma_start3A_1548 = arith.constant 52 : i32
    %dma_start3A_1549 = arith.constant 0 : i32
    %dma_start3A_1550 = arith.constant 0 : i32
    %dma_start3A_1551 = tpu.memref_slice %arg0[%dma_start3A_1548, %dma_start3A_1549, %dma_start3A_1550] : memref<128x64x4096xf32, #tpu.memory_space<hbm>> -> memref<2x64x4096xf32, #tpu.memory_space<hbm>>
    tpu.enqueue_dma source(%dma_start3A_1551 : memref<2x64x4096xf32, #tpu.memory_space<hbm>>) target(%dma_start3A_1547 : memref<2x64x4096xf32, #tpu.memory_space<vmem>>) target_semaphore(%dma_start3A_1542 : memref<!tpu.dma_semaphore, #tpu.memory_space<semaphore_mem>>)
    %dma_wait3A_1552 = arith.constant 6 : i32
    %dma_wait3A_1553 = arith.constant 6 : i32
    %dma_wait3A_1554 = tpu.memref_slice %arg6[%dma_wait3A_1553] : memref<7x!tpu.dma_semaphore, #tpu.memory_space<semaphore_mem>> -> memref<1x!tpu.dma_semaphore, #tpu.memory_space<semaphore_mem>>
    %dma_wait3A_1555 = tpu.memref_squeeze %dma_wait3A_1554 : memref<1x!tpu.dma_semaphore, #tpu.memory_space<semaphore_mem>> -> memref<!tpu.dma_semaphore, #tpu.memory_space<semaphore_mem>>
    %dma_wait3A_1556 = arith.constant 0 : i32
    %dma_wait3A_1557 = arith.constant 0 : i32
    %dma_wait3A_1558 = arith.constant 0 : i32
    %dma_wait3A_1559 = tpu.memref_slice %arg4[%dma_wait3A_1552, %dma_wait3A_1556, %dma_wait3A_1557, %dma_wait3A_1558] : memref<7x2x64x4096xf32, #tpu.memory_space<vmem>> -> memref<1x2x64x4096xf32, #tpu.memory_space<vmem>>
    %dma_wait3A_1560 = tpu.memref_squeeze %dma_wait3A_1559 : memref<1x2x64x4096xf32, #tpu.memory_space<vmem>> -> memref<2x64x4096xf32, #tpu.memory_space<vmem>>
    %dma_wait3A_1561 = arith.constant 40 : i32
    %dma_wait3A_1562 = arith.constant 0 : i32
    %dma_wait3A_1563 = arith.constant 0 : i32
    %dma_wait3A_1564 = tpu.memref_slice %arg0[%dma_wait3A_1561, %dma_wait3A_1562, %dma_wait3A_1563] : memref<128x64x4096xf32, #tpu.memory_space<hbm>> -> memref<2x64x4096xf32, #tpu.memory_space<hbm>>
    tpu.wait_dma2 semaphore(%dma_wait3A_1555 : memref<!tpu.dma_semaphore, #tpu.memory_space<semaphore_mem>>) src(%dma_wait3A_1564 : memref<2x64x4096xf32, #tpu.memory_space<hbm>>) dst(%dma_wait3A_1560 : memref<2x64x4096xf32, #tpu.memory_space<vmem>>)
    %dma_wait3A_1565 = arith.constant 6 : i32
    %dma_wait3A_1566 = arith.constant 6 : i32
    %dma_wait3A_1567 = tpu.memref_slice %arg7[%dma_wait3A_1566] : memref<7x!tpu.dma_semaphore, #tpu.memory_space<semaphore_mem>> -> memref<1x!tpu.dma_semaphore, #tpu.memory_space<semaphore_mem>>
    %dma_wait3A_1568 = tpu.memref_squeeze %dma_wait3A_1567 : memref<1x!tpu.dma_semaphore, #tpu.memory_space<semaphore_mem>> -> memref<!tpu.dma_semaphore, #tpu.memory_space<semaphore_mem>>
    %dma_wait3A_1569 = arith.constant 26 : i32
    %dma_wait3A_1570 = arith.constant 0 : i32
    %dma_wait3A_1571 = arith.constant 0 : i32
    %dma_wait3A_1572 = tpu.memref_slice %arg3[%dma_wait3A_1569, %dma_wait3A_1570, %dma_wait3A_1571] : memref<112x64x4096xf32, #tpu.memory_space<hbm>> -> memref<2x64x4096xf32, #tpu.memory_space<hbm>>
    %dma_wait3A_1573 = arith.constant 0 : i32
    %dma_wait3A_1574 = arith.constant 0 : i32
    %dma_wait3A_1575 = arith.constant 0 : i32
    %dma_wait3A_1576 = tpu.memref_slice %arg5[%dma_wait3A_1565, %dma_wait3A_1573, %dma_wait3A_1574, %dma_wait3A_1575] : memref<7x2x64x4096xf32, #tpu.memory_space<vmem>> -> memref<1x2x64x4096xf32, #tpu.memory_space<vmem>>
    %dma_wait3A_1577 = tpu.memref_squeeze %dma_wait3A_1576 : memref<1x2x64x4096xf32, #tpu.memory_space<vmem>> -> memref<2x64x4096xf32, #tpu.memory_space<vmem>>
    tpu.wait_dma2 semaphore(%dma_wait3A_1568 : memref<!tpu.dma_semaphore, #tpu.memory_space<semaphore_mem>>) src(%dma_wait3A_1577 : memref<2x64x4096xf32, #tpu.memory_space<vmem>>) dst(%dma_wait3A_1572 : memref<2x64x4096xf32, #tpu.memory_space<hbm>>)
    %get3A_1578 = arith.constant 40 : index
    %get3A_1579 = arith.constant 0 : index
    %get3A_1580 = vector.load %arg1[%get3A_1578, %get3A_1579] : memref<128x4096xf32, #tpu.memory_space<vmem>>, vector<2x4096xf32>
    %broadcast_in_dim3A_1581 = vector.shape_cast %get3A_1580 : vector<2x4096xf32> to vector<2x1x4096xf32>
    %get3A_1582 = arith.constant 0 : index
    %get3A_1583 = arith.constant 40 : index
    %get3A_1584 = vector.load %arg2[%get3A_1582, %get3A_1583] : memref<64x128xf32, #tpu.memory_space<vmem>>, vector<64x2xf32>
    %transpose3A_1585 = tpu.transpose %get3A_1584, [1, 0] : vector<64x2xf32> -> vector<2x64xf32>
    %broadcast_in_dim3A_1586 = vector.shape_cast %transpose3A_1585 : vector<2x64xf32> to vector<2x64x1xf32>
    %get3A_1587 = arith.constant 6 : index
    %get3A_1588 = arith.constant 0 : index
    %get3A_1589 = arith.constant 0 : index
    %get3A_1590 = arith.constant 0 : index
    %get3A_1591 = vector.load %arg4[%get3A_1587, %get3A_1588, %get3A_1589, %get3A_1590] : memref<7x2x64x4096xf32, #tpu.memory_space<vmem>>, vector<1x2x64x4096xf32>
    %get3A_1592 = vector.shape_cast %get3A_1591 : vector<1x2x64x4096xf32> to vector<2x64x4096xf32>
    %mul3A_1593 = vector.broadcast %broadcast_in_dim3A_1581 : vector<2x1x4096xf32> to vector<2x64x4096xf32>
    %mul3A_1594 = vector.broadcast %broadcast_in_dim3A_1586 : vector<2x64x1xf32> to vector<2x64x4096xf32>
    %mul3A_1595 = arith.mulf %mul3A_1593, %mul3A_1594 : vector<2x64x4096xf32>
    %add3A_1596 = arith.addf %get3A_1592, %mul3A_1595 : vector<2x64x4096xf32>
    %swap3A_1597 = arith.constant 6 : index
    %swap3A_1598 = arith.constant 0 : index
    %swap3A_1599 = arith.constant 0 : index
    %swap3A_1600 = arith.constant 0 : index
    %swap3A_1601 = vector.load %arg5[%swap3A_1597, %swap3A_1598, %swap3A_1599, %swap3A_1600] : memref<7x2x64x4096xf32, #tpu.memory_space<vmem>>, vector<1x2x64x4096xf32>
    %swap3A_1602 = vector.shape_cast %swap3A_1601 : vector<1x2x64x4096xf32> to vector<2x64x4096xf32>
    %swap3A_1603 = vector.shape_cast %add3A_1596 : vector<2x64x4096xf32> to vector<1x2x64x4096xf32>
    tpu.vector_store %arg5[%swap3A_1597, %swap3A_1598, %swap3A_1599, %swap3A_1600], %swap3A_1603 {strides = array<i32>} : memref<7x2x64x4096xf32, #tpu.memory_space<vmem>>, vector<1x2x64x4096xf32>,
    %dma_start3A_1604 = arith.constant 6 : i32
    %dma_start3A_1605 = arith.constant 6 : i32
    %dma_start3A_1606 = tpu.memref_slice %arg7[%dma_start3A_1605] : memref<7x!tpu.dma_semaphore, #tpu.memory_space<semaphore_mem>> -> memref<1x!tpu.dma_semaphore, #tpu.memory_space<semaphore_mem>>
    %dma_start3A_1607 = tpu.memref_squeeze %dma_start3A_1606 : memref<1x!tpu.dma_semaphore, #tpu.memory_space<semaphore_mem>> -> memref<!tpu.dma_semaphore, #tpu.memory_space<semaphore_mem>>
    %dma_start3A_1608 = arith.constant 40 : i32
    %dma_start3A_1609 = arith.constant 0 : i32
    %dma_start3A_1610 = arith.constant 0 : i32
    %dma_start3A_1611 = tpu.memref_slice %arg3[%dma_start3A_1608, %dma_start3A_1609, %dma_start3A_1610] : memref<112x64x4096xf32, #tpu.memory_space<hbm>> -> memref<2x64x4096xf32, #tpu.memory_space<hbm>>
    %dma_start3A_1612 = arith.constant 0 : i32
    %dma_start3A_1613 = arith.constant 0 : i32
    %dma_start3A_1614 = arith.constant 0 : i32
    %dma_start3A_1615 = tpu.memref_slice %arg5[%dma_start3A_1604, %dma_start3A_1612, %dma_start3A_1613, %dma_start3A_1614] : memref<7x2x64x4096xf32, #tpu.memory_space<vmem>> -> memref<1x2x64x4096xf32, #tpu.memory_space<vmem>>
    %dma_start3A_1616 = tpu.memref_squeeze %dma_start3A_1615 : memref<1x2x64x4096xf32, #tpu.memory_space<vmem>> -> memref<2x64x4096xf32, #tpu.memory_space<vmem>>
    tpu.enqueue_dma source(%dma_start3A_1616 : memref<2x64x4096xf32, #tpu.memory_space<vmem>>) target(%dma_start3A_1611 : memref<2x64x4096xf32, #tpu.memory_space<hbm>>) target_semaphore(%dma_start3A_1607 : memref<!tpu.dma_semaphore, #tpu.memory_space<semaphore_mem>>)
    %dma_start3A_1617 = arith.constant 6 : i32
    %dma_start3A_1618 = arith.constant 6 : i32
    %dma_start3A_1619 = tpu.memref_slice %arg6[%dma_start3A_1618] : memref<7x!tpu.dma_semaphore, #tpu.memory_space<semaphore_mem>> -> memref<1x!tpu.dma_semaphore, #tpu.memory_space<semaphore_mem>>
    %dma_start3A_1620 = tpu.memref_squeeze %dma_start3A_1619 : memref<1x!tpu.dma_semaphore, #tpu.memory_space<semaphore_mem>> -> memref<!tpu.dma_semaphore, #tpu.memory_space<semaphore_mem>>
    %dma_start3A_1621 = arith.constant 0 : i32
    %dma_start3A_1622 = arith.constant 0 : i32
    %dma_start3A_1623 = arith.constant 0 : i32
    %dma_start3A_1624 = tpu.memref_slice %arg4[%dma_start3A_1617, %dma_start3A_1621, %dma_start3A_1622, %dma_start3A_1623] : memref<7x2x64x4096xf32, #tpu.memory_space<vmem>> -> memref<1x2x64x4096xf32, #tpu.memory_space<vmem>>
    %dma_start3A_1625 = tpu.memref_squeeze %dma_start3A_1624 : memref<1x2x64x4096xf32, #tpu.memory_space<vmem>> -> memref<2x64x4096xf32, #tpu.memory_space<vmem>>
    %dma_start3A_1626 = arith.constant 54 : i32
    %dma_start3A_1627 = arith.constant 0 : i32
    %dma_start3A_1628 = arith.constant 0 : i32
    %dma_start3A_1629 = tpu.memref_slice %arg0[%dma_start3A_1626, %dma_start3A_1627, %dma_start3A_1628] : memref<128x64x4096xf32, #tpu.memory_space<hbm>> -> memref<2x64x4096xf32, #tpu.memory_space<hbm>>
    tpu.enqueue_dma source(%dma_start3A_1629 : memref<2x64x4096xf32, #tpu.memory_space<hbm>>) target(%dma_start3A_1625 : memref<2x64x4096xf32, #tpu.memory_space<vmem>>) target_semaphore(%dma_start3A_1620 : memref<!tpu.dma_semaphore, #tpu.memory_space<semaphore_mem>>)
    %dma_wait3A_1630 = arith.constant 0 : i32
    %dma_wait3A_1631 = arith.constant 0 : i32
    %dma_wait3A_1632 = tpu.memref_slice %arg6[%dma_wait3A_1631] : memref<7x!tpu.dma_semaphore, #tpu.memory_space<semaphore_mem>> -> memref<1x!tpu.dma_semaphore, #tpu.memory_space<semaphore_mem>>
    %dma_wait3A_1633 = tpu.memref_squeeze %dma_wait3A_1632 : memref<1x!tpu.dma_semaphore, #tpu.memory_space<semaphore_mem>> -> memref<!tpu.dma_semaphore, #tpu.memory_space<semaphore_mem>>
    %dma_wait3A_1634 = arith.constant 0 : i32
    %dma_wait3A_1635 = arith.constant 0 : i32
    %dma_wait3A_1636 = arith.constant 0 : i32
    %dma_wait3A_1637 = tpu.memref_slice %arg4[%dma_wait3A_1630, %dma_wait3A_1634, %dma_wait3A_1635, %dma_wait3A_1636] : memref<7x2x64x4096xf32, #tpu.memory_space<vmem>> -> memref<1x2x64x4096xf32, #tpu.memory_space<vmem>>
    %dma_wait3A_1638 = tpu.memref_squeeze %dma_wait3A_1637 : memref<1x2x64x4096xf32, #tpu.memory_space<vmem>> -> memref<2x64x4096xf32, #tpu.memory_space<vmem>>
    %dma_wait3A_1639 = arith.constant 42 : i32
    %dma_wait3A_1640 = arith.constant 0 : i32
    %dma_wait3A_1641 = arith.constant 0 : i32
    %dma_wait3A_1642 = tpu.memref_slice %arg0[%dma_wait3A_1639, %dma_wait3A_1640, %dma_wait3A_1641] : memref<128x64x4096xf32, #tpu.memory_space<hbm>> -> memref<2x64x4096xf32, #tpu.memory_space<hbm>>
    tpu.wait_dma2 semaphore(%dma_wait3A_1633 : memref<!tpu.dma_semaphore, #tpu.memory_space<semaphore_mem>>) src(%dma_wait3A_1642 : memref<2x64x4096xf32, #tpu.memory_space<hbm>>) dst(%dma_wait3A_1638 : memref<2x64x4096xf32, #tpu.memory_space<vmem>>)
    %dma_wait3A_1643 = arith.constant 0 : i32
    %dma_wait3A_1644 = arith.constant 0 : i32
    %dma_wait3A_1645 = tpu.memref_slice %arg7[%dma_wait3A_1644] : memref<7x!tpu.dma_semaphore, #tpu.memory_space<semaphore_mem>> -> memref<1x!tpu.dma_semaphore, #tpu.memory_space<semaphore_mem>>
    %dma_wait3A_1646 = tpu.memref_squeeze %dma_wait3A_1645 : memref<1x!tpu.dma_semaphore, #tpu.memory_space<semaphore_mem>> -> memref<!tpu.dma_semaphore, #tpu.memory_space<semaphore_mem>>
    %dma_wait3A_1647 = arith.constant 28 : i32
    %dma_wait3A_1648 = arith.constant 0 : i32
    %dma_wait3A_1649 = arith.constant 0 : i32
    %dma_wait3A_1650 = tpu.memref_slice %arg3[%dma_wait3A_1647, %dma_wait3A_1648, %dma_wait3A_1649] : memref<112x64x4096xf32, #tpu.memory_space<hbm>> -> memref<2x64x4096xf32, #tpu.memory_space<hbm>>
    %dma_wait3A_1651 = arith.constant 0 : i32
    %dma_wait3A_1652 = arith.constant 0 : i32
    %dma_wait3A_1653 = arith.constant 0 : i32
    %dma_wait3A_1654 = tpu.memref_slice %arg5[%dma_wait3A_1643, %dma_wait3A_1651, %dma_wait3A_1652, %dma_wait3A_1653] : memref<7x2x64x4096xf32, #tpu.memory_space<vmem>> -> memref<1x2x64x4096xf32, #tpu.memory_space<vmem>>
    %dma_wait3A_1655 = tpu.memref_squeeze %dma_wait3A_1654 : memref<1x2x64x4096xf32, #tpu.memory_space<vmem>> -> memref<2x64x4096xf32, #tpu.memory_space<vmem>>
    tpu.wait_dma2 semaphore(%dma_wait3A_1646 : memref<!tpu.dma_semaphore, #tpu.memory_space<semaphore_mem>>) src(%dma_wait3A_1655 : memref<2x64x4096xf32, #tpu.memory_space<vmem>>) dst(%dma_wait3A_1650 : memref<2x64x4096xf32, #tpu.memory_space<hbm>>)
    %get3A_1656 = arith.constant 42 : index
    %get3A_1657 = arith.constant 0 : index
    %get3A_1658 = vector.load %arg1[%get3A_1656, %get3A_1657] : memref<128x4096xf32, #tpu.memory_space<vmem>>, vector<2x4096xf32>
    %broadcast_in_dim3A_1659 = vector.shape_cast %get3A_1658 : vector<2x4096xf32> to vector<2x1x4096xf32>
    %get3A_1660 = arith.constant 0 : index
    %get3A_1661 = arith.constant 42 : index
    %get3A_1662 = vector.load %arg2[%get3A_1660, %get3A_1661] : memref<64x128xf32, #tpu.memory_space<vmem>>, vector<64x2xf32>
    %transpose3A_1663 = tpu.transpose %get3A_1662, [1, 0] : vector<64x2xf32> -> vector<2x64xf32>
    %broadcast_in_dim3A_1664 = vector.shape_cast %transpose3A_1663 : vector<2x64xf32> to vector<2x64x1xf32>
    %get3A_1665 = arith.constant 0 : index
    %get3A_1666 = arith.constant 0 : index
    %get3A_1667 = arith.constant 0 : index
    %get3A_1668 = arith.constant 0 : index
    %get3A_1669 = vector.load %arg4[%get3A_1665, %get3A_1666, %get3A_1667, %get3A_1668] : memref<7x2x64x4096xf32, #tpu.memory_space<vmem>>, vector<1x2x64x4096xf32>
    %get3A_1670 = vector.shape_cast %get3A_1669 : vector<1x2x64x4096xf32> to vector<2x64x4096xf32>
    %mul3A_1671 = vector.broadcast %broadcast_in_dim3A_1659 : vector<2x1x4096xf32> to vector<2x64x4096xf32>
    %mul3A_1672 = vector.broadcast %broadcast_in_dim3A_1664 : vector<2x64x1xf32> to vector<2x64x4096xf32>
    %mul3A_1673 = arith.mulf %mul3A_1671, %mul3A_1672 : vector<2x64x4096xf32>
    %add3A_1674 = arith.addf %get3A_1670, %mul3A_1673 : vector<2x64x4096xf32>
    %swap3A_1675 = arith.constant 0 : index
    %swap3A_1676 = arith.constant 0 : index
    %swap3A_1677 = arith.constant 0 : index
    %swap3A_1678 = arith.constant 0 : index
    %swap3A_1679 = vector.load %arg5[%swap3A_1675, %swap3A_1676, %swap3A_1677, %swap3A_1678] : memref<7x2x64x4096xf32, #tpu.memory_space<vmem>>, vector<1x2x64x4096xf32>
    %swap3A_1680 = vector.shape_cast %swap3A_1679 : vector<1x2x64x4096xf32> to vector<2x64x4096xf32>
    %swap3A_1681 = vector.shape_cast %add3A_1674 : vector<2x64x4096xf32> to vector<1x2x64x4096xf32>
    tpu.vector_store %arg5[%swap3A_1675, %swap3A_1676, %swap3A_1677, %swap3A_1678], %swap3A_1681 {strides = array<i32>} : memref<7x2x64x4096xf32, #tpu.memory_space<vmem>>, vector<1x2x64x4096xf32>,
    %dma_start3A_1682 = arith.constant 0 : i32
    %dma_start3A_1683 = arith.constant 0 : i32
    %dma_start3A_1684 = tpu.memref_slice %arg7[%dma_start3A_1683] : memref<7x!tpu.dma_semaphore, #tpu.memory_space<semaphore_mem>> -> memref<1x!tpu.dma_semaphore, #tpu.memory_space<semaphore_mem>>
    %dma_start3A_1685 = tpu.memref_squeeze %dma_start3A_1684 : memref<1x!tpu.dma_semaphore, #tpu.memory_space<semaphore_mem>> -> memref<!tpu.dma_semaphore, #tpu.memory_space<semaphore_mem>>
    %dma_start3A_1686 = arith.constant 42 : i32
    %dma_start3A_1687 = arith.constant 0 : i32
    %dma_start3A_1688 = arith.constant 0 : i32
    %dma_start3A_1689 = tpu.memref_slice %arg3[%dma_start3A_1686, %dma_start3A_1687, %dma_start3A_1688] : memref<112x64x4096xf32, #tpu.memory_space<hbm>> -> memref<2x64x4096xf32, #tpu.memory_space<hbm>>
    %dma_start3A_1690 = arith.constant 0 : i32
    %dma_start3A_1691 = arith.constant 0 : i32
    %dma_start3A_1692 = arith.constant 0 : i32
    %dma_start3A_1693 = tpu.memref_slice %arg5[%dma_start3A_1682, %dma_start3A_1690, %dma_start3A_1691, %dma_start3A_1692] : memref<7x2x64x4096xf32, #tpu.memory_space<vmem>> -> memref<1x2x64x4096xf32, #tpu.memory_space<vmem>>
    %dma_start3A_1694 = tpu.memref_squeeze %dma_start3A_1693 : memref<1x2x64x4096xf32, #tpu.memory_space<vmem>> -> memref<2x64x4096xf32, #tpu.memory_space<vmem>>
    tpu.enqueue_dma source(%dma_start3A_1694 : memref<2x64x4096xf32, #tpu.memory_space<vmem>>) target(%dma_start3A_1689 : memref<2x64x4096xf32, #tpu.memory_space<hbm>>) target_semaphore(%dma_start3A_1685 : memref<!tpu.dma_semaphore, #tpu.memory_space<semaphore_mem>>)
    %dma_start3A_1695 = arith.constant 0 : i32
    %dma_start3A_1696 = arith.constant 0 : i32
    %dma_start3A_1697 = tpu.memref_slice %arg6[%dma_start3A_1696] : memref<7x!tpu.dma_semaphore, #tpu.memory_space<semaphore_mem>> -> memref<1x!tpu.dma_semaphore, #tpu.memory_space<semaphore_mem>>
    %dma_start3A_1698 = tpu.memref_squeeze %dma_start3A_1697 : memref<1x!tpu.dma_semaphore, #tpu.memory_space<semaphore_mem>> -> memref<!tpu.dma_semaphore, #tpu.memory_space<semaphore_mem>>
    %dma_start3A_1699 = arith.constant 0 : i32
    %dma_start3A_1700 = arith.constant 0 : i32
    %dma_start3A_1701 = arith.constant 0 : i32
    %dma_start3A_1702 = tpu.memref_slice %arg4[%dma_start3A_1695, %dma_start3A_1699, %dma_start3A_1700, %dma_start3A_1701] : memref<7x2x64x4096xf32, #tpu.memory_space<vmem>> -> memref<1x2x64x4096xf32, #tpu.memory_space<vmem>>
    %dma_start3A_1703 = tpu.memref_squeeze %dma_start3A_1702 : memref<1x2x64x4096xf32, #tpu.memory_space<vmem>> -> memref<2x64x4096xf32, #tpu.memory_space<vmem>>
    %dma_start3A_1704 = arith.constant 56 : i32
    %dma_start3A_1705 = arith.constant 0 : i32
    %dma_start3A_1706 = arith.constant 0 : i32
    %dma_start3A_1707 = tpu.memref_slice %arg0[%dma_start3A_1704, %dma_start3A_1705, %dma_start3A_1706] : memref<128x64x4096xf32, #tpu.memory_space<hbm>> -> memref<2x64x4096xf32, #tpu.memory_space<hbm>>
    tpu.enqueue_dma source(%dma_start3A_1707 : memref<2x64x4096xf32, #tpu.memory_space<hbm>>) target(%dma_start3A_1703 : memref<2x64x4096xf32, #tpu.memory_space<vmem>>) target_semaphore(%dma_start3A_1698 : memref<!tpu.dma_semaphore, #tpu.memory_space<semaphore_mem>>)
    %dma_wait3A_1708 = arith.constant 1 : i32
    %dma_wait3A_1709 = arith.constant 1 : i32
    %dma_wait3A_1710 = tpu.memref_slice %arg6[%dma_wait3A_1709] : memref<7x!tpu.dma_semaphore, #tpu.memory_space<semaphore_mem>> -> memref<1x!tpu.dma_semaphore, #tpu.memory_space<semaphore_mem>>
    %dma_wait3A_1711 = tpu.memref_squeeze %dma_wait3A_1710 : memref<1x!tpu.dma_semaphore, #tpu.memory_space<semaphore_mem>> -> memref<!tpu.dma_semaphore, #tpu.memory_space<semaphore_mem>>
    %dma_wait3A_1712 = arith.constant 0 : i32
    %dma_wait3A_1713 = arith.constant 0 : i32
    %dma_wait3A_1714 = arith.constant 0 : i32
    %dma_wait3A_1715 = tpu.memref_slice %arg4[%dma_wait3A_1708, %dma_wait3A_1712, %dma_wait3A_1713, %dma_wait3A_1714] : memref<7x2x64x4096xf32, #tpu.memory_space<vmem>> -> memref<1x2x64x4096xf32, #tpu.memory_space<vmem>>
    %dma_wait3A_1716 = tpu.memref_squeeze %dma_wait3A_1715 : memref<1x2x64x4096xf32, #tpu.memory_space<vmem>> -> memref<2x64x4096xf32, #tpu.memory_space<vmem>>
    %dma_wait3A_1717 = arith.constant 44 : i32
    %dma_wait3A_1718 = arith.constant 0 : i32
    %dma_wait3A_1719 = arith.constant 0 : i32
    %dma_wait3A_1720 = tpu.memref_slice %arg0[%dma_wait3A_1717, %dma_wait3A_1718, %dma_wait3A_1719] : memref<128x64x4096xf32, #tpu.memory_space<hbm>> -> memref<2x64x4096xf32, #tpu.memory_space<hbm>>
    tpu.wait_dma2 semaphore(%dma_wait3A_1711 : memref<!tpu.dma_semaphore, #tpu.memory_space<semaphore_mem>>) src(%dma_wait3A_1720 : memref<2x64x4096xf32, #tpu.memory_space<hbm>>) dst(%dma_wait3A_1716 : memref<2x64x4096xf32, #tpu.memory_space<vmem>>)
    %dma_wait3A_1721 = arith.constant 1 : i32
    %dma_wait3A_1722 = arith.constant 1 : i32
    %dma_wait3A_1723 = tpu.memref_slice %arg7[%dma_wait3A_1722] : memref<7x!tpu.dma_semaphore, #tpu.memory_space<semaphore_mem>> -> memref<1x!tpu.dma_semaphore, #tpu.memory_space<semaphore_mem>>
    %dma_wait3A_1724 = tpu.memref_squeeze %dma_wait3A_1723 : memref<1x!tpu.dma_semaphore, #tpu.memory_space<semaphore_mem>> -> memref<!tpu.dma_semaphore, #tpu.memory_space<semaphore_mem>>
    %dma_wait3A_1725 = arith.constant 30 : i32
    %dma_wait3A_1726 = arith.constant 0 : i32
    %dma_wait3A_1727 = arith.constant 0 : i32
    %dma_wait3A_1728 = tpu.memref_slice %arg3[%dma_wait3A_1725, %dma_wait3A_1726, %dma_wait3A_1727] : memref<112x64x4096xf32, #tpu.memory_space<hbm>> -> memref<2x64x4096xf32, #tpu.memory_space<hbm>>
    %dma_wait3A_1729 = arith.constant 0 : i32
    %dma_wait3A_1730 = arith.constant 0 : i32
    %dma_wait3A_1731 = arith.constant 0 : i32
    %dma_wait3A_1732 = tpu.memref_slice %arg5[%dma_wait3A_1721, %dma_wait3A_1729, %dma_wait3A_1730, %dma_wait3A_1731] : memref<7x2x64x4096xf32, #tpu.memory_space<vmem>> -> memref<1x2x64x4096xf32, #tpu.memory_space<vmem>>
    %dma_wait3A_1733 = tpu.memref_squeeze %dma_wait3A_1732 : memref<1x2x64x4096xf32, #tpu.memory_space<vmem>> -> memref<2x64x4096xf32, #tpu.memory_space<vmem>>
    tpu.wait_dma2 semaphore(%dma_wait3A_1724 : memref<!tpu.dma_semaphore, #tpu.memory_space<semaphore_mem>>) src(%dma_wait3A_1733 : memref<2x64x4096xf32, #tpu.memory_space<vmem>>) dst(%dma_wait3A_1728 : memref<2x64x4096xf32, #tpu.memory_space<hbm>>)
    %get3A_1734 = arith.constant 44 : index
    %get3A_1735 = arith.constant 0 : index
    %get3A_1736 = vector.load %arg1[%get3A_1734, %get3A_1735] : memref<128x4096xf32, #tpu.memory_space<vmem>>, vector<2x4096xf32>
    %broadcast_in_dim3A_1737 = vector.shape_cast %get3A_1736 : vector<2x4096xf32> to vector<2x1x4096xf32>
    %get3A_1738 = arith.constant 0 : index
    %get3A_1739 = arith.constant 44 : index
    %get3A_1740 = vector.load %arg2[%get3A_1738, %get3A_1739] : memref<64x128xf32, #tpu.memory_space<vmem>>, vector<64x2xf32>
    %transpose3A_1741 = tpu.transpose %get3A_1740, [1, 0] : vector<64x2xf32> -> vector<2x64xf32>
    %broadcast_in_dim3A_1742 = vector.shape_cast %transpose3A_1741 : vector<2x64xf32> to vector<2x64x1xf32>
    %get3A_1743 = arith.constant 1 : index
    %get3A_1744 = arith.constant 0 : index
    %get3A_1745 = arith.constant 0 : index
    %get3A_1746 = arith.constant 0 : index
    %get3A_1747 = vector.load %arg4[%get3A_1743, %get3A_1744, %get3A_1745, %get3A_1746] : memref<7x2x64x4096xf32, #tpu.memory_space<vmem>>, vector<1x2x64x4096xf32>
    %get3A_1748 = vector.shape_cast %get3A_1747 : vector<1x2x64x4096xf32> to vector<2x64x4096xf32>
    %mul3A_1749 = vector.broadcast %broadcast_in_dim3A_1737 : vector<2x1x4096xf32> to vector<2x64x4096xf32>
    %mul3A_1750 = vector.broadcast %broadcast_in_dim3A_1742 : vector<2x64x1xf32> to vector<2x64x4096xf32>
    %mul3A_1751 = arith.mulf %mul3A_1749, %mul3A_1750 : vector<2x64x4096xf32>
    %add3A_1752 = arith.addf %get3A_1748, %mul3A_1751 : vector<2x64x4096xf32>
    %swap3A_1753 = arith.constant 1 : index
    %swap3A_1754 = arith.constant 0 : index
    %swap3A_1755 = arith.constant 0 : index
    %swap3A_1756 = arith.constant 0 : index
    %swap3A_1757 = vector.load %arg5[%swap3A_1753, %swap3A_1754, %swap3A_1755, %swap3A_1756] : memref<7x2x64x4096xf32, #tpu.memory_space<vmem>>, vector<1x2x64x4096xf32>
    %swap3A_1758 = vector.shape_cast %swap3A_1757 : vector<1x2x64x4096xf32> to vector<2x64x4096xf32>
    %swap3A_1759 = vector.shape_cast %add3A_1752 : vector<2x64x4096xf32> to vector<1x2x64x4096xf32>
    tpu.vector_store %arg5[%swap3A_1753, %swap3A_1754, %swap3A_1755, %swap3A_1756], %swap3A_1759 {strides = array<i32>} : memref<7x2x64x4096xf32, #tpu.memory_space<vmem>>, vector<1x2x64x4096xf32>,
    %dma_start3A_1760 = arith.constant 1 : i32
    %dma_start3A_1761 = arith.constant 1 : i32
    %dma_start3A_1762 = tpu.memref_slice %arg7[%dma_start3A_1761] : memref<7x!tpu.dma_semaphore, #tpu.memory_space<semaphore_mem>> -> memref<1x!tpu.dma_semaphore, #tpu.memory_space<semaphore_mem>>
    %dma_start3A_1763 = tpu.memref_squeeze %dma_start3A_1762 : memref<1x!tpu.dma_semaphore, #tpu.memory_space<semaphore_mem>> -> memref<!tpu.dma_semaphore, #tpu.memory_space<semaphore_mem>>
    %dma_start3A_1764 = arith.constant 44 : i32
    %dma_start3A_1765 = arith.constant 0 : i32
    %dma_start3A_1766 = arith.constant 0 : i32
    %dma_start3A_1767 = tpu.memref_slice %arg3[%dma_start3A_1764, %dma_start3A_1765, %dma_start3A_1766] : memref<112x64x4096xf32, #tpu.memory_space<hbm>> -> memref<2x64x4096xf32, #tpu.memory_space<hbm>>
    %dma_start3A_1768 = arith.constant 0 : i32
    %dma_start3A_1769 = arith.constant 0 : i32
    %dma_start3A_1770 = arith.constant 0 : i32
    %dma_start3A_1771 = tpu.memref_slice %arg5[%dma_start3A_1760, %dma_start3A_1768, %dma_start3A_1769, %dma_start3A_1770] : memref<7x2x64x4096xf32, #tpu.memory_space<vmem>> -> memref<1x2x64x4096xf32, #tpu.memory_space<vmem>>
    %dma_start3A_1772 = tpu.memref_squeeze %dma_start3A_1771 : memref<1x2x64x4096xf32, #tpu.memory_space<vmem>> -> memref<2x64x4096xf32, #tpu.memory_space<vmem>>
    tpu.enqueue_dma source(%dma_start3A_1772 : memref<2x64x4096xf32, #tpu.memory_space<vmem>>) target(%dma_start3A_1767 : memref<2x64x4096xf32, #tpu.memory_space<hbm>>) target_semaphore(%dma_start3A_1763 : memref<!tpu.dma_semaphore, #tpu.memory_space<semaphore_mem>>)
    %dma_start3A_1773 = arith.constant 1 : i32
    %dma_start3A_1774 = arith.constant 1 : i32
    %dma_start3A_1775 = tpu.memref_slice %arg6[%dma_start3A_1774] : memref<7x!tpu.dma_semaphore, #tpu.memory_space<semaphore_mem>> -> memref<1x!tpu.dma_semaphore, #tpu.memory_space<semaphore_mem>>
    %dma_start3A_1776 = tpu.memref_squeeze %dma_start3A_1775 : memref<1x!tpu.dma_semaphore, #tpu.memory_space<semaphore_mem>> -> memref<!tpu.dma_semaphore, #tpu.memory_space<semaphore_mem>>
    %dma_start3A_1777 = arith.constant 0 : i32
    %dma_start3A_1778 = arith.constant 0 : i32
    %dma_start3A_1779 = arith.constant 0 : i32
    %dma_start3A_1780 = tpu.memref_slice %arg4[%dma_start3A_1773, %dma_start3A_1777, %dma_start3A_1778, %dma_start3A_1779] : memref<7x2x64x4096xf32, #tpu.memory_space<vmem>> -> memref<1x2x64x4096xf32, #tpu.memory_space<vmem>>
    %dma_start3A_1781 = tpu.memref_squeeze %dma_start3A_1780 : memref<1x2x64x4096xf32, #tpu.memory_space<vmem>> -> memref<2x64x4096xf32, #tpu.memory_space<vmem>>
    %dma_start3A_1782 = arith.constant 58 : i32
    %dma_start3A_1783 = arith.constant 0 : i32
    %dma_start3A_1784 = arith.constant 0 : i32
    %dma_start3A_1785 = tpu.memref_slice %arg0[%dma_start3A_1782, %dma_start3A_1783, %dma_start3A_1784] : memref<128x64x4096xf32, #tpu.memory_space<hbm>> -> memref<2x64x4096xf32, #tpu.memory_space<hbm>>
    tpu.enqueue_dma source(%dma_start3A_1785 : memref<2x64x4096xf32, #tpu.memory_space<hbm>>) target(%dma_start3A_1781 : memref<2x64x4096xf32, #tpu.memory_space<vmem>>) target_semaphore(%dma_start3A_1776 : memref<!tpu.dma_semaphore, #tpu.memory_space<semaphore_mem>>)
    %dma_wait3A_1786 = arith.constant 2 : i32
    %dma_wait3A_1787 = arith.constant 2 : i32
    %dma_wait3A_1788 = tpu.memref_slice %arg6[%dma_wait3A_1787] : memref<7x!tpu.dma_semaphore, #tpu.memory_space<semaphore_mem>> -> memref<1x!tpu.dma_semaphore, #tpu.memory_space<semaphore_mem>>
    %dma_wait3A_1789 = tpu.memref_squeeze %dma_wait3A_1788 : memref<1x!tpu.dma_semaphore, #tpu.memory_space<semaphore_mem>> -> memref<!tpu.dma_semaphore, #tpu.memory_space<semaphore_mem>>
    %dma_wait3A_1790 = arith.constant 0 : i32
    %dma_wait3A_1791 = arith.constant 0 : i32
    %dma_wait3A_1792 = arith.constant 0 : i32
    %dma_wait3A_1793 = tpu.memref_slice %arg4[%dma_wait3A_1786, %dma_wait3A_1790, %dma_wait3A_1791, %dma_wait3A_1792] : memref<7x2x64x4096xf32, #tpu.memory_space<vmem>> -> memref<1x2x64x4096xf32, #tpu.memory_space<vmem>>
    %dma_wait3A_1794 = tpu.memref_squeeze %dma_wait3A_1793 : memref<1x2x64x4096xf32, #tpu.memory_space<vmem>> -> memref<2x64x4096xf32, #tpu.memory_space<vmem>>
    %dma_wait3A_1795 = arith.constant 46 : i32
    %dma_wait3A_1796 = arith.constant 0 : i32
    %dma_wait3A_1797 = arith.constant 0 : i32
    %dma_wait3A_1798 = tpu.memref_slice %arg0[%dma_wait3A_1795, %dma_wait3A_1796, %dma_wait3A_1797] : memref<128x64x4096xf32, #tpu.memory_space<hbm>> -> memref<2x64x4096xf32, #tpu.memory_space<hbm>>
    tpu.wait_dma2 semaphore(%dma_wait3A_1789 : memref<!tpu.dma_semaphore, #tpu.memory_space<semaphore_mem>>) src(%dma_wait3A_1798 : memref<2x64x4096xf32, #tpu.memory_space<hbm>>) dst(%dma_wait3A_1794 : memref<2x64x4096xf32, #tpu.memory_space<vmem>>)
    %dma_wait3A_1799 = arith.constant 2 : i32
    %dma_wait3A_1800 = arith.constant 2 : i32
    %dma_wait3A_1801 = tpu.memref_slice %arg7[%dma_wait3A_1800] : memref<7x!tpu.dma_semaphore, #tpu.memory_space<semaphore_mem>> -> memref<1x!tpu.dma_semaphore, #tpu.memory_space<semaphore_mem>>
    %dma_wait3A_1802 = tpu.memref_squeeze %dma_wait3A_1801 : memref<1x!tpu.dma_semaphore, #tpu.memory_space<semaphore_mem>> -> memref<!tpu.dma_semaphore, #tpu.memory_space<semaphore_mem>>
    %dma_wait3A_1803 = arith.constant 32 : i32
    %dma_wait3A_1804 = arith.constant 0 : i32
    %dma_wait3A_1805 = arith.constant 0 : i32
    %dma_wait3A_1806 = tpu.memref_slice %arg3[%dma_wait3A_1803, %dma_wait3A_1804, %dma_wait3A_1805] : memref<112x64x4096xf32, #tpu.memory_space<hbm>> -> memref<2x64x4096xf32, #tpu.memory_space<hbm>>
    %dma_wait3A_1807 = arith.constant 0 : i32
    %dma_wait3A_1808 = arith.constant 0 : i32
    %dma_wait3A_1809 = arith.constant 0 : i32
    %dma_wait3A_1810 = tpu.memref_slice %arg5[%dma_wait3A_1799, %dma_wait3A_1807, %dma_wait3A_1808, %dma_wait3A_1809] : memref<7x2x64x4096xf32, #tpu.memory_space<vmem>> -> memref<1x2x64x4096xf32, #tpu.memory_space<vmem>>
    %dma_wait3A_1811 = tpu.memref_squeeze %dma_wait3A_1810 : memref<1x2x64x4096xf32, #tpu.memory_space<vmem>> -> memref<2x64x4096xf32, #tpu.memory_space<vmem>>
    tpu.wait_dma2 semaphore(%dma_wait3A_1802 : memref<!tpu.dma_semaphore, #tpu.memory_space<semaphore_mem>>) src(%dma_wait3A_1811 : memref<2x64x4096xf32, #tpu.memory_space<vmem>>) dst(%dma_wait3A_1806 : memref<2x64x4096xf32, #tpu.memory_space<hbm>>)
    %get3A_1812 = arith.constant 46 : index
    %get3A_1813 = arith.constant 0 : index
    %get3A_1814 = vector.load %arg1[%get3A_1812, %get3A_1813] : memref<128x4096xf32, #tpu.memory_space<vmem>>, vector<2x4096xf32>
    %broadcast_in_dim3A_1815 = vector.shape_cast %get3A_1814 : vector<2x4096xf32> to vector<2x1x4096xf32>
    %get3A_1816 = arith.constant 0 : index
    %get3A_1817 = arith.constant 46 : index
    %get3A_1818 = vector.load %arg2[%get3A_1816, %get3A_1817] : memref<64x128xf32, #tpu.memory_space<vmem>>, vector<64x2xf32>
    %transpose3A_1819 = tpu.transpose %get3A_1818, [1, 0] : vector<64x2xf32> -> vector<2x64xf32>
    %broadcast_in_dim3A_1820 = vector.shape_cast %transpose3A_1819 : vector<2x64xf32> to vector<2x64x1xf32>
    %get3A_1821 = arith.constant 2 : index
    %get3A_1822 = arith.constant 0 : index
    %get3A_1823 = arith.constant 0 : index
    %get3A_1824 = arith.constant 0 : index
    %get3A_1825 = vector.load %arg4[%get3A_1821, %get3A_1822, %get3A_1823, %get3A_1824] : memref<7x2x64x4096xf32, #tpu.memory_space<vmem>>, vector<1x2x64x4096xf32>
    %get3A_1826 = vector.shape_cast %get3A_1825 : vector<1x2x64x4096xf32> to vector<2x64x4096xf32>
    %mul3A_1827 = vector.broadcast %broadcast_in_dim3A_1815 : vector<2x1x4096xf32> to vector<2x64x4096xf32>
    %mul3A_1828 = vector.broadcast %broadcast_in_dim3A_1820 : vector<2x64x1xf32> to vector<2x64x4096xf32>
    %mul3A_1829 = arith.mulf %mul3A_1827, %mul3A_1828 : vector<2x64x4096xf32>
    %add3A_1830 = arith.addf %get3A_1826, %mul3A_1829 : vector<2x64x4096xf32>
    %swap3A_1831 = arith.constant 2 : index
    %swap3A_1832 = arith.constant 0 : index
    %swap3A_1833 = arith.constant 0 : index
    %swap3A_1834 = arith.constant 0 : index
    %swap3A_1835 = vector.load %arg5[%swap3A_1831, %swap3A_1832, %swap3A_1833, %swap3A_1834] : memref<7x2x64x4096xf32, #tpu.memory_space<vmem>>, vector<1x2x64x4096xf32>
    %swap3A_1836 = vector.shape_cast %swap3A_1835 : vector<1x2x64x4096xf32> to vector<2x64x4096xf32>
    %swap3A_1837 = vector.shape_cast %add3A_1830 : vector<2x64x4096xf32> to vector<1x2x64x4096xf32>
    tpu.vector_store %arg5[%swap3A_1831, %swap3A_1832, %swap3A_1833, %swap3A_1834], %swap3A_1837 {strides = array<i32>} : memref<7x2x64x4096xf32, #tpu.memory_space<vmem>>, vector<1x2x64x4096xf32>,
    %dma_start3A_1838 = arith.constant 2 : i32
    %dma_start3A_1839 = arith.constant 2 : i32
    %dma_start3A_1840 = tpu.memref_slice %arg7[%dma_start3A_1839] : memref<7x!tpu.dma_semaphore, #tpu.memory_space<semaphore_mem>> -> memref<1x!tpu.dma_semaphore, #tpu.memory_space<semaphore_mem>>
    %dma_start3A_1841 = tpu.memref_squeeze %dma_start3A_1840 : memref<1x!tpu.dma_semaphore, #tpu.memory_space<semaphore_mem>> -> memref<!tpu.dma_semaphore, #tpu.memory_space<semaphore_mem>>
    %dma_start3A_1842 = arith.constant 46 : i32
    %dma_start3A_1843 = arith.constant 0 : i32
    %dma_start3A_1844 = arith.constant 0 : i32
    %dma_start3A_1845 = tpu.memref_slice %arg3[%dma_start3A_1842, %dma_start3A_1843, %dma_start3A_1844] : memref<112x64x4096xf32, #tpu.memory_space<hbm>> -> memref<2x64x4096xf32, #tpu.memory_space<hbm>>
    %dma_start3A_1846 = arith.constant 0 : i32
    %dma_start3A_1847 = arith.constant 0 : i32
    %dma_start3A_1848 = arith.constant 0 : i32
    %dma_start3A_1849 = tpu.memref_slice %arg5[%dma_start3A_1838, %dma_start3A_1846, %dma_start3A_1847, %dma_start3A_1848] : memref<7x2x64x4096xf32, #tpu.memory_space<vmem>> -> memref<1x2x64x4096xf32, #tpu.memory_space<vmem>>
    %dma_start3A_1850 = tpu.memref_squeeze %dma_start3A_1849 : memref<1x2x64x4096xf32, #tpu.memory_space<vmem>> -> memref<2x64x4096xf32, #tpu.memory_space<vmem>>
    tpu.enqueue_dma source(%dma_start3A_1850 : memref<2x64x4096xf32, #tpu.memory_space<vmem>>) target(%dma_start3A_1845 : memref<2x64x4096xf32, #tpu.memory_space<hbm>>) target_semaphore(%dma_start3A_1841 : memref<!tpu.dma_semaphore, #tpu.memory_space<semaphore_mem>>)
    %dma_start3A_1851 = arith.constant 2 : i32
    %dma_start3A_1852 = arith.constant 2 : i32
    %dma_start3A_1853 = tpu.memref_slice %arg6[%dma_start3A_1852] : memref<7x!tpu.dma_semaphore, #tpu.memory_space<semaphore_mem>> -> memref<1x!tpu.dma_semaphore, #tpu.memory_space<semaphore_mem>>
    %dma_start3A_1854 = tpu.memref_squeeze %dma_start3A_1853 : memref<1x!tpu.dma_semaphore, #tpu.memory_space<semaphore_mem>> -> memref<!tpu.dma_semaphore, #tpu.memory_space<semaphore_mem>>
    %dma_start3A_1855 = arith.constant 0 : i32
    %dma_start3A_1856 = arith.constant 0 : i32
    %dma_start3A_1857 = arith.constant 0 : i32
    %dma_start3A_1858 = tpu.memref_slice %arg4[%dma_start3A_1851, %dma_start3A_1855, %dma_start3A_1856, %dma_start3A_1857] : memref<7x2x64x4096xf32, #tpu.memory_space<vmem>> -> memref<1x2x64x4096xf32, #tpu.memory_space<vmem>>
    %dma_start3A_1859 = tpu.memref_squeeze %dma_start3A_1858 : memref<1x2x64x4096xf32, #tpu.memory_space<vmem>> -> memref<2x64x4096xf32, #tpu.memory_space<vmem>>
    %dma_start3A_1860 = arith.constant 60 : i32
    %dma_start3A_1861 = arith.constant 0 : i32
    %dma_start3A_1862 = arith.constant 0 : i32
    %dma_start3A_1863 = tpu.memref_slice %arg0[%dma_start3A_1860, %dma_start3A_1861, %dma_start3A_1862] : memref<128x64x4096xf32, #tpu.memory_space<hbm>> -> memref<2x64x4096xf32, #tpu.memory_space<hbm>>
    tpu.enqueue_dma source(%dma_start3A_1863 : memref<2x64x4096xf32, #tpu.memory_space<hbm>>) target(%dma_start3A_1859 : memref<2x64x4096xf32, #tpu.memory_space<vmem>>) target_semaphore(%dma_start3A_1854 : memref<!tpu.dma_semaphore, #tpu.memory_space<semaphore_mem>>)
    %dma_wait3A_1864 = arith.constant 3 : i32
    %dma_wait3A_1865 = arith.constant 3 : i32
    %dma_wait3A_1866 = tpu.memref_slice %arg6[%dma_wait3A_1865] : memref<7x!tpu.dma_semaphore, #tpu.memory_space<semaphore_mem>> -> memref<1x!tpu.dma_semaphore, #tpu.memory_space<semaphore_mem>>
    %dma_wait3A_1867 = tpu.memref_squeeze %dma_wait3A_1866 : memref<1x!tpu.dma_semaphore, #tpu.memory_space<semaphore_mem>> -> memref<!tpu.dma_semaphore, #tpu.memory_space<semaphore_mem>>
    %dma_wait3A_1868 = arith.constant 0 : i32
    %dma_wait3A_1869 = arith.constant 0 : i32
    %dma_wait3A_1870 = arith.constant 0 : i32
    %dma_wait3A_1871 = tpu.memref_slice %arg4[%dma_wait3A_1864, %dma_wait3A_1868, %dma_wait3A_1869, %dma_wait3A_1870] : memref<7x2x64x4096xf32, #tpu.memory_space<vmem>> -> memref<1x2x64x4096xf32, #tpu.memory_space<vmem>>
    %dma_wait3A_1872 = tpu.memref_squeeze %dma_wait3A_1871 : memref<1x2x64x4096xf32, #tpu.memory_space<vmem>> -> memref<2x64x4096xf32, #tpu.memory_space<vmem>>
    %dma_wait3A_1873 = arith.constant 48 : i32
    %dma_wait3A_1874 = arith.constant 0 : i32
    %dma_wait3A_1875 = arith.constant 0 : i32
    %dma_wait3A_1876 = tpu.memref_slice %arg0[%dma_wait3A_1873, %dma_wait3A_1874, %dma_wait3A_1875] : memref<128x64x4096xf32, #tpu.memory_space<hbm>> -> memref<2x64x4096xf32, #tpu.memory_space<hbm>>
    tpu.wait_dma2 semaphore(%dma_wait3A_1867 : memref<!tpu.dma_semaphore, #tpu.memory_space<semaphore_mem>>) src(%dma_wait3A_1876 : memref<2x64x4096xf32, #tpu.memory_space<hbm>>) dst(%dma_wait3A_1872 : memref<2x64x4096xf32, #tpu.memory_space<vmem>>)
    %dma_wait3A_1877 = arith.constant 3 : i32
    %dma_wait3A_1878 = arith.constant 3 : i32
    %dma_wait3A_1879 = tpu.memref_slice %arg7[%dma_wait3A_1878] : memref<7x!tpu.dma_semaphore, #tpu.memory_space<semaphore_mem>> -> memref<1x!tpu.dma_semaphore, #tpu.memory_space<semaphore_mem>>
    %dma_wait3A_1880 = tpu.memref_squeeze %dma_wait3A_1879 : memref<1x!tpu.dma_semaphore, #tpu.memory_space<semaphore_mem>> -> memref<!tpu.dma_semaphore, #tpu.memory_space<semaphore_mem>>
    %dma_wait3A_1881 = arith.constant 34 : i32
    %dma_wait3A_1882 = arith.constant 0 : i32
    %dma_wait3A_1883 = arith.constant 0 : i32
    %dma_wait3A_1884 = tpu.memref_slice %arg3[%dma_wait3A_1881, %dma_wait3A_1882, %dma_wait3A_1883] : memref<112x64x4096xf32, #tpu.memory_space<hbm>> -> memref<2x64x4096xf32, #tpu.memory_space<hbm>>
    %dma_wait3A_1885 = arith.constant 0 : i32
    %dma_wait3A_1886 = arith.constant 0 : i32
    %dma_wait3A_1887 = arith.constant 0 : i32
    %dma_wait3A_1888 = tpu.memref_slice %arg5[%dma_wait3A_1877, %dma_wait3A_1885, %dma_wait3A_1886, %dma_wait3A_1887] : memref<7x2x64x4096xf32, #tpu.memory_space<vmem>> -> memref<1x2x64x4096xf32, #tpu.memory_space<vmem>>
    %dma_wait3A_1889 = tpu.memref_squeeze %dma_wait3A_1888 : memref<1x2x64x4096xf32, #tpu.memory_space<vmem>> -> memref<2x64x4096xf32, #tpu.memory_space<vmem>>
    tpu.wait_dma2 semaphore(%dma_wait3A_1880 : memref<!tpu.dma_semaphore, #tpu.memory_space<semaphore_mem>>) src(%dma_wait3A_1889 : memref<2x64x4096xf32, #tpu.memory_space<vmem>>) dst(%dma_wait3A_1884 : memref<2x64x4096xf32, #tpu.memory_space<hbm>>)
    %get3A_1890 = arith.constant 48 : index
    %get3A_1891 = arith.constant 0 : index
    %get3A_1892 = vector.load %arg1[%get3A_1890, %get3A_1891] : memref<128x4096xf32, #tpu.memory_space<vmem>>, vector<2x4096xf32>
    %broadcast_in_dim3A_1893 = vector.shape_cast %get3A_1892 : vector<2x4096xf32> to vector<2x1x4096xf32>
    %get3A_1894 = arith.constant 0 : index
    %get3A_1895 = arith.constant 48 : index
    %get3A_1896 = vector.load %arg2[%get3A_1894, %get3A_1895] : memref<64x128xf32, #tpu.memory_space<vmem>>, vector<64x2xf32>
    %transpose3A_1897 = tpu.transpose %get3A_1896, [1, 0] : vector<64x2xf32> -> vector<2x64xf32>
    %broadcast_in_dim3A_1898 = vector.shape_cast %transpose3A_1897 : vector<2x64xf32> to vector<2x64x1xf32>
    %get3A_1899 = arith.constant 3 : index
    %get3A_1900 = arith.constant 0 : index
    %get3A_1901 = arith.constant 0 : index
    %get3A_1902 = arith.constant 0 : index
    %get3A_1903 = vector.load %arg4[%get3A_1899, %get3A_1900, %get3A_1901, %get3A_1902] : memref<7x2x64x4096xf32, #tpu.memory_space<vmem>>, vector<1x2x64x4096xf32>
    %get3A_1904 = vector.shape_cast %get3A_1903 : vector<1x2x64x4096xf32> to vector<2x64x4096xf32>
    %mul3A_1905 = vector.broadcast %broadcast_in_dim3A_1893 : vector<2x1x4096xf32> to vector<2x64x4096xf32>
    %mul3A_1906 = vector.broadcast %broadcast_in_dim3A_1898 : vector<2x64x1xf32> to vector<2x64x4096xf32>
    %mul3A_1907 = arith.mulf %mul3A_1905, %mul3A_1906 : vector<2x64x4096xf32>
    %add3A_1908 = arith.addf %get3A_1904, %mul3A_1907 : vector<2x64x4096xf32>
    %swap3A_1909 = arith.constant 3 : index
    %swap3A_1910 = arith.constant 0 : index
    %swap3A_1911 = arith.constant 0 : index
    %swap3A_1912 = arith.constant 0 : index
    %swap3A_1913 = vector.load %arg5[%swap3A_1909, %swap3A_1910, %swap3A_1911, %swap3A_1912] : memref<7x2x64x4096xf32, #tpu.memory_space<vmem>>, vector<1x2x64x4096xf32>
    %swap3A_1914 = vector.shape_cast %swap3A_1913 : vector<1x2x64x4096xf32> to vector<2x64x4096xf32>
    %swap3A_1915 = vector.shape_cast %add3A_1908 : vector<2x64x4096xf32> to vector<1x2x64x4096xf32>
    tpu.vector_store %arg5[%swap3A_1909, %swap3A_1910, %swap3A_1911, %swap3A_1912], %swap3A_1915 {strides = array<i32>} : memref<7x2x64x4096xf32, #tpu.memory_space<vmem>>, vector<1x2x64x4096xf32>,
    %dma_start3A_1916 = arith.constant 3 : i32
    %dma_start3A_1917 = arith.constant 3 : i32
    %dma_start3A_1918 = tpu.memref_slice %arg7[%dma_start3A_1917] : memref<7x!tpu.dma_semaphore, #tpu.memory_space<semaphore_mem>> -> memref<1x!tpu.dma_semaphore, #tpu.memory_space<semaphore_mem>>
    %dma_start3A_1919 = tpu.memref_squeeze %dma_start3A_1918 : memref<1x!tpu.dma_semaphore, #tpu.memory_space<semaphore_mem>> -> memref<!tpu.dma_semaphore, #tpu.memory_space<semaphore_mem>>
    %dma_start3A_1920 = arith.constant 48 : i32
    %dma_start3A_1921 = arith.constant 0 : i32
    %dma_start3A_1922 = arith.constant 0 : i32
    %dma_start3A_1923 = tpu.memref_slice %arg3[%dma_start3A_1920, %dma_start3A_1921, %dma_start3A_1922] : memref<112x64x4096xf32, #tpu.memory_space<hbm>> -> memref<2x64x4096xf32, #tpu.memory_space<hbm>>
    %dma_start3A_1924 = arith.constant 0 : i32
    %dma_start3A_1925 = arith.constant 0 : i32
    %dma_start3A_1926 = arith.constant 0 : i32
    %dma_start3A_1927 = tpu.memref_slice %arg5[%dma_start3A_1916, %dma_start3A_1924, %dma_start3A_1925, %dma_start3A_1926] : memref<7x2x64x4096xf32, #tpu.memory_space<vmem>> -> memref<1x2x64x4096xf32, #tpu.memory_space<vmem>>
    %dma_start3A_1928 = tpu.memref_squeeze %dma_start3A_1927 : memref<1x2x64x4096xf32, #tpu.memory_space<vmem>> -> memref<2x64x4096xf32, #tpu.memory_space<vmem>>
    tpu.enqueue_dma source(%dma_start3A_1928 : memref<2x64x4096xf32, #tpu.memory_space<vmem>>) target(%dma_start3A_1923 : memref<2x64x4096xf32, #tpu.memory_space<hbm>>) target_semaphore(%dma_start3A_1919 : memref<!tpu.dma_semaphore, #tpu.memory_space<semaphore_mem>>)
    %dma_start3A_1929 = arith.constant 3 : i32
    %dma_start3A_1930 = arith.constant 3 : i32
    %dma_start3A_1931 = tpu.memref_slice %arg6[%dma_start3A_1930] : memref<7x!tpu.dma_semaphore, #tpu.memory_space<semaphore_mem>> -> memref<1x!tpu.dma_semaphore, #tpu.memory_space<semaphore_mem>>
    %dma_start3A_1932 = tpu.memref_squeeze %dma_start3A_1931 : memref<1x!tpu.dma_semaphore, #tpu.memory_space<semaphore_mem>> -> memref<!tpu.dma_semaphore, #tpu.memory_space<semaphore_mem>>
    %dma_start3A_1933 = arith.constant 0 : i32
    %dma_start3A_1934 = arith.constant 0 : i32
    %dma_start3A_1935 = arith.constant 0 : i32
    %dma_start3A_1936 = tpu.memref_slice %arg4[%dma_start3A_1929, %dma_start3A_1933, %dma_start3A_1934, %dma_start3A_1935] : memref<7x2x64x4096xf32, #tpu.memory_space<vmem>> -> memref<1x2x64x4096xf32, #tpu.memory_space<vmem>>
    %dma_start3A_1937 = tpu.memref_squeeze %dma_start3A_1936 : memref<1x2x64x4096xf32, #tpu.memory_space<vmem>> -> memref<2x64x4096xf32, #tpu.memory_space<vmem>>
    %dma_start3A_1938 = arith.constant 62 : i32
    %dma_start3A_1939 = arith.constant 0 : i32
    %dma_start3A_1940 = arith.constant 0 : i32
    %dma_start3A_1941 = tpu.memref_slice %arg0[%dma_start3A_1938, %dma_start3A_1939, %dma_start3A_1940] : memref<128x64x4096xf32, #tpu.memory_space<hbm>> -> memref<2x64x4096xf32, #tpu.memory_space<hbm>>
    tpu.enqueue_dma source(%dma_start3A_1941 : memref<2x64x4096xf32, #tpu.memory_space<hbm>>) target(%dma_start3A_1937 : memref<2x64x4096xf32, #tpu.memory_space<vmem>>) target_semaphore(%dma_start3A_1932 : memref<!tpu.dma_semaphore, #tpu.memory_space<semaphore_mem>>)
    %dma_wait3A_1942 = arith.constant 4 : i32
    %dma_wait3A_1943 = arith.constant 4 : i32
    %dma_wait3A_1944 = tpu.memref_slice %arg6[%dma_wait3A_1943] : memref<7x!tpu.dma_semaphore, #tpu.memory_space<semaphore_mem>> -> memref<1x!tpu.dma_semaphore, #tpu.memory_space<semaphore_mem>>
    %dma_wait3A_1945 = tpu.memref_squeeze %dma_wait3A_1944 : memref<1x!tpu.dma_semaphore, #tpu.memory_space<semaphore_mem>> -> memref<!tpu.dma_semaphore, #tpu.memory_space<semaphore_mem>>
    %dma_wait3A_1946 = arith.constant 0 : i32
    %dma_wait3A_1947 = arith.constant 0 : i32
    %dma_wait3A_1948 = arith.constant 0 : i32
    %dma_wait3A_1949 = tpu.memref_slice %arg4[%dma_wait3A_1942, %dma_wait3A_1946, %dma_wait3A_1947, %dma_wait3A_1948] : memref<7x2x64x4096xf32, #tpu.memory_space<vmem>> -> memref<1x2x64x4096xf32, #tpu.memory_space<vmem>>
    %dma_wait3A_1950 = tpu.memref_squeeze %dma_wait3A_1949 : memref<1x2x64x4096xf32, #tpu.memory_space<vmem>> -> memref<2x64x4096xf32, #tpu.memory_space<vmem>>
    %dma_wait3A_1951 = arith.constant 50 : i32
    %dma_wait3A_1952 = arith.constant 0 : i32
    %dma_wait3A_1953 = arith.constant 0 : i32
    %dma_wait3A_1954 = tpu.memref_slice %arg0[%dma_wait3A_1951, %dma_wait3A_1952, %dma_wait3A_1953] : memref<128x64x4096xf32, #tpu.memory_space<hbm>> -> memref<2x64x4096xf32, #tpu.memory_space<hbm>>
    tpu.wait_dma2 semaphore(%dma_wait3A_1945 : memref<!tpu.dma_semaphore, #tpu.memory_space<semaphore_mem>>) src(%dma_wait3A_1954 : memref<2x64x4096xf32, #tpu.memory_space<hbm>>) dst(%dma_wait3A_1950 : memref<2x64x4096xf32, #tpu.memory_space<vmem>>)
    %dma_wait3A_1955 = arith.constant 4 : i32
    %dma_wait3A_1956 = arith.constant 4 : i32
    %dma_wait3A_1957 = tpu.memref_slice %arg7[%dma_wait3A_1956] : memref<7x!tpu.dma_semaphore, #tpu.memory_space<semaphore_mem>> -> memref<1x!tpu.dma_semaphore, #tpu.memory_space<semaphore_mem>>
    %dma_wait3A_1958 = tpu.memref_squeeze %dma_wait3A_1957 : memref<1x!tpu.dma_semaphore, #tpu.memory_space<semaphore_mem>> -> memref<!tpu.dma_semaphore, #tpu.memory_space<semaphore_mem>>
    %dma_wait3A_1959 = arith.constant 36 : i32
    %dma_wait3A_1960 = arith.constant 0 : i32
    %dma_wait3A_1961 = arith.constant 0 : i32
    %dma_wait3A_1962 = tpu.memref_slice %arg3[%dma_wait3A_1959, %dma_wait3A_1960, %dma_wait3A_1961] : memref<112x64x4096xf32, #tpu.memory_space<hbm>> -> memref<2x64x4096xf32, #tpu.memory_space<hbm>>
    %dma_wait3A_1963 = arith.constant 0 : i32
    %dma_wait3A_1964 = arith.constant 0 : i32
    %dma_wait3A_1965 = arith.constant 0 : i32
    %dma_wait3A_1966 = tpu.memref_slice %arg5[%dma_wait3A_1955, %dma_wait3A_1963, %dma_wait3A_1964, %dma_wait3A_1965] : memref<7x2x64x4096xf32, #tpu.memory_space<vmem>> -> memref<1x2x64x4096xf32, #tpu.memory_space<vmem>>
    %dma_wait3A_1967 = tpu.memref_squeeze %dma_wait3A_1966 : memref<1x2x64x4096xf32, #tpu.memory_space<vmem>> -> memref<2x64x4096xf32, #tpu.memory_space<vmem>>
    tpu.wait_dma2 semaphore(%dma_wait3A_1958 : memref<!tpu.dma_semaphore, #tpu.memory_space<semaphore_mem>>) src(%dma_wait3A_1967 : memref<2x64x4096xf32, #tpu.memory_space<vmem>>) dst(%dma_wait3A_1962 : memref<2x64x4096xf32, #tpu.memory_space<hbm>>)
    %get3A_1968 = arith.constant 50 : index
    %get3A_1969 = arith.constant 0 : index
    %get3A_1970 = vector.load %arg1[%get3A_1968, %get3A_1969] : memref<128x4096xf32, #tpu.memory_space<vmem>>, vector<2x4096xf32>
    %broadcast_in_dim3A_1971 = vector.shape_cast %get3A_1970 : vector<2x4096xf32> to vector<2x1x4096xf32>
    %get3A_1972 = arith.constant 0 : index
    %get3A_1973 = arith.constant 50 : index
    %get3A_1974 = vector.load %arg2[%get3A_1972, %get3A_1973] : memref<64x128xf32, #tpu.memory_space<vmem>>, vector<64x2xf32>
    %transpose3A_1975 = tpu.transpose %get3A_1974, [1, 0] : vector<64x2xf32> -> vector<2x64xf32>
    %broadcast_in_dim3A_1976 = vector.shape_cast %transpose3A_1975 : vector<2x64xf32> to vector<2x64x1xf32>
    %get3A_1977 = arith.constant 4 : index
    %get3A_1978 = arith.constant 0 : index
    %get3A_1979 = arith.constant 0 : index
    %get3A_1980 = arith.constant 0 : index
    %get3A_1981 = vector.load %arg4[%get3A_1977, %get3A_1978, %get3A_1979, %get3A_1980] : memref<7x2x64x4096xf32, #tpu.memory_space<vmem>>, vector<1x2x64x4096xf32>
    %get3A_1982 = vector.shape_cast %get3A_1981 : vector<1x2x64x4096xf32> to vector<2x64x4096xf32>
    %mul3A_1983 = vector.broadcast %broadcast_in_dim3A_1971 : vector<2x1x4096xf32> to vector<2x64x4096xf32>
    %mul3A_1984 = vector.broadcast %broadcast_in_dim3A_1976 : vector<2x64x1xf32> to vector<2x64x4096xf32>
    %mul3A_1985 = arith.mulf %mul3A_1983, %mul3A_1984 : vector<2x64x4096xf32>
    %add3A_1986 = arith.addf %get3A_1982, %mul3A_1985 : vector<2x64x4096xf32>
    %swap3A_1987 = arith.constant 4 : index
    %swap3A_1988 = arith.constant 0 : index
    %swap3A_1989 = arith.constant 0 : index
    %swap3A_1990 = arith.constant 0 : index
    %swap3A_1991 = vector.load %arg5[%swap3A_1987, %swap3A_1988, %swap3A_1989, %swap3A_1990] : memref<7x2x64x4096xf32, #tpu.memory_space<vmem>>, vector<1x2x64x4096xf32>
    %swap3A_1992 = vector.shape_cast %swap3A_1991 : vector<1x2x64x4096xf32> to vector<2x64x4096xf32>
    %swap3A_1993 = vector.shape_cast %add3A_1986 : vector<2x64x4096xf32> to vector<1x2x64x4096xf32>
    tpu.vector_store %arg5[%swap3A_1987, %swap3A_1988, %swap3A_1989, %swap3A_1990], %swap3A_1993 {strides = array<i32>} : memref<7x2x64x4096xf32, #tpu.memory_space<vmem>>, vector<1x2x64x4096xf32>,
    %dma_start3A_1994 = arith.constant 4 : i32
    %dma_start3A_1995 = arith.constant 4 : i32
    %dma_start3A_1996 = tpu.memref_slice %arg7[%dma_start3A_1995] : memref<7x!tpu.dma_semaphore, #tpu.memory_space<semaphore_mem>> -> memref<1x!tpu.dma_semaphore, #tpu.memory_space<semaphore_mem>>
    %dma_start3A_1997 = tpu.memref_squeeze %dma_start3A_1996 : memref<1x!tpu.dma_semaphore, #tpu.memory_space<semaphore_mem>> -> memref<!tpu.dma_semaphore, #tpu.memory_space<semaphore_mem>>
    %dma_start3A_1998 = arith.constant 50 : i32
    %dma_start3A_1999 = arith.constant 0 : i32
    %dma_start3A_2000 = arith.constant 0 : i32
    %dma_start3A_2001 = tpu.memref_slice %arg3[%dma_start3A_1998, %dma_start3A_1999, %dma_start3A_2000] : memref<112x64x4096xf32, #tpu.memory_space<hbm>> -> memref<2x64x4096xf32, #tpu.memory_space<hbm>>
    %dma_start3A_2002 = arith.constant 0 : i32
    %dma_start3A_2003 = arith.constant 0 : i32
    %dma_start3A_2004 = arith.constant 0 : i32
    %dma_start3A_2005 = tpu.memref_slice %arg5[%dma_start3A_1994, %dma_start3A_2002, %dma_start3A_2003, %dma_start3A_2004] : memref<7x2x64x4096xf32, #tpu.memory_space<vmem>> -> memref<1x2x64x4096xf32, #tpu.memory_space<vmem>>
    %dma_start3A_2006 = tpu.memref_squeeze %dma_start3A_2005 : memref<1x2x64x4096xf32, #tpu.memory_space<vmem>> -> memref<2x64x4096xf32, #tpu.memory_space<vmem>>
    tpu.enqueue_dma source(%dma_start3A_2006 : memref<2x64x4096xf32, #tpu.memory_space<vmem>>) target(%dma_start3A_2001 : memref<2x64x4096xf32, #tpu.memory_space<hbm>>) target_semaphore(%dma_start3A_1997 : memref<!tpu.dma_semaphore, #tpu.memory_space<semaphore_mem>>)
    %dma_start3A_2007 = arith.constant 4 : i32
    %dma_start3A_2008 = arith.constant 4 : i32
    %dma_start3A_2009 = tpu.memref_slice %arg6[%dma_start3A_2008] : memref<7x!tpu.dma_semaphore, #tpu.memory_space<semaphore_mem>> -> memref<1x!tpu.dma_semaphore, #tpu.memory_space<semaphore_mem>>
    %dma_start3A_2010 = tpu.memref_squeeze %dma_start3A_2009 : memref<1x!tpu.dma_semaphore, #tpu.memory_space<semaphore_mem>> -> memref<!tpu.dma_semaphore, #tpu.memory_space<semaphore_mem>>
    %dma_start3A_2011 = arith.constant 0 : i32
    %dma_start3A_2012 = arith.constant 0 : i32
    %dma_start3A_2013 = arith.constant 0 : i32
    %dma_start3A_2014 = tpu.memref_slice %arg4[%dma_start3A_2007, %dma_start3A_2011, %dma_start3A_2012, %dma_start3A_2013] : memref<7x2x64x4096xf32, #tpu.memory_space<vmem>> -> memref<1x2x64x4096xf32, #tpu.memory_space<vmem>>
    %dma_start3A_2015 = tpu.memref_squeeze %dma_start3A_2014 : memref<1x2x64x4096xf32, #tpu.memory_space<vmem>> -> memref<2x64x4096xf32, #tpu.memory_space<vmem>>
    %dma_start3A_2016 = arith.constant 64 : i32
    %dma_start3A_2017 = arith.constant 0 : i32
    %dma_start3A_2018 = arith.constant 0 : i32
    %dma_start3A_2019 = tpu.memref_slice %arg0[%dma_start3A_2016, %dma_start3A_2017, %dma_start3A_2018] : memref<128x64x4096xf32, #tpu.memory_space<hbm>> -> memref<2x64x4096xf32, #tpu.memory_space<hbm>>
    tpu.enqueue_dma source(%dma_start3A_2019 : memref<2x64x4096xf32, #tpu.memory_space<hbm>>) target(%dma_start3A_2015 : memref<2x64x4096xf32, #tpu.memory_space<vmem>>) target_semaphore(%dma_start3A_2010 : memref<!tpu.dma_semaphore, #tpu.memory_space<semaphore_mem>>)
    %dma_wait3A_2020 = arith.constant 5 : i32
    %dma_wait3A_2021 = arith.constant 5 : i32
    %dma_wait3A_2022 = tpu.memref_slice %arg6[%dma_wait3A_2021] : memref<7x!tpu.dma_semaphore, #tpu.memory_space<semaphore_mem>> -> memref<1x!tpu.dma_semaphore, #tpu.memory_space<semaphore_mem>>
    %dma_wait3A_2023 = tpu.memref_squeeze %dma_wait3A_2022 : memref<1x!tpu.dma_semaphore, #tpu.memory_space<semaphore_mem>> -> memref<!tpu.dma_semaphore, #tpu.memory_space<semaphore_mem>>
    %dma_wait3A_2024 = arith.constant 0 : i32
    %dma_wait3A_2025 = arith.constant 0 : i32
    %dma_wait3A_2026 = arith.constant 0 : i32
    %dma_wait3A_2027 = tpu.memref_slice %arg4[%dma_wait3A_2020, %dma_wait3A_2024, %dma_wait3A_2025, %dma_wait3A_2026] : memref<7x2x64x4096xf32, #tpu.memory_space<vmem>> -> memref<1x2x64x4096xf32, #tpu.memory_space<vmem>>
    %dma_wait3A_2028 = tpu.memref_squeeze %dma_wait3A_2027 : memref<1x2x64x4096xf32, #tpu.memory_space<vmem>> -> memref<2x64x4096xf32, #tpu.memory_space<vmem>>
    %dma_wait3A_2029 = arith.constant 52 : i32
    %dma_wait3A_2030 = arith.constant 0 : i32
    %dma_wait3A_2031 = arith.constant 0 : i32
    %dma_wait3A_2032 = tpu.memref_slice %arg0[%dma_wait3A_2029, %dma_wait3A_2030, %dma_wait3A_2031] : memref<128x64x4096xf32, #tpu.memory_space<hbm>> -> memref<2x64x4096xf32, #tpu.memory_space<hbm>>
    tpu.wait_dma2 semaphore(%dma_wait3A_2023 : memref<!tpu.dma_semaphore, #tpu.memory_space<semaphore_mem>>) src(%dma_wait3A_2032 : memref<2x64x4096xf32, #tpu.memory_space<hbm>>) dst(%dma_wait3A_2028 : memref<2x64x4096xf32, #tpu.memory_space<vmem>>)
    %dma_wait3A_2033 = arith.constant 5 : i32
    %dma_wait3A_2034 = arith.constant 5 : i32
    %dma_wait3A_2035 = tpu.memref_slice %arg7[%dma_wait3A_2034] : memref<7x!tpu.dma_semaphore, #tpu.memory_space<semaphore_mem>> -> memref<1x!tpu.dma_semaphore, #tpu.memory_space<semaphore_mem>>
    %dma_wait3A_2036 = tpu.memref_squeeze %dma_wait3A_2035 : memref<1x!tpu.dma_semaphore, #tpu.memory_space<semaphore_mem>> -> memref<!tpu.dma_semaphore, #tpu.memory_space<semaphore_mem>>
    %dma_wait3A_2037 = arith.constant 38 : i32
    %dma_wait3A_2038 = arith.constant 0 : i32
    %dma_wait3A_2039 = arith.constant 0 : i32
    %dma_wait3A_2040 = tpu.memref_slice %arg3[%dma_wait3A_2037, %dma_wait3A_2038, %dma_wait3A_2039] : memref<112x64x4096xf32, #tpu.memory_space<hbm>> -> memref<2x64x4096xf32, #tpu.memory_space<hbm>>
    %dma_wait3A_2041 = arith.constant 0 : i32
    %dma_wait3A_2042 = arith.constant 0 : i32
    %dma_wait3A_2043 = arith.constant 0 : i32
    %dma_wait3A_2044 = tpu.memref_slice %arg5[%dma_wait3A_2033, %dma_wait3A_2041, %dma_wait3A_2042, %dma_wait3A_2043] : memref<7x2x64x4096xf32, #tpu.memory_space<vmem>> -> memref<1x2x64x4096xf32, #tpu.memory_space<vmem>>
    %dma_wait3A_2045 = tpu.memref_squeeze %dma_wait3A_2044 : memref<1x2x64x4096xf32, #tpu.memory_space<vmem>> -> memref<2x64x4096xf32, #tpu.memory_space<vmem>>
    tpu.wait_dma2 semaphore(%dma_wait3A_2036 : memref<!tpu.dma_semaphore, #tpu.memory_space<semaphore_mem>>) src(%dma_wait3A_2045 : memref<2x64x4096xf32, #tpu.memory_space<vmem>>) dst(%dma_wait3A_2040 : memref<2x64x4096xf32, #tpu.memory_space<hbm>>)
    %get3A_2046 = arith.constant 52 : index
    %get3A_2047 = arith.constant 0 : index
    %get3A_2048 = vector.load %arg1[%get3A_2046, %get3A_2047] : memref<128x4096xf32, #tpu.memory_space<vmem>>, vector<2x4096xf32>
    %broadcast_in_dim3A_2049 = vector.shape_cast %get3A_2048 : vector<2x4096xf32> to vector<2x1x4096xf32>
    %get3A_2050 = arith.constant 0 : index
    %get3A_2051 = arith.constant 52 : index
    %get3A_2052 = vector.load %arg2[%get3A_2050, %get3A_2051] : memref<64x128xf32, #tpu.memory_space<vmem>>, vector<64x2xf32>
    %transpose3A_2053 = tpu.transpose %get3A_2052, [1, 0] : vector<64x2xf32> -> vector<2x64xf32>
    %broadcast_in_dim3A_2054 = vector.shape_cast %transpose3A_2053 : vector<2x64xf32> to vector<2x64x1xf32>
    %get3A_2055 = arith.constant 5 : index
    %get3A_2056 = arith.constant 0 : index
    %get3A_2057 = arith.constant 0 : index
    %get3A_2058 = arith.constant 0 : index
    %get3A_2059 = vector.load %arg4[%get3A_2055, %get3A_2056, %get3A_2057, %get3A_2058] : memref<7x2x64x4096xf32, #tpu.memory_space<vmem>>, vector<1x2x64x4096xf32>
    %get3A_2060 = vector.shape_cast %get3A_2059 : vector<1x2x64x4096xf32> to vector<2x64x4096xf32>
    %mul3A_2061 = vector.broadcast %broadcast_in_dim3A_2049 : vector<2x1x4096xf32> to vector<2x64x4096xf32>
    %mul3A_2062 = vector.broadcast %broadcast_in_dim3A_2054 : vector<2x64x1xf32> to vector<2x64x4096xf32>
    %mul3A_2063 = arith.mulf %mul3A_2061, %mul3A_2062 : vector<2x64x4096xf32>
    %add3A_2064 = arith.addf %get3A_2060, %mul3A_2063 : vector<2x64x4096xf32>
    %swap3A_2065 = arith.constant 5 : index
    %swap3A_2066 = arith.constant 0 : index
    %swap3A_2067 = arith.constant 0 : index
    %swap3A_2068 = arith.constant 0 : index
    %swap3A_2069 = vector.load %arg5[%swap3A_2065, %swap3A_2066, %swap3A_2067, %swap3A_2068] : memref<7x2x64x4096xf32, #tpu.memory_space<vmem>>, vector<1x2x64x4096xf32>
    %swap3A_2070 = vector.shape_cast %swap3A_2069 : vector<1x2x64x4096xf32> to vector<2x64x4096xf32>
    %swap3A_2071 = vector.shape_cast %add3A_2064 : vector<2x64x4096xf32> to vector<1x2x64x4096xf32>
    tpu.vector_store %arg5[%swap3A_2065, %swap3A_2066, %swap3A_2067, %swap3A_2068], %swap3A_2071 {strides = array<i32>} : memref<7x2x64x4096xf32, #tpu.memory_space<vmem>>, vector<1x2x64x4096xf32>,
    %dma_start3A_2072 = arith.constant 5 : i32
    %dma_start3A_2073 = arith.constant 5 : i32
    %dma_start3A_2074 = tpu.memref_slice %arg7[%dma_start3A_2073] : memref<7x!tpu.dma_semaphore, #tpu.memory_space<semaphore_mem>> -> memref<1x!tpu.dma_semaphore, #tpu.memory_space<semaphore_mem>>
    %dma_start3A_2075 = tpu.memref_squeeze %dma_start3A_2074 : memref<1x!tpu.dma_semaphore, #tpu.memory_space<semaphore_mem>> -> memref<!tpu.dma_semaphore, #tpu.memory_space<semaphore_mem>>
    %dma_start3A_2076 = arith.constant 52 : i32
    %dma_start3A_2077 = arith.constant 0 : i32
    %dma_start3A_2078 = arith.constant 0 : i32
    %dma_start3A_2079 = tpu.memref_slice %arg3[%dma_start3A_2076, %dma_start3A_2077, %dma_start3A_2078] : memref<112x64x4096xf32, #tpu.memory_space<hbm>> -> memref<2x64x4096xf32, #tpu.memory_space<hbm>>
    %dma_start3A_2080 = arith.constant 0 : i32
    %dma_start3A_2081 = arith.constant 0 : i32
    %dma_start3A_2082 = arith.constant 0 : i32
    %dma_start3A_2083 = tpu.memref_slice %arg5[%dma_start3A_2072, %dma_start3A_2080, %dma_start3A_2081, %dma_start3A_2082] : memref<7x2x64x4096xf32, #tpu.memory_space<vmem>> -> memref<1x2x64x4096xf32, #tpu.memory_space<vmem>>
    %dma_start3A_2084 = tpu.memref_squeeze %dma_start3A_2083 : memref<1x2x64x4096xf32, #tpu.memory_space<vmem>> -> memref<2x64x4096xf32, #tpu.memory_space<vmem>>
    tpu.enqueue_dma source(%dma_start3A_2084 : memref<2x64x4096xf32, #tpu.memory_space<vmem>>) target(%dma_start3A_2079 : memref<2x64x4096xf32, #tpu.memory_space<hbm>>) target_semaphore(%dma_start3A_2075 : memref<!tpu.dma_semaphore, #tpu.memory_space<semaphore_mem>>)
    %dma_start3A_2085 = arith.constant 5 : i32
    %dma_start3A_2086 = arith.constant 5 : i32
    %dma_start3A_2087 = tpu.memref_slice %arg6[%dma_start3A_2086] : memref<7x!tpu.dma_semaphore, #tpu.memory_space<semaphore_mem>> -> memref<1x!tpu.dma_semaphore, #tpu.memory_space<semaphore_mem>>
    %dma_start3A_2088 = tpu.memref_squeeze %dma_start3A_2087 : memref<1x!tpu.dma_semaphore, #tpu.memory_space<semaphore_mem>> -> memref<!tpu.dma_semaphore, #tpu.memory_space<semaphore_mem>>
    %dma_start3A_2089 = arith.constant 0 : i32
    %dma_start3A_2090 = arith.constant 0 : i32
    %dma_start3A_2091 = arith.constant 0 : i32
    %dma_start3A_2092 = tpu.memref_slice %arg4[%dma_start3A_2085, %dma_start3A_2089, %dma_start3A_2090, %dma_start3A_2091] : memref<7x2x64x4096xf32, #tpu.memory_space<vmem>> -> memref<1x2x64x4096xf32, #tpu.memory_space<vmem>>
    %dma_start3A_2093 = tpu.memref_squeeze %dma_start3A_2092 : memref<1x2x64x4096xf32, #tpu.memory_space<vmem>> -> memref<2x64x4096xf32, #tpu.memory_space<vmem>>
    %dma_start3A_2094 = arith.constant 66 : i32
    %dma_start3A_2095 = arith.constant 0 : i32
    %dma_start3A_2096 = arith.constant 0 : i32
    %dma_start3A_2097 = tpu.memref_slice %arg0[%dma_start3A_2094, %dma_start3A_2095, %dma_start3A_2096] : memref<128x64x4096xf32, #tpu.memory_space<hbm>> -> memref<2x64x4096xf32, #tpu.memory_space<hbm>>
    tpu.enqueue_dma source(%dma_start3A_2097 : memref<2x64x4096xf32, #tpu.memory_space<hbm>>) target(%dma_start3A_2093 : memref<2x64x4096xf32, #tpu.memory_space<vmem>>) target_semaphore(%dma_start3A_2088 : memref<!tpu.dma_semaphore, #tpu.memory_space<semaphore_mem>>)
    %dma_wait3A_2098 = arith.constant 6 : i32
    %dma_wait3A_2099 = arith.constant 6 : i32
    %dma_wait3A_2100 = tpu.memref_slice %arg6[%dma_wait3A_2099] : memref<7x!tpu.dma_semaphore, #tpu.memory_space<semaphore_mem>> -> memref<1x!tpu.dma_semaphore, #tpu.memory_space<semaphore_mem>>
    %dma_wait3A_2101 = tpu.memref_squeeze %dma_wait3A_2100 : memref<1x!tpu.dma_semaphore, #tpu.memory_space<semaphore_mem>> -> memref<!tpu.dma_semaphore, #tpu.memory_space<semaphore_mem>>
    %dma_wait3A_2102 = arith.constant 0 : i32
    %dma_wait3A_2103 = arith.constant 0 : i32
    %dma_wait3A_2104 = arith.constant 0 : i32
    %dma_wait3A_2105 = tpu.memref_slice %arg4[%dma_wait3A_2098, %dma_wait3A_2102, %dma_wait3A_2103, %dma_wait3A_2104] : memref<7x2x64x4096xf32, #tpu.memory_space<vmem>> -> memref<1x2x64x4096xf32, #tpu.memory_space<vmem>>
    %dma_wait3A_2106 = tpu.memref_squeeze %dma_wait3A_2105 : memref<1x2x64x4096xf32, #tpu.memory_space<vmem>> -> memref<2x64x4096xf32, #tpu.memory_space<vmem>>
    %dma_wait3A_2107 = arith.constant 54 : i32
    %dma_wait3A_2108 = arith.constant 0 : i32
    %dma_wait3A_2109 = arith.constant 0 : i32
    %dma_wait3A_2110 = tpu.memref_slice %arg0[%dma_wait3A_2107, %dma_wait3A_2108, %dma_wait3A_2109] : memref<128x64x4096xf32, #tpu.memory_space<hbm>> -> memref<2x64x4096xf32, #tpu.memory_space<hbm>>
    tpu.wait_dma2 semaphore(%dma_wait3A_2101 : memref<!tpu.dma_semaphore, #tpu.memory_space<semaphore_mem>>) src(%dma_wait3A_2110 : memref<2x64x4096xf32, #tpu.memory_space<hbm>>) dst(%dma_wait3A_2106 : memref<2x64x4096xf32, #tpu.memory_space<vmem>>)
    %dma_wait3A_2111 = arith.constant 6 : i32
    %dma_wait3A_2112 = arith.constant 6 : i32
    %dma_wait3A_2113 = tpu.memref_slice %arg7[%dma_wait3A_2112] : memref<7x!tpu.dma_semaphore, #tpu.memory_space<semaphore_mem>> -> memref<1x!tpu.dma_semaphore, #tpu.memory_space<semaphore_mem>>
    %dma_wait3A_2114 = tpu.memref_squeeze %dma_wait3A_2113 : memref<1x!tpu.dma_semaphore, #tpu.memory_space<semaphore_mem>> -> memref<!tpu.dma_semaphore, #tpu.memory_space<semaphore_mem>>
    %dma_wait3A_2115 = arith.constant 40 : i32
    %dma_wait3A_2116 = arith.constant 0 : i32
    %dma_wait3A_2117 = arith.constant 0 : i32
    %dma_wait3A_2118 = tpu.memref_slice %arg3[%dma_wait3A_2115, %dma_wait3A_2116, %dma_wait3A_2117] : memref<112x64x4096xf32, #tpu.memory_space<hbm>> -> memref<2x64x4096xf32, #tpu.memory_space<hbm>>
    %dma_wait3A_2119 = arith.constant 0 : i32
    %dma_wait3A_2120 = arith.constant 0 : i32
    %dma_wait3A_2121 = arith.constant 0 : i32
    %dma_wait3A_2122 = tpu.memref_slice %arg5[%dma_wait3A_2111, %dma_wait3A_2119, %dma_wait3A_2120, %dma_wait3A_2121] : memref<7x2x64x4096xf32, #tpu.memory_space<vmem>> -> memref<1x2x64x4096xf32, #tpu.memory_space<vmem>>
    %dma_wait3A_2123 = tpu.memref_squeeze %dma_wait3A_2122 : memref<1x2x64x4096xf32, #tpu.memory_space<vmem>> -> memref<2x64x4096xf32, #tpu.memory_space<vmem>>
    tpu.wait_dma2 semaphore(%dma_wait3A_2114 : memref<!tpu.dma_semaphore, #tpu.memory_space<semaphore_mem>>) src(%dma_wait3A_2123 : memref<2x64x4096xf32, #tpu.memory_space<vmem>>) dst(%dma_wait3A_2118 : memref<2x64x4096xf32, #tpu.memory_space<hbm>>)
    %get3A_2124 = arith.constant 54 : index
    %get3A_2125 = arith.constant 0 : index
    %get3A_2126 = vector.load %arg1[%get3A_2124, %get3A_2125] : memref<128x4096xf32, #tpu.memory_space<vmem>>, vector<2x4096xf32>
    %broadcast_in_dim3A_2127 = vector.shape_cast %get3A_2126 : vector<2x4096xf32> to vector<2x1x4096xf32>
    %get3A_2128 = arith.constant 0 : index
    %get3A_2129 = arith.constant 54 : index
    %get3A_2130 = vector.load %arg2[%get3A_2128, %get3A_2129] : memref<64x128xf32, #tpu.memory_space<vmem>>, vector<64x2xf32>
    %transpose3A_2131 = tpu.transpose %get3A_2130, [1, 0] : vector<64x2xf32> -> vector<2x64xf32>
    %broadcast_in_dim3A_2132 = vector.shape_cast %transpose3A_2131 : vector<2x64xf32> to vector<2x64x1xf32>
    %get3A_2133 = arith.constant 6 : index
    %get3A_2134 = arith.constant 0 : index
    %get3A_2135 = arith.constant 0 : index
    %get3A_2136 = arith.constant 0 : index
    %get3A_2137 = vector.load %arg4[%get3A_2133, %get3A_2134, %get3A_2135, %get3A_2136] : memref<7x2x64x4096xf32, #tpu.memory_space<vmem>>, vector<1x2x64x4096xf32>
    %get3A_2138 = vector.shape_cast %get3A_2137 : vector<1x2x64x4096xf32> to vector<2x64x4096xf32>
    %mul3A_2139 = vector.broadcast %broadcast_in_dim3A_2127 : vector<2x1x4096xf32> to vector<2x64x4096xf32>
    %mul3A_2140 = vector.broadcast %broadcast_in_dim3A_2132 : vector<2x64x1xf32> to vector<2x64x4096xf32>
    %mul3A_2141 = arith.mulf %mul3A_2139, %mul3A_2140 : vector<2x64x4096xf32>
    %add3A_2142 = arith.addf %get3A_2138, %mul3A_2141 : vector<2x64x4096xf32>
    %swap3A_2143 = arith.constant 6 : index
    %swap3A_2144 = arith.constant 0 : index
    %swap3A_2145 = arith.constant 0 : index
    %swap3A_2146 = arith.constant 0 : index
    %swap3A_2147 = vector.load %arg5[%swap3A_2143, %swap3A_2144, %swap3A_2145, %swap3A_2146] : memref<7x2x64x4096xf32, #tpu.memory_space<vmem>>, vector<1x2x64x4096xf32>
    %swap3A_2148 = vector.shape_cast %swap3A_2147 : vector<1x2x64x4096xf32> to vector<2x64x4096xf32>
    %swap3A_2149 = vector.shape_cast %add3A_2142 : vector<2x64x4096xf32> to vector<1x2x64x4096xf32>
    tpu.vector_store %arg5[%swap3A_2143, %swap3A_2144, %swap3A_2145, %swap3A_2146], %swap3A_2149 {strides = array<i32>} : memref<7x2x64x4096xf32, #tpu.memory_space<vmem>>, vector<1x2x64x4096xf32>,
    %dma_start3A_2150 = arith.constant 6 : i32
    %dma_start3A_2151 = arith.constant 6 : i32
    %dma_start3A_2152 = tpu.memref_slice %arg7[%dma_start3A_2151] : memref<7x!tpu.dma_semaphore, #tpu.memory_space<semaphore_mem>> -> memref<1x!tpu.dma_semaphore, #tpu.memory_space<semaphore_mem>>
    %dma_start3A_2153 = tpu.memref_squeeze %dma_start3A_2152 : memref<1x!tpu.dma_semaphore, #tpu.memory_space<semaphore_mem>> -> memref<!tpu.dma_semaphore, #tpu.memory_space<semaphore_mem>>
    %dma_start3A_2154 = arith.constant 54 : i32
    %dma_start3A_2155 = arith.constant 0 : i32
    %dma_start3A_2156 = arith.constant 0 : i32
    %dma_start3A_2157 = tpu.memref_slice %arg3[%dma_start3A_2154, %dma_start3A_2155, %dma_start3A_2156] : memref<112x64x4096xf32, #tpu.memory_space<hbm>> -> memref<2x64x4096xf32, #tpu.memory_space<hbm>>
    %dma_start3A_2158 = arith.constant 0 : i32
    %dma_start3A_2159 = arith.constant 0 : i32
    %dma_start3A_2160 = arith.constant 0 : i32
    %dma_start3A_2161 = tpu.memref_slice %arg5[%dma_start3A_2150, %dma_start3A_2158, %dma_start3A_2159, %dma_start3A_2160] : memref<7x2x64x4096xf32, #tpu.memory_space<vmem>> -> memref<1x2x64x4096xf32, #tpu.memory_space<vmem>>
    %dma_start3A_2162 = tpu.memref_squeeze %dma_start3A_2161 : memref<1x2x64x4096xf32, #tpu.memory_space<vmem>> -> memref<2x64x4096xf32, #tpu.memory_space<vmem>>
    tpu.enqueue_dma source(%dma_start3A_2162 : memref<2x64x4096xf32, #tpu.memory_space<vmem>>) target(%dma_start3A_2157 : memref<2x64x4096xf32, #tpu.memory_space<hbm>>) target_semaphore(%dma_start3A_2153 : memref<!tpu.dma_semaphore, #tpu.memory_space<semaphore_mem>>)
    %dma_start3A_2163 = arith.constant 6 : i32
    %dma_start3A_2164 = arith.constant 6 : i32
    %dma_start3A_2165 = tpu.memref_slice %arg6[%dma_start3A_2164] : memref<7x!tpu.dma_semaphore, #tpu.memory_space<semaphore_mem>> -> memref<1x!tpu.dma_semaphore, #tpu.memory_space<semaphore_mem>>
    %dma_start3A_2166 = tpu.memref_squeeze %dma_start3A_2165 : memref<1x!tpu.dma_semaphore, #tpu.memory_space<semaphore_mem>> -> memref<!tpu.dma_semaphore, #tpu.memory_space<semaphore_mem>>
    %dma_start3A_2167 = arith.constant 0 : i32
    %dma_start3A_2168 = arith.constant 0 : i32
    %dma_start3A_2169 = arith.constant 0 : i32
    %dma_start3A_2170 = tpu.memref_slice %arg4[%dma_start3A_2163, %dma_start3A_2167, %dma_start3A_2168, %dma_start3A_2169] : memref<7x2x64x4096xf32, #tpu.memory_space<vmem>> -> memref<1x2x64x4096xf32, #tpu.memory_space<vmem>>
    %dma_start3A_2171 = tpu.memref_squeeze %dma_start3A_2170 : memref<1x2x64x4096xf32, #tpu.memory_space<vmem>> -> memref<2x64x4096xf32, #tpu.memory_space<vmem>>
    %dma_start3A_2172 = arith.constant 68 : i32
    %dma_start3A_2173 = arith.constant 0 : i32
    %dma_start3A_2174 = arith.constant 0 : i32
    %dma_start3A_2175 = tpu.memref_slice %arg0[%dma_start3A_2172, %dma_start3A_2173, %dma_start3A_2174] : memref<128x64x4096xf32, #tpu.memory_space<hbm>> -> memref<2x64x4096xf32, #tpu.memory_space<hbm>>
    tpu.enqueue_dma source(%dma_start3A_2175 : memref<2x64x4096xf32, #tpu.memory_space<hbm>>) target(%dma_start3A_2171 : memref<2x64x4096xf32, #tpu.memory_space<vmem>>) target_semaphore(%dma_start3A_2166 : memref<!tpu.dma_semaphore, #tpu.memory_space<semaphore_mem>>)
    %dma_wait3A_2176 = arith.constant 0 : i32
    %dma_wait3A_2177 = arith.constant 0 : i32
    %dma_wait3A_2178 = tpu.memref_slice %arg6[%dma_wait3A_2177] : memref<7x!tpu.dma_semaphore, #tpu.memory_space<semaphore_mem>> -> memref<1x!tpu.dma_semaphore, #tpu.memory_space<semaphore_mem>>
    %dma_wait3A_2179 = tpu.memref_squeeze %dma_wait3A_2178 : memref<1x!tpu.dma_semaphore, #tpu.memory_space<semaphore_mem>> -> memref<!tpu.dma_semaphore, #tpu.memory_space<semaphore_mem>>
    %dma_wait3A_2180 = arith.constant 0 : i32
    %dma_wait3A_2181 = arith.constant 0 : i32
    %dma_wait3A_2182 = arith.constant 0 : i32
    %dma_wait3A_2183 = tpu.memref_slice %arg4[%dma_wait3A_2176, %dma_wait3A_2180, %dma_wait3A_2181, %dma_wait3A_2182] : memref<7x2x64x4096xf32, #tpu.memory_space<vmem>> -> memref<1x2x64x4096xf32, #tpu.memory_space<vmem>>
    %dma_wait3A_2184 = tpu.memref_squeeze %dma_wait3A_2183 : memref<1x2x64x4096xf32, #tpu.memory_space<vmem>> -> memref<2x64x4096xf32, #tpu.memory_space<vmem>>
    %dma_wait3A_2185 = arith.constant 56 : i32
    %dma_wait3A_2186 = arith.constant 0 : i32
    %dma_wait3A_2187 = arith.constant 0 : i32
    %dma_wait3A_2188 = tpu.memref_slice %arg0[%dma_wait3A_2185, %dma_wait3A_2186, %dma_wait3A_2187] : memref<128x64x4096xf32, #tpu.memory_space<hbm>> -> memref<2x64x4096xf32, #tpu.memory_space<hbm>>
    tpu.wait_dma2 semaphore(%dma_wait3A_2179 : memref<!tpu.dma_semaphore, #tpu.memory_space<semaphore_mem>>) src(%dma_wait3A_2188 : memref<2x64x4096xf32, #tpu.memory_space<hbm>>) dst(%dma_wait3A_2184 : memref<2x64x4096xf32, #tpu.memory_space<vmem>>)
    %dma_wait3A_2189 = arith.constant 0 : i32
    %dma_wait3A_2190 = arith.constant 0 : i32
    %dma_wait3A_2191 = tpu.memref_slice %arg7[%dma_wait3A_2190] : memref<7x!tpu.dma_semaphore, #tpu.memory_space<semaphore_mem>> -> memref<1x!tpu.dma_semaphore, #tpu.memory_space<semaphore_mem>>
    %dma_wait3A_2192 = tpu.memref_squeeze %dma_wait3A_2191 : memref<1x!tpu.dma_semaphore, #tpu.memory_space<semaphore_mem>> -> memref<!tpu.dma_semaphore, #tpu.memory_space<semaphore_mem>>
    %dma_wait3A_2193 = arith.constant 42 : i32
    %dma_wait3A_2194 = arith.constant 0 : i32
    %dma_wait3A_2195 = arith.constant 0 : i32
    %dma_wait3A_2196 = tpu.memref_slice %arg3[%dma_wait3A_2193, %dma_wait3A_2194, %dma_wait3A_2195] : memref<112x64x4096xf32, #tpu.memory_space<hbm>> -> memref<2x64x4096xf32, #tpu.memory_space<hbm>>
    %dma_wait3A_2197 = arith.constant 0 : i32
    %dma_wait3A_2198 = arith.constant 0 : i32
    %dma_wait3A_2199 = arith.constant 0 : i32
    %dma_wait3A_2200 = tpu.memref_slice %arg5[%dma_wait3A_2189, %dma_wait3A_2197, %dma_wait3A_2198, %dma_wait3A_2199] : memref<7x2x64x4096xf32, #tpu.memory_space<vmem>> -> memref<1x2x64x4096xf32, #tpu.memory_space<vmem>>
    %dma_wait3A_2201 = tpu.memref_squeeze %dma_wait3A_2200 : memref<1x2x64x4096xf32, #tpu.memory_space<vmem>> -> memref<2x64x4096xf32, #tpu.memory_space<vmem>>
    tpu.wait_dma2 semaphore(%dma_wait3A_2192 : memref<!tpu.dma_semaphore, #tpu.memory_space<semaphore_mem>>) src(%dma_wait3A_2201 : memref<2x64x4096xf32, #tpu.memory_space<vmem>>) dst(%dma_wait3A_2196 : memref<2x64x4096xf32, #tpu.memory_space<hbm>>)
    %get3A_2202 = arith.constant 56 : index
    %get3A_2203 = arith.constant 0 : index
    %get3A_2204 = vector.load %arg1[%get3A_2202, %get3A_2203] : memref<128x4096xf32, #tpu.memory_space<vmem>>, vector<2x4096xf32>
    %broadcast_in_dim3A_2205 = vector.shape_cast %get3A_2204 : vector<2x4096xf32> to vector<2x1x4096xf32>
    %get3A_2206 = arith.constant 0 : index
    %get3A_2207 = arith.constant 56 : index
    %get3A_2208 = vector.load %arg2[%get3A_2206, %get3A_2207] : memref<64x128xf32, #tpu.memory_space<vmem>>, vector<64x2xf32>
    %transpose3A_2209 = tpu.transpose %get3A_2208, [1, 0] : vector<64x2xf32> -> vector<2x64xf32>
    %broadcast_in_dim3A_2210 = vector.shape_cast %transpose3A_2209 : vector<2x64xf32> to vector<2x64x1xf32>
    %get3A_2211 = arith.constant 0 : index
    %get3A_2212 = arith.constant 0 : index
    %get3A_2213 = arith.constant 0 : index
    %get3A_2214 = arith.constant 0 : index
    %get3A_2215 = vector.load %arg4[%get3A_2211, %get3A_2212, %get3A_2213, %get3A_2214] : memref<7x2x64x4096xf32, #tpu.memory_space<vmem>>, vector<1x2x64x4096xf32>
    %get3A_2216 = vector.shape_cast %get3A_2215 : vector<1x2x64x4096xf32> to vector<2x64x4096xf32>
    %mul3A_2217 = vector.broadcast %broadcast_in_dim3A_2205 : vector<2x1x4096xf32> to vector<2x64x4096xf32>
    %mul3A_2218 = vector.broadcast %broadcast_in_dim3A_2210 : vector<2x64x1xf32> to vector<2x64x4096xf32>
    %mul3A_2219 = arith.mulf %mul3A_2217, %mul3A_2218 : vector<2x64x4096xf32>
    %add3A_2220 = arith.addf %get3A_2216, %mul3A_2219 : vector<2x64x4096xf32>
    %swap3A_2221 = arith.constant 0 : index
    %swap3A_2222 = arith.constant 0 : index
    %swap3A_2223 = arith.constant 0 : index
    %swap3A_2224 = arith.constant 0 : index
    %swap3A_2225 = vector.load %arg5[%swap3A_2221, %swap3A_2222, %swap3A_2223, %swap3A_2224] : memref<7x2x64x4096xf32, #tpu.memory_space<vmem>>, vector<1x2x64x4096xf32>
    %swap3A_2226 = vector.shape_cast %swap3A_2225 : vector<1x2x64x4096xf32> to vector<2x64x4096xf32>
    %swap3A_2227 = vector.shape_cast %add3A_2220 : vector<2x64x4096xf32> to vector<1x2x64x4096xf32>
    tpu.vector_store %arg5[%swap3A_2221, %swap3A_2222, %swap3A_2223, %swap3A_2224], %swap3A_2227 {strides = array<i32>} : memref<7x2x64x4096xf32, #tpu.memory_space<vmem>>, vector<1x2x64x4096xf32>,
    %dma_start3A_2228 = arith.constant 0 : i32
    %dma_start3A_2229 = arith.constant 0 : i32
    %dma_start3A_2230 = tpu.memref_slice %arg7[%dma_start3A_2229] : memref<7x!tpu.dma_semaphore, #tpu.memory_space<semaphore_mem>> -> memref<1x!tpu.dma_semaphore, #tpu.memory_space<semaphore_mem>>
    %dma_start3A_2231 = tpu.memref_squeeze %dma_start3A_2230 : memref<1x!tpu.dma_semaphore, #tpu.memory_space<semaphore_mem>> -> memref<!tpu.dma_semaphore, #tpu.memory_space<semaphore_mem>>
    %dma_start3A_2232 = arith.constant 56 : i32
    %dma_start3A_2233 = arith.constant 0 : i32
    %dma_start3A_2234 = arith.constant 0 : i32
    %dma_start3A_2235 = tpu.memref_slice %arg3[%dma_start3A_2232, %dma_start3A_2233, %dma_start3A_2234] : memref<112x64x4096xf32, #tpu.memory_space<hbm>> -> memref<2x64x4096xf32, #tpu.memory_space<hbm>>
    %dma_start3A_2236 = arith.constant 0 : i32
    %dma_start3A_2237 = arith.constant 0 : i32
    %dma_start3A_2238 = arith.constant 0 : i32
    %dma_start3A_2239 = tpu.memref_slice %arg5[%dma_start3A_2228, %dma_start3A_2236, %dma_start3A_2237, %dma_start3A_2238] : memref<7x2x64x4096xf32, #tpu.memory_space<vmem>> -> memref<1x2x64x4096xf32, #tpu.memory_space<vmem>>
    %dma_start3A_2240 = tpu.memref_squeeze %dma_start3A_2239 : memref<1x2x64x4096xf32, #tpu.memory_space<vmem>> -> memref<2x64x4096xf32, #tpu.memory_space<vmem>>
    tpu.enqueue_dma source(%dma_start3A_2240 : memref<2x64x4096xf32, #tpu.memory_space<vmem>>) target(%dma_start3A_2235 : memref<2x64x4096xf32, #tpu.memory_space<hbm>>) target_semaphore(%dma_start3A_2231 : memref<!tpu.dma_semaphore, #tpu.memory_space<semaphore_mem>>)
    %dma_start3A_2241 = arith.constant 0 : i32
    %dma_start3A_2242 = arith.constant 0 : i32
    %dma_start3A_2243 = tpu.memref_slice %arg6[%dma_start3A_2242] : memref<7x!tpu.dma_semaphore, #tpu.memory_space<semaphore_mem>> -> memref<1x!tpu.dma_semaphore, #tpu.memory_space<semaphore_mem>>
    %dma_start3A_2244 = tpu.memref_squeeze %dma_start3A_2243 : memref<1x!tpu.dma_semaphore, #tpu.memory_space<semaphore_mem>> -> memref<!tpu.dma_semaphore, #tpu.memory_space<semaphore_mem>>
    %dma_start3A_2245 = arith.constant 0 : i32
    %dma_start3A_2246 = arith.constant 0 : i32
    %dma_start3A_2247 = arith.constant 0 : i32
    %dma_start3A_2248 = tpu.memref_slice %arg4[%dma_start3A_2241, %dma_start3A_2245, %dma_start3A_2246, %dma_start3A_2247] : memref<7x2x64x4096xf32, #tpu.memory_space<vmem>> -> memref<1x2x64x4096xf32, #tpu.memory_space<vmem>>
    %dma_start3A_2249 = tpu.memref_squeeze %dma_start3A_2248 : memref<1x2x64x4096xf32, #tpu.memory_space<vmem>> -> memref<2x64x4096xf32, #tpu.memory_space<vmem>>
    %dma_start3A_2250 = arith.constant 70 : i32
    %dma_start3A_2251 = arith.constant 0 : i32
    %dma_start3A_2252 = arith.constant 0 : i32
    %dma_start3A_2253 = tpu.memref_slice %arg0[%dma_start3A_2250, %dma_start3A_2251, %dma_start3A_2252] : memref<128x64x4096xf32, #tpu.memory_space<hbm>> -> memref<2x64x4096xf32, #tpu.memory_space<hbm>>
    tpu.enqueue_dma source(%dma_start3A_2253 : memref<2x64x4096xf32, #tpu.memory_space<hbm>>) target(%dma_start3A_2249 : memref<2x64x4096xf32, #tpu.memory_space<vmem>>) target_semaphore(%dma_start3A_2244 : memref<!tpu.dma_semaphore, #tpu.memory_space<semaphore_mem>>)
    %dma_wait3A_2254 = arith.constant 1 : i32
    %dma_wait3A_2255 = arith.constant 1 : i32
    %dma_wait3A_2256 = tpu.memref_slice %arg6[%dma_wait3A_2255] : memref<7x!tpu.dma_semaphore, #tpu.memory_space<semaphore_mem>> -> memref<1x!tpu.dma_semaphore, #tpu.memory_space<semaphore_mem>>
    %dma_wait3A_2257 = tpu.memref_squeeze %dma_wait3A_2256 : memref<1x!tpu.dma_semaphore, #tpu.memory_space<semaphore_mem>> -> memref<!tpu.dma_semaphore, #tpu.memory_space<semaphore_mem>>
    %dma_wait3A_2258 = arith.constant 0 : i32
    %dma_wait3A_2259 = arith.constant 0 : i32
    %dma_wait3A_2260 = arith.constant 0 : i32
    %dma_wait3A_2261 = tpu.memref_slice %arg4[%dma_wait3A_2254, %dma_wait3A_2258, %dma_wait3A_2259, %dma_wait3A_2260] : memref<7x2x64x4096xf32, #tpu.memory_space<vmem>> -> memref<1x2x64x4096xf32, #tpu.memory_space<vmem>>
    %dma_wait3A_2262 = tpu.memref_squeeze %dma_wait3A_2261 : memref<1x2x64x4096xf32, #tpu.memory_space<vmem>> -> memref<2x64x4096xf32, #tpu.memory_space<vmem>>
    %dma_wait3A_2263 = arith.constant 58 : i32
    %dma_wait3A_2264 = arith.constant 0 : i32
    %dma_wait3A_2265 = arith.constant 0 : i32
    %dma_wait3A_2266 = tpu.memref_slice %arg0[%dma_wait3A_2263, %dma_wait3A_2264, %dma_wait3A_2265] : memref<128x64x4096xf32, #tpu.memory_space<hbm>> -> memref<2x64x4096xf32, #tpu.memory_space<hbm>>
    tpu.wait_dma2 semaphore(%dma_wait3A_2257 : memref<!tpu.dma_semaphore, #tpu.memory_space<semaphore_mem>>) src(%dma_wait3A_2266 : memref<2x64x4096xf32, #tpu.memory_space<hbm>>) dst(%dma_wait3A_2262 : memref<2x64x4096xf32, #tpu.memory_space<vmem>>)
    %dma_wait3A_2267 = arith.constant 1 : i32
    %dma_wait3A_2268 = arith.constant 1 : i32
    %dma_wait3A_2269 = tpu.memref_slice %arg7[%dma_wait3A_2268] : memref<7x!tpu.dma_semaphore, #tpu.memory_space<semaphore_mem>> -> memref<1x!tpu.dma_semaphore, #tpu.memory_space<semaphore_mem>>
    %dma_wait3A_2270 = tpu.memref_squeeze %dma_wait3A_2269 : memref<1x!tpu.dma_semaphore, #tpu.memory_space<semaphore_mem>> -> memref<!tpu.dma_semaphore, #tpu.memory_space<semaphore_mem>>
    %dma_wait3A_2271 = arith.constant 44 : i32
    %dma_wait3A_2272 = arith.constant 0 : i32
    %dma_wait3A_2273 = arith.constant 0 : i32
    %dma_wait3A_2274 = tpu.memref_slice %arg3[%dma_wait3A_2271, %dma_wait3A_2272, %dma_wait3A_2273] : memref<112x64x4096xf32, #tpu.memory_space<hbm>> -> memref<2x64x4096xf32, #tpu.memory_space<hbm>>
    %dma_wait3A_2275 = arith.constant 0 : i32
    %dma_wait3A_2276 = arith.constant 0 : i32
    %dma_wait3A_2277 = arith.constant 0 : i32
    %dma_wait3A_2278 = tpu.memref_slice %arg5[%dma_wait3A_2267, %dma_wait3A_2275, %dma_wait3A_2276, %dma_wait3A_2277] : memref<7x2x64x4096xf32, #tpu.memory_space<vmem>> -> memref<1x2x64x4096xf32, #tpu.memory_space<vmem>>
    %dma_wait3A_2279 = tpu.memref_squeeze %dma_wait3A_2278 : memref<1x2x64x4096xf32, #tpu.memory_space<vmem>> -> memref<2x64x4096xf32, #tpu.memory_space<vmem>>
    tpu.wait_dma2 semaphore(%dma_wait3A_2270 : memref<!tpu.dma_semaphore, #tpu.memory_space<semaphore_mem>>) src(%dma_wait3A_2279 : memref<2x64x4096xf32, #tpu.memory_space<vmem>>) dst(%dma_wait3A_2274 : memref<2x64x4096xf32, #tpu.memory_space<hbm>>)
    %get3A_2280 = arith.constant 58 : index
    %get3A_2281 = arith.constant 0 : index
    %get3A_2282 = vector.load %arg1[%get3A_2280, %get3A_2281] : memref<128x4096xf32, #tpu.memory_space<vmem>>, vector<2x4096xf32>
    %broadcast_in_dim3A_2283 = vector.shape_cast %get3A_2282 : vector<2x4096xf32> to vector<2x1x4096xf32>
    %get3A_2284 = arith.constant 0 : index
    %get3A_2285 = arith.constant 58 : index
    %get3A_2286 = vector.load %arg2[%get3A_2284, %get3A_2285] : memref<64x128xf32, #tpu.memory_space<vmem>>, vector<64x2xf32>
    %transpose3A_2287 = tpu.transpose %get3A_2286, [1, 0] : vector<64x2xf32> -> vector<2x64xf32>
    %broadcast_in_dim3A_2288 = vector.shape_cast %transpose3A_2287 : vector<2x64xf32> to vector<2x64x1xf32>
    %get3A_2289 = arith.constant 1 : index
    %get3A_2290 = arith.constant 0 : index
    %get3A_2291 = arith.constant 0 : index
    %get3A_2292 = arith.constant 0 : index
    %get3A_2293 = vector.load %arg4[%get3A_2289, %get3A_2290, %get3A_2291, %get3A_2292] : memref<7x2x64x4096xf32, #tpu.memory_space<vmem>>, vector<1x2x64x4096xf32>
    %get3A_2294 = vector.shape_cast %get3A_2293 : vector<1x2x64x4096xf32> to vector<2x64x4096xf32>
    %mul3A_2295 = vector.broadcast %broadcast_in_dim3A_2283 : vector<2x1x4096xf32> to vector<2x64x4096xf32>
    %mul3A_2296 = vector.broadcast %broadcast_in_dim3A_2288 : vector<2x64x1xf32> to vector<2x64x4096xf32>
    %mul3A_2297 = arith.mulf %mul3A_2295, %mul3A_2296 : vector<2x64x4096xf32>
    %add3A_2298 = arith.addf %get3A_2294, %mul3A_2297 : vector<2x64x4096xf32>
    %swap3A_2299 = arith.constant 1 : index
    %swap3A_2300 = arith.constant 0 : index
    %swap3A_2301 = arith.constant 0 : index
    %swap3A_2302 = arith.constant 0 : index
    %swap3A_2303 = vector.load %arg5[%swap3A_2299, %swap3A_2300, %swap3A_2301, %swap3A_2302] : memref<7x2x64x4096xf32, #tpu.memory_space<vmem>>, vector<1x2x64x4096xf32>
    %swap3A_2304 = vector.shape_cast %swap3A_2303 : vector<1x2x64x4096xf32> to vector<2x64x4096xf32>
    %swap3A_2305 = vector.shape_cast %add3A_2298 : vector<2x64x4096xf32> to vector<1x2x64x4096xf32>
    tpu.vector_store %arg5[%swap3A_2299, %swap3A_2300, %swap3A_2301, %swap3A_2302], %swap3A_2305 {strides = array<i32>} : memref<7x2x64x4096xf32, #tpu.memory_space<vmem>>, vector<1x2x64x4096xf32>,
    %dma_start3A_2306 = arith.constant 1 : i32
    %dma_start3A_2307 = arith.constant 1 : i32
    %dma_start3A_2308 = tpu.memref_slice %arg7[%dma_start3A_2307] : memref<7x!tpu.dma_semaphore, #tpu.memory_space<semaphore_mem>> -> memref<1x!tpu.dma_semaphore, #tpu.memory_space<semaphore_mem>>
    %dma_start3A_2309 = tpu.memref_squeeze %dma_start3A_2308 : memref<1x!tpu.dma_semaphore, #tpu.memory_space<semaphore_mem>> -> memref<!tpu.dma_semaphore, #tpu.memory_space<semaphore_mem>>
    %dma_start3A_2310 = arith.constant 58 : i32
    %dma_start3A_2311 = arith.constant 0 : i32
    %dma_start3A_2312 = arith.constant 0 : i32
    %dma_start3A_2313 = tpu.memref_slice %arg3[%dma_start3A_2310, %dma_start3A_2311, %dma_start3A_2312] : memref<112x64x4096xf32, #tpu.memory_space<hbm>> -> memref<2x64x4096xf32, #tpu.memory_space<hbm>>
    %dma_start3A_2314 = arith.constant 0 : i32
    %dma_start3A_2315 = arith.constant 0 : i32
    %dma_start3A_2316 = arith.constant 0 : i32
    %dma_start3A_2317 = tpu.memref_slice %arg5[%dma_start3A_2306, %dma_start3A_2314, %dma_start3A_2315, %dma_start3A_2316] : memref<7x2x64x4096xf32, #tpu.memory_space<vmem>> -> memref<1x2x64x4096xf32, #tpu.memory_space<vmem>>
    %dma_start3A_2318 = tpu.memref_squeeze %dma_start3A_2317 : memref<1x2x64x4096xf32, #tpu.memory_space<vmem>> -> memref<2x64x4096xf32, #tpu.memory_space<vmem>>
    tpu.enqueue_dma source(%dma_start3A_2318 : memref<2x64x4096xf32, #tpu.memory_space<vmem>>) target(%dma_start3A_2313 : memref<2x64x4096xf32, #tpu.memory_space<hbm>>) target_semaphore(%dma_start3A_2309 : memref<!tpu.dma_semaphore, #tpu.memory_space<semaphore_mem>>)
    %dma_start3A_2319 = arith.constant 1 : i32
    %dma_start3A_2320 = arith.constant 1 : i32
    %dma_start3A_2321 = tpu.memref_slice %arg6[%dma_start3A_2320] : memref<7x!tpu.dma_semaphore, #tpu.memory_space<semaphore_mem>> -> memref<1x!tpu.dma_semaphore, #tpu.memory_space<semaphore_mem>>
    %dma_start3A_2322 = tpu.memref_squeeze %dma_start3A_2321 : memref<1x!tpu.dma_semaphore, #tpu.memory_space<semaphore_mem>> -> memref<!tpu.dma_semaphore, #tpu.memory_space<semaphore_mem>>
    %dma_start3A_2323 = arith.constant 0 : i32
    %dma_start3A_2324 = arith.constant 0 : i32
    %dma_start3A_2325 = arith.constant 0 : i32
    %dma_start3A_2326 = tpu.memref_slice %arg4[%dma_start3A_2319, %dma_start3A_2323, %dma_start3A_2324, %dma_start3A_2325] : memref<7x2x64x4096xf32, #tpu.memory_space<vmem>> -> memref<1x2x64x4096xf32, #tpu.memory_space<vmem>>
    %dma_start3A_2327 = tpu.memref_squeeze %dma_start3A_2326 : memref<1x2x64x4096xf32, #tpu.memory_space<vmem>> -> memref<2x64x4096xf32, #tpu.memory_space<vmem>>
    %dma_start3A_2328 = arith.constant 72 : i32
    %dma_start3A_2329 = arith.constant 0 : i32
    %dma_start3A_2330 = arith.constant 0 : i32
    %dma_start3A_2331 = tpu.memref_slice %arg0[%dma_start3A_2328, %dma_start3A_2329, %dma_start3A_2330] : memref<128x64x4096xf32, #tpu.memory_space<hbm>> -> memref<2x64x4096xf32, #tpu.memory_space<hbm>>
    tpu.enqueue_dma source(%dma_start3A_2331 : memref<2x64x4096xf32, #tpu.memory_space<hbm>>) target(%dma_start3A_2327 : memref<2x64x4096xf32, #tpu.memory_space<vmem>>) target_semaphore(%dma_start3A_2322 : memref<!tpu.dma_semaphore, #tpu.memory_space<semaphore_mem>>)
    %dma_wait3A_2332 = arith.constant 2 : i32
    %dma_wait3A_2333 = arith.constant 2 : i32
    %dma_wait3A_2334 = tpu.memref_slice %arg6[%dma_wait3A_2333] : memref<7x!tpu.dma_semaphore, #tpu.memory_space<semaphore_mem>> -> memref<1x!tpu.dma_semaphore, #tpu.memory_space<semaphore_mem>>
    %dma_wait3A_2335 = tpu.memref_squeeze %dma_wait3A_2334 : memref<1x!tpu.dma_semaphore, #tpu.memory_space<semaphore_mem>> -> memref<!tpu.dma_semaphore, #tpu.memory_space<semaphore_mem>>
    %dma_wait3A_2336 = arith.constant 0 : i32
    %dma_wait3A_2337 = arith.constant 0 : i32
    %dma_wait3A_2338 = arith.constant 0 : i32
    %dma_wait3A_2339 = tpu.memref_slice %arg4[%dma_wait3A_2332, %dma_wait3A_2336, %dma_wait3A_2337, %dma_wait3A_2338] : memref<7x2x64x4096xf32, #tpu.memory_space<vmem>> -> memref<1x2x64x4096xf32, #tpu.memory_space<vmem>>
    %dma_wait3A_2340 = tpu.memref_squeeze %dma_wait3A_2339 : memref<1x2x64x4096xf32, #tpu.memory_space<vmem>> -> memref<2x64x4096xf32, #tpu.memory_space<vmem>>
    %dma_wait3A_2341 = arith.constant 60 : i32
    %dma_wait3A_2342 = arith.constant 0 : i32
    %dma_wait3A_2343 = arith.constant 0 : i32
    %dma_wait3A_2344 = tpu.memref_slice %arg0[%dma_wait3A_2341, %dma_wait3A_2342, %dma_wait3A_2343] : memref<128x64x4096xf32, #tpu.memory_space<hbm>> -> memref<2x64x4096xf32, #tpu.memory_space<hbm>>
    tpu.wait_dma2 semaphore(%dma_wait3A_2335 : memref<!tpu.dma_semaphore, #tpu.memory_space<semaphore_mem>>) src(%dma_wait3A_2344 : memref<2x64x4096xf32, #tpu.memory_space<hbm>>) dst(%dma_wait3A_2340 : memref<2x64x4096xf32, #tpu.memory_space<vmem>>)
    %dma_wait3A_2345 = arith.constant 2 : i32
    %dma_wait3A_2346 = arith.constant 2 : i32
    %dma_wait3A_2347 = tpu.memref_slice %arg7[%dma_wait3A_2346] : memref<7x!tpu.dma_semaphore, #tpu.memory_space<semaphore_mem>> -> memref<1x!tpu.dma_semaphore, #tpu.memory_space<semaphore_mem>>
    %dma_wait3A_2348 = tpu.memref_squeeze %dma_wait3A_2347 : memref<1x!tpu.dma_semaphore, #tpu.memory_space<semaphore_mem>> -> memref<!tpu.dma_semaphore, #tpu.memory_space<semaphore_mem>>
    %dma_wait3A_2349 = arith.constant 46 : i32
    %dma_wait3A_2350 = arith.constant 0 : i32
    %dma_wait3A_2351 = arith.constant 0 : i32
    %dma_wait3A_2352 = tpu.memref_slice %arg3[%dma_wait3A_2349, %dma_wait3A_2350, %dma_wait3A_2351] : memref<112x64x4096xf32, #tpu.memory_space<hbm>> -> memref<2x64x4096xf32, #tpu.memory_space<hbm>>
    %dma_wait3A_2353 = arith.constant 0 : i32
    %dma_wait3A_2354 = arith.constant 0 : i32
    %dma_wait3A_2355 = arith.constant 0 : i32
    %dma_wait3A_2356 = tpu.memref_slice %arg5[%dma_wait3A_2345, %dma_wait3A_2353, %dma_wait3A_2354, %dma_wait3A_2355] : memref<7x2x64x4096xf32, #tpu.memory_space<vmem>> -> memref<1x2x64x4096xf32, #tpu.memory_space<vmem>>
    %dma_wait3A_2357 = tpu.memref_squeeze %dma_wait3A_2356 : memref<1x2x64x4096xf32, #tpu.memory_space<vmem>> -> memref<2x64x4096xf32, #tpu.memory_space<vmem>>
    tpu.wait_dma2 semaphore(%dma_wait3A_2348 : memref<!tpu.dma_semaphore, #tpu.memory_space<semaphore_mem>>) src(%dma_wait3A_2357 : memref<2x64x4096xf32, #tpu.memory_space<vmem>>) dst(%dma_wait3A_2352 : memref<2x64x4096xf32, #tpu.memory_space<hbm>>)
    %get3A_2358 = arith.constant 60 : index
    %get3A_2359 = arith.constant 0 : index
    %get3A_2360 = vector.load %arg1[%get3A_2358, %get3A_2359] : memref<128x4096xf32, #tpu.memory_space<vmem>>, vector<2x4096xf32>
    %broadcast_in_dim3A_2361 = vector.shape_cast %get3A_2360 : vector<2x4096xf32> to vector<2x1x4096xf32>
    %get3A_2362 = arith.constant 0 : index
    %get3A_2363 = arith.constant 60 : index
    %get3A_2364 = vector.load %arg2[%get3A_2362, %get3A_2363] : memref<64x128xf32, #tpu.memory_space<vmem>>, vector<64x2xf32>
    %transpose3A_2365 = tpu.transpose %get3A_2364, [1, 0] : vector<64x2xf32> -> vector<2x64xf32>
    %broadcast_in_dim3A_2366 = vector.shape_cast %transpose3A_2365 : vector<2x64xf32> to vector<2x64x1xf32>
    %get3A_2367 = arith.constant 2 : index
    %get3A_2368 = arith.constant 0 : index
    %get3A_2369 = arith.constant 0 : index
    %get3A_2370 = arith.constant 0 : index
    %get3A_2371 = vector.load %arg4[%get3A_2367, %get3A_2368, %get3A_2369, %get3A_2370] : memref<7x2x64x4096xf32, #tpu.memory_space<vmem>>, vector<1x2x64x4096xf32>
    %get3A_2372 = vector.shape_cast %get3A_2371 : vector<1x2x64x4096xf32> to vector<2x64x4096xf32>
    %mul3A_2373 = vector.broadcast %broadcast_in_dim3A_2361 : vector<2x1x4096xf32> to vector<2x64x4096xf32>
    %mul3A_2374 = vector.broadcast %broadcast_in_dim3A_2366 : vector<2x64x1xf32> to vector<2x64x4096xf32>
    %mul3A_2375 = arith.mulf %mul3A_2373, %mul3A_2374 : vector<2x64x4096xf32>
    %add3A_2376 = arith.addf %get3A_2372, %mul3A_2375 : vector<2x64x4096xf32>
    %swap3A_2377 = arith.constant 2 : index
    %swap3A_2378 = arith.constant 0 : index
    %swap3A_2379 = arith.constant 0 : index
    %swap3A_2380 = arith.constant 0 : index
    %swap3A_2381 = vector.load %arg5[%swap3A_2377, %swap3A_2378, %swap3A_2379, %swap3A_2380] : memref<7x2x64x4096xf32, #tpu.memory_space<vmem>>, vector<1x2x64x4096xf32>
    %swap3A_2382 = vector.shape_cast %swap3A_2381 : vector<1x2x64x4096xf32> to vector<2x64x4096xf32>
    %swap3A_2383 = vector.shape_cast %add3A_2376 : vector<2x64x4096xf32> to vector<1x2x64x4096xf32>
    tpu.vector_store %arg5[%swap3A_2377, %swap3A_2378, %swap3A_2379, %swap3A_2380], %swap3A_2383 {strides = array<i32>} : memref<7x2x64x4096xf32, #tpu.memory_space<vmem>>, vector<1x2x64x4096xf32>,
    %dma_start3A_2384 = arith.constant 2 : i32
    %dma_start3A_2385 = arith.constant 2 : i32
    %dma_start3A_2386 = tpu.memref_slice %arg7[%dma_start3A_2385] : memref<7x!tpu.dma_semaphore, #tpu.memory_space<semaphore_mem>> -> memref<1x!tpu.dma_semaphore, #tpu.memory_space<semaphore_mem>>
    %dma_start3A_2387 = tpu.memref_squeeze %dma_start3A_2386 : memref<1x!tpu.dma_semaphore, #tpu.memory_space<semaphore_mem>> -> memref<!tpu.dma_semaphore, #tpu.memory_space<semaphore_mem>>
    %dma_start3A_2388 = arith.constant 60 : i32
    %dma_start3A_2389 = arith.constant 0 : i32
    %dma_start3A_2390 = arith.constant 0 : i32
    %dma_start3A_2391 = tpu.memref_slice %arg3[%dma_start3A_2388, %dma_start3A_2389, %dma_start3A_2390] : memref<112x64x4096xf32, #tpu.memory_space<hbm>> -> memref<2x64x4096xf32, #tpu.memory_space<hbm>>
    %dma_start3A_2392 = arith.constant 0 : i32
    %dma_start3A_2393 = arith.constant 0 : i32
    %dma_start3A_2394 = arith.constant 0 : i32
    %dma_start3A_2395 = tpu.memref_slice %arg5[%dma_start3A_2384, %dma_start3A_2392, %dma_start3A_2393, %dma_start3A_2394] : memref<7x2x64x4096xf32, #tpu.memory_space<vmem>> -> memref<1x2x64x4096xf32, #tpu.memory_space<vmem>>
    %dma_start3A_2396 = tpu.memref_squeeze %dma_start3A_2395 : memref<1x2x64x4096xf32, #tpu.memory_space<vmem>> -> memref<2x64x4096xf32, #tpu.memory_space<vmem>>
    tpu.enqueue_dma source(%dma_start3A_2396 : memref<2x64x4096xf32, #tpu.memory_space<vmem>>) target(%dma_start3A_2391 : memref<2x64x4096xf32, #tpu.memory_space<hbm>>) target_semaphore(%dma_start3A_2387 : memref<!tpu.dma_semaphore, #tpu.memory_space<semaphore_mem>>)
    %dma_start3A_2397 = arith.constant 2 : i32
    %dma_start3A_2398 = arith.constant 2 : i32
    %dma_start3A_2399 = tpu.memref_slice %arg6[%dma_start3A_2398] : memref<7x!tpu.dma_semaphore, #tpu.memory_space<semaphore_mem>> -> memref<1x!tpu.dma_semaphore, #tpu.memory_space<semaphore_mem>>
    %dma_start3A_2400 = tpu.memref_squeeze %dma_start3A_2399 : memref<1x!tpu.dma_semaphore, #tpu.memory_space<semaphore_mem>> -> memref<!tpu.dma_semaphore, #tpu.memory_space<semaphore_mem>>
    %dma_start3A_2401 = arith.constant 0 : i32
    %dma_start3A_2402 = arith.constant 0 : i32
    %dma_start3A_2403 = arith.constant 0 : i32
    %dma_start3A_2404 = tpu.memref_slice %arg4[%dma_start3A_2397, %dma_start3A_2401, %dma_start3A_2402, %dma_start3A_2403] : memref<7x2x64x4096xf32, #tpu.memory_space<vmem>> -> memref<1x2x64x4096xf32, #tpu.memory_space<vmem>>
    %dma_start3A_2405 = tpu.memref_squeeze %dma_start3A_2404 : memref<1x2x64x4096xf32, #tpu.memory_space<vmem>> -> memref<2x64x4096xf32, #tpu.memory_space<vmem>>
    %dma_start3A_2406 = arith.constant 74 : i32
    %dma_start3A_2407 = arith.constant 0 : i32
    %dma_start3A_2408 = arith.constant 0 : i32
    %dma_start3A_2409 = tpu.memref_slice %arg0[%dma_start3A_2406, %dma_start3A_2407, %dma_start3A_2408] : memref<128x64x4096xf32, #tpu.memory_space<hbm>> -> memref<2x64x4096xf32, #tpu.memory_space<hbm>>
    tpu.enqueue_dma source(%dma_start3A_2409 : memref<2x64x4096xf32, #tpu.memory_space<hbm>>) target(%dma_start3A_2405 : memref<2x64x4096xf32, #tpu.memory_space<vmem>>) target_semaphore(%dma_start3A_2400 : memref<!tpu.dma_semaphore, #tpu.memory_space<semaphore_mem>>)
    %dma_wait3A_2410 = arith.constant 3 : i32
    %dma_wait3A_2411 = arith.constant 3 : i32
    %dma_wait3A_2412 = tpu.memref_slice %arg6[%dma_wait3A_2411] : memref<7x!tpu.dma_semaphore, #tpu.memory_space<semaphore_mem>> -> memref<1x!tpu.dma_semaphore, #tpu.memory_space<semaphore_mem>>
    %dma_wait3A_2413 = tpu.memref_squeeze %dma_wait3A_2412 : memref<1x!tpu.dma_semaphore, #tpu.memory_space<semaphore_mem>> -> memref<!tpu.dma_semaphore, #tpu.memory_space<semaphore_mem>>
    %dma_wait3A_2414 = arith.constant 0 : i32
    %dma_wait3A_2415 = arith.constant 0 : i32
    %dma_wait3A_2416 = arith.constant 0 : i32
    %dma_wait3A_2417 = tpu.memref_slice %arg4[%dma_wait3A_2410, %dma_wait3A_2414, %dma_wait3A_2415, %dma_wait3A_2416] : memref<7x2x64x4096xf32, #tpu.memory_space<vmem>> -> memref<1x2x64x4096xf32, #tpu.memory_space<vmem>>
    %dma_wait3A_2418 = tpu.memref_squeeze %dma_wait3A_2417 : memref<1x2x64x4096xf32, #tpu.memory_space<vmem>> -> memref<2x64x4096xf32, #tpu.memory_space<vmem>>
    %dma_wait3A_2419 = arith.constant 62 : i32
    %dma_wait3A_2420 = arith.constant 0 : i32
    %dma_wait3A_2421 = arith.constant 0 : i32
    %dma_wait3A_2422 = tpu.memref_slice %arg0[%dma_wait3A_2419, %dma_wait3A_2420, %dma_wait3A_2421] : memref<128x64x4096xf32, #tpu.memory_space<hbm>> -> memref<2x64x4096xf32, #tpu.memory_space<hbm>>
    tpu.wait_dma2 semaphore(%dma_wait3A_2413 : memref<!tpu.dma_semaphore, #tpu.memory_space<semaphore_mem>>) src(%dma_wait3A_2422 : memref<2x64x4096xf32, #tpu.memory_space<hbm>>) dst(%dma_wait3A_2418 : memref<2x64x4096xf32, #tpu.memory_space<vmem>>)
    %dma_wait3A_2423 = arith.constant 3 : i32
    %dma_wait3A_2424 = arith.constant 3 : i32
    %dma_wait3A_2425 = tpu.memref_slice %arg7[%dma_wait3A_2424] : memref<7x!tpu.dma_semaphore, #tpu.memory_space<semaphore_mem>> -> memref<1x!tpu.dma_semaphore, #tpu.memory_space<semaphore_mem>>
    %dma_wait3A_2426 = tpu.memref_squeeze %dma_wait3A_2425 : memref<1x!tpu.dma_semaphore, #tpu.memory_space<semaphore_mem>> -> memref<!tpu.dma_semaphore, #tpu.memory_space<semaphore_mem>>
    %dma_wait3A_2427 = arith.constant 48 : i32
    %dma_wait3A_2428 = arith.constant 0 : i32
    %dma_wait3A_2429 = arith.constant 0 : i32
    %dma_wait3A_2430 = tpu.memref_slice %arg3[%dma_wait3A_2427, %dma_wait3A_2428, %dma_wait3A_2429] : memref<112x64x4096xf32, #tpu.memory_space<hbm>> -> memref<2x64x4096xf32, #tpu.memory_space<hbm>>
    %dma_wait3A_2431 = arith.constant 0 : i32
    %dma_wait3A_2432 = arith.constant 0 : i32
    %dma_wait3A_2433 = arith.constant 0 : i32
    %dma_wait3A_2434 = tpu.memref_slice %arg5[%dma_wait3A_2423, %dma_wait3A_2431, %dma_wait3A_2432, %dma_wait3A_2433] : memref<7x2x64x4096xf32, #tpu.memory_space<vmem>> -> memref<1x2x64x4096xf32, #tpu.memory_space<vmem>>
    %dma_wait3A_2435 = tpu.memref_squeeze %dma_wait3A_2434 : memref<1x2x64x4096xf32, #tpu.memory_space<vmem>> -> memref<2x64x4096xf32, #tpu.memory_space<vmem>>
    tpu.wait_dma2 semaphore(%dma_wait3A_2426 : memref<!tpu.dma_semaphore, #tpu.memory_space<semaphore_mem>>) src(%dma_wait3A_2435 : memref<2x64x4096xf32, #tpu.memory_space<vmem>>) dst(%dma_wait3A_2430 : memref<2x64x4096xf32, #tpu.memory_space<hbm>>)
    %get3A_2436 = arith.constant 62 : index
    %get3A_2437 = arith.constant 0 : index
    %get3A_2438 = vector.load %arg1[%get3A_2436, %get3A_2437] : memref<128x4096xf32, #tpu.memory_space<vmem>>, vector<2x4096xf32>
    %broadcast_in_dim3A_2439 = vector.shape_cast %get3A_2438 : vector<2x4096xf32> to vector<2x1x4096xf32>
    %get3A_2440 = arith.constant 0 : index
    %get3A_2441 = arith.constant 62 : index
    %get3A_2442 = vector.load %arg2[%get3A_2440, %get3A_2441] : memref<64x128xf32, #tpu.memory_space<vmem>>, vector<64x2xf32>
    %transpose3A_2443 = tpu.transpose %get3A_2442, [1, 0] : vector<64x2xf32> -> vector<2x64xf32>
    %broadcast_in_dim3A_2444 = vector.shape_cast %transpose3A_2443 : vector<2x64xf32> to vector<2x64x1xf32>
    %get3A_2445 = arith.constant 3 : index
    %get3A_2446 = arith.constant 0 : index
    %get3A_2447 = arith.constant 0 : index
    %get3A_2448 = arith.constant 0 : index
    %get3A_2449 = vector.load %arg4[%get3A_2445, %get3A_2446, %get3A_2447, %get3A_2448] : memref<7x2x64x4096xf32, #tpu.memory_space<vmem>>, vector<1x2x64x4096xf32>
    %get3A_2450 = vector.shape_cast %get3A_2449 : vector<1x2x64x4096xf32> to vector<2x64x4096xf32>
    %mul3A_2451 = vector.broadcast %broadcast_in_dim3A_2439 : vector<2x1x4096xf32> to vector<2x64x4096xf32>
    %mul3A_2452 = vector.broadcast %broadcast_in_dim3A_2444 : vector<2x64x1xf32> to vector<2x64x4096xf32>
    %mul3A_2453 = arith.mulf %mul3A_2451, %mul3A_2452 : vector<2x64x4096xf32>
    %add3A_2454 = arith.addf %get3A_2450, %mul3A_2453 : vector<2x64x4096xf32>
    %swap3A_2455 = arith.constant 3 : index
    %swap3A_2456 = arith.constant 0 : index
    %swap3A_2457 = arith.constant 0 : index
    %swap3A_2458 = arith.constant 0 : index
    %swap3A_2459 = vector.load %arg5[%swap3A_2455, %swap3A_2456, %swap3A_2457, %swap3A_2458] : memref<7x2x64x4096xf32, #tpu.memory_space<vmem>>, vector<1x2x64x4096xf32>
    %swap3A_2460 = vector.shape_cast %swap3A_2459 : vector<1x2x64x4096xf32> to vector<2x64x4096xf32>
    %swap3A_2461 = vector.shape_cast %add3A_2454 : vector<2x64x4096xf32> to vector<1x2x64x4096xf32>
    tpu.vector_store %arg5[%swap3A_2455, %swap3A_2456, %swap3A_2457, %swap3A_2458], %swap3A_2461 {strides = array<i32>} : memref<7x2x64x4096xf32, #tpu.memory_space<vmem>>, vector<1x2x64x4096xf32>,
    %dma_start3A_2462 = arith.constant 3 : i32
    %dma_start3A_2463 = arith.constant 3 : i32
    %dma_start3A_2464 = tpu.memref_slice %arg7[%dma_start3A_2463] : memref<7x!tpu.dma_semaphore, #tpu.memory_space<semaphore_mem>> -> memref<1x!tpu.dma_semaphore, #tpu.memory_space<semaphore_mem>>
    %dma_start3A_2465 = tpu.memref_squeeze %dma_start3A_2464 : memref<1x!tpu.dma_semaphore, #tpu.memory_space<semaphore_mem>> -> memref<!tpu.dma_semaphore, #tpu.memory_space<semaphore_mem>>
    %dma_start3A_2466 = arith.constant 62 : i32
    %dma_start3A_2467 = arith.constant 0 : i32
    %dma_start3A_2468 = arith.constant 0 : i32
    %dma_start3A_2469 = tpu.memref_slice %arg3[%dma_start3A_2466, %dma_start3A_2467, %dma_start3A_2468] : memref<112x64x4096xf32, #tpu.memory_space<hbm>> -> memref<2x64x4096xf32, #tpu.memory_space<hbm>>
    %dma_start3A_2470 = arith.constant 0 : i32
    %dma_start3A_2471 = arith.constant 0 : i32
    %dma_start3A_2472 = arith.constant 0 : i32
    %dma_start3A_2473 = tpu.memref_slice %arg5[%dma_start3A_2462, %dma_start3A_2470, %dma_start3A_2471, %dma_start3A_2472] : memref<7x2x64x4096xf32, #tpu.memory_space<vmem>> -> memref<1x2x64x4096xf32, #tpu.memory_space<vmem>>
    %dma_start3A_2474 = tpu.memref_squeeze %dma_start3A_2473 : memref<1x2x64x4096xf32, #tpu.memory_space<vmem>> -> memref<2x64x4096xf32, #tpu.memory_space<vmem>>
    tpu.enqueue_dma source(%dma_start3A_2474 : memref<2x64x4096xf32, #tpu.memory_space<vmem>>) target(%dma_start3A_2469 : memref<2x64x4096xf32, #tpu.memory_space<hbm>>) target_semaphore(%dma_start3A_2465 : memref<!tpu.dma_semaphore, #tpu.memory_space<semaphore_mem>>)
    %dma_start3A_2475 = arith.constant 3 : i32
    %dma_start3A_2476 = arith.constant 3 : i32
    %dma_start3A_2477 = tpu.memref_slice %arg6[%dma_start3A_2476] : memref<7x!tpu.dma_semaphore, #tpu.memory_space<semaphore_mem>> -> memref<1x!tpu.dma_semaphore, #tpu.memory_space<semaphore_mem>>
    %dma_start3A_2478 = tpu.memref_squeeze %dma_start3A_2477 : memref<1x!tpu.dma_semaphore, #tpu.memory_space<semaphore_mem>> -> memref<!tpu.dma_semaphore, #tpu.memory_space<semaphore_mem>>
    %dma_start3A_2479 = arith.constant 0 : i32
    %dma_start3A_2480 = arith.constant 0 : i32
    %dma_start3A_2481 = arith.constant 0 : i32
    %dma_start3A_2482 = tpu.memref_slice %arg4[%dma_start3A_2475, %dma_start3A_2479, %dma_start3A_2480, %dma_start3A_2481] : memref<7x2x64x4096xf32, #tpu.memory_space<vmem>> -> memref<1x2x64x4096xf32, #tpu.memory_space<vmem>>
    %dma_start3A_2483 = tpu.memref_squeeze %dma_start3A_2482 : memref<1x2x64x4096xf32, #tpu.memory_space<vmem>> -> memref<2x64x4096xf32, #tpu.memory_space<vmem>>
    %dma_start3A_2484 = arith.constant 76 : i32
    %dma_start3A_2485 = arith.constant 0 : i32
    %dma_start3A_2486 = arith.constant 0 : i32
    %dma_start3A_2487 = tpu.memref_slice %arg0[%dma_start3A_2484, %dma_start3A_2485, %dma_start3A_2486] : memref<128x64x4096xf32, #tpu.memory_space<hbm>> -> memref<2x64x4096xf32, #tpu.memory_space<hbm>>
    tpu.enqueue_dma source(%dma_start3A_2487 : memref<2x64x4096xf32, #tpu.memory_space<hbm>>) target(%dma_start3A_2483 : memref<2x64x4096xf32, #tpu.memory_space<vmem>>) target_semaphore(%dma_start3A_2478 : memref<!tpu.dma_semaphore, #tpu.memory_space<semaphore_mem>>)
    %dma_wait3A_2488 = arith.constant 4 : i32
    %dma_wait3A_2489 = arith.constant 4 : i32
    %dma_wait3A_2490 = tpu.memref_slice %arg6[%dma_wait3A_2489] : memref<7x!tpu.dma_semaphore, #tpu.memory_space<semaphore_mem>> -> memref<1x!tpu.dma_semaphore, #tpu.memory_space<semaphore_mem>>
    %dma_wait3A_2491 = tpu.memref_squeeze %dma_wait3A_2490 : memref<1x!tpu.dma_semaphore, #tpu.memory_space<semaphore_mem>> -> memref<!tpu.dma_semaphore, #tpu.memory_space<semaphore_mem>>
    %dma_wait3A_2492 = arith.constant 0 : i32
    %dma_wait3A_2493 = arith.constant 0 : i32
    %dma_wait3A_2494 = arith.constant 0 : i32
    %dma_wait3A_2495 = tpu.memref_slice %arg4[%dma_wait3A_2488, %dma_wait3A_2492, %dma_wait3A_2493, %dma_wait3A_2494] : memref<7x2x64x4096xf32, #tpu.memory_space<vmem>> -> memref<1x2x64x4096xf32, #tpu.memory_space<vmem>>
    %dma_wait3A_2496 = tpu.memref_squeeze %dma_wait3A_2495 : memref<1x2x64x4096xf32, #tpu.memory_space<vmem>> -> memref<2x64x4096xf32, #tpu.memory_space<vmem>>
    %dma_wait3A_2497 = arith.constant 64 : i32
    %dma_wait3A_2498 = arith.constant 0 : i32
    %dma_wait3A_2499 = arith.constant 0 : i32
    %dma_wait3A_2500 = tpu.memref_slice %arg0[%dma_wait3A_2497, %dma_wait3A_2498, %dma_wait3A_2499] : memref<128x64x4096xf32, #tpu.memory_space<hbm>> -> memref<2x64x4096xf32, #tpu.memory_space<hbm>>
    tpu.wait_dma2 semaphore(%dma_wait3A_2491 : memref<!tpu.dma_semaphore, #tpu.memory_space<semaphore_mem>>) src(%dma_wait3A_2500 : memref<2x64x4096xf32, #tpu.memory_space<hbm>>) dst(%dma_wait3A_2496 : memref<2x64x4096xf32, #tpu.memory_space<vmem>>)
    %dma_wait3A_2501 = arith.constant 4 : i32
    %dma_wait3A_2502 = arith.constant 4 : i32
    %dma_wait3A_2503 = tpu.memref_slice %arg7[%dma_wait3A_2502] : memref<7x!tpu.dma_semaphore, #tpu.memory_space<semaphore_mem>> -> memref<1x!tpu.dma_semaphore, #tpu.memory_space<semaphore_mem>>
    %dma_wait3A_2504 = tpu.memref_squeeze %dma_wait3A_2503 : memref<1x!tpu.dma_semaphore, #tpu.memory_space<semaphore_mem>> -> memref<!tpu.dma_semaphore, #tpu.memory_space<semaphore_mem>>
    %dma_wait3A_2505 = arith.constant 50 : i32
    %dma_wait3A_2506 = arith.constant 0 : i32
    %dma_wait3A_2507 = arith.constant 0 : i32
    %dma_wait3A_2508 = tpu.memref_slice %arg3[%dma_wait3A_2505, %dma_wait3A_2506, %dma_wait3A_2507] : memref<112x64x4096xf32, #tpu.memory_space<hbm>> -> memref<2x64x4096xf32, #tpu.memory_space<hbm>>
    %dma_wait3A_2509 = arith.constant 0 : i32
    %dma_wait3A_2510 = arith.constant 0 : i32
    %dma_wait3A_2511 = arith.constant 0 : i32
    %dma_wait3A_2512 = tpu.memref_slice %arg5[%dma_wait3A_2501, %dma_wait3A_2509, %dma_wait3A_2510, %dma_wait3A_2511] : memref<7x2x64x4096xf32, #tpu.memory_space<vmem>> -> memref<1x2x64x4096xf32, #tpu.memory_space<vmem>>
    %dma_wait3A_2513 = tpu.memref_squeeze %dma_wait3A_2512 : memref<1x2x64x4096xf32, #tpu.memory_space<vmem>> -> memref<2x64x4096xf32, #tpu.memory_space<vmem>>
    tpu.wait_dma2 semaphore(%dma_wait3A_2504 : memref<!tpu.dma_semaphore, #tpu.memory_space<semaphore_mem>>) src(%dma_wait3A_2513 : memref<2x64x4096xf32, #tpu.memory_space<vmem>>) dst(%dma_wait3A_2508 : memref<2x64x4096xf32, #tpu.memory_space<hbm>>)
    %get3A_2514 = arith.constant 64 : index
    %get3A_2515 = arith.constant 0 : index
    %get3A_2516 = vector.load %arg1[%get3A_2514, %get3A_2515] : memref<128x4096xf32, #tpu.memory_space<vmem>>, vector<2x4096xf32>
    %broadcast_in_dim3A_2517 = vector.shape_cast %get3A_2516 : vector<2x4096xf32> to vector<2x1x4096xf32>
    %get3A_2518 = arith.constant 0 : index
    %get3A_2519 = arith.constant 64 : index
    %get3A_2520 = vector.load %arg2[%get3A_2518, %get3A_2519] : memref<64x128xf32, #tpu.memory_space<vmem>>, vector<64x2xf32>
    %transpose3A_2521 = tpu.transpose %get3A_2520, [1, 0] : vector<64x2xf32> -> vector<2x64xf32>
    %broadcast_in_dim3A_2522 = vector.shape_cast %transpose3A_2521 : vector<2x64xf32> to vector<2x64x1xf32>
    %get3A_2523 = arith.constant 4 : index
    %get3A_2524 = arith.constant 0 : index
    %get3A_2525 = arith.constant 0 : index
    %get3A_2526 = arith.constant 0 : index
    %get3A_2527 = vector.load %arg4[%get3A_2523, %get3A_2524, %get3A_2525, %get3A_2526] : memref<7x2x64x4096xf32, #tpu.memory_space<vmem>>, vector<1x2x64x4096xf32>
    %get3A_2528 = vector.shape_cast %get3A_2527 : vector<1x2x64x4096xf32> to vector<2x64x4096xf32>
    %mul3A_2529 = vector.broadcast %broadcast_in_dim3A_2517 : vector<2x1x4096xf32> to vector<2x64x4096xf32>
    %mul3A_2530 = vector.broadcast %broadcast_in_dim3A_2522 : vector<2x64x1xf32> to vector<2x64x4096xf32>
    %mul3A_2531 = arith.mulf %mul3A_2529, %mul3A_2530 : vector<2x64x4096xf32>
    %add3A_2532 = arith.addf %get3A_2528, %mul3A_2531 : vector<2x64x4096xf32>
    %swap3A_2533 = arith.constant 4 : index
    %swap3A_2534 = arith.constant 0 : index
    %swap3A_2535 = arith.constant 0 : index
    %swap3A_2536 = arith.constant 0 : index
    %swap3A_2537 = vector.load %arg5[%swap3A_2533, %swap3A_2534, %swap3A_2535, %swap3A_2536] : memref<7x2x64x4096xf32, #tpu.memory_space<vmem>>, vector<1x2x64x4096xf32>
    %swap3A_2538 = vector.shape_cast %swap3A_2537 : vector<1x2x64x4096xf32> to vector<2x64x4096xf32>
    %swap3A_2539 = vector.shape_cast %add3A_2532 : vector<2x64x4096xf32> to vector<1x2x64x4096xf32>
    tpu.vector_store %arg5[%swap3A_2533, %swap3A_2534, %swap3A_2535, %swap3A_2536], %swap3A_2539 {strides = array<i32>} : memref<7x2x64x4096xf32, #tpu.memory_space<vmem>>, vector<1x2x64x4096xf32>,
    %dma_start3A_2540 = arith.constant 4 : i32
    %dma_start3A_2541 = arith.constant 4 : i32
    %dma_start3A_2542 = tpu.memref_slice %arg7[%dma_start3A_2541] : memref<7x!tpu.dma_semaphore, #tpu.memory_space<semaphore_mem>> -> memref<1x!tpu.dma_semaphore, #tpu.memory_space<semaphore_mem>>
    %dma_start3A_2543 = tpu.memref_squeeze %dma_start3A_2542 : memref<1x!tpu.dma_semaphore, #tpu.memory_space<semaphore_mem>> -> memref<!tpu.dma_semaphore, #tpu.memory_space<semaphore_mem>>
    %dma_start3A_2544 = arith.constant 64 : i32
    %dma_start3A_2545 = arith.constant 0 : i32
    %dma_start3A_2546 = arith.constant 0 : i32
    %dma_start3A_2547 = tpu.memref_slice %arg3[%dma_start3A_2544, %dma_start3A_2545, %dma_start3A_2546] : memref<112x64x4096xf32, #tpu.memory_space<hbm>> -> memref<2x64x4096xf32, #tpu.memory_space<hbm>>
    %dma_start3A_2548 = arith.constant 0 : i32
    %dma_start3A_2549 = arith.constant 0 : i32
    %dma_start3A_2550 = arith.constant 0 : i32
    %dma_start3A_2551 = tpu.memref_slice %arg5[%dma_start3A_2540, %dma_start3A_2548, %dma_start3A_2549, %dma_start3A_2550] : memref<7x2x64x4096xf32, #tpu.memory_space<vmem>> -> memref<1x2x64x4096xf32, #tpu.memory_space<vmem>>
    %dma_start3A_2552 = tpu.memref_squeeze %dma_start3A_2551 : memref<1x2x64x4096xf32, #tpu.memory_space<vmem>> -> memref<2x64x4096xf32, #tpu.memory_space<vmem>>
    tpu.enqueue_dma source(%dma_start3A_2552 : memref<2x64x4096xf32, #tpu.memory_space<vmem>>) target(%dma_start3A_2547 : memref<2x64x4096xf32, #tpu.memory_space<hbm>>) target_semaphore(%dma_start3A_2543 : memref<!tpu.dma_semaphore, #tpu.memory_space<semaphore_mem>>)
    %dma_start3A_2553 = arith.constant 4 : i32
    %dma_start3A_2554 = arith.constant 4 : i32
    %dma_start3A_2555 = tpu.memref_slice %arg6[%dma_start3A_2554] : memref<7x!tpu.dma_semaphore, #tpu.memory_space<semaphore_mem>> -> memref<1x!tpu.dma_semaphore, #tpu.memory_space<semaphore_mem>>
    %dma_start3A_2556 = tpu.memref_squeeze %dma_start3A_2555 : memref<1x!tpu.dma_semaphore, #tpu.memory_space<semaphore_mem>> -> memref<!tpu.dma_semaphore, #tpu.memory_space<semaphore_mem>>
    %dma_start3A_2557 = arith.constant 0 : i32
    %dma_start3A_2558 = arith.constant 0 : i32
    %dma_start3A_2559 = arith.constant 0 : i32
    %dma_start3A_2560 = tpu.memref_slice %arg4[%dma_start3A_2553, %dma_start3A_2557, %dma_start3A_2558, %dma_start3A_2559] : memref<7x2x64x4096xf32, #tpu.memory_space<vmem>> -> memref<1x2x64x4096xf32, #tpu.memory_space<vmem>>
    %dma_start3A_2561 = tpu.memref_squeeze %dma_start3A_2560 : memref<1x2x64x4096xf32, #tpu.memory_space<vmem>> -> memref<2x64x4096xf32, #tpu.memory_space<vmem>>
    %dma_start3A_2562 = arith.constant 78 : i32
    %dma_start3A_2563 = arith.constant 0 : i32
    %dma_start3A_2564 = arith.constant 0 : i32
    %dma_start3A_2565 = tpu.memref_slice %arg0[%dma_start3A_2562, %dma_start3A_2563, %dma_start3A_2564] : memref<128x64x4096xf32, #tpu.memory_space<hbm>> -> memref<2x64x4096xf32, #tpu.memory_space<hbm>>
    tpu.enqueue_dma source(%dma_start3A_2565 : memref<2x64x4096xf32, #tpu.memory_space<hbm>>) target(%dma_start3A_2561 : memref<2x64x4096xf32, #tpu.memory_space<vmem>>) target_semaphore(%dma_start3A_2556 : memref<!tpu.dma_semaphore, #tpu.memory_space<semaphore_mem>>)
    %dma_wait3A_2566 = arith.constant 5 : i32
    %dma_wait3A_2567 = arith.constant 5 : i32
    %dma_wait3A_2568 = tpu.memref_slice %arg6[%dma_wait3A_2567] : memref<7x!tpu.dma_semaphore, #tpu.memory_space<semaphore_mem>> -> memref<1x!tpu.dma_semaphore, #tpu.memory_space<semaphore_mem>>
    %dma_wait3A_2569 = tpu.memref_squeeze %dma_wait3A_2568 : memref<1x!tpu.dma_semaphore, #tpu.memory_space<semaphore_mem>> -> memref<!tpu.dma_semaphore, #tpu.memory_space<semaphore_mem>>
    %dma_wait3A_2570 = arith.constant 0 : i32
    %dma_wait3A_2571 = arith.constant 0 : i32
    %dma_wait3A_2572 = arith.constant 0 : i32
    %dma_wait3A_2573 = tpu.memref_slice %arg4[%dma_wait3A_2566, %dma_wait3A_2570, %dma_wait3A_2571, %dma_wait3A_2572] : memref<7x2x64x4096xf32, #tpu.memory_space<vmem>> -> memref<1x2x64x4096xf32, #tpu.memory_space<vmem>>
    %dma_wait3A_2574 = tpu.memref_squeeze %dma_wait3A_2573 : memref<1x2x64x4096xf32, #tpu.memory_space<vmem>> -> memref<2x64x4096xf32, #tpu.memory_space<vmem>>
    %dma_wait3A_2575 = arith.constant 66 : i32
    %dma_wait3A_2576 = arith.constant 0 : i32
    %dma_wait3A_2577 = arith.constant 0 : i32
    %dma_wait3A_2578 = tpu.memref_slice %arg0[%dma_wait3A_2575, %dma_wait3A_2576, %dma_wait3A_2577] : memref<128x64x4096xf32, #tpu.memory_space<hbm>> -> memref<2x64x4096xf32, #tpu.memory_space<hbm>>
    tpu.wait_dma2 semaphore(%dma_wait3A_2569 : memref<!tpu.dma_semaphore, #tpu.memory_space<semaphore_mem>>) src(%dma_wait3A_2578 : memref<2x64x4096xf32, #tpu.memory_space<hbm>>) dst(%dma_wait3A_2574 : memref<2x64x4096xf32, #tpu.memory_space<vmem>>)
    %dma_wait3A_2579 = arith.constant 5 : i32
    %dma_wait3A_2580 = arith.constant 5 : i32
    %dma_wait3A_2581 = tpu.memref_slice %arg7[%dma_wait3A_2580] : memref<7x!tpu.dma_semaphore, #tpu.memory_space<semaphore_mem>> -> memref<1x!tpu.dma_semaphore, #tpu.memory_space<semaphore_mem>>
    %dma_wait3A_2582 = tpu.memref_squeeze %dma_wait3A_2581 : memref<1x!tpu.dma_semaphore, #tpu.memory_space<semaphore_mem>> -> memref<!tpu.dma_semaphore, #tpu.memory_space<semaphore_mem>>
    %dma_wait3A_2583 = arith.constant 52 : i32
    %dma_wait3A_2584 = arith.constant 0 : i32
    %dma_wait3A_2585 = arith.constant 0 : i32
    %dma_wait3A_2586 = tpu.memref_slice %arg3[%dma_wait3A_2583, %dma_wait3A_2584, %dma_wait3A_2585] : memref<112x64x4096xf32, #tpu.memory_space<hbm>> -> memref<2x64x4096xf32, #tpu.memory_space<hbm>>
    %dma_wait3A_2587 = arith.constant 0 : i32
    %dma_wait3A_2588 = arith.constant 0 : i32
    %dma_wait3A_2589 = arith.constant 0 : i32
    %dma_wait3A_2590 = tpu.memref_slice %arg5[%dma_wait3A_2579, %dma_wait3A_2587, %dma_wait3A_2588, %dma_wait3A_2589] : memref<7x2x64x4096xf32, #tpu.memory_space<vmem>> -> memref<1x2x64x4096xf32, #tpu.memory_space<vmem>>
    %dma_wait3A_2591 = tpu.memref_squeeze %dma_wait3A_2590 : memref<1x2x64x4096xf32, #tpu.memory_space<vmem>> -> memref<2x64x4096xf32, #tpu.memory_space<vmem>>
    tpu.wait_dma2 semaphore(%dma_wait3A_2582 : memref<!tpu.dma_semaphore, #tpu.memory_space<semaphore_mem>>) src(%dma_wait3A_2591 : memref<2x64x4096xf32, #tpu.memory_space<vmem>>) dst(%dma_wait3A_2586 : memref<2x64x4096xf32, #tpu.memory_space<hbm>>)
    %get3A_2592 = arith.constant 66 : index
    %get3A_2593 = arith.constant 0 : index
    %get3A_2594 = vector.load %arg1[%get3A_2592, %get3A_2593] : memref<128x4096xf32, #tpu.memory_space<vmem>>, vector<2x4096xf32>
    %broadcast_in_dim3A_2595 = vector.shape_cast %get3A_2594 : vector<2x4096xf32> to vector<2x1x4096xf32>
    %get3A_2596 = arith.constant 0 : index
    %get3A_2597 = arith.constant 66 : index
    %get3A_2598 = vector.load %arg2[%get3A_2596, %get3A_2597] : memref<64x128xf32, #tpu.memory_space<vmem>>, vector<64x2xf32>
    %transpose3A_2599 = tpu.transpose %get3A_2598, [1, 0] : vector<64x2xf32> -> vector<2x64xf32>
    %broadcast_in_dim3A_2600 = vector.shape_cast %transpose3A_2599 : vector<2x64xf32> to vector<2x64x1xf32>
    %get3A_2601 = arith.constant 5 : index
    %get3A_2602 = arith.constant 0 : index
    %get3A_2603 = arith.constant 0 : index
    %get3A_2604 = arith.constant 0 : index
    %get3A_2605 = vector.load %arg4[%get3A_2601, %get3A_2602, %get3A_2603, %get3A_2604] : memref<7x2x64x4096xf32, #tpu.memory_space<vmem>>, vector<1x2x64x4096xf32>
    %get3A_2606 = vector.shape_cast %get3A_2605 : vector<1x2x64x4096xf32> to vector<2x64x4096xf32>
    %mul3A_2607 = vector.broadcast %broadcast_in_dim3A_2595 : vector<2x1x4096xf32> to vector<2x64x4096xf32>
    %mul3A_2608 = vector.broadcast %broadcast_in_dim3A_2600 : vector<2x64x1xf32> to vector<2x64x4096xf32>
    %mul3A_2609 = arith.mulf %mul3A_2607, %mul3A_2608 : vector<2x64x4096xf32>
    %add3A_2610 = arith.addf %get3A_2606, %mul3A_2609 : vector<2x64x4096xf32>
    %swap3A_2611 = arith.constant 5 : index
    %swap3A_2612 = arith.constant 0 : index
    %swap3A_2613 = arith.constant 0 : index
    %swap3A_2614 = arith.constant 0 : index
    %swap3A_2615 = vector.load %arg5[%swap3A_2611, %swap3A_2612, %swap3A_2613, %swap3A_2614] : memref<7x2x64x4096xf32, #tpu.memory_space<vmem>>, vector<1x2x64x4096xf32>
    %swap3A_2616 = vector.shape_cast %swap3A_2615 : vector<1x2x64x4096xf32> to vector<2x64x4096xf32>
    %swap3A_2617 = vector.shape_cast %add3A_2610 : vector<2x64x4096xf32> to vector<1x2x64x4096xf32>
    tpu.vector_store %arg5[%swap3A_2611, %swap3A_2612, %swap3A_2613, %swap3A_2614], %swap3A_2617 {strides = array<i32>} : memref<7x2x64x4096xf32, #tpu.memory_space<vmem>>, vector<1x2x64x4096xf32>,
    %dma_start3A_2618 = arith.constant 5 : i32
    %dma_start3A_2619 = arith.constant 5 : i32
    %dma_start3A_2620 = tpu.memref_slice %arg7[%dma_start3A_2619] : memref<7x!tpu.dma_semaphore, #tpu.memory_space<semaphore_mem>> -> memref<1x!tpu.dma_semaphore, #tpu.memory_space<semaphore_mem>>
    %dma_start3A_2621 = tpu.memref_squeeze %dma_start3A_2620 : memref<1x!tpu.dma_semaphore, #tpu.memory_space<semaphore_mem>> -> memref<!tpu.dma_semaphore, #tpu.memory_space<semaphore_mem>>
    %dma_start3A_2622 = arith.constant 66 : i32
    %dma_start3A_2623 = arith.constant 0 : i32
    %dma_start3A_2624 = arith.constant 0 : i32
    %dma_start3A_2625 = tpu.memref_slice %arg3[%dma_start3A_2622, %dma_start3A_2623, %dma_start3A_2624] : memref<112x64x4096xf32, #tpu.memory_space<hbm>> -> memref<2x64x4096xf32, #tpu.memory_space<hbm>>
    %dma_start3A_2626 = arith.constant 0 : i32
    %dma_start3A_2627 = arith.constant 0 : i32
    %dma_start3A_2628 = arith.constant 0 : i32
    %dma_start3A_2629 = tpu.memref_slice %arg5[%dma_start3A_2618, %dma_start3A_2626, %dma_start3A_2627, %dma_start3A_2628] : memref<7x2x64x4096xf32, #tpu.memory_space<vmem>> -> memref<1x2x64x4096xf32, #tpu.memory_space<vmem>>
    %dma_start3A_2630 = tpu.memref_squeeze %dma_start3A_2629 : memref<1x2x64x4096xf32, #tpu.memory_space<vmem>> -> memref<2x64x4096xf32, #tpu.memory_space<vmem>>
    tpu.enqueue_dma source(%dma_start3A_2630 : memref<2x64x4096xf32, #tpu.memory_space<vmem>>) target(%dma_start3A_2625 : memref<2x64x4096xf32, #tpu.memory_space<hbm>>) target_semaphore(%dma_start3A_2621 : memref<!tpu.dma_semaphore, #tpu.memory_space<semaphore_mem>>)
    %dma_start3A_2631 = arith.constant 5 : i32
    %dma_start3A_2632 = arith.constant 5 : i32
    %dma_start3A_2633 = tpu.memref_slice %arg6[%dma_start3A_2632] : memref<7x!tpu.dma_semaphore, #tpu.memory_space<semaphore_mem>> -> memref<1x!tpu.dma_semaphore, #tpu.memory_space<semaphore_mem>>
    %dma_start3A_2634 = tpu.memref_squeeze %dma_start3A_2633 : memref<1x!tpu.dma_semaphore, #tpu.memory_space<semaphore_mem>> -> memref<!tpu.dma_semaphore, #tpu.memory_space<semaphore_mem>>
    %dma_start3A_2635 = arith.constant 0 : i32
    %dma_start3A_2636 = arith.constant 0 : i32
    %dma_start3A_2637 = arith.constant 0 : i32
    %dma_start3A_2638 = tpu.memref_slice %arg4[%dma_start3A_2631, %dma_start3A_2635, %dma_start3A_2636, %dma_start3A_2637] : memref<7x2x64x4096xf32, #tpu.memory_space<vmem>> -> memref<1x2x64x4096xf32, #tpu.memory_space<vmem>>
    %dma_start3A_2639 = tpu.memref_squeeze %dma_start3A_2638 : memref<1x2x64x4096xf32, #tpu.memory_space<vmem>> -> memref<2x64x4096xf32, #tpu.memory_space<vmem>>
    %dma_start3A_2640 = arith.constant 80 : i32
    %dma_start3A_2641 = arith.constant 0 : i32
    %dma_start3A_2642 = arith.constant 0 : i32
    %dma_start3A_2643 = tpu.memref_slice %arg0[%dma_start3A_2640, %dma_start3A_2641, %dma_start3A_2642] : memref<128x64x4096xf32, #tpu.memory_space<hbm>> -> memref<2x64x4096xf32, #tpu.memory_space<hbm>>
    tpu.enqueue_dma source(%dma_start3A_2643 : memref<2x64x4096xf32, #tpu.memory_space<hbm>>) target(%dma_start3A_2639 : memref<2x64x4096xf32, #tpu.memory_space<vmem>>) target_semaphore(%dma_start3A_2634 : memref<!tpu.dma_semaphore, #tpu.memory_space<semaphore_mem>>)
    %dma_wait3A_2644 = arith.constant 6 : i32
    %dma_wait3A_2645 = arith.constant 6 : i32
    %dma_wait3A_2646 = tpu.memref_slice %arg6[%dma_wait3A_2645] : memref<7x!tpu.dma_semaphore, #tpu.memory_space<semaphore_mem>> -> memref<1x!tpu.dma_semaphore, #tpu.memory_space<semaphore_mem>>
    %dma_wait3A_2647 = tpu.memref_squeeze %dma_wait3A_2646 : memref<1x!tpu.dma_semaphore, #tpu.memory_space<semaphore_mem>> -> memref<!tpu.dma_semaphore, #tpu.memory_space<semaphore_mem>>
    %dma_wait3A_2648 = arith.constant 0 : i32
    %dma_wait3A_2649 = arith.constant 0 : i32
    %dma_wait3A_2650 = arith.constant 0 : i32
    %dma_wait3A_2651 = tpu.memref_slice %arg4[%dma_wait3A_2644, %dma_wait3A_2648, %dma_wait3A_2649, %dma_wait3A_2650] : memref<7x2x64x4096xf32, #tpu.memory_space<vmem>> -> memref<1x2x64x4096xf32, #tpu.memory_space<vmem>>
    %dma_wait3A_2652 = tpu.memref_squeeze %dma_wait3A_2651 : memref<1x2x64x4096xf32, #tpu.memory_space<vmem>> -> memref<2x64x4096xf32, #tpu.memory_space<vmem>>
    %dma_wait3A_2653 = arith.constant 68 : i32
    %dma_wait3A_2654 = arith.constant 0 : i32
    %dma_wait3A_2655 = arith.constant 0 : i32
    %dma_wait3A_2656 = tpu.memref_slice %arg0[%dma_wait3A_2653, %dma_wait3A_2654, %dma_wait3A_2655] : memref<128x64x4096xf32, #tpu.memory_space<hbm>> -> memref<2x64x4096xf32, #tpu.memory_space<hbm>>
    tpu.wait_dma2 semaphore(%dma_wait3A_2647 : memref<!tpu.dma_semaphore, #tpu.memory_space<semaphore_mem>>) src(%dma_wait3A_2656 : memref<2x64x4096xf32, #tpu.memory_space<hbm>>) dst(%dma_wait3A_2652 : memref<2x64x4096xf32, #tpu.memory_space<vmem>>)
    %dma_wait3A_2657 = arith.constant 6 : i32
    %dma_wait3A_2658 = arith.constant 6 : i32
    %dma_wait3A_2659 = tpu.memref_slice %arg7[%dma_wait3A_2658] : memref<7x!tpu.dma_semaphore, #tpu.memory_space<semaphore_mem>> -> memref<1x!tpu.dma_semaphore, #tpu.memory_space<semaphore_mem>>
    %dma_wait3A_2660 = tpu.memref_squeeze %dma_wait3A_2659 : memref<1x!tpu.dma_semaphore, #tpu.memory_space<semaphore_mem>> -> memref<!tpu.dma_semaphore, #tpu.memory_space<semaphore_mem>>
    %dma_wait3A_2661 = arith.constant 54 : i32
    %dma_wait3A_2662 = arith.constant 0 : i32
    %dma_wait3A_2663 = arith.constant 0 : i32
    %dma_wait3A_2664 = tpu.memref_slice %arg3[%dma_wait3A_2661, %dma_wait3A_2662, %dma_wait3A_2663] : memref<112x64x4096xf32, #tpu.memory_space<hbm>> -> memref<2x64x4096xf32, #tpu.memory_space<hbm>>
    %dma_wait3A_2665 = arith.constant 0 : i32
    %dma_wait3A_2666 = arith.constant 0 : i32
    %dma_wait3A_2667 = arith.constant 0 : i32
    %dma_wait3A_2668 = tpu.memref_slice %arg5[%dma_wait3A_2657, %dma_wait3A_2665, %dma_wait3A_2666, %dma_wait3A_2667] : memref<7x2x64x4096xf32, #tpu.memory_space<vmem>> -> memref<1x2x64x4096xf32, #tpu.memory_space<vmem>>
    %dma_wait3A_2669 = tpu.memref_squeeze %dma_wait3A_2668 : memref<1x2x64x4096xf32, #tpu.memory_space<vmem>> -> memref<2x64x4096xf32, #tpu.memory_space<vmem>>
    tpu.wait_dma2 semaphore(%dma_wait3A_2660 : memref<!tpu.dma_semaphore, #tpu.memory_space<semaphore_mem>>) src(%dma_wait3A_2669 : memref<2x64x4096xf32, #tpu.memory_space<vmem>>) dst(%dma_wait3A_2664 : memref<2x64x4096xf32, #tpu.memory_space<hbm>>)
    %get3A_2670 = arith.constant 68 : index
    %get3A_2671 = arith.constant 0 : index
    %get3A_2672 = vector.load %arg1[%get3A_2670, %get3A_2671] : memref<128x4096xf32, #tpu.memory_space<vmem>>, vector<2x4096xf32>
    %broadcast_in_dim3A_2673 = vector.shape_cast %get3A_2672 : vector<2x4096xf32> to vector<2x1x4096xf32>
    %get3A_2674 = arith.constant 0 : index
    %get3A_2675 = arith.constant 68 : index
    %get3A_2676 = vector.load %arg2[%get3A_2674, %get3A_2675] : memref<64x128xf32, #tpu.memory_space<vmem>>, vector<64x2xf32>
    %transpose3A_2677 = tpu.transpose %get3A_2676, [1, 0] : vector<64x2xf32> -> vector<2x64xf32>
    %broadcast_in_dim3A_2678 = vector.shape_cast %transpose3A_2677 : vector<2x64xf32> to vector<2x64x1xf32>
    %get3A_2679 = arith.constant 6 : index
    %get3A_2680 = arith.constant 0 : index
    %get3A_2681 = arith.constant 0 : index
    %get3A_2682 = arith.constant 0 : index
    %get3A_2683 = vector.load %arg4[%get3A_2679, %get3A_2680, %get3A_2681, %get3A_2682] : memref<7x2x64x4096xf32, #tpu.memory_space<vmem>>, vector<1x2x64x4096xf32>
    %get3A_2684 = vector.shape_cast %get3A_2683 : vector<1x2x64x4096xf32> to vector<2x64x4096xf32>
    %mul3A_2685 = vector.broadcast %broadcast_in_dim3A_2673 : vector<2x1x4096xf32> to vector<2x64x4096xf32>
    %mul3A_2686 = vector.broadcast %broadcast_in_dim3A_2678 : vector<2x64x1xf32> to vector<2x64x4096xf32>
    %mul3A_2687 = arith.mulf %mul3A_2685, %mul3A_2686 : vector<2x64x4096xf32>
    %add3A_2688 = arith.addf %get3A_2684, %mul3A_2687 : vector<2x64x4096xf32>
    %swap3A_2689 = arith.constant 6 : index
    %swap3A_2690 = arith.constant 0 : index
    %swap3A_2691 = arith.constant 0 : index
    %swap3A_2692 = arith.constant 0 : index
    %swap3A_2693 = vector.load %arg5[%swap3A_2689, %swap3A_2690, %swap3A_2691, %swap3A_2692] : memref<7x2x64x4096xf32, #tpu.memory_space<vmem>>, vector<1x2x64x4096xf32>
    %swap3A_2694 = vector.shape_cast %swap3A_2693 : vector<1x2x64x4096xf32> to vector<2x64x4096xf32>
    %swap3A_2695 = vector.shape_cast %add3A_2688 : vector<2x64x4096xf32> to vector<1x2x64x4096xf32>
    tpu.vector_store %arg5[%swap3A_2689, %swap3A_2690, %swap3A_2691, %swap3A_2692], %swap3A_2695 {strides = array<i32>} : memref<7x2x64x4096xf32, #tpu.memory_space<vmem>>, vector<1x2x64x4096xf32>,
    %dma_start3A_2696 = arith.constant 6 : i32
    %dma_start3A_2697 = arith.constant 6 : i32
    %dma_start3A_2698 = tpu.memref_slice %arg7[%dma_start3A_2697] : memref<7x!tpu.dma_semaphore, #tpu.memory_space<semaphore_mem>> -> memref<1x!tpu.dma_semaphore, #tpu.memory_space<semaphore_mem>>
    %dma_start3A_2699 = tpu.memref_squeeze %dma_start3A_2698 : memref<1x!tpu.dma_semaphore, #tpu.memory_space<semaphore_mem>> -> memref<!tpu.dma_semaphore, #tpu.memory_space<semaphore_mem>>
    %dma_start3A_2700 = arith.constant 68 : i32
    %dma_start3A_2701 = arith.constant 0 : i32
    %dma_start3A_2702 = arith.constant 0 : i32
    %dma_start3A_2703 = tpu.memref_slice %arg3[%dma_start3A_2700, %dma_start3A_2701, %dma_start3A_2702] : memref<112x64x4096xf32, #tpu.memory_space<hbm>> -> memref<2x64x4096xf32, #tpu.memory_space<hbm>>
    %dma_start3A_2704 = arith.constant 0 : i32
    %dma_start3A_2705 = arith.constant 0 : i32
    %dma_start3A_2706 = arith.constant 0 : i32
    %dma_start3A_2707 = tpu.memref_slice %arg5[%dma_start3A_2696, %dma_start3A_2704, %dma_start3A_2705, %dma_start3A_2706] : memref<7x2x64x4096xf32, #tpu.memory_space<vmem>> -> memref<1x2x64x4096xf32, #tpu.memory_space<vmem>>
    %dma_start3A_2708 = tpu.memref_squeeze %dma_start3A_2707 : memref<1x2x64x4096xf32, #tpu.memory_space<vmem>> -> memref<2x64x4096xf32, #tpu.memory_space<vmem>>
    tpu.enqueue_dma source(%dma_start3A_2708 : memref<2x64x4096xf32, #tpu.memory_space<vmem>>) target(%dma_start3A_2703 : memref<2x64x4096xf32, #tpu.memory_space<hbm>>) target_semaphore(%dma_start3A_2699 : memref<!tpu.dma_semaphore, #tpu.memory_space<semaphore_mem>>)
    %dma_start3A_2709 = arith.constant 6 : i32
    %dma_start3A_2710 = arith.constant 6 : i32
    %dma_start3A_2711 = tpu.memref_slice %arg6[%dma_start3A_2710] : memref<7x!tpu.dma_semaphore, #tpu.memory_space<semaphore_mem>> -> memref<1x!tpu.dma_semaphore, #tpu.memory_space<semaphore_mem>>
    %dma_start3A_2712 = tpu.memref_squeeze %dma_start3A_2711 : memref<1x!tpu.dma_semaphore, #tpu.memory_space<semaphore_mem>> -> memref<!tpu.dma_semaphore, #tpu.memory_space<semaphore_mem>>
    %dma_start3A_2713 = arith.constant 0 : i32
    %dma_start3A_2714 = arith.constant 0 : i32
    %dma_start3A_2715 = arith.constant 0 : i32
    %dma_start3A_2716 = tpu.memref_slice %arg4[%dma_start3A_2709, %dma_start3A_2713, %dma_start3A_2714, %dma_start3A_2715] : memref<7x2x64x4096xf32, #tpu.memory_space<vmem>> -> memref<1x2x64x4096xf32, #tpu.memory_space<vmem>>
    %dma_start3A_2717 = tpu.memref_squeeze %dma_start3A_2716 : memref<1x2x64x4096xf32, #tpu.memory_space<vmem>> -> memref<2x64x4096xf32, #tpu.memory_space<vmem>>
    %dma_start3A_2718 = arith.constant 82 : i32
    %dma_start3A_2719 = arith.constant 0 : i32
    %dma_start3A_2720 = arith.constant 0 : i32
    %dma_start3A_2721 = tpu.memref_slice %arg0[%dma_start3A_2718, %dma_start3A_2719, %dma_start3A_2720] : memref<128x64x4096xf32, #tpu.memory_space<hbm>> -> memref<2x64x4096xf32, #tpu.memory_space<hbm>>
    tpu.enqueue_dma source(%dma_start3A_2721 : memref<2x64x4096xf32, #tpu.memory_space<hbm>>) target(%dma_start3A_2717 : memref<2x64x4096xf32, #tpu.memory_space<vmem>>) target_semaphore(%dma_start3A_2712 : memref<!tpu.dma_semaphore, #tpu.memory_space<semaphore_mem>>)
    %dma_wait3A_2722 = arith.constant 0 : i32
    %dma_wait3A_2723 = arith.constant 0 : i32
    %dma_wait3A_2724 = tpu.memref_slice %arg6[%dma_wait3A_2723] : memref<7x!tpu.dma_semaphore, #tpu.memory_space<semaphore_mem>> -> memref<1x!tpu.dma_semaphore, #tpu.memory_space<semaphore_mem>>
    %dma_wait3A_2725 = tpu.memref_squeeze %dma_wait3A_2724 : memref<1x!tpu.dma_semaphore, #tpu.memory_space<semaphore_mem>> -> memref<!tpu.dma_semaphore, #tpu.memory_space<semaphore_mem>>
    %dma_wait3A_2726 = arith.constant 0 : i32
    %dma_wait3A_2727 = arith.constant 0 : i32
    %dma_wait3A_2728 = arith.constant 0 : i32
    %dma_wait3A_2729 = tpu.memref_slice %arg4[%dma_wait3A_2722, %dma_wait3A_2726, %dma_wait3A_2727, %dma_wait3A_2728] : memref<7x2x64x4096xf32, #tpu.memory_space<vmem>> -> memref<1x2x64x4096xf32, #tpu.memory_space<vmem>>
    %dma_wait3A_2730 = tpu.memref_squeeze %dma_wait3A_2729 : memref<1x2x64x4096xf32, #tpu.memory_space<vmem>> -> memref<2x64x4096xf32, #tpu.memory_space<vmem>>
    %dma_wait3A_2731 = arith.constant 70 : i32
    %dma_wait3A_2732 = arith.constant 0 : i32
    %dma_wait3A_2733 = arith.constant 0 : i32
    %dma_wait3A_2734 = tpu.memref_slice %arg0[%dma_wait3A_2731, %dma_wait3A_2732, %dma_wait3A_2733] : memref<128x64x4096xf32, #tpu.memory_space<hbm>> -> memref<2x64x4096xf32, #tpu.memory_space<hbm>>
    tpu.wait_dma2 semaphore(%dma_wait3A_2725 : memref<!tpu.dma_semaphore, #tpu.memory_space<semaphore_mem>>) src(%dma_wait3A_2734 : memref<2x64x4096xf32, #tpu.memory_space<hbm>>) dst(%dma_wait3A_2730 : memref<2x64x4096xf32, #tpu.memory_space<vmem>>)
    %dma_wait3A_2735 = arith.constant 0 : i32
    %dma_wait3A_2736 = arith.constant 0 : i32
    %dma_wait3A_2737 = tpu.memref_slice %arg7[%dma_wait3A_2736] : memref<7x!tpu.dma_semaphore, #tpu.memory_space<semaphore_mem>> -> memref<1x!tpu.dma_semaphore, #tpu.memory_space<semaphore_mem>>
    %dma_wait3A_2738 = tpu.memref_squeeze %dma_wait3A_2737 : memref<1x!tpu.dma_semaphore, #tpu.memory_space<semaphore_mem>> -> memref<!tpu.dma_semaphore, #tpu.memory_space<semaphore_mem>>
    %dma_wait3A_2739 = arith.constant 56 : i32
    %dma_wait3A_2740 = arith.constant 0 : i32
    %dma_wait3A_2741 = arith.constant 0 : i32
    %dma_wait3A_2742 = tpu.memref_slice %arg3[%dma_wait3A_2739, %dma_wait3A_2740, %dma_wait3A_2741] : memref<112x64x4096xf32, #tpu.memory_space<hbm>> -> memref<2x64x4096xf32, #tpu.memory_space<hbm>>
    %dma_wait3A_2743 = arith.constant 0 : i32
    %dma_wait3A_2744 = arith.constant 0 : i32
    %dma_wait3A_2745 = arith.constant 0 : i32
    %dma_wait3A_2746 = tpu.memref_slice %arg5[%dma_wait3A_2735, %dma_wait3A_2743, %dma_wait3A_2744, %dma_wait3A_2745] : memref<7x2x64x4096xf32, #tpu.memory_space<vmem>> -> memref<1x2x64x4096xf32, #tpu.memory_space<vmem>>
    %dma_wait3A_2747 = tpu.memref_squeeze %dma_wait3A_2746 : memref<1x2x64x4096xf32, #tpu.memory_space<vmem>> -> memref<2x64x4096xf32, #tpu.memory_space<vmem>>
    tpu.wait_dma2 semaphore(%dma_wait3A_2738 : memref<!tpu.dma_semaphore, #tpu.memory_space<semaphore_mem>>) src(%dma_wait3A_2747 : memref<2x64x4096xf32, #tpu.memory_space<vmem>>) dst(%dma_wait3A_2742 : memref<2x64x4096xf32, #tpu.memory_space<hbm>>)
    %get3A_2748 = arith.constant 70 : index
    %get3A_2749 = arith.constant 0 : index
    %get3A_2750 = vector.load %arg1[%get3A_2748, %get3A_2749] : memref<128x4096xf32, #tpu.memory_space<vmem>>, vector<2x4096xf32>
    %broadcast_in_dim3A_2751 = vector.shape_cast %get3A_2750 : vector<2x4096xf32> to vector<2x1x4096xf32>
    %get3A_2752 = arith.constant 0 : index
    %get3A_2753 = arith.constant 70 : index
    %get3A_2754 = vector.load %arg2[%get3A_2752, %get3A_2753] : memref<64x128xf32, #tpu.memory_space<vmem>>, vector<64x2xf32>
    %transpose3A_2755 = tpu.transpose %get3A_2754, [1, 0] : vector<64x2xf32> -> vector<2x64xf32>
    %broadcast_in_dim3A_2756 = vector.shape_cast %transpose3A_2755 : vector<2x64xf32> to vector<2x64x1xf32>
    %get3A_2757 = arith.constant 0 : index
    %get3A_2758 = arith.constant 0 : index
    %get3A_2759 = arith.constant 0 : index
    %get3A_2760 = arith.constant 0 : index
    %get3A_2761 = vector.load %arg4[%get3A_2757, %get3A_2758, %get3A_2759, %get3A_2760] : memref<7x2x64x4096xf32, #tpu.memory_space<vmem>>, vector<1x2x64x4096xf32>
    %get3A_2762 = vector.shape_cast %get3A_2761 : vector<1x2x64x4096xf32> to vector<2x64x4096xf32>
    %mul3A_2763 = vector.broadcast %broadcast_in_dim3A_2751 : vector<2x1x4096xf32> to vector<2x64x4096xf32>
    %mul3A_2764 = vector.broadcast %broadcast_in_dim3A_2756 : vector<2x64x1xf32> to vector<2x64x4096xf32>
    %mul3A_2765 = arith.mulf %mul3A_2763, %mul3A_2764 : vector<2x64x4096xf32>
    %add3A_2766 = arith.addf %get3A_2762, %mul3A_2765 : vector<2x64x4096xf32>
    %swap3A_2767 = arith.constant 0 : index
    %swap3A_2768 = arith.constant 0 : index
    %swap3A_2769 = arith.constant 0 : index
    %swap3A_2770 = arith.constant 0 : index
    %swap3A_2771 = vector.load %arg5[%swap3A_2767, %swap3A_2768, %swap3A_2769, %swap3A_2770] : memref<7x2x64x4096xf32, #tpu.memory_space<vmem>>, vector<1x2x64x4096xf32>
    %swap3A_2772 = vector.shape_cast %swap3A_2771 : vector<1x2x64x4096xf32> to vector<2x64x4096xf32>
    %swap3A_2773 = vector.shape_cast %add3A_2766 : vector<2x64x4096xf32> to vector<1x2x64x4096xf32>
    tpu.vector_store %arg5[%swap3A_2767, %swap3A_2768, %swap3A_2769, %swap3A_2770], %swap3A_2773 {strides = array<i32>} : memref<7x2x64x4096xf32, #tpu.memory_space<vmem>>, vector<1x2x64x4096xf32>,
    %dma_start3A_2774 = arith.constant 0 : i32
    %dma_start3A_2775 = arith.constant 0 : i32
    %dma_start3A_2776 = tpu.memref_slice %arg7[%dma_start3A_2775] : memref<7x!tpu.dma_semaphore, #tpu.memory_space<semaphore_mem>> -> memref<1x!tpu.dma_semaphore, #tpu.memory_space<semaphore_mem>>
    %dma_start3A_2777 = tpu.memref_squeeze %dma_start3A_2776 : memref<1x!tpu.dma_semaphore, #tpu.memory_space<semaphore_mem>> -> memref<!tpu.dma_semaphore, #tpu.memory_space<semaphore_mem>>
    %dma_start3A_2778 = arith.constant 70 : i32
    %dma_start3A_2779 = arith.constant 0 : i32
    %dma_start3A_2780 = arith.constant 0 : i32
    %dma_start3A_2781 = tpu.memref_slice %arg3[%dma_start3A_2778, %dma_start3A_2779, %dma_start3A_2780] : memref<112x64x4096xf32, #tpu.memory_space<hbm>> -> memref<2x64x4096xf32, #tpu.memory_space<hbm>>
    %dma_start3A_2782 = arith.constant 0 : i32
    %dma_start3A_2783 = arith.constant 0 : i32
    %dma_start3A_2784 = arith.constant 0 : i32
    %dma_start3A_2785 = tpu.memref_slice %arg5[%dma_start3A_2774, %dma_start3A_2782, %dma_start3A_2783, %dma_start3A_2784] : memref<7x2x64x4096xf32, #tpu.memory_space<vmem>> -> memref<1x2x64x4096xf32, #tpu.memory_space<vmem>>
    %dma_start3A_2786 = tpu.memref_squeeze %dma_start3A_2785 : memref<1x2x64x4096xf32, #tpu.memory_space<vmem>> -> memref<2x64x4096xf32, #tpu.memory_space<vmem>>
    tpu.enqueue_dma source(%dma_start3A_2786 : memref<2x64x4096xf32, #tpu.memory_space<vmem>>) target(%dma_start3A_2781 : memref<2x64x4096xf32, #tpu.memory_space<hbm>>) target_semaphore(%dma_start3A_2777 : memref<!tpu.dma_semaphore, #tpu.memory_space<semaphore_mem>>)
    %dma_start3A_2787 = arith.constant 0 : i32
    %dma_start3A_2788 = arith.constant 0 : i32
    %dma_start3A_2789 = tpu.memref_slice %arg6[%dma_start3A_2788] : memref<7x!tpu.dma_semaphore, #tpu.memory_space<semaphore_mem>> -> memref<1x!tpu.dma_semaphore, #tpu.memory_space<semaphore_mem>>
    %dma_start3A_2790 = tpu.memref_squeeze %dma_start3A_2789 : memref<1x!tpu.dma_semaphore, #tpu.memory_space<semaphore_mem>> -> memref<!tpu.dma_semaphore, #tpu.memory_space<semaphore_mem>>
    %dma_start3A_2791 = arith.constant 0 : i32
    %dma_start3A_2792 = arith.constant 0 : i32
    %dma_start3A_2793 = arith.constant 0 : i32
    %dma_start3A_2794 = tpu.memref_slice %arg4[%dma_start3A_2787, %dma_start3A_2791, %dma_start3A_2792, %dma_start3A_2793] : memref<7x2x64x4096xf32, #tpu.memory_space<vmem>> -> memref<1x2x64x4096xf32, #tpu.memory_space<vmem>>
    %dma_start3A_2795 = tpu.memref_squeeze %dma_start3A_2794 : memref<1x2x64x4096xf32, #tpu.memory_space<vmem>> -> memref<2x64x4096xf32, #tpu.memory_space<vmem>>
    %dma_start3A_2796 = arith.constant 84 : i32
    %dma_start3A_2797 = arith.constant 0 : i32
    %dma_start3A_2798 = arith.constant 0 : i32
    %dma_start3A_2799 = tpu.memref_slice %arg0[%dma_start3A_2796, %dma_start3A_2797, %dma_start3A_2798] : memref<128x64x4096xf32, #tpu.memory_space<hbm>> -> memref<2x64x4096xf32, #tpu.memory_space<hbm>>
    tpu.enqueue_dma source(%dma_start3A_2799 : memref<2x64x4096xf32, #tpu.memory_space<hbm>>) target(%dma_start3A_2795 : memref<2x64x4096xf32, #tpu.memory_space<vmem>>) target_semaphore(%dma_start3A_2790 : memref<!tpu.dma_semaphore, #tpu.memory_space<semaphore_mem>>)
    %dma_wait3A_2800 = arith.constant 1 : i32
    %dma_wait3A_2801 = arith.constant 1 : i32
    %dma_wait3A_2802 = tpu.memref_slice %arg6[%dma_wait3A_2801] : memref<7x!tpu.dma_semaphore, #tpu.memory_space<semaphore_mem>> -> memref<1x!tpu.dma_semaphore, #tpu.memory_space<semaphore_mem>>
    %dma_wait3A_2803 = tpu.memref_squeeze %dma_wait3A_2802 : memref<1x!tpu.dma_semaphore, #tpu.memory_space<semaphore_mem>> -> memref<!tpu.dma_semaphore, #tpu.memory_space<semaphore_mem>>
    %dma_wait3A_2804 = arith.constant 0 : i32
    %dma_wait3A_2805 = arith.constant 0 : i32
    %dma_wait3A_2806 = arith.constant 0 : i32
    %dma_wait3A_2807 = tpu.memref_slice %arg4[%dma_wait3A_2800, %dma_wait3A_2804, %dma_wait3A_2805, %dma_wait3A_2806] : memref<7x2x64x4096xf32, #tpu.memory_space<vmem>> -> memref<1x2x64x4096xf32, #tpu.memory_space<vmem>>
    %dma_wait3A_2808 = tpu.memref_squeeze %dma_wait3A_2807 : memref<1x2x64x4096xf32, #tpu.memory_space<vmem>> -> memref<2x64x4096xf32, #tpu.memory_space<vmem>>
    %dma_wait3A_2809 = arith.constant 72 : i32
    %dma_wait3A_2810 = arith.constant 0 : i32
    %dma_wait3A_2811 = arith.constant 0 : i32
    %dma_wait3A_2812 = tpu.memref_slice %arg0[%dma_wait3A_2809, %dma_wait3A_2810, %dma_wait3A_2811] : memref<128x64x4096xf32, #tpu.memory_space<hbm>> -> memref<2x64x4096xf32, #tpu.memory_space<hbm>>
    tpu.wait_dma2 semaphore(%dma_wait3A_2803 : memref<!tpu.dma_semaphore, #tpu.memory_space<semaphore_mem>>) src(%dma_wait3A_2812 : memref<2x64x4096xf32, #tpu.memory_space<hbm>>) dst(%dma_wait3A_2808 : memref<2x64x4096xf32, #tpu.memory_space<vmem>>)
    %dma_wait3A_2813 = arith.constant 1 : i32
    %dma_wait3A_2814 = arith.constant 1 : i32
    %dma_wait3A_2815 = tpu.memref_slice %arg7[%dma_wait3A_2814] : memref<7x!tpu.dma_semaphore, #tpu.memory_space<semaphore_mem>> -> memref<1x!tpu.dma_semaphore, #tpu.memory_space<semaphore_mem>>
    %dma_wait3A_2816 = tpu.memref_squeeze %dma_wait3A_2815 : memref<1x!tpu.dma_semaphore, #tpu.memory_space<semaphore_mem>> -> memref<!tpu.dma_semaphore, #tpu.memory_space<semaphore_mem>>
    %dma_wait3A_2817 = arith.constant 58 : i32
    %dma_wait3A_2818 = arith.constant 0 : i32
    %dma_wait3A_2819 = arith.constant 0 : i32
    %dma_wait3A_2820 = tpu.memref_slice %arg3[%dma_wait3A_2817, %dma_wait3A_2818, %dma_wait3A_2819] : memref<112x64x4096xf32, #tpu.memory_space<hbm>> -> memref<2x64x4096xf32, #tpu.memory_space<hbm>>
    %dma_wait3A_2821 = arith.constant 0 : i32
    %dma_wait3A_2822 = arith.constant 0 : i32
    %dma_wait3A_2823 = arith.constant 0 : i32
    %dma_wait3A_2824 = tpu.memref_slice %arg5[%dma_wait3A_2813, %dma_wait3A_2821, %dma_wait3A_2822, %dma_wait3A_2823] : memref<7x2x64x4096xf32, #tpu.memory_space<vmem>> -> memref<1x2x64x4096xf32, #tpu.memory_space<vmem>>
    %dma_wait3A_2825 = tpu.memref_squeeze %dma_wait3A_2824 : memref<1x2x64x4096xf32, #tpu.memory_space<vmem>> -> memref<2x64x4096xf32, #tpu.memory_space<vmem>>
    tpu.wait_dma2 semaphore(%dma_wait3A_2816 : memref<!tpu.dma_semaphore, #tpu.memory_space<semaphore_mem>>) src(%dma_wait3A_2825 : memref<2x64x4096xf32, #tpu.memory_space<vmem>>) dst(%dma_wait3A_2820 : memref<2x64x4096xf32, #tpu.memory_space<hbm>>)
    %get3A_2826 = arith.constant 72 : index
    %get3A_2827 = arith.constant 0 : index
    %get3A_2828 = vector.load %arg1[%get3A_2826, %get3A_2827] : memref<128x4096xf32, #tpu.memory_space<vmem>>, vector<2x4096xf32>
    %broadcast_in_dim3A_2829 = vector.shape_cast %get3A_2828 : vector<2x4096xf32> to vector<2x1x4096xf32>
    %get3A_2830 = arith.constant 0 : index
    %get3A_2831 = arith.constant 72 : index
    %get3A_2832 = vector.load %arg2[%get3A_2830, %get3A_2831] : memref<64x128xf32, #tpu.memory_space<vmem>>, vector<64x2xf32>
    %transpose3A_2833 = tpu.transpose %get3A_2832, [1, 0] : vector<64x2xf32> -> vector<2x64xf32>
    %broadcast_in_dim3A_2834 = vector.shape_cast %transpose3A_2833 : vector<2x64xf32> to vector<2x64x1xf32>
    %get3A_2835 = arith.constant 1 : index
    %get3A_2836 = arith.constant 0 : index
    %get3A_2837 = arith.constant 0 : index
    %get3A_2838 = arith.constant 0 : index
    %get3A_2839 = vector.load %arg4[%get3A_2835, %get3A_2836, %get3A_2837, %get3A_2838] : memref<7x2x64x4096xf32, #tpu.memory_space<vmem>>, vector<1x2x64x4096xf32>
    %get3A_2840 = vector.shape_cast %get3A_2839 : vector<1x2x64x4096xf32> to vector<2x64x4096xf32>
    %mul3A_2841 = vector.broadcast %broadcast_in_dim3A_2829 : vector<2x1x4096xf32> to vector<2x64x4096xf32>
    %mul3A_2842 = vector.broadcast %broadcast_in_dim3A_2834 : vector<2x64x1xf32> to vector<2x64x4096xf32>
    %mul3A_2843 = arith.mulf %mul3A_2841, %mul3A_2842 : vector<2x64x4096xf32>
    %add3A_2844 = arith.addf %get3A_2840, %mul3A_2843 : vector<2x64x4096xf32>
    %swap3A_2845 = arith.constant 1 : index
    %swap3A_2846 = arith.constant 0 : index
    %swap3A_2847 = arith.constant 0 : index
    %swap3A_2848 = arith.constant 0 : index
    %swap3A_2849 = vector.load %arg5[%swap3A_2845, %swap3A_2846, %swap3A_2847, %swap3A_2848] : memref<7x2x64x4096xf32, #tpu.memory_space<vmem>>, vector<1x2x64x4096xf32>
    %swap3A_2850 = vector.shape_cast %swap3A_2849 : vector<1x2x64x4096xf32> to vector<2x64x4096xf32>
    %swap3A_2851 = vector.shape_cast %add3A_2844 : vector<2x64x4096xf32> to vector<1x2x64x4096xf32>
    tpu.vector_store %arg5[%swap3A_2845, %swap3A_2846, %swap3A_2847, %swap3A_2848], %swap3A_2851 {strides = array<i32>} : memref<7x2x64x4096xf32, #tpu.memory_space<vmem>>, vector<1x2x64x4096xf32>,
    %dma_start3A_2852 = arith.constant 1 : i32
    %dma_start3A_2853 = arith.constant 1 : i32
    %dma_start3A_2854 = tpu.memref_slice %arg7[%dma_start3A_2853] : memref<7x!tpu.dma_semaphore, #tpu.memory_space<semaphore_mem>> -> memref<1x!tpu.dma_semaphore, #tpu.memory_space<semaphore_mem>>
    %dma_start3A_2855 = tpu.memref_squeeze %dma_start3A_2854 : memref<1x!tpu.dma_semaphore, #tpu.memory_space<semaphore_mem>> -> memref<!tpu.dma_semaphore, #tpu.memory_space<semaphore_mem>>
    %dma_start3A_2856 = arith.constant 72 : i32
    %dma_start3A_2857 = arith.constant 0 : i32
    %dma_start3A_2858 = arith.constant 0 : i32
    %dma_start3A_2859 = tpu.memref_slice %arg3[%dma_start3A_2856, %dma_start3A_2857, %dma_start3A_2858] : memref<112x64x4096xf32, #tpu.memory_space<hbm>> -> memref<2x64x4096xf32, #tpu.memory_space<hbm>>
    %dma_start3A_2860 = arith.constant 0 : i32
    %dma_start3A_2861 = arith.constant 0 : i32
    %dma_start3A_2862 = arith.constant 0 : i32
    %dma_start3A_2863 = tpu.memref_slice %arg5[%dma_start3A_2852, %dma_start3A_2860, %dma_start3A_2861, %dma_start3A_2862] : memref<7x2x64x4096xf32, #tpu.memory_space<vmem>> -> memref<1x2x64x4096xf32, #tpu.memory_space<vmem>>
    %dma_start3A_2864 = tpu.memref_squeeze %dma_start3A_2863 : memref<1x2x64x4096xf32, #tpu.memory_space<vmem>> -> memref<2x64x4096xf32, #tpu.memory_space<vmem>>
    tpu.enqueue_dma source(%dma_start3A_2864 : memref<2x64x4096xf32, #tpu.memory_space<vmem>>) target(%dma_start3A_2859 : memref<2x64x4096xf32, #tpu.memory_space<hbm>>) target_semaphore(%dma_start3A_2855 : memref<!tpu.dma_semaphore, #tpu.memory_space<semaphore_mem>>)
    %dma_start3A_2865 = arith.constant 1 : i32
    %dma_start3A_2866 = arith.constant 1 : i32
    %dma_start3A_2867 = tpu.memref_slice %arg6[%dma_start3A_2866] : memref<7x!tpu.dma_semaphore, #tpu.memory_space<semaphore_mem>> -> memref<1x!tpu.dma_semaphore, #tpu.memory_space<semaphore_mem>>
    %dma_start3A_2868 = tpu.memref_squeeze %dma_start3A_2867 : memref<1x!tpu.dma_semaphore, #tpu.memory_space<semaphore_mem>> -> memref<!tpu.dma_semaphore, #tpu.memory_space<semaphore_mem>>
    %dma_start3A_2869 = arith.constant 0 : i32
    %dma_start3A_2870 = arith.constant 0 : i32
    %dma_start3A_2871 = arith.constant 0 : i32
    %dma_start3A_2872 = tpu.memref_slice %arg4[%dma_start3A_2865, %dma_start3A_2869, %dma_start3A_2870, %dma_start3A_2871] : memref<7x2x64x4096xf32, #tpu.memory_space<vmem>> -> memref<1x2x64x4096xf32, #tpu.memory_space<vmem>>
    %dma_start3A_2873 = tpu.memref_squeeze %dma_start3A_2872 : memref<1x2x64x4096xf32, #tpu.memory_space<vmem>> -> memref<2x64x4096xf32, #tpu.memory_space<vmem>>
    %dma_start3A_2874 = arith.constant 86 : i32
    %dma_start3A_2875 = arith.constant 0 : i32
    %dma_start3A_2876 = arith.constant 0 : i32
    %dma_start3A_2877 = tpu.memref_slice %arg0[%dma_start3A_2874, %dma_start3A_2875, %dma_start3A_2876] : memref<128x64x4096xf32, #tpu.memory_space<hbm>> -> memref<2x64x4096xf32, #tpu.memory_space<hbm>>
    tpu.enqueue_dma source(%dma_start3A_2877 : memref<2x64x4096xf32, #tpu.memory_space<hbm>>) target(%dma_start3A_2873 : memref<2x64x4096xf32, #tpu.memory_space<vmem>>) target_semaphore(%dma_start3A_2868 : memref<!tpu.dma_semaphore, #tpu.memory_space<semaphore_mem>>)
    %dma_wait3A_2878 = arith.constant 2 : i32
    %dma_wait3A_2879 = arith.constant 2 : i32
    %dma_wait3A_2880 = tpu.memref_slice %arg6[%dma_wait3A_2879] : memref<7x!tpu.dma_semaphore, #tpu.memory_space<semaphore_mem>> -> memref<1x!tpu.dma_semaphore, #tpu.memory_space<semaphore_mem>>
    %dma_wait3A_2881 = tpu.memref_squeeze %dma_wait3A_2880 : memref<1x!tpu.dma_semaphore, #tpu.memory_space<semaphore_mem>> -> memref<!tpu.dma_semaphore, #tpu.memory_space<semaphore_mem>>
    %dma_wait3A_2882 = arith.constant 0 : i32
    %dma_wait3A_2883 = arith.constant 0 : i32
    %dma_wait3A_2884 = arith.constant 0 : i32
    %dma_wait3A_2885 = tpu.memref_slice %arg4[%dma_wait3A_2878, %dma_wait3A_2882, %dma_wait3A_2883, %dma_wait3A_2884] : memref<7x2x64x4096xf32, #tpu.memory_space<vmem>> -> memref<1x2x64x4096xf32, #tpu.memory_space<vmem>>
    %dma_wait3A_2886 = tpu.memref_squeeze %dma_wait3A_2885 : memref<1x2x64x4096xf32, #tpu.memory_space<vmem>> -> memref<2x64x4096xf32, #tpu.memory_space<vmem>>
    %dma_wait3A_2887 = arith.constant 74 : i32
    %dma_wait3A_2888 = arith.constant 0 : i32
    %dma_wait3A_2889 = arith.constant 0 : i32
    %dma_wait3A_2890 = tpu.memref_slice %arg0[%dma_wait3A_2887, %dma_wait3A_2888, %dma_wait3A_2889] : memref<128x64x4096xf32, #tpu.memory_space<hbm>> -> memref<2x64x4096xf32, #tpu.memory_space<hbm>>
    tpu.wait_dma2 semaphore(%dma_wait3A_2881 : memref<!tpu.dma_semaphore, #tpu.memory_space<semaphore_mem>>) src(%dma_wait3A_2890 : memref<2x64x4096xf32, #tpu.memory_space<hbm>>) dst(%dma_wait3A_2886 : memref<2x64x4096xf32, #tpu.memory_space<vmem>>)
    %dma_wait3A_2891 = arith.constant 2 : i32
    %dma_wait3A_2892 = arith.constant 2 : i32
    %dma_wait3A_2893 = tpu.memref_slice %arg7[%dma_wait3A_2892] : memref<7x!tpu.dma_semaphore, #tpu.memory_space<semaphore_mem>> -> memref<1x!tpu.dma_semaphore, #tpu.memory_space<semaphore_mem>>
    %dma_wait3A_2894 = tpu.memref_squeeze %dma_wait3A_2893 : memref<1x!tpu.dma_semaphore, #tpu.memory_space<semaphore_mem>> -> memref<!tpu.dma_semaphore, #tpu.memory_space<semaphore_mem>>
    %dma_wait3A_2895 = arith.constant 60 : i32
    %dma_wait3A_2896 = arith.constant 0 : i32
    %dma_wait3A_2897 = arith.constant 0 : i32
    %dma_wait3A_2898 = tpu.memref_slice %arg3[%dma_wait3A_2895, %dma_wait3A_2896, %dma_wait3A_2897] : memref<112x64x4096xf32, #tpu.memory_space<hbm>> -> memref<2x64x4096xf32, #tpu.memory_space<hbm>>
    %dma_wait3A_2899 = arith.constant 0 : i32
    %dma_wait3A_2900 = arith.constant 0 : i32
    %dma_wait3A_2901 = arith.constant 0 : i32
    %dma_wait3A_2902 = tpu.memref_slice %arg5[%dma_wait3A_2891, %dma_wait3A_2899, %dma_wait3A_2900, %dma_wait3A_2901] : memref<7x2x64x4096xf32, #tpu.memory_space<vmem>> -> memref<1x2x64x4096xf32, #tpu.memory_space<vmem>>
    %dma_wait3A_2903 = tpu.memref_squeeze %dma_wait3A_2902 : memref<1x2x64x4096xf32, #tpu.memory_space<vmem>> -> memref<2x64x4096xf32, #tpu.memory_space<vmem>>
    tpu.wait_dma2 semaphore(%dma_wait3A_2894 : memref<!tpu.dma_semaphore, #tpu.memory_space<semaphore_mem>>) src(%dma_wait3A_2903 : memref<2x64x4096xf32, #tpu.memory_space<vmem>>) dst(%dma_wait3A_2898 : memref<2x64x4096xf32, #tpu.memory_space<hbm>>)
    %get3A_2904 = arith.constant 74 : index
    %get3A_2905 = arith.constant 0 : index
    %get3A_2906 = vector.load %arg1[%get3A_2904, %get3A_2905] : memref<128x4096xf32, #tpu.memory_space<vmem>>, vector<2x4096xf32>
    %broadcast_in_dim3A_2907 = vector.shape_cast %get3A_2906 : vector<2x4096xf32> to vector<2x1x4096xf32>
    %get3A_2908 = arith.constant 0 : index
    %get3A_2909 = arith.constant 74 : index
    %get3A_2910 = vector.load %arg2[%get3A_2908, %get3A_2909] : memref<64x128xf32, #tpu.memory_space<vmem>>, vector<64x2xf32>
    %transpose3A_2911 = tpu.transpose %get3A_2910, [1, 0] : vector<64x2xf32> -> vector<2x64xf32>
    %broadcast_in_dim3A_2912 = vector.shape_cast %transpose3A_2911 : vector<2x64xf32> to vector<2x64x1xf32>
    %get3A_2913 = arith.constant 2 : index
    %get3A_2914 = arith.constant 0 : index
    %get3A_2915 = arith.constant 0 : index
    %get3A_2916 = arith.constant 0 : index
    %get3A_2917 = vector.load %arg4[%get3A_2913, %get3A_2914, %get3A_2915, %get3A_2916] : memref<7x2x64x4096xf32, #tpu.memory_space<vmem>>, vector<1x2x64x4096xf32>
    %get3A_2918 = vector.shape_cast %get3A_2917 : vector<1x2x64x4096xf32> to vector<2x64x4096xf32>
    %mul3A_2919 = vector.broadcast %broadcast_in_dim3A_2907 : vector<2x1x4096xf32> to vector<2x64x4096xf32>
    %mul3A_2920 = vector.broadcast %broadcast_in_dim3A_2912 : vector<2x64x1xf32> to vector<2x64x4096xf32>
    %mul3A_2921 = arith.mulf %mul3A_2919, %mul3A_2920 : vector<2x64x4096xf32>
    %add3A_2922 = arith.addf %get3A_2918, %mul3A_2921 : vector<2x64x4096xf32>
    %swap3A_2923 = arith.constant 2 : index
    %swap3A_2924 = arith.constant 0 : index
    %swap3A_2925 = arith.constant 0 : index
    %swap3A_2926 = arith.constant 0 : index
    %swap3A_2927 = vector.load %arg5[%swap3A_2923, %swap3A_2924, %swap3A_2925, %swap3A_2926] : memref<7x2x64x4096xf32, #tpu.memory_space<vmem>>, vector<1x2x64x4096xf32>
    %swap3A_2928 = vector.shape_cast %swap3A_2927 : vector<1x2x64x4096xf32> to vector<2x64x4096xf32>
    %swap3A_2929 = vector.shape_cast %add3A_2922 : vector<2x64x4096xf32> to vector<1x2x64x4096xf32>
    tpu.vector_store %arg5[%swap3A_2923, %swap3A_2924, %swap3A_2925, %swap3A_2926], %swap3A_2929 {strides = array<i32>} : memref<7x2x64x4096xf32, #tpu.memory_space<vmem>>, vector<1x2x64x4096xf32>,
    %dma_start3A_2930 = arith.constant 2 : i32
    %dma_start3A_2931 = arith.constant 2 : i32
    %dma_start3A_2932 = tpu.memref_slice %arg7[%dma_start3A_2931] : memref<7x!tpu.dma_semaphore, #tpu.memory_space<semaphore_mem>> -> memref<1x!tpu.dma_semaphore, #tpu.memory_space<semaphore_mem>>
    %dma_start3A_2933 = tpu.memref_squeeze %dma_start3A_2932 : memref<1x!tpu.dma_semaphore, #tpu.memory_space<semaphore_mem>> -> memref<!tpu.dma_semaphore, #tpu.memory_space<semaphore_mem>>
    %dma_start3A_2934 = arith.constant 74 : i32
    %dma_start3A_2935 = arith.constant 0 : i32
    %dma_start3A_2936 = arith.constant 0 : i32
    %dma_start3A_2937 = tpu.memref_slice %arg3[%dma_start3A_2934, %dma_start3A_2935, %dma_start3A_2936] : memref<112x64x4096xf32, #tpu.memory_space<hbm>> -> memref<2x64x4096xf32, #tpu.memory_space<hbm>>
    %dma_start3A_2938 = arith.constant 0 : i32
    %dma_start3A_2939 = arith.constant 0 : i32
    %dma_start3A_2940 = arith.constant 0 : i32
    %dma_start3A_2941 = tpu.memref_slice %arg5[%dma_start3A_2930, %dma_start3A_2938, %dma_start3A_2939, %dma_start3A_2940] : memref<7x2x64x4096xf32, #tpu.memory_space<vmem>> -> memref<1x2x64x4096xf32, #tpu.memory_space<vmem>>
    %dma_start3A_2942 = tpu.memref_squeeze %dma_start3A_2941 : memref<1x2x64x4096xf32, #tpu.memory_space<vmem>> -> memref<2x64x4096xf32, #tpu.memory_space<vmem>>
    tpu.enqueue_dma source(%dma_start3A_2942 : memref<2x64x4096xf32, #tpu.memory_space<vmem>>) target(%dma_start3A_2937 : memref<2x64x4096xf32, #tpu.memory_space<hbm>>) target_semaphore(%dma_start3A_2933 : memref<!tpu.dma_semaphore, #tpu.memory_space<semaphore_mem>>)
    %dma_start3A_2943 = arith.constant 2 : i32
    %dma_start3A_2944 = arith.constant 2 : i32
    %dma_start3A_2945 = tpu.memref_slice %arg6[%dma_start3A_2944] : memref<7x!tpu.dma_semaphore, #tpu.memory_space<semaphore_mem>> -> memref<1x!tpu.dma_semaphore, #tpu.memory_space<semaphore_mem>>
    %dma_start3A_2946 = tpu.memref_squeeze %dma_start3A_2945 : memref<1x!tpu.dma_semaphore, #tpu.memory_space<semaphore_mem>> -> memref<!tpu.dma_semaphore, #tpu.memory_space<semaphore_mem>>
    %dma_start3A_2947 = arith.constant 0 : i32
    %dma_start3A_2948 = arith.constant 0 : i32
    %dma_start3A_2949 = arith.constant 0 : i32
    %dma_start3A_2950 = tpu.memref_slice %arg4[%dma_start3A_2943, %dma_start3A_2947, %dma_start3A_2948, %dma_start3A_2949] : memref<7x2x64x4096xf32, #tpu.memory_space<vmem>> -> memref<1x2x64x4096xf32, #tpu.memory_space<vmem>>
    %dma_start3A_2951 = tpu.memref_squeeze %dma_start3A_2950 : memref<1x2x64x4096xf32, #tpu.memory_space<vmem>> -> memref<2x64x4096xf32, #tpu.memory_space<vmem>>
    %dma_start3A_2952 = arith.constant 88 : i32
    %dma_start3A_2953 = arith.constant 0 : i32
    %dma_start3A_2954 = arith.constant 0 : i32
    %dma_start3A_2955 = tpu.memref_slice %arg0[%dma_start3A_2952, %dma_start3A_2953, %dma_start3A_2954] : memref<128x64x4096xf32, #tpu.memory_space<hbm>> -> memref<2x64x4096xf32, #tpu.memory_space<hbm>>
    tpu.enqueue_dma source(%dma_start3A_2955 : memref<2x64x4096xf32, #tpu.memory_space<hbm>>) target(%dma_start3A_2951 : memref<2x64x4096xf32, #tpu.memory_space<vmem>>) target_semaphore(%dma_start3A_2946 : memref<!tpu.dma_semaphore, #tpu.memory_space<semaphore_mem>>)
    %dma_wait3A_2956 = arith.constant 3 : i32
    %dma_wait3A_2957 = arith.constant 3 : i32
    %dma_wait3A_2958 = tpu.memref_slice %arg6[%dma_wait3A_2957] : memref<7x!tpu.dma_semaphore, #tpu.memory_space<semaphore_mem>> -> memref<1x!tpu.dma_semaphore, #tpu.memory_space<semaphore_mem>>
    %dma_wait3A_2959 = tpu.memref_squeeze %dma_wait3A_2958 : memref<1x!tpu.dma_semaphore, #tpu.memory_space<semaphore_mem>> -> memref<!tpu.dma_semaphore, #tpu.memory_space<semaphore_mem>>
    %dma_wait3A_2960 = arith.constant 0 : i32
    %dma_wait3A_2961 = arith.constant 0 : i32
    %dma_wait3A_2962 = arith.constant 0 : i32
    %dma_wait3A_2963 = tpu.memref_slice %arg4[%dma_wait3A_2956, %dma_wait3A_2960, %dma_wait3A_2961, %dma_wait3A_2962] : memref<7x2x64x4096xf32, #tpu.memory_space<vmem>> -> memref<1x2x64x4096xf32, #tpu.memory_space<vmem>>
    %dma_wait3A_2964 = tpu.memref_squeeze %dma_wait3A_2963 : memref<1x2x64x4096xf32, #tpu.memory_space<vmem>> -> memref<2x64x4096xf32, #tpu.memory_space<vmem>>
    %dma_wait3A_2965 = arith.constant 76 : i32
    %dma_wait3A_2966 = arith.constant 0 : i32
    %dma_wait3A_2967 = arith.constant 0 : i32
    %dma_wait3A_2968 = tpu.memref_slice %arg0[%dma_wait3A_2965, %dma_wait3A_2966, %dma_wait3A_2967] : memref<128x64x4096xf32, #tpu.memory_space<hbm>> -> memref<2x64x4096xf32, #tpu.memory_space<hbm>>
    tpu.wait_dma2 semaphore(%dma_wait3A_2959 : memref<!tpu.dma_semaphore, #tpu.memory_space<semaphore_mem>>) src(%dma_wait3A_2968 : memref<2x64x4096xf32, #tpu.memory_space<hbm>>) dst(%dma_wait3A_2964 : memref<2x64x4096xf32, #tpu.memory_space<vmem>>)
    %dma_wait3A_2969 = arith.constant 3 : i32
    %dma_wait3A_2970 = arith.constant 3 : i32
    %dma_wait3A_2971 = tpu.memref_slice %arg7[%dma_wait3A_2970] : memref<7x!tpu.dma_semaphore, #tpu.memory_space<semaphore_mem>> -> memref<1x!tpu.dma_semaphore, #tpu.memory_space<semaphore_mem>>
    %dma_wait3A_2972 = tpu.memref_squeeze %dma_wait3A_2971 : memref<1x!tpu.dma_semaphore, #tpu.memory_space<semaphore_mem>> -> memref<!tpu.dma_semaphore, #tpu.memory_space<semaphore_mem>>
    %dma_wait3A_2973 = arith.constant 62 : i32
    %dma_wait3A_2974 = arith.constant 0 : i32
    %dma_wait3A_2975 = arith.constant 0 : i32
    %dma_wait3A_2976 = tpu.memref_slice %arg3[%dma_wait3A_2973, %dma_wait3A_2974, %dma_wait3A_2975] : memref<112x64x4096xf32, #tpu.memory_space<hbm>> -> memref<2x64x4096xf32, #tpu.memory_space<hbm>>
    %dma_wait3A_2977 = arith.constant 0 : i32
    %dma_wait3A_2978 = arith.constant 0 : i32
    %dma_wait3A_2979 = arith.constant 0 : i32
    %dma_wait3A_2980 = tpu.memref_slice %arg5[%dma_wait3A_2969, %dma_wait3A_2977, %dma_wait3A_2978, %dma_wait3A_2979] : memref<7x2x64x4096xf32, #tpu.memory_space<vmem>> -> memref<1x2x64x4096xf32, #tpu.memory_space<vmem>>
    %dma_wait3A_2981 = tpu.memref_squeeze %dma_wait3A_2980 : memref<1x2x64x4096xf32, #tpu.memory_space<vmem>> -> memref<2x64x4096xf32, #tpu.memory_space<vmem>>
    tpu.wait_dma2 semaphore(%dma_wait3A_2972 : memref<!tpu.dma_semaphore, #tpu.memory_space<semaphore_mem>>) src(%dma_wait3A_2981 : memref<2x64x4096xf32, #tpu.memory_space<vmem>>) dst(%dma_wait3A_2976 : memref<2x64x4096xf32, #tpu.memory_space<hbm>>)
    %get3A_2982 = arith.constant 76 : index
    %get3A_2983 = arith.constant 0 : index
    %get3A_2984 = vector.load %arg1[%get3A_2982, %get3A_2983] : memref<128x4096xf32, #tpu.memory_space<vmem>>, vector<2x4096xf32>
    %broadcast_in_dim3A_2985 = vector.shape_cast %get3A_2984 : vector<2x4096xf32> to vector<2x1x4096xf32>
    %get3A_2986 = arith.constant 0 : index
    %get3A_2987 = arith.constant 76 : index
    %get3A_2988 = vector.load %arg2[%get3A_2986, %get3A_2987] : memref<64x128xf32, #tpu.memory_space<vmem>>, vector<64x2xf32>
    %transpose3A_2989 = tpu.transpose %get3A_2988, [1, 0] : vector<64x2xf32> -> vector<2x64xf32>
    %broadcast_in_dim3A_2990 = vector.shape_cast %transpose3A_2989 : vector<2x64xf32> to vector<2x64x1xf32>
    %get3A_2991 = arith.constant 3 : index
    %get3A_2992 = arith.constant 0 : index
    %get3A_2993 = arith.constant 0 : index
    %get3A_2994 = arith.constant 0 : index
    %get3A_2995 = vector.load %arg4[%get3A_2991, %get3A_2992, %get3A_2993, %get3A_2994] : memref<7x2x64x4096xf32, #tpu.memory_space<vmem>>, vector<1x2x64x4096xf32>
    %get3A_2996 = vector.shape_cast %get3A_2995 : vector<1x2x64x4096xf32> to vector<2x64x4096xf32>
    %mul3A_2997 = vector.broadcast %broadcast_in_dim3A_2985 : vector<2x1x4096xf32> to vector<2x64x4096xf32>
    %mul3A_2998 = vector.broadcast %broadcast_in_dim3A_2990 : vector<2x64x1xf32> to vector<2x64x4096xf32>
    %mul3A_2999 = arith.mulf %mul3A_2997, %mul3A_2998 : vector<2x64x4096xf32>
    %add3A_3000 = arith.addf %get3A_2996, %mul3A_2999 : vector<2x64x4096xf32>
    %swap3A_3001 = arith.constant 3 : index
    %swap3A_3002 = arith.constant 0 : index
    %swap3A_3003 = arith.constant 0 : index
    %swap3A_3004 = arith.constant 0 : index
    %swap3A_3005 = vector.load %arg5[%swap3A_3001, %swap3A_3002, %swap3A_3003, %swap3A_3004] : memref<7x2x64x4096xf32, #tpu.memory_space<vmem>>, vector<1x2x64x4096xf32>
    %swap3A_3006 = vector.shape_cast %swap3A_3005 : vector<1x2x64x4096xf32> to vector<2x64x4096xf32>
    %swap3A_3007 = vector.shape_cast %add3A_3000 : vector<2x64x4096xf32> to vector<1x2x64x4096xf32>
    tpu.vector_store %arg5[%swap3A_3001, %swap3A_3002, %swap3A_3003, %swap3A_3004], %swap3A_3007 {strides = array<i32>} : memref<7x2x64x4096xf32, #tpu.memory_space<vmem>>, vector<1x2x64x4096xf32>,
    %dma_start3A_3008 = arith.constant 3 : i32
    %dma_start3A_3009 = arith.constant 3 : i32
    %dma_start3A_3010 = tpu.memref_slice %arg7[%dma_start3A_3009] : memref<7x!tpu.dma_semaphore, #tpu.memory_space<semaphore_mem>> -> memref<1x!tpu.dma_semaphore, #tpu.memory_space<semaphore_mem>>
    %dma_start3A_3011 = tpu.memref_squeeze %dma_start3A_3010 : memref<1x!tpu.dma_semaphore, #tpu.memory_space<semaphore_mem>> -> memref<!tpu.dma_semaphore, #tpu.memory_space<semaphore_mem>>
    %dma_start3A_3012 = arith.constant 76 : i32
    %dma_start3A_3013 = arith.constant 0 : i32
    %dma_start3A_3014 = arith.constant 0 : i32
    %dma_start3A_3015 = tpu.memref_slice %arg3[%dma_start3A_3012, %dma_start3A_3013, %dma_start3A_3014] : memref<112x64x4096xf32, #tpu.memory_space<hbm>> -> memref<2x64x4096xf32, #tpu.memory_space<hbm>>
    %dma_start3A_3016 = arith.constant 0 : i32
    %dma_start3A_3017 = arith.constant 0 : i32
    %dma_start3A_3018 = arith.constant 0 : i32
    %dma_start3A_3019 = tpu.memref_slice %arg5[%dma_start3A_3008, %dma_start3A_3016, %dma_start3A_3017, %dma_start3A_3018] : memref<7x2x64x4096xf32, #tpu.memory_space<vmem>> -> memref<1x2x64x4096xf32, #tpu.memory_space<vmem>>
    %dma_start3A_3020 = tpu.memref_squeeze %dma_start3A_3019 : memref<1x2x64x4096xf32, #tpu.memory_space<vmem>> -> memref<2x64x4096xf32, #tpu.memory_space<vmem>>
    tpu.enqueue_dma source(%dma_start3A_3020 : memref<2x64x4096xf32, #tpu.memory_space<vmem>>) target(%dma_start3A_3015 : memref<2x64x4096xf32, #tpu.memory_space<hbm>>) target_semaphore(%dma_start3A_3011 : memref<!tpu.dma_semaphore, #tpu.memory_space<semaphore_mem>>)
    %dma_start3A_3021 = arith.constant 3 : i32
    %dma_start3A_3022 = arith.constant 3 : i32
    %dma_start3A_3023 = tpu.memref_slice %arg6[%dma_start3A_3022] : memref<7x!tpu.dma_semaphore, #tpu.memory_space<semaphore_mem>> -> memref<1x!tpu.dma_semaphore, #tpu.memory_space<semaphore_mem>>
    %dma_start3A_3024 = tpu.memref_squeeze %dma_start3A_3023 : memref<1x!tpu.dma_semaphore, #tpu.memory_space<semaphore_mem>> -> memref<!tpu.dma_semaphore, #tpu.memory_space<semaphore_mem>>
    %dma_start3A_3025 = arith.constant 0 : i32
    %dma_start3A_3026 = arith.constant 0 : i32
    %dma_start3A_3027 = arith.constant 0 : i32
    %dma_start3A_3028 = tpu.memref_slice %arg4[%dma_start3A_3021, %dma_start3A_3025, %dma_start3A_3026, %dma_start3A_3027] : memref<7x2x64x4096xf32, #tpu.memory_space<vmem>> -> memref<1x2x64x4096xf32, #tpu.memory_space<vmem>>
    %dma_start3A_3029 = tpu.memref_squeeze %dma_start3A_3028 : memref<1x2x64x4096xf32, #tpu.memory_space<vmem>> -> memref<2x64x4096xf32, #tpu.memory_space<vmem>>
    %dma_start3A_3030 = arith.constant 90 : i32
    %dma_start3A_3031 = arith.constant 0 : i32
    %dma_start3A_3032 = arith.constant 0 : i32
    %dma_start3A_3033 = tpu.memref_slice %arg0[%dma_start3A_3030, %dma_start3A_3031, %dma_start3A_3032] : memref<128x64x4096xf32, #tpu.memory_space<hbm>> -> memref<2x64x4096xf32, #tpu.memory_space<hbm>>
    tpu.enqueue_dma source(%dma_start3A_3033 : memref<2x64x4096xf32, #tpu.memory_space<hbm>>) target(%dma_start3A_3029 : memref<2x64x4096xf32, #tpu.memory_space<vmem>>) target_semaphore(%dma_start3A_3024 : memref<!tpu.dma_semaphore, #tpu.memory_space<semaphore_mem>>)
    %dma_wait3A_3034 = arith.constant 4 : i32
    %dma_wait3A_3035 = arith.constant 4 : i32
    %dma_wait3A_3036 = tpu.memref_slice %arg6[%dma_wait3A_3035] : memref<7x!tpu.dma_semaphore, #tpu.memory_space<semaphore_mem>> -> memref<1x!tpu.dma_semaphore, #tpu.memory_space<semaphore_mem>>
    %dma_wait3A_3037 = tpu.memref_squeeze %dma_wait3A_3036 : memref<1x!tpu.dma_semaphore, #tpu.memory_space<semaphore_mem>> -> memref<!tpu.dma_semaphore, #tpu.memory_space<semaphore_mem>>
    %dma_wait3A_3038 = arith.constant 0 : i32
    %dma_wait3A_3039 = arith.constant 0 : i32
    %dma_wait3A_3040 = arith.constant 0 : i32
    %dma_wait3A_3041 = tpu.memref_slice %arg4[%dma_wait3A_3034, %dma_wait3A_3038, %dma_wait3A_3039, %dma_wait3A_3040] : memref<7x2x64x4096xf32, #tpu.memory_space<vmem>> -> memref<1x2x64x4096xf32, #tpu.memory_space<vmem>>
    %dma_wait3A_3042 = tpu.memref_squeeze %dma_wait3A_3041 : memref<1x2x64x4096xf32, #tpu.memory_space<vmem>> -> memref<2x64x4096xf32, #tpu.memory_space<vmem>>
    %dma_wait3A_3043 = arith.constant 78 : i32
    %dma_wait3A_3044 = arith.constant 0 : i32
    %dma_wait3A_3045 = arith.constant 0 : i32
    %dma_wait3A_3046 = tpu.memref_slice %arg0[%dma_wait3A_3043, %dma_wait3A_3044, %dma_wait3A_3045] : memref<128x64x4096xf32, #tpu.memory_space<hbm>> -> memref<2x64x4096xf32, #tpu.memory_space<hbm>>
    tpu.wait_dma2 semaphore(%dma_wait3A_3037 : memref<!tpu.dma_semaphore, #tpu.memory_space<semaphore_mem>>) src(%dma_wait3A_3046 : memref<2x64x4096xf32, #tpu.memory_space<hbm>>) dst(%dma_wait3A_3042 : memref<2x64x4096xf32, #tpu.memory_space<vmem>>)
    %dma_wait3A_3047 = arith.constant 4 : i32
    %dma_wait3A_3048 = arith.constant 4 : i32
    %dma_wait3A_3049 = tpu.memref_slice %arg7[%dma_wait3A_3048] : memref<7x!tpu.dma_semaphore, #tpu.memory_space<semaphore_mem>> -> memref<1x!tpu.dma_semaphore, #tpu.memory_space<semaphore_mem>>
    %dma_wait3A_3050 = tpu.memref_squeeze %dma_wait3A_3049 : memref<1x!tpu.dma_semaphore, #tpu.memory_space<semaphore_mem>> -> memref<!tpu.dma_semaphore, #tpu.memory_space<semaphore_mem>>
    %dma_wait3A_3051 = arith.constant 64 : i32
    %dma_wait3A_3052 = arith.constant 0 : i32
    %dma_wait3A_3053 = arith.constant 0 : i32
    %dma_wait3A_3054 = tpu.memref_slice %arg3[%dma_wait3A_3051, %dma_wait3A_3052, %dma_wait3A_3053] : memref<112x64x4096xf32, #tpu.memory_space<hbm>> -> memref<2x64x4096xf32, #tpu.memory_space<hbm>>
    %dma_wait3A_3055 = arith.constant 0 : i32
    %dma_wait3A_3056 = arith.constant 0 : i32
    %dma_wait3A_3057 = arith.constant 0 : i32
    %dma_wait3A_3058 = tpu.memref_slice %arg5[%dma_wait3A_3047, %dma_wait3A_3055, %dma_wait3A_3056, %dma_wait3A_3057] : memref<7x2x64x4096xf32, #tpu.memory_space<vmem>> -> memref<1x2x64x4096xf32, #tpu.memory_space<vmem>>
    %dma_wait3A_3059 = tpu.memref_squeeze %dma_wait3A_3058 : memref<1x2x64x4096xf32, #tpu.memory_space<vmem>> -> memref<2x64x4096xf32, #tpu.memory_space<vmem>>
    tpu.wait_dma2 semaphore(%dma_wait3A_3050 : memref<!tpu.dma_semaphore, #tpu.memory_space<semaphore_mem>>) src(%dma_wait3A_3059 : memref<2x64x4096xf32, #tpu.memory_space<vmem>>) dst(%dma_wait3A_3054 : memref<2x64x4096xf32, #tpu.memory_space<hbm>>)
    %get3A_3060 = arith.constant 78 : index
    %get3A_3061 = arith.constant 0 : index
    %get3A_3062 = vector.load %arg1[%get3A_3060, %get3A_3061] : memref<128x4096xf32, #tpu.memory_space<vmem>>, vector<2x4096xf32>
    %broadcast_in_dim3A_3063 = vector.shape_cast %get3A_3062 : vector<2x4096xf32> to vector<2x1x4096xf32>
    %get3A_3064 = arith.constant 0 : index
    %get3A_3065 = arith.constant 78 : index
    %get3A_3066 = vector.load %arg2[%get3A_3064, %get3A_3065] : memref<64x128xf32, #tpu.memory_space<vmem>>, vector<64x2xf32>
    %transpose3A_3067 = tpu.transpose %get3A_3066, [1, 0] : vector<64x2xf32> -> vector<2x64xf32>
    %broadcast_in_dim3A_3068 = vector.shape_cast %transpose3A_3067 : vector<2x64xf32> to vector<2x64x1xf32>
    %get3A_3069 = arith.constant 4 : index
    %get3A_3070 = arith.constant 0 : index
    %get3A_3071 = arith.constant 0 : index
    %get3A_3072 = arith.constant 0 : index
    %get3A_3073 = vector.load %arg4[%get3A_3069, %get3A_3070, %get3A_3071, %get3A_3072] : memref<7x2x64x4096xf32, #tpu.memory_space<vmem>>, vector<1x2x64x4096xf32>
    %get3A_3074 = vector.shape_cast %get3A_3073 : vector<1x2x64x4096xf32> to vector<2x64x4096xf32>
    %mul3A_3075 = vector.broadcast %broadcast_in_dim3A_3063 : vector<2x1x4096xf32> to vector<2x64x4096xf32>
    %mul3A_3076 = vector.broadcast %broadcast_in_dim3A_3068 : vector<2x64x1xf32> to vector<2x64x4096xf32>
    %mul3A_3077 = arith.mulf %mul3A_3075, %mul3A_3076 : vector<2x64x4096xf32>
    %add3A_3078 = arith.addf %get3A_3074, %mul3A_3077 : vector<2x64x4096xf32>
    %swap3A_3079 = arith.constant 4 : index
    %swap3A_3080 = arith.constant 0 : index
    %swap3A_3081 = arith.constant 0 : index
    %swap3A_3082 = arith.constant 0 : index
    %swap3A_3083 = vector.load %arg5[%swap3A_3079, %swap3A_3080, %swap3A_3081, %swap3A_3082] : memref<7x2x64x4096xf32, #tpu.memory_space<vmem>>, vector<1x2x64x4096xf32>
    %swap3A_3084 = vector.shape_cast %swap3A_3083 : vector<1x2x64x4096xf32> to vector<2x64x4096xf32>
    %swap3A_3085 = vector.shape_cast %add3A_3078 : vector<2x64x4096xf32> to vector<1x2x64x4096xf32>
    tpu.vector_store %arg5[%swap3A_3079, %swap3A_3080, %swap3A_3081, %swap3A_3082], %swap3A_3085 {strides = array<i32>} : memref<7x2x64x4096xf32, #tpu.memory_space<vmem>>, vector<1x2x64x4096xf32>,
    %dma_start3A_3086 = arith.constant 4 : i32
    %dma_start3A_3087 = arith.constant 4 : i32
    %dma_start3A_3088 = tpu.memref_slice %arg7[%dma_start3A_3087] : memref<7x!tpu.dma_semaphore, #tpu.memory_space<semaphore_mem>> -> memref<1x!tpu.dma_semaphore, #tpu.memory_space<semaphore_mem>>
    %dma_start3A_3089 = tpu.memref_squeeze %dma_start3A_3088 : memref<1x!tpu.dma_semaphore, #tpu.memory_space<semaphore_mem>> -> memref<!tpu.dma_semaphore, #tpu.memory_space<semaphore_mem>>
    %dma_start3A_3090 = arith.constant 78 : i32
    %dma_start3A_3091 = arith.constant 0 : i32
    %dma_start3A_3092 = arith.constant 0 : i32
    %dma_start3A_3093 = tpu.memref_slice %arg3[%dma_start3A_3090, %dma_start3A_3091, %dma_start3A_3092] : memref<112x64x4096xf32, #tpu.memory_space<hbm>> -> memref<2x64x4096xf32, #tpu.memory_space<hbm>>
    %dma_start3A_3094 = arith.constant 0 : i32
    %dma_start3A_3095 = arith.constant 0 : i32
    %dma_start3A_3096 = arith.constant 0 : i32
    %dma_start3A_3097 = tpu.memref_slice %arg5[%dma_start3A_3086, %dma_start3A_3094, %dma_start3A_3095, %dma_start3A_3096] : memref<7x2x64x4096xf32, #tpu.memory_space<vmem>> -> memref<1x2x64x4096xf32, #tpu.memory_space<vmem>>
    %dma_start3A_3098 = tpu.memref_squeeze %dma_start3A_3097 : memref<1x2x64x4096xf32, #tpu.memory_space<vmem>> -> memref<2x64x4096xf32, #tpu.memory_space<vmem>>
    tpu.enqueue_dma source(%dma_start3A_3098 : memref<2x64x4096xf32, #tpu.memory_space<vmem>>) target(%dma_start3A_3093 : memref<2x64x4096xf32, #tpu.memory_space<hbm>>) target_semaphore(%dma_start3A_3089 : memref<!tpu.dma_semaphore, #tpu.memory_space<semaphore_mem>>)
    %dma_start3A_3099 = arith.constant 4 : i32
    %dma_start3A_3100 = arith.constant 4 : i32
    %dma_start3A_3101 = tpu.memref_slice %arg6[%dma_start3A_3100] : memref<7x!tpu.dma_semaphore, #tpu.memory_space<semaphore_mem>> -> memref<1x!tpu.dma_semaphore, #tpu.memory_space<semaphore_mem>>
    %dma_start3A_3102 = tpu.memref_squeeze %dma_start3A_3101 : memref<1x!tpu.dma_semaphore, #tpu.memory_space<semaphore_mem>> -> memref<!tpu.dma_semaphore, #tpu.memory_space<semaphore_mem>>
    %dma_start3A_3103 = arith.constant 0 : i32
    %dma_start3A_3104 = arith.constant 0 : i32
    %dma_start3A_3105 = arith.constant 0 : i32
    %dma_start3A_3106 = tpu.memref_slice %arg4[%dma_start3A_3099, %dma_start3A_3103, %dma_start3A_3104, %dma_start3A_3105] : memref<7x2x64x4096xf32, #tpu.memory_space<vmem>> -> memref<1x2x64x4096xf32, #tpu.memory_space<vmem>>
    %dma_start3A_3107 = tpu.memref_squeeze %dma_start3A_3106 : memref<1x2x64x4096xf32, #tpu.memory_space<vmem>> -> memref<2x64x4096xf32, #tpu.memory_space<vmem>>
    %dma_start3A_3108 = arith.constant 92 : i32
    %dma_start3A_3109 = arith.constant 0 : i32
    %dma_start3A_3110 = arith.constant 0 : i32
    %dma_start3A_3111 = tpu.memref_slice %arg0[%dma_start3A_3108, %dma_start3A_3109, %dma_start3A_3110] : memref<128x64x4096xf32, #tpu.memory_space<hbm>> -> memref<2x64x4096xf32, #tpu.memory_space<hbm>>
    tpu.enqueue_dma source(%dma_start3A_3111 : memref<2x64x4096xf32, #tpu.memory_space<hbm>>) target(%dma_start3A_3107 : memref<2x64x4096xf32, #tpu.memory_space<vmem>>) target_semaphore(%dma_start3A_3102 : memref<!tpu.dma_semaphore, #tpu.memory_space<semaphore_mem>>)
    %dma_wait3A_3112 = arith.constant 5 : i32
    %dma_wait3A_3113 = arith.constant 5 : i32
    %dma_wait3A_3114 = tpu.memref_slice %arg6[%dma_wait3A_3113] : memref<7x!tpu.dma_semaphore, #tpu.memory_space<semaphore_mem>> -> memref<1x!tpu.dma_semaphore, #tpu.memory_space<semaphore_mem>>
    %dma_wait3A_3115 = tpu.memref_squeeze %dma_wait3A_3114 : memref<1x!tpu.dma_semaphore, #tpu.memory_space<semaphore_mem>> -> memref<!tpu.dma_semaphore, #tpu.memory_space<semaphore_mem>>
    %dma_wait3A_3116 = arith.constant 0 : i32
    %dma_wait3A_3117 = arith.constant 0 : i32
    %dma_wait3A_3118 = arith.constant 0 : i32
    %dma_wait3A_3119 = tpu.memref_slice %arg4[%dma_wait3A_3112, %dma_wait3A_3116, %dma_wait3A_3117, %dma_wait3A_3118] : memref<7x2x64x4096xf32, #tpu.memory_space<vmem>> -> memref<1x2x64x4096xf32, #tpu.memory_space<vmem>>
    %dma_wait3A_3120 = tpu.memref_squeeze %dma_wait3A_3119 : memref<1x2x64x4096xf32, #tpu.memory_space<vmem>> -> memref<2x64x4096xf32, #tpu.memory_space<vmem>>
    %dma_wait3A_3121 = arith.constant 80 : i32
    %dma_wait3A_3122 = arith.constant 0 : i32
    %dma_wait3A_3123 = arith.constant 0 : i32
    %dma_wait3A_3124 = tpu.memref_slice %arg0[%dma_wait3A_3121, %dma_wait3A_3122, %dma_wait3A_3123] : memref<128x64x4096xf32, #tpu.memory_space<hbm>> -> memref<2x64x4096xf32, #tpu.memory_space<hbm>>
    tpu.wait_dma2 semaphore(%dma_wait3A_3115 : memref<!tpu.dma_semaphore, #tpu.memory_space<semaphore_mem>>) src(%dma_wait3A_3124 : memref<2x64x4096xf32, #tpu.memory_space<hbm>>) dst(%dma_wait3A_3120 : memref<2x64x4096xf32, #tpu.memory_space<vmem>>)
    %dma_wait3A_3125 = arith.constant 5 : i32
    %dma_wait3A_3126 = arith.constant 5 : i32
    %dma_wait3A_3127 = tpu.memref_slice %arg7[%dma_wait3A_3126] : memref<7x!tpu.dma_semaphore, #tpu.memory_space<semaphore_mem>> -> memref<1x!tpu.dma_semaphore, #tpu.memory_space<semaphore_mem>>
    %dma_wait3A_3128 = tpu.memref_squeeze %dma_wait3A_3127 : memref<1x!tpu.dma_semaphore, #tpu.memory_space<semaphore_mem>> -> memref<!tpu.dma_semaphore, #tpu.memory_space<semaphore_mem>>
    %dma_wait3A_3129 = arith.constant 66 : i32
    %dma_wait3A_3130 = arith.constant 0 : i32
    %dma_wait3A_3131 = arith.constant 0 : i32
    %dma_wait3A_3132 = tpu.memref_slice %arg3[%dma_wait3A_3129, %dma_wait3A_3130, %dma_wait3A_3131] : memref<112x64x4096xf32, #tpu.memory_space<hbm>> -> memref<2x64x4096xf32, #tpu.memory_space<hbm>>
    %dma_wait3A_3133 = arith.constant 0 : i32
    %dma_wait3A_3134 = arith.constant 0 : i32
    %dma_wait3A_3135 = arith.constant 0 : i32
    %dma_wait3A_3136 = tpu.memref_slice %arg5[%dma_wait3A_3125, %dma_wait3A_3133, %dma_wait3A_3134, %dma_wait3A_3135] : memref<7x2x64x4096xf32, #tpu.memory_space<vmem>> -> memref<1x2x64x4096xf32, #tpu.memory_space<vmem>>
    %dma_wait3A_3137 = tpu.memref_squeeze %dma_wait3A_3136 : memref<1x2x64x4096xf32, #tpu.memory_space<vmem>> -> memref<2x64x4096xf32, #tpu.memory_space<vmem>>
    tpu.wait_dma2 semaphore(%dma_wait3A_3128 : memref<!tpu.dma_semaphore, #tpu.memory_space<semaphore_mem>>) src(%dma_wait3A_3137 : memref<2x64x4096xf32, #tpu.memory_space<vmem>>) dst(%dma_wait3A_3132 : memref<2x64x4096xf32, #tpu.memory_space<hbm>>)
    %get3A_3138 = arith.constant 80 : index
    %get3A_3139 = arith.constant 0 : index
    %get3A_3140 = vector.load %arg1[%get3A_3138, %get3A_3139] : memref<128x4096xf32, #tpu.memory_space<vmem>>, vector<2x4096xf32>
    %broadcast_in_dim3A_3141 = vector.shape_cast %get3A_3140 : vector<2x4096xf32> to vector<2x1x4096xf32>
    %get3A_3142 = arith.constant 0 : index
    %get3A_3143 = arith.constant 80 : index
    %get3A_3144 = vector.load %arg2[%get3A_3142, %get3A_3143] : memref<64x128xf32, #tpu.memory_space<vmem>>, vector<64x2xf32>
    %transpose3A_3145 = tpu.transpose %get3A_3144, [1, 0] : vector<64x2xf32> -> vector<2x64xf32>
    %broadcast_in_dim3A_3146 = vector.shape_cast %transpose3A_3145 : vector<2x64xf32> to vector<2x64x1xf32>
    %get3A_3147 = arith.constant 5 : index
    %get3A_3148 = arith.constant 0 : index
    %get3A_3149 = arith.constant 0 : index
    %get3A_3150 = arith.constant 0 : index
    %get3A_3151 = vector.load %arg4[%get3A_3147, %get3A_3148, %get3A_3149, %get3A_3150] : memref<7x2x64x4096xf32, #tpu.memory_space<vmem>>, vector<1x2x64x4096xf32>
    %get3A_3152 = vector.shape_cast %get3A_3151 : vector<1x2x64x4096xf32> to vector<2x64x4096xf32>
    %mul3A_3153 = vector.broadcast %broadcast_in_dim3A_3141 : vector<2x1x4096xf32> to vector<2x64x4096xf32>
    %mul3A_3154 = vector.broadcast %broadcast_in_dim3A_3146 : vector<2x64x1xf32> to vector<2x64x4096xf32>
    %mul3A_3155 = arith.mulf %mul3A_3153, %mul3A_3154 : vector<2x64x4096xf32>
    %add3A_3156 = arith.addf %get3A_3152, %mul3A_3155 : vector<2x64x4096xf32>
    %swap3A_3157 = arith.constant 5 : index
    %swap3A_3158 = arith.constant 0 : index
    %swap3A_3159 = arith.constant 0 : index
    %swap3A_3160 = arith.constant 0 : index
    %swap3A_3161 = vector.load %arg5[%swap3A_3157, %swap3A_3158, %swap3A_3159, %swap3A_3160] : memref<7x2x64x4096xf32, #tpu.memory_space<vmem>>, vector<1x2x64x4096xf32>
    %swap3A_3162 = vector.shape_cast %swap3A_3161 : vector<1x2x64x4096xf32> to vector<2x64x4096xf32>
    %swap3A_3163 = vector.shape_cast %add3A_3156 : vector<2x64x4096xf32> to vector<1x2x64x4096xf32>
    tpu.vector_store %arg5[%swap3A_3157, %swap3A_3158, %swap3A_3159, %swap3A_3160], %swap3A_3163 {strides = array<i32>} : memref<7x2x64x4096xf32, #tpu.memory_space<vmem>>, vector<1x2x64x4096xf32>,
    %dma_start3A_3164 = arith.constant 5 : i32
    %dma_start3A_3165 = arith.constant 5 : i32
    %dma_start3A_3166 = tpu.memref_slice %arg7[%dma_start3A_3165] : memref<7x!tpu.dma_semaphore, #tpu.memory_space<semaphore_mem>> -> memref<1x!tpu.dma_semaphore, #tpu.memory_space<semaphore_mem>>
    %dma_start3A_3167 = tpu.memref_squeeze %dma_start3A_3166 : memref<1x!tpu.dma_semaphore, #tpu.memory_space<semaphore_mem>> -> memref<!tpu.dma_semaphore, #tpu.memory_space<semaphore_mem>>
    %dma_start3A_3168 = arith.constant 80 : i32
    %dma_start3A_3169 = arith.constant 0 : i32
    %dma_start3A_3170 = arith.constant 0 : i32
    %dma_start3A_3171 = tpu.memref_slice %arg3[%dma_start3A_3168, %dma_start3A_3169, %dma_start3A_3170] : memref<112x64x4096xf32, #tpu.memory_space<hbm>> -> memref<2x64x4096xf32, #tpu.memory_space<hbm>>
    %dma_start3A_3172 = arith.constant 0 : i32
    %dma_start3A_3173 = arith.constant 0 : i32
    %dma_start3A_3174 = arith.constant 0 : i32
    %dma_start3A_3175 = tpu.memref_slice %arg5[%dma_start3A_3164, %dma_start3A_3172, %dma_start3A_3173, %dma_start3A_3174] : memref<7x2x64x4096xf32, #tpu.memory_space<vmem>> -> memref<1x2x64x4096xf32, #tpu.memory_space<vmem>>
    %dma_start3A_3176 = tpu.memref_squeeze %dma_start3A_3175 : memref<1x2x64x4096xf32, #tpu.memory_space<vmem>> -> memref<2x64x4096xf32, #tpu.memory_space<vmem>>
    tpu.enqueue_dma source(%dma_start3A_3176 : memref<2x64x4096xf32, #tpu.memory_space<vmem>>) target(%dma_start3A_3171 : memref<2x64x4096xf32, #tpu.memory_space<hbm>>) target_semaphore(%dma_start3A_3167 : memref<!tpu.dma_semaphore, #tpu.memory_space<semaphore_mem>>)
    %dma_start3A_3177 = arith.constant 5 : i32
    %dma_start3A_3178 = arith.constant 5 : i32
    %dma_start3A_3179 = tpu.memref_slice %arg6[%dma_start3A_3178] : memref<7x!tpu.dma_semaphore, #tpu.memory_space<semaphore_mem>> -> memref<1x!tpu.dma_semaphore, #tpu.memory_space<semaphore_mem>>
    %dma_start3A_3180 = tpu.memref_squeeze %dma_start3A_3179 : memref<1x!tpu.dma_semaphore, #tpu.memory_space<semaphore_mem>> -> memref<!tpu.dma_semaphore, #tpu.memory_space<semaphore_mem>>
    %dma_start3A_3181 = arith.constant 0 : i32
    %dma_start3A_3182 = arith.constant 0 : i32
    %dma_start3A_3183 = arith.constant 0 : i32
    %dma_start3A_3184 = tpu.memref_slice %arg4[%dma_start3A_3177, %dma_start3A_3181, %dma_start3A_3182, %dma_start3A_3183] : memref<7x2x64x4096xf32, #tpu.memory_space<vmem>> -> memref<1x2x64x4096xf32, #tpu.memory_space<vmem>>
    %dma_start3A_3185 = tpu.memref_squeeze %dma_start3A_3184 : memref<1x2x64x4096xf32, #tpu.memory_space<vmem>> -> memref<2x64x4096xf32, #tpu.memory_space<vmem>>
    %dma_start3A_3186 = arith.constant 94 : i32
    %dma_start3A_3187 = arith.constant 0 : i32
    %dma_start3A_3188 = arith.constant 0 : i32
    %dma_start3A_3189 = tpu.memref_slice %arg0[%dma_start3A_3186, %dma_start3A_3187, %dma_start3A_3188] : memref<128x64x4096xf32, #tpu.memory_space<hbm>> -> memref<2x64x4096xf32, #tpu.memory_space<hbm>>
    tpu.enqueue_dma source(%dma_start3A_3189 : memref<2x64x4096xf32, #tpu.memory_space<hbm>>) target(%dma_start3A_3185 : memref<2x64x4096xf32, #tpu.memory_space<vmem>>) target_semaphore(%dma_start3A_3180 : memref<!tpu.dma_semaphore, #tpu.memory_space<semaphore_mem>>)
    %dma_wait3A_3190 = arith.constant 6 : i32
    %dma_wait3A_3191 = arith.constant 6 : i32
    %dma_wait3A_3192 = tpu.memref_slice %arg6[%dma_wait3A_3191] : memref<7x!tpu.dma_semaphore, #tpu.memory_space<semaphore_mem>> -> memref<1x!tpu.dma_semaphore, #tpu.memory_space<semaphore_mem>>
    %dma_wait3A_3193 = tpu.memref_squeeze %dma_wait3A_3192 : memref<1x!tpu.dma_semaphore, #tpu.memory_space<semaphore_mem>> -> memref<!tpu.dma_semaphore, #tpu.memory_space<semaphore_mem>>
    %dma_wait3A_3194 = arith.constant 0 : i32
    %dma_wait3A_3195 = arith.constant 0 : i32
    %dma_wait3A_3196 = arith.constant 0 : i32
    %dma_wait3A_3197 = tpu.memref_slice %arg4[%dma_wait3A_3190, %dma_wait3A_3194, %dma_wait3A_3195, %dma_wait3A_3196] : memref<7x2x64x4096xf32, #tpu.memory_space<vmem>> -> memref<1x2x64x4096xf32, #tpu.memory_space<vmem>>
    %dma_wait3A_3198 = tpu.memref_squeeze %dma_wait3A_3197 : memref<1x2x64x4096xf32, #tpu.memory_space<vmem>> -> memref<2x64x4096xf32, #tpu.memory_space<vmem>>
    %dma_wait3A_3199 = arith.constant 82 : i32
    %dma_wait3A_3200 = arith.constant 0 : i32
    %dma_wait3A_3201 = arith.constant 0 : i32
    %dma_wait3A_3202 = tpu.memref_slice %arg0[%dma_wait3A_3199, %dma_wait3A_3200, %dma_wait3A_3201] : memref<128x64x4096xf32, #tpu.memory_space<hbm>> -> memref<2x64x4096xf32, #tpu.memory_space<hbm>>
    tpu.wait_dma2 semaphore(%dma_wait3A_3193 : memref<!tpu.dma_semaphore, #tpu.memory_space<semaphore_mem>>) src(%dma_wait3A_3202 : memref<2x64x4096xf32, #tpu.memory_space<hbm>>) dst(%dma_wait3A_3198 : memref<2x64x4096xf32, #tpu.memory_space<vmem>>)
    %dma_wait3A_3203 = arith.constant 6 : i32
    %dma_wait3A_3204 = arith.constant 6 : i32
    %dma_wait3A_3205 = tpu.memref_slice %arg7[%dma_wait3A_3204] : memref<7x!tpu.dma_semaphore, #tpu.memory_space<semaphore_mem>> -> memref<1x!tpu.dma_semaphore, #tpu.memory_space<semaphore_mem>>
    %dma_wait3A_3206 = tpu.memref_squeeze %dma_wait3A_3205 : memref<1x!tpu.dma_semaphore, #tpu.memory_space<semaphore_mem>> -> memref<!tpu.dma_semaphore, #tpu.memory_space<semaphore_mem>>
    %dma_wait3A_3207 = arith.constant 68 : i32
    %dma_wait3A_3208 = arith.constant 0 : i32
    %dma_wait3A_3209 = arith.constant 0 : i32
    %dma_wait3A_3210 = tpu.memref_slice %arg3[%dma_wait3A_3207, %dma_wait3A_3208, %dma_wait3A_3209] : memref<112x64x4096xf32, #tpu.memory_space<hbm>> -> memref<2x64x4096xf32, #tpu.memory_space<hbm>>
    %dma_wait3A_3211 = arith.constant 0 : i32
    %dma_wait3A_3212 = arith.constant 0 : i32
    %dma_wait3A_3213 = arith.constant 0 : i32
    %dma_wait3A_3214 = tpu.memref_slice %arg5[%dma_wait3A_3203, %dma_wait3A_3211, %dma_wait3A_3212, %dma_wait3A_3213] : memref<7x2x64x4096xf32, #tpu.memory_space<vmem>> -> memref<1x2x64x4096xf32, #tpu.memory_space<vmem>>
    %dma_wait3A_3215 = tpu.memref_squeeze %dma_wait3A_3214 : memref<1x2x64x4096xf32, #tpu.memory_space<vmem>> -> memref<2x64x4096xf32, #tpu.memory_space<vmem>>
    tpu.wait_dma2 semaphore(%dma_wait3A_3206 : memref<!tpu.dma_semaphore, #tpu.memory_space<semaphore_mem>>) src(%dma_wait3A_3215 : memref<2x64x4096xf32, #tpu.memory_space<vmem>>) dst(%dma_wait3A_3210 : memref<2x64x4096xf32, #tpu.memory_space<hbm>>)
    %get3A_3216 = arith.constant 82 : index
    %get3A_3217 = arith.constant 0 : index
    %get3A_3218 = vector.load %arg1[%get3A_3216, %get3A_3217] : memref<128x4096xf32, #tpu.memory_space<vmem>>, vector<2x4096xf32>
    %broadcast_in_dim3A_3219 = vector.shape_cast %get3A_3218 : vector<2x4096xf32> to vector<2x1x4096xf32>
    %get3A_3220 = arith.constant 0 : index
    %get3A_3221 = arith.constant 82 : index
    %get3A_3222 = vector.load %arg2[%get3A_3220, %get3A_3221] : memref<64x128xf32, #tpu.memory_space<vmem>>, vector<64x2xf32>
    %transpose3A_3223 = tpu.transpose %get3A_3222, [1, 0] : vector<64x2xf32> -> vector<2x64xf32>
    %broadcast_in_dim3A_3224 = vector.shape_cast %transpose3A_3223 : vector<2x64xf32> to vector<2x64x1xf32>
    %get3A_3225 = arith.constant 6 : index
    %get3A_3226 = arith.constant 0 : index
    %get3A_3227 = arith.constant 0 : index
    %get3A_3228 = arith.constant 0 : index
    %get3A_3229 = vector.load %arg4[%get3A_3225, %get3A_3226, %get3A_3227, %get3A_3228] : memref<7x2x64x4096xf32, #tpu.memory_space<vmem>>, vector<1x2x64x4096xf32>
    %get3A_3230 = vector.shape_cast %get3A_3229 : vector<1x2x64x4096xf32> to vector<2x64x4096xf32>
    %mul3A_3231 = vector.broadcast %broadcast_in_dim3A_3219 : vector<2x1x4096xf32> to vector<2x64x4096xf32>
    %mul3A_3232 = vector.broadcast %broadcast_in_dim3A_3224 : vector<2x64x1xf32> to vector<2x64x4096xf32>
    %mul3A_3233 = arith.mulf %mul3A_3231, %mul3A_3232 : vector<2x64x4096xf32>
    %add3A_3234 = arith.addf %get3A_3230, %mul3A_3233 : vector<2x64x4096xf32>
    %swap3A_3235 = arith.constant 6 : index
    %swap3A_3236 = arith.constant 0 : index
    %swap3A_3237 = arith.constant 0 : index
    %swap3A_3238 = arith.constant 0 : index
    %swap3A_3239 = vector.load %arg5[%swap3A_3235, %swap3A_3236, %swap3A_3237, %swap3A_3238] : memref<7x2x64x4096xf32, #tpu.memory_space<vmem>>, vector<1x2x64x4096xf32>
    %swap3A_3240 = vector.shape_cast %swap3A_3239 : vector<1x2x64x4096xf32> to vector<2x64x4096xf32>
    %swap3A_3241 = vector.shape_cast %add3A_3234 : vector<2x64x4096xf32> to vector<1x2x64x4096xf32>
    tpu.vector_store %arg5[%swap3A_3235, %swap3A_3236, %swap3A_3237, %swap3A_3238], %swap3A_3241 {strides = array<i32>} : memref<7x2x64x4096xf32, #tpu.memory_space<vmem>>, vector<1x2x64x4096xf32>,
    %dma_start3A_3242 = arith.constant 6 : i32
    %dma_start3A_3243 = arith.constant 6 : i32
    %dma_start3A_3244 = tpu.memref_slice %arg7[%dma_start3A_3243] : memref<7x!tpu.dma_semaphore, #tpu.memory_space<semaphore_mem>> -> memref<1x!tpu.dma_semaphore, #tpu.memory_space<semaphore_mem>>
    %dma_start3A_3245 = tpu.memref_squeeze %dma_start3A_3244 : memref<1x!tpu.dma_semaphore, #tpu.memory_space<semaphore_mem>> -> memref<!tpu.dma_semaphore, #tpu.memory_space<semaphore_mem>>
    %dma_start3A_3246 = arith.constant 82 : i32
    %dma_start3A_3247 = arith.constant 0 : i32
    %dma_start3A_3248 = arith.constant 0 : i32
    %dma_start3A_3249 = tpu.memref_slice %arg3[%dma_start3A_3246, %dma_start3A_3247, %dma_start3A_3248] : memref<112x64x4096xf32, #tpu.memory_space<hbm>> -> memref<2x64x4096xf32, #tpu.memory_space<hbm>>
    %dma_start3A_3250 = arith.constant 0 : i32
    %dma_start3A_3251 = arith.constant 0 : i32
    %dma_start3A_3252 = arith.constant 0 : i32
    %dma_start3A_3253 = tpu.memref_slice %arg5[%dma_start3A_3242, %dma_start3A_3250, %dma_start3A_3251, %dma_start3A_3252] : memref<7x2x64x4096xf32, #tpu.memory_space<vmem>> -> memref<1x2x64x4096xf32, #tpu.memory_space<vmem>>
    %dma_start3A_3254 = tpu.memref_squeeze %dma_start3A_3253 : memref<1x2x64x4096xf32, #tpu.memory_space<vmem>> -> memref<2x64x4096xf32, #tpu.memory_space<vmem>>
    tpu.enqueue_dma source(%dma_start3A_3254 : memref<2x64x4096xf32, #tpu.memory_space<vmem>>) target(%dma_start3A_3249 : memref<2x64x4096xf32, #tpu.memory_space<hbm>>) target_semaphore(%dma_start3A_3245 : memref<!tpu.dma_semaphore, #tpu.memory_space<semaphore_mem>>)
    %dma_start3A_3255 = arith.constant 6 : i32
    %dma_start3A_3256 = arith.constant 6 : i32
    %dma_start3A_3257 = tpu.memref_slice %arg6[%dma_start3A_3256] : memref<7x!tpu.dma_semaphore, #tpu.memory_space<semaphore_mem>> -> memref<1x!tpu.dma_semaphore, #tpu.memory_space<semaphore_mem>>
    %dma_start3A_3258 = tpu.memref_squeeze %dma_start3A_3257 : memref<1x!tpu.dma_semaphore, #tpu.memory_space<semaphore_mem>> -> memref<!tpu.dma_semaphore, #tpu.memory_space<semaphore_mem>>
    %dma_start3A_3259 = arith.constant 0 : i32
    %dma_start3A_3260 = arith.constant 0 : i32
    %dma_start3A_3261 = arith.constant 0 : i32
    %dma_start3A_3262 = tpu.memref_slice %arg4[%dma_start3A_3255, %dma_start3A_3259, %dma_start3A_3260, %dma_start3A_3261] : memref<7x2x64x4096xf32, #tpu.memory_space<vmem>> -> memref<1x2x64x4096xf32, #tpu.memory_space<vmem>>
    %dma_start3A_3263 = tpu.memref_squeeze %dma_start3A_3262 : memref<1x2x64x4096xf32, #tpu.memory_space<vmem>> -> memref<2x64x4096xf32, #tpu.memory_space<vmem>>
    %dma_start3A_3264 = arith.constant 96 : i32
    %dma_start3A_3265 = arith.constant 0 : i32
    %dma_start3A_3266 = arith.constant 0 : i32
    %dma_start3A_3267 = tpu.memref_slice %arg0[%dma_start3A_3264, %dma_start3A_3265, %dma_start3A_3266] : memref<128x64x4096xf32, #tpu.memory_space<hbm>> -> memref<2x64x4096xf32, #tpu.memory_space<hbm>>
    tpu.enqueue_dma source(%dma_start3A_3267 : memref<2x64x4096xf32, #tpu.memory_space<hbm>>) target(%dma_start3A_3263 : memref<2x64x4096xf32, #tpu.memory_space<vmem>>) target_semaphore(%dma_start3A_3258 : memref<!tpu.dma_semaphore, #tpu.memory_space<semaphore_mem>>)
    %dma_wait3A_3268 = arith.constant 0 : i32
    %dma_wait3A_3269 = arith.constant 0 : i32
    %dma_wait3A_3270 = tpu.memref_slice %arg6[%dma_wait3A_3269] : memref<7x!tpu.dma_semaphore, #tpu.memory_space<semaphore_mem>> -> memref<1x!tpu.dma_semaphore, #tpu.memory_space<semaphore_mem>>
    %dma_wait3A_3271 = tpu.memref_squeeze %dma_wait3A_3270 : memref<1x!tpu.dma_semaphore, #tpu.memory_space<semaphore_mem>> -> memref<!tpu.dma_semaphore, #tpu.memory_space<semaphore_mem>>
    %dma_wait3A_3272 = arith.constant 0 : i32
    %dma_wait3A_3273 = arith.constant 0 : i32
    %dma_wait3A_3274 = arith.constant 0 : i32
    %dma_wait3A_3275 = tpu.memref_slice %arg4[%dma_wait3A_3268, %dma_wait3A_3272, %dma_wait3A_3273, %dma_wait3A_3274] : memref<7x2x64x4096xf32, #tpu.memory_space<vmem>> -> memref<1x2x64x4096xf32, #tpu.memory_space<vmem>>
    %dma_wait3A_3276 = tpu.memref_squeeze %dma_wait3A_3275 : memref<1x2x64x4096xf32, #tpu.memory_space<vmem>> -> memref<2x64x4096xf32, #tpu.memory_space<vmem>>
    %dma_wait3A_3277 = arith.constant 84 : i32
    %dma_wait3A_3278 = arith.constant 0 : i32
    %dma_wait3A_3279 = arith.constant 0 : i32
    %dma_wait3A_3280 = tpu.memref_slice %arg0[%dma_wait3A_3277, %dma_wait3A_3278, %dma_wait3A_3279] : memref<128x64x4096xf32, #tpu.memory_space<hbm>> -> memref<2x64x4096xf32, #tpu.memory_space<hbm>>
    tpu.wait_dma2 semaphore(%dma_wait3A_3271 : memref<!tpu.dma_semaphore, #tpu.memory_space<semaphore_mem>>) src(%dma_wait3A_3280 : memref<2x64x4096xf32, #tpu.memory_space<hbm>>) dst(%dma_wait3A_3276 : memref<2x64x4096xf32, #tpu.memory_space<vmem>>)
    %dma_wait3A_3281 = arith.constant 0 : i32
    %dma_wait3A_3282 = arith.constant 0 : i32
    %dma_wait3A_3283 = tpu.memref_slice %arg7[%dma_wait3A_3282] : memref<7x!tpu.dma_semaphore, #tpu.memory_space<semaphore_mem>> -> memref<1x!tpu.dma_semaphore, #tpu.memory_space<semaphore_mem>>
    %dma_wait3A_3284 = tpu.memref_squeeze %dma_wait3A_3283 : memref<1x!tpu.dma_semaphore, #tpu.memory_space<semaphore_mem>> -> memref<!tpu.dma_semaphore, #tpu.memory_space<semaphore_mem>>
    %dma_wait3A_3285 = arith.constant 70 : i32
    %dma_wait3A_3286 = arith.constant 0 : i32
    %dma_wait3A_3287 = arith.constant 0 : i32
    %dma_wait3A_3288 = tpu.memref_slice %arg3[%dma_wait3A_3285, %dma_wait3A_3286, %dma_wait3A_3287] : memref<112x64x4096xf32, #tpu.memory_space<hbm>> -> memref<2x64x4096xf32, #tpu.memory_space<hbm>>
    %dma_wait3A_3289 = arith.constant 0 : i32
    %dma_wait3A_3290 = arith.constant 0 : i32
    %dma_wait3A_3291 = arith.constant 0 : i32
    %dma_wait3A_3292 = tpu.memref_slice %arg5[%dma_wait3A_3281, %dma_wait3A_3289, %dma_wait3A_3290, %dma_wait3A_3291] : memref<7x2x64x4096xf32, #tpu.memory_space<vmem>> -> memref<1x2x64x4096xf32, #tpu.memory_space<vmem>>
    %dma_wait3A_3293 = tpu.memref_squeeze %dma_wait3A_3292 : memref<1x2x64x4096xf32, #tpu.memory_space<vmem>> -> memref<2x64x4096xf32, #tpu.memory_space<vmem>>
    tpu.wait_dma2 semaphore(%dma_wait3A_3284 : memref<!tpu.dma_semaphore, #tpu.memory_space<semaphore_mem>>) src(%dma_wait3A_3293 : memref<2x64x4096xf32, #tpu.memory_space<vmem>>) dst(%dma_wait3A_3288 : memref<2x64x4096xf32, #tpu.memory_space<hbm>>)
    %get3A_3294 = arith.constant 84 : index
    %get3A_3295 = arith.constant 0 : index
    %get3A_3296 = vector.load %arg1[%get3A_3294, %get3A_3295] : memref<128x4096xf32, #tpu.memory_space<vmem>>, vector<2x4096xf32>
    %broadcast_in_dim3A_3297 = vector.shape_cast %get3A_3296 : vector<2x4096xf32> to vector<2x1x4096xf32>
    %get3A_3298 = arith.constant 0 : index
    %get3A_3299 = arith.constant 84 : index
    %get3A_3300 = vector.load %arg2[%get3A_3298, %get3A_3299] : memref<64x128xf32, #tpu.memory_space<vmem>>, vector<64x2xf32>
    %transpose3A_3301 = tpu.transpose %get3A_3300, [1, 0] : vector<64x2xf32> -> vector<2x64xf32>
    %broadcast_in_dim3A_3302 = vector.shape_cast %transpose3A_3301 : vector<2x64xf32> to vector<2x64x1xf32>
    %get3A_3303 = arith.constant 0 : index
    %get3A_3304 = arith.constant 0 : index
    %get3A_3305 = arith.constant 0 : index
    %get3A_3306 = arith.constant 0 : index
    %get3A_3307 = vector.load %arg4[%get3A_3303, %get3A_3304, %get3A_3305, %get3A_3306] : memref<7x2x64x4096xf32, #tpu.memory_space<vmem>>, vector<1x2x64x4096xf32>
    %get3A_3308 = vector.shape_cast %get3A_3307 : vector<1x2x64x4096xf32> to vector<2x64x4096xf32>
    %mul3A_3309 = vector.broadcast %broadcast_in_dim3A_3297 : vector<2x1x4096xf32> to vector<2x64x4096xf32>
    %mul3A_3310 = vector.broadcast %broadcast_in_dim3A_3302 : vector<2x64x1xf32> to vector<2x64x4096xf32>
    %mul3A_3311 = arith.mulf %mul3A_3309, %mul3A_3310 : vector<2x64x4096xf32>
    %add3A_3312 = arith.addf %get3A_3308, %mul3A_3311 : vector<2x64x4096xf32>
    %swap3A_3313 = arith.constant 0 : index
    %swap3A_3314 = arith.constant 0 : index
    %swap3A_3315 = arith.constant 0 : index
    %swap3A_3316 = arith.constant 0 : index
    %swap3A_3317 = vector.load %arg5[%swap3A_3313, %swap3A_3314, %swap3A_3315, %swap3A_3316] : memref<7x2x64x4096xf32, #tpu.memory_space<vmem>>, vector<1x2x64x4096xf32>
    %swap3A_3318 = vector.shape_cast %swap3A_3317 : vector<1x2x64x4096xf32> to vector<2x64x4096xf32>
    %swap3A_3319 = vector.shape_cast %add3A_3312 : vector<2x64x4096xf32> to vector<1x2x64x4096xf32>
    tpu.vector_store %arg5[%swap3A_3313, %swap3A_3314, %swap3A_3315, %swap3A_3316], %swap3A_3319 {strides = array<i32>} : memref<7x2x64x4096xf32, #tpu.memory_space<vmem>>, vector<1x2x64x4096xf32>,
    %dma_start3A_3320 = arith.constant 0 : i32
    %dma_start3A_3321 = arith.constant 0 : i32
    %dma_start3A_3322 = tpu.memref_slice %arg7[%dma_start3A_3321] : memref<7x!tpu.dma_semaphore, #tpu.memory_space<semaphore_mem>> -> memref<1x!tpu.dma_semaphore, #tpu.memory_space<semaphore_mem>>
    %dma_start3A_3323 = tpu.memref_squeeze %dma_start3A_3322 : memref<1x!tpu.dma_semaphore, #tpu.memory_space<semaphore_mem>> -> memref<!tpu.dma_semaphore, #tpu.memory_space<semaphore_mem>>
    %dma_start3A_3324 = arith.constant 84 : i32
    %dma_start3A_3325 = arith.constant 0 : i32
    %dma_start3A_3326 = arith.constant 0 : i32
    %dma_start3A_3327 = tpu.memref_slice %arg3[%dma_start3A_3324, %dma_start3A_3325, %dma_start3A_3326] : memref<112x64x4096xf32, #tpu.memory_space<hbm>> -> memref<2x64x4096xf32, #tpu.memory_space<hbm>>
    %dma_start3A_3328 = arith.constant 0 : i32
    %dma_start3A_3329 = arith.constant 0 : i32
    %dma_start3A_3330 = arith.constant 0 : i32
    %dma_start3A_3331 = tpu.memref_slice %arg5[%dma_start3A_3320, %dma_start3A_3328, %dma_start3A_3329, %dma_start3A_3330] : memref<7x2x64x4096xf32, #tpu.memory_space<vmem>> -> memref<1x2x64x4096xf32, #tpu.memory_space<vmem>>
    %dma_start3A_3332 = tpu.memref_squeeze %dma_start3A_3331 : memref<1x2x64x4096xf32, #tpu.memory_space<vmem>> -> memref<2x64x4096xf32, #tpu.memory_space<vmem>>
    tpu.enqueue_dma source(%dma_start3A_3332 : memref<2x64x4096xf32, #tpu.memory_space<vmem>>) target(%dma_start3A_3327 : memref<2x64x4096xf32, #tpu.memory_space<hbm>>) target_semaphore(%dma_start3A_3323 : memref<!tpu.dma_semaphore, #tpu.memory_space<semaphore_mem>>)
    %dma_start3A_3333 = arith.constant 0 : i32
    %dma_start3A_3334 = arith.constant 0 : i32
    %dma_start3A_3335 = tpu.memref_slice %arg6[%dma_start3A_3334] : memref<7x!tpu.dma_semaphore, #tpu.memory_space<semaphore_mem>> -> memref<1x!tpu.dma_semaphore, #tpu.memory_space<semaphore_mem>>
    %dma_start3A_3336 = tpu.memref_squeeze %dma_start3A_3335 : memref<1x!tpu.dma_semaphore, #tpu.memory_space<semaphore_mem>> -> memref<!tpu.dma_semaphore, #tpu.memory_space<semaphore_mem>>
    %dma_start3A_3337 = arith.constant 0 : i32
    %dma_start3A_3338 = arith.constant 0 : i32
    %dma_start3A_3339 = arith.constant 0 : i32
    %dma_start3A_3340 = tpu.memref_slice %arg4[%dma_start3A_3333, %dma_start3A_3337, %dma_start3A_3338, %dma_start3A_3339] : memref<7x2x64x4096xf32, #tpu.memory_space<vmem>> -> memref<1x2x64x4096xf32, #tpu.memory_space<vmem>>
    %dma_start3A_3341 = tpu.memref_squeeze %dma_start3A_3340 : memref<1x2x64x4096xf32, #tpu.memory_space<vmem>> -> memref<2x64x4096xf32, #tpu.memory_space<vmem>>
    %dma_start3A_3342 = arith.constant 98 : i32
    %dma_start3A_3343 = arith.constant 0 : i32
    %dma_start3A_3344 = arith.constant 0 : i32
    %dma_start3A_3345 = tpu.memref_slice %arg0[%dma_start3A_3342, %dma_start3A_3343, %dma_start3A_3344] : memref<128x64x4096xf32, #tpu.memory_space<hbm>> -> memref<2x64x4096xf32, #tpu.memory_space<hbm>>
    tpu.enqueue_dma source(%dma_start3A_3345 : memref<2x64x4096xf32, #tpu.memory_space<hbm>>) target(%dma_start3A_3341 : memref<2x64x4096xf32, #tpu.memory_space<vmem>>) target_semaphore(%dma_start3A_3336 : memref<!tpu.dma_semaphore, #tpu.memory_space<semaphore_mem>>)
    %dma_wait3A_3346 = arith.constant 1 : i32
    %dma_wait3A_3347 = arith.constant 1 : i32
    %dma_wait3A_3348 = tpu.memref_slice %arg6[%dma_wait3A_3347] : memref<7x!tpu.dma_semaphore, #tpu.memory_space<semaphore_mem>> -> memref<1x!tpu.dma_semaphore, #tpu.memory_space<semaphore_mem>>
    %dma_wait3A_3349 = tpu.memref_squeeze %dma_wait3A_3348 : memref<1x!tpu.dma_semaphore, #tpu.memory_space<semaphore_mem>> -> memref<!tpu.dma_semaphore, #tpu.memory_space<semaphore_mem>>
    %dma_wait3A_3350 = arith.constant 0 : i32
    %dma_wait3A_3351 = arith.constant 0 : i32
    %dma_wait3A_3352 = arith.constant 0 : i32
    %dma_wait3A_3353 = tpu.memref_slice %arg4[%dma_wait3A_3346, %dma_wait3A_3350, %dma_wait3A_3351, %dma_wait3A_3352] : memref<7x2x64x4096xf32, #tpu.memory_space<vmem>> -> memref<1x2x64x4096xf32, #tpu.memory_space<vmem>>
    %dma_wait3A_3354 = tpu.memref_squeeze %dma_wait3A_3353 : memref<1x2x64x4096xf32, #tpu.memory_space<vmem>> -> memref<2x64x4096xf32, #tpu.memory_space<vmem>>
    %dma_wait3A_3355 = arith.constant 86 : i32
    %dma_wait3A_3356 = arith.constant 0 : i32
    %dma_wait3A_3357 = arith.constant 0 : i32
    %dma_wait3A_3358 = tpu.memref_slice %arg0[%dma_wait3A_3355, %dma_wait3A_3356, %dma_wait3A_3357] : memref<128x64x4096xf32, #tpu.memory_space<hbm>> -> memref<2x64x4096xf32, #tpu.memory_space<hbm>>
    tpu.wait_dma2 semaphore(%dma_wait3A_3349 : memref<!tpu.dma_semaphore, #tpu.memory_space<semaphore_mem>>) src(%dma_wait3A_3358 : memref<2x64x4096xf32, #tpu.memory_space<hbm>>) dst(%dma_wait3A_3354 : memref<2x64x4096xf32, #tpu.memory_space<vmem>>)
    %dma_wait3A_3359 = arith.constant 1 : i32
    %dma_wait3A_3360 = arith.constant 1 : i32
    %dma_wait3A_3361 = tpu.memref_slice %arg7[%dma_wait3A_3360] : memref<7x!tpu.dma_semaphore, #tpu.memory_space<semaphore_mem>> -> memref<1x!tpu.dma_semaphore, #tpu.memory_space<semaphore_mem>>
    %dma_wait3A_3362 = tpu.memref_squeeze %dma_wait3A_3361 : memref<1x!tpu.dma_semaphore, #tpu.memory_space<semaphore_mem>> -> memref<!tpu.dma_semaphore, #tpu.memory_space<semaphore_mem>>
    %dma_wait3A_3363 = arith.constant 72 : i32
    %dma_wait3A_3364 = arith.constant 0 : i32
    %dma_wait3A_3365 = arith.constant 0 : i32
    %dma_wait3A_3366 = tpu.memref_slice %arg3[%dma_wait3A_3363, %dma_wait3A_3364, %dma_wait3A_3365] : memref<112x64x4096xf32, #tpu.memory_space<hbm>> -> memref<2x64x4096xf32, #tpu.memory_space<hbm>>
    %dma_wait3A_3367 = arith.constant 0 : i32
    %dma_wait3A_3368 = arith.constant 0 : i32
    %dma_wait3A_3369 = arith.constant 0 : i32
    %dma_wait3A_3370 = tpu.memref_slice %arg5[%dma_wait3A_3359, %dma_wait3A_3367, %dma_wait3A_3368, %dma_wait3A_3369] : memref<7x2x64x4096xf32, #tpu.memory_space<vmem>> -> memref<1x2x64x4096xf32, #tpu.memory_space<vmem>>
    %dma_wait3A_3371 = tpu.memref_squeeze %dma_wait3A_3370 : memref<1x2x64x4096xf32, #tpu.memory_space<vmem>> -> memref<2x64x4096xf32, #tpu.memory_space<vmem>>
    tpu.wait_dma2 semaphore(%dma_wait3A_3362 : memref<!tpu.dma_semaphore, #tpu.memory_space<semaphore_mem>>) src(%dma_wait3A_3371 : memref<2x64x4096xf32, #tpu.memory_space<vmem>>) dst(%dma_wait3A_3366 : memref<2x64x4096xf32, #tpu.memory_space<hbm>>)
    %get3A_3372 = arith.constant 86 : index
    %get3A_3373 = arith.constant 0 : index
    %get3A_3374 = vector.load %arg1[%get3A_3372, %get3A_3373] : memref<128x4096xf32, #tpu.memory_space<vmem>>, vector<2x4096xf32>
    %broadcast_in_dim3A_3375 = vector.shape_cast %get3A_3374 : vector<2x4096xf32> to vector<2x1x4096xf32>
    %get3A_3376 = arith.constant 0 : index
    %get3A_3377 = arith.constant 86 : index
    %get3A_3378 = vector.load %arg2[%get3A_3376, %get3A_3377] : memref<64x128xf32, #tpu.memory_space<vmem>>, vector<64x2xf32>
    %transpose3A_3379 = tpu.transpose %get3A_3378, [1, 0] : vector<64x2xf32> -> vector<2x64xf32>
    %broadcast_in_dim3A_3380 = vector.shape_cast %transpose3A_3379 : vector<2x64xf32> to vector<2x64x1xf32>
    %get3A_3381 = arith.constant 1 : index
    %get3A_3382 = arith.constant 0 : index
    %get3A_3383 = arith.constant 0 : index
    %get3A_3384 = arith.constant 0 : index
    %get3A_3385 = vector.load %arg4[%get3A_3381, %get3A_3382, %get3A_3383, %get3A_3384] : memref<7x2x64x4096xf32, #tpu.memory_space<vmem>>, vector<1x2x64x4096xf32>
    %get3A_3386 = vector.shape_cast %get3A_3385 : vector<1x2x64x4096xf32> to vector<2x64x4096xf32>
    %mul3A_3387 = vector.broadcast %broadcast_in_dim3A_3375 : vector<2x1x4096xf32> to vector<2x64x4096xf32>
    %mul3A_3388 = vector.broadcast %broadcast_in_dim3A_3380 : vector<2x64x1xf32> to vector<2x64x4096xf32>
    %mul3A_3389 = arith.mulf %mul3A_3387, %mul3A_3388 : vector<2x64x4096xf32>
    %add3A_3390 = arith.addf %get3A_3386, %mul3A_3389 : vector<2x64x4096xf32>
    %swap3A_3391 = arith.constant 1 : index
    %swap3A_3392 = arith.constant 0 : index
    %swap3A_3393 = arith.constant 0 : index
    %swap3A_3394 = arith.constant 0 : index
    %swap3A_3395 = vector.load %arg5[%swap3A_3391, %swap3A_3392, %swap3A_3393, %swap3A_3394] : memref<7x2x64x4096xf32, #tpu.memory_space<vmem>>, vector<1x2x64x4096xf32>
    %swap3A_3396 = vector.shape_cast %swap3A_3395 : vector<1x2x64x4096xf32> to vector<2x64x4096xf32>
    %swap3A_3397 = vector.shape_cast %add3A_3390 : vector<2x64x4096xf32> to vector<1x2x64x4096xf32>
    tpu.vector_store %arg5[%swap3A_3391, %swap3A_3392, %swap3A_3393, %swap3A_3394], %swap3A_3397 {strides = array<i32>} : memref<7x2x64x4096xf32, #tpu.memory_space<vmem>>, vector<1x2x64x4096xf32>,
    %dma_start3A_3398 = arith.constant 1 : i32
    %dma_start3A_3399 = arith.constant 1 : i32
    %dma_start3A_3400 = tpu.memref_slice %arg7[%dma_start3A_3399] : memref<7x!tpu.dma_semaphore, #tpu.memory_space<semaphore_mem>> -> memref<1x!tpu.dma_semaphore, #tpu.memory_space<semaphore_mem>>
    %dma_start3A_3401 = tpu.memref_squeeze %dma_start3A_3400 : memref<1x!tpu.dma_semaphore, #tpu.memory_space<semaphore_mem>> -> memref<!tpu.dma_semaphore, #tpu.memory_space<semaphore_mem>>
    %dma_start3A_3402 = arith.constant 86 : i32
    %dma_start3A_3403 = arith.constant 0 : i32
    %dma_start3A_3404 = arith.constant 0 : i32
    %dma_start3A_3405 = tpu.memref_slice %arg3[%dma_start3A_3402, %dma_start3A_3403, %dma_start3A_3404] : memref<112x64x4096xf32, #tpu.memory_space<hbm>> -> memref<2x64x4096xf32, #tpu.memory_space<hbm>>
    %dma_start3A_3406 = arith.constant 0 : i32
    %dma_start3A_3407 = arith.constant 0 : i32
    %dma_start3A_3408 = arith.constant 0 : i32
    %dma_start3A_3409 = tpu.memref_slice %arg5[%dma_start3A_3398, %dma_start3A_3406, %dma_start3A_3407, %dma_start3A_3408] : memref<7x2x64x4096xf32, #tpu.memory_space<vmem>> -> memref<1x2x64x4096xf32, #tpu.memory_space<vmem>>
    %dma_start3A_3410 = tpu.memref_squeeze %dma_start3A_3409 : memref<1x2x64x4096xf32, #tpu.memory_space<vmem>> -> memref<2x64x4096xf32, #tpu.memory_space<vmem>>
    tpu.enqueue_dma source(%dma_start3A_3410 : memref<2x64x4096xf32, #tpu.memory_space<vmem>>) target(%dma_start3A_3405 : memref<2x64x4096xf32, #tpu.memory_space<hbm>>) target_semaphore(%dma_start3A_3401 : memref<!tpu.dma_semaphore, #tpu.memory_space<semaphore_mem>>)
    %dma_start3A_3411 = arith.constant 1 : i32
    %dma_start3A_3412 = arith.constant 1 : i32
    %dma_start3A_3413 = tpu.memref_slice %arg6[%dma_start3A_3412] : memref<7x!tpu.dma_semaphore, #tpu.memory_space<semaphore_mem>> -> memref<1x!tpu.dma_semaphore, #tpu.memory_space<semaphore_mem>>
    %dma_start3A_3414 = tpu.memref_squeeze %dma_start3A_3413 : memref<1x!tpu.dma_semaphore, #tpu.memory_space<semaphore_mem>> -> memref<!tpu.dma_semaphore, #tpu.memory_space<semaphore_mem>>
    %dma_start3A_3415 = arith.constant 0 : i32
    %dma_start3A_3416 = arith.constant 0 : i32
    %dma_start3A_3417 = arith.constant 0 : i32
    %dma_start3A_3418 = tpu.memref_slice %arg4[%dma_start3A_3411, %dma_start3A_3415, %dma_start3A_3416, %dma_start3A_3417] : memref<7x2x64x4096xf32, #tpu.memory_space<vmem>> -> memref<1x2x64x4096xf32, #tpu.memory_space<vmem>>
    %dma_start3A_3419 = tpu.memref_squeeze %dma_start3A_3418 : memref<1x2x64x4096xf32, #tpu.memory_space<vmem>> -> memref<2x64x4096xf32, #tpu.memory_space<vmem>>
    %dma_start3A_3420 = arith.constant 100 : i32
    %dma_start3A_3421 = arith.constant 0 : i32
    %dma_start3A_3422 = arith.constant 0 : i32
    %dma_start3A_3423 = tpu.memref_slice %arg0[%dma_start3A_3420, %dma_start3A_3421, %dma_start3A_3422] : memref<128x64x4096xf32, #tpu.memory_space<hbm>> -> memref<2x64x4096xf32, #tpu.memory_space<hbm>>
    tpu.enqueue_dma source(%dma_start3A_3423 : memref<2x64x4096xf32, #tpu.memory_space<hbm>>) target(%dma_start3A_3419 : memref<2x64x4096xf32, #tpu.memory_space<vmem>>) target_semaphore(%dma_start3A_3414 : memref<!tpu.dma_semaphore, #tpu.memory_space<semaphore_mem>>)
    %dma_wait3A_3424 = arith.constant 2 : i32
    %dma_wait3A_3425 = arith.constant 2 : i32
    %dma_wait3A_3426 = tpu.memref_slice %arg6[%dma_wait3A_3425] : memref<7x!tpu.dma_semaphore, #tpu.memory_space<semaphore_mem>> -> memref<1x!tpu.dma_semaphore, #tpu.memory_space<semaphore_mem>>
    %dma_wait3A_3427 = tpu.memref_squeeze %dma_wait3A_3426 : memref<1x!tpu.dma_semaphore, #tpu.memory_space<semaphore_mem>> -> memref<!tpu.dma_semaphore, #tpu.memory_space<semaphore_mem>>
    %dma_wait3A_3428 = arith.constant 0 : i32
    %dma_wait3A_3429 = arith.constant 0 : i32
    %dma_wait3A_3430 = arith.constant 0 : i32
    %dma_wait3A_3431 = tpu.memref_slice %arg4[%dma_wait3A_3424, %dma_wait3A_3428, %dma_wait3A_3429, %dma_wait3A_3430] : memref<7x2x64x4096xf32, #tpu.memory_space<vmem>> -> memref<1x2x64x4096xf32, #tpu.memory_space<vmem>>
    %dma_wait3A_3432 = tpu.memref_squeeze %dma_wait3A_3431 : memref<1x2x64x4096xf32, #tpu.memory_space<vmem>> -> memref<2x64x4096xf32, #tpu.memory_space<vmem>>
    %dma_wait3A_3433 = arith.constant 88 : i32
    %dma_wait3A_3434 = arith.constant 0 : i32
    %dma_wait3A_3435 = arith.constant 0 : i32
    %dma_wait3A_3436 = tpu.memref_slice %arg0[%dma_wait3A_3433, %dma_wait3A_3434, %dma_wait3A_3435] : memref<128x64x4096xf32, #tpu.memory_space<hbm>> -> memref<2x64x4096xf32, #tpu.memory_space<hbm>>
    tpu.wait_dma2 semaphore(%dma_wait3A_3427 : memref<!tpu.dma_semaphore, #tpu.memory_space<semaphore_mem>>) src(%dma_wait3A_3436 : memref<2x64x4096xf32, #tpu.memory_space<hbm>>) dst(%dma_wait3A_3432 : memref<2x64x4096xf32, #tpu.memory_space<vmem>>)
    %dma_wait3A_3437 = arith.constant 2 : i32
    %dma_wait3A_3438 = arith.constant 2 : i32
    %dma_wait3A_3439 = tpu.memref_slice %arg7[%dma_wait3A_3438] : memref<7x!tpu.dma_semaphore, #tpu.memory_space<semaphore_mem>> -> memref<1x!tpu.dma_semaphore, #tpu.memory_space<semaphore_mem>>
    %dma_wait3A_3440 = tpu.memref_squeeze %dma_wait3A_3439 : memref<1x!tpu.dma_semaphore, #tpu.memory_space<semaphore_mem>> -> memref<!tpu.dma_semaphore, #tpu.memory_space<semaphore_mem>>
    %dma_wait3A_3441 = arith.constant 74 : i32
    %dma_wait3A_3442 = arith.constant 0 : i32
    %dma_wait3A_3443 = arith.constant 0 : i32
    %dma_wait3A_3444 = tpu.memref_slice %arg3[%dma_wait3A_3441, %dma_wait3A_3442, %dma_wait3A_3443] : memref<112x64x4096xf32, #tpu.memory_space<hbm>> -> memref<2x64x4096xf32, #tpu.memory_space<hbm>>
    %dma_wait3A_3445 = arith.constant 0 : i32
    %dma_wait3A_3446 = arith.constant 0 : i32
    %dma_wait3A_3447 = arith.constant 0 : i32
    %dma_wait3A_3448 = tpu.memref_slice %arg5[%dma_wait3A_3437, %dma_wait3A_3445, %dma_wait3A_3446, %dma_wait3A_3447] : memref<7x2x64x4096xf32, #tpu.memory_space<vmem>> -> memref<1x2x64x4096xf32, #tpu.memory_space<vmem>>
    %dma_wait3A_3449 = tpu.memref_squeeze %dma_wait3A_3448 : memref<1x2x64x4096xf32, #tpu.memory_space<vmem>> -> memref<2x64x4096xf32, #tpu.memory_space<vmem>>
    tpu.wait_dma2 semaphore(%dma_wait3A_3440 : memref<!tpu.dma_semaphore, #tpu.memory_space<semaphore_mem>>) src(%dma_wait3A_3449 : memref<2x64x4096xf32, #tpu.memory_space<vmem>>) dst(%dma_wait3A_3444 : memref<2x64x4096xf32, #tpu.memory_space<hbm>>)
    %get3A_3450 = arith.constant 88 : index
    %get3A_3451 = arith.constant 0 : index
    %get3A_3452 = vector.load %arg1[%get3A_3450, %get3A_3451] : memref<128x4096xf32, #tpu.memory_space<vmem>>, vector<2x4096xf32>
    %broadcast_in_dim3A_3453 = vector.shape_cast %get3A_3452 : vector<2x4096xf32> to vector<2x1x4096xf32>
    %get3A_3454 = arith.constant 0 : index
    %get3A_3455 = arith.constant 88 : index
    %get3A_3456 = vector.load %arg2[%get3A_3454, %get3A_3455] : memref<64x128xf32, #tpu.memory_space<vmem>>, vector<64x2xf32>
    %transpose3A_3457 = tpu.transpose %get3A_3456, [1, 0] : vector<64x2xf32> -> vector<2x64xf32>
    %broadcast_in_dim3A_3458 = vector.shape_cast %transpose3A_3457 : vector<2x64xf32> to vector<2x64x1xf32>
    %get3A_3459 = arith.constant 2 : index
    %get3A_3460 = arith.constant 0 : index
    %get3A_3461 = arith.constant 0 : index
    %get3A_3462 = arith.constant 0 : index
    %get3A_3463 = vector.load %arg4[%get3A_3459, %get3A_3460, %get3A_3461, %get3A_3462] : memref<7x2x64x4096xf32, #tpu.memory_space<vmem>>, vector<1x2x64x4096xf32>
    %get3A_3464 = vector.shape_cast %get3A_3463 : vector<1x2x64x4096xf32> to vector<2x64x4096xf32>
    %mul3A_3465 = vector.broadcast %broadcast_in_dim3A_3453 : vector<2x1x4096xf32> to vector<2x64x4096xf32>
    %mul3A_3466 = vector.broadcast %broadcast_in_dim3A_3458 : vector<2x64x1xf32> to vector<2x64x4096xf32>
    %mul3A_3467 = arith.mulf %mul3A_3465, %mul3A_3466 : vector<2x64x4096xf32>
    %add3A_3468 = arith.addf %get3A_3464, %mul3A_3467 : vector<2x64x4096xf32>
    %swap3A_3469 = arith.constant 2 : index
    %swap3A_3470 = arith.constant 0 : index
    %swap3A_3471 = arith.constant 0 : index
    %swap3A_3472 = arith.constant 0 : index
    %swap3A_3473 = vector.load %arg5[%swap3A_3469, %swap3A_3470, %swap3A_3471, %swap3A_3472] : memref<7x2x64x4096xf32, #tpu.memory_space<vmem>>, vector<1x2x64x4096xf32>
    %swap3A_3474 = vector.shape_cast %swap3A_3473 : vector<1x2x64x4096xf32> to vector<2x64x4096xf32>
    %swap3A_3475 = vector.shape_cast %add3A_3468 : vector<2x64x4096xf32> to vector<1x2x64x4096xf32>
    tpu.vector_store %arg5[%swap3A_3469, %swap3A_3470, %swap3A_3471, %swap3A_3472], %swap3A_3475 {strides = array<i32>} : memref<7x2x64x4096xf32, #tpu.memory_space<vmem>>, vector<1x2x64x4096xf32>,
    %dma_start3A_3476 = arith.constant 2 : i32
    %dma_start3A_3477 = arith.constant 2 : i32
    %dma_start3A_3478 = tpu.memref_slice %arg7[%dma_start3A_3477] : memref<7x!tpu.dma_semaphore, #tpu.memory_space<semaphore_mem>> -> memref<1x!tpu.dma_semaphore, #tpu.memory_space<semaphore_mem>>
    %dma_start3A_3479 = tpu.memref_squeeze %dma_start3A_3478 : memref<1x!tpu.dma_semaphore, #tpu.memory_space<semaphore_mem>> -> memref<!tpu.dma_semaphore, #tpu.memory_space<semaphore_mem>>
    %dma_start3A_3480 = arith.constant 88 : i32
    %dma_start3A_3481 = arith.constant 0 : i32
    %dma_start3A_3482 = arith.constant 0 : i32
    %dma_start3A_3483 = tpu.memref_slice %arg3[%dma_start3A_3480, %dma_start3A_3481, %dma_start3A_3482] : memref<112x64x4096xf32, #tpu.memory_space<hbm>> -> memref<2x64x4096xf32, #tpu.memory_space<hbm>>
    %dma_start3A_3484 = arith.constant 0 : i32
    %dma_start3A_3485 = arith.constant 0 : i32
    %dma_start3A_3486 = arith.constant 0 : i32
    %dma_start3A_3487 = tpu.memref_slice %arg5[%dma_start3A_3476, %dma_start3A_3484, %dma_start3A_3485, %dma_start3A_3486] : memref<7x2x64x4096xf32, #tpu.memory_space<vmem>> -> memref<1x2x64x4096xf32, #tpu.memory_space<vmem>>
    %dma_start3A_3488 = tpu.memref_squeeze %dma_start3A_3487 : memref<1x2x64x4096xf32, #tpu.memory_space<vmem>> -> memref<2x64x4096xf32, #tpu.memory_space<vmem>>
    tpu.enqueue_dma source(%dma_start3A_3488 : memref<2x64x4096xf32, #tpu.memory_space<vmem>>) target(%dma_start3A_3483 : memref<2x64x4096xf32, #tpu.memory_space<hbm>>) target_semaphore(%dma_start3A_3479 : memref<!tpu.dma_semaphore, #tpu.memory_space<semaphore_mem>>)
    %dma_start3A_3489 = arith.constant 2 : i32
    %dma_start3A_3490 = arith.constant 2 : i32
    %dma_start3A_3491 = tpu.memref_slice %arg6[%dma_start3A_3490] : memref<7x!tpu.dma_semaphore, #tpu.memory_space<semaphore_mem>> -> memref<1x!tpu.dma_semaphore, #tpu.memory_space<semaphore_mem>>
    %dma_start3A_3492 = tpu.memref_squeeze %dma_start3A_3491 : memref<1x!tpu.dma_semaphore, #tpu.memory_space<semaphore_mem>> -> memref<!tpu.dma_semaphore, #tpu.memory_space<semaphore_mem>>
    %dma_start3A_3493 = arith.constant 0 : i32
    %dma_start3A_3494 = arith.constant 0 : i32
    %dma_start3A_3495 = arith.constant 0 : i32
    %dma_start3A_3496 = tpu.memref_slice %arg4[%dma_start3A_3489, %dma_start3A_3493, %dma_start3A_3494, %dma_start3A_3495] : memref<7x2x64x4096xf32, #tpu.memory_space<vmem>> -> memref<1x2x64x4096xf32, #tpu.memory_space<vmem>>
    %dma_start3A_3497 = tpu.memref_squeeze %dma_start3A_3496 : memref<1x2x64x4096xf32, #tpu.memory_space<vmem>> -> memref<2x64x4096xf32, #tpu.memory_space<vmem>>
    %dma_start3A_3498 = arith.constant 102 : i32
    %dma_start3A_3499 = arith.constant 0 : i32
    %dma_start3A_3500 = arith.constant 0 : i32
    %dma_start3A_3501 = tpu.memref_slice %arg0[%dma_start3A_3498, %dma_start3A_3499, %dma_start3A_3500] : memref<128x64x4096xf32, #tpu.memory_space<hbm>> -> memref<2x64x4096xf32, #tpu.memory_space<hbm>>
    tpu.enqueue_dma source(%dma_start3A_3501 : memref<2x64x4096xf32, #tpu.memory_space<hbm>>) target(%dma_start3A_3497 : memref<2x64x4096xf32, #tpu.memory_space<vmem>>) target_semaphore(%dma_start3A_3492 : memref<!tpu.dma_semaphore, #tpu.memory_space<semaphore_mem>>)
    %dma_wait3A_3502 = arith.constant 3 : i32
    %dma_wait3A_3503 = arith.constant 3 : i32
    %dma_wait3A_3504 = tpu.memref_slice %arg6[%dma_wait3A_3503] : memref<7x!tpu.dma_semaphore, #tpu.memory_space<semaphore_mem>> -> memref<1x!tpu.dma_semaphore, #tpu.memory_space<semaphore_mem>>
    %dma_wait3A_3505 = tpu.memref_squeeze %dma_wait3A_3504 : memref<1x!tpu.dma_semaphore, #tpu.memory_space<semaphore_mem>> -> memref<!tpu.dma_semaphore, #tpu.memory_space<semaphore_mem>>
    %dma_wait3A_3506 = arith.constant 0 : i32
    %dma_wait3A_3507 = arith.constant 0 : i32
    %dma_wait3A_3508 = arith.constant 0 : i32
    %dma_wait3A_3509 = tpu.memref_slice %arg4[%dma_wait3A_3502, %dma_wait3A_3506, %dma_wait3A_3507, %dma_wait3A_3508] : memref<7x2x64x4096xf32, #tpu.memory_space<vmem>> -> memref<1x2x64x4096xf32, #tpu.memory_space<vmem>>
    %dma_wait3A_3510 = tpu.memref_squeeze %dma_wait3A_3509 : memref<1x2x64x4096xf32, #tpu.memory_space<vmem>> -> memref<2x64x4096xf32, #tpu.memory_space<vmem>>
    %dma_wait3A_3511 = arith.constant 90 : i32
    %dma_wait3A_3512 = arith.constant 0 : i32
    %dma_wait3A_3513 = arith.constant 0 : i32
    %dma_wait3A_3514 = tpu.memref_slice %arg0[%dma_wait3A_3511, %dma_wait3A_3512, %dma_wait3A_3513] : memref<128x64x4096xf32, #tpu.memory_space<hbm>> -> memref<2x64x4096xf32, #tpu.memory_space<hbm>>
    tpu.wait_dma2 semaphore(%dma_wait3A_3505 : memref<!tpu.dma_semaphore, #tpu.memory_space<semaphore_mem>>) src(%dma_wait3A_3514 : memref<2x64x4096xf32, #tpu.memory_space<hbm>>) dst(%dma_wait3A_3510 : memref<2x64x4096xf32, #tpu.memory_space<vmem>>)
    %dma_wait3A_3515 = arith.constant 3 : i32
    %dma_wait3A_3516 = arith.constant 3 : i32
    %dma_wait3A_3517 = tpu.memref_slice %arg7[%dma_wait3A_3516] : memref<7x!tpu.dma_semaphore, #tpu.memory_space<semaphore_mem>> -> memref<1x!tpu.dma_semaphore, #tpu.memory_space<semaphore_mem>>
    %dma_wait3A_3518 = tpu.memref_squeeze %dma_wait3A_3517 : memref<1x!tpu.dma_semaphore, #tpu.memory_space<semaphore_mem>> -> memref<!tpu.dma_semaphore, #tpu.memory_space<semaphore_mem>>
    %dma_wait3A_3519 = arith.constant 76 : i32
    %dma_wait3A_3520 = arith.constant 0 : i32
    %dma_wait3A_3521 = arith.constant 0 : i32
    %dma_wait3A_3522 = tpu.memref_slice %arg3[%dma_wait3A_3519, %dma_wait3A_3520, %dma_wait3A_3521] : memref<112x64x4096xf32, #tpu.memory_space<hbm>> -> memref<2x64x4096xf32, #tpu.memory_space<hbm>>
    %dma_wait3A_3523 = arith.constant 0 : i32
    %dma_wait3A_3524 = arith.constant 0 : i32
    %dma_wait3A_3525 = arith.constant 0 : i32
    %dma_wait3A_3526 = tpu.memref_slice %arg5[%dma_wait3A_3515, %dma_wait3A_3523, %dma_wait3A_3524, %dma_wait3A_3525] : memref<7x2x64x4096xf32, #tpu.memory_space<vmem>> -> memref<1x2x64x4096xf32, #tpu.memory_space<vmem>>
    %dma_wait3A_3527 = tpu.memref_squeeze %dma_wait3A_3526 : memref<1x2x64x4096xf32, #tpu.memory_space<vmem>> -> memref<2x64x4096xf32, #tpu.memory_space<vmem>>
    tpu.wait_dma2 semaphore(%dma_wait3A_3518 : memref<!tpu.dma_semaphore, #tpu.memory_space<semaphore_mem>>) src(%dma_wait3A_3527 : memref<2x64x4096xf32, #tpu.memory_space<vmem>>) dst(%dma_wait3A_3522 : memref<2x64x4096xf32, #tpu.memory_space<hbm>>)
    %get3A_3528 = arith.constant 90 : index
    %get3A_3529 = arith.constant 0 : index
    %get3A_3530 = vector.load %arg1[%get3A_3528, %get3A_3529] : memref<128x4096xf32, #tpu.memory_space<vmem>>, vector<2x4096xf32>
    %broadcast_in_dim3A_3531 = vector.shape_cast %get3A_3530 : vector<2x4096xf32> to vector<2x1x4096xf32>
    %get3A_3532 = arith.constant 0 : index
    %get3A_3533 = arith.constant 90 : index
    %get3A_3534 = vector.load %arg2[%get3A_3532, %get3A_3533] : memref<64x128xf32, #tpu.memory_space<vmem>>, vector<64x2xf32>
    %transpose3A_3535 = tpu.transpose %get3A_3534, [1, 0] : vector<64x2xf32> -> vector<2x64xf32>
    %broadcast_in_dim3A_3536 = vector.shape_cast %transpose3A_3535 : vector<2x64xf32> to vector<2x64x1xf32>
    %get3A_3537 = arith.constant 3 : index
    %get3A_3538 = arith.constant 0 : index
    %get3A_3539 = arith.constant 0 : index
    %get3A_3540 = arith.constant 0 : index
    %get3A_3541 = vector.load %arg4[%get3A_3537, %get3A_3538, %get3A_3539, %get3A_3540] : memref<7x2x64x4096xf32, #tpu.memory_space<vmem>>, vector<1x2x64x4096xf32>
    %get3A_3542 = vector.shape_cast %get3A_3541 : vector<1x2x64x4096xf32> to vector<2x64x4096xf32>
    %mul3A_3543 = vector.broadcast %broadcast_in_dim3A_3531 : vector<2x1x4096xf32> to vector<2x64x4096xf32>
    %mul3A_3544 = vector.broadcast %broadcast_in_dim3A_3536 : vector<2x64x1xf32> to vector<2x64x4096xf32>
    %mul3A_3545 = arith.mulf %mul3A_3543, %mul3A_3544 : vector<2x64x4096xf32>
    %add3A_3546 = arith.addf %get3A_3542, %mul3A_3545 : vector<2x64x4096xf32>
    %swap3A_3547 = arith.constant 3 : index
    %swap3A_3548 = arith.constant 0 : index
    %swap3A_3549 = arith.constant 0 : index
    %swap3A_3550 = arith.constant 0 : index
    %swap3A_3551 = vector.load %arg5[%swap3A_3547, %swap3A_3548, %swap3A_3549, %swap3A_3550] : memref<7x2x64x4096xf32, #tpu.memory_space<vmem>>, vector<1x2x64x4096xf32>
    %swap3A_3552 = vector.shape_cast %swap3A_3551 : vector<1x2x64x4096xf32> to vector<2x64x4096xf32>
    %swap3A_3553 = vector.shape_cast %add3A_3546 : vector<2x64x4096xf32> to vector<1x2x64x4096xf32>
    tpu.vector_store %arg5[%swap3A_3547, %swap3A_3548, %swap3A_3549, %swap3A_3550], %swap3A_3553 {strides = array<i32>} : memref<7x2x64x4096xf32, #tpu.memory_space<vmem>>, vector<1x2x64x4096xf32>,
    %dma_start3A_3554 = arith.constant 3 : i32
    %dma_start3A_3555 = arith.constant 3 : i32
    %dma_start3A_3556 = tpu.memref_slice %arg7[%dma_start3A_3555] : memref<7x!tpu.dma_semaphore, #tpu.memory_space<semaphore_mem>> -> memref<1x!tpu.dma_semaphore, #tpu.memory_space<semaphore_mem>>
    %dma_start3A_3557 = tpu.memref_squeeze %dma_start3A_3556 : memref<1x!tpu.dma_semaphore, #tpu.memory_space<semaphore_mem>> -> memref<!tpu.dma_semaphore, #tpu.memory_space<semaphore_mem>>
    %dma_start3A_3558 = arith.constant 90 : i32
    %dma_start3A_3559 = arith.constant 0 : i32
    %dma_start3A_3560 = arith.constant 0 : i32
    %dma_start3A_3561 = tpu.memref_slice %arg3[%dma_start3A_3558, %dma_start3A_3559, %dma_start3A_3560] : memref<112x64x4096xf32, #tpu.memory_space<hbm>> -> memref<2x64x4096xf32, #tpu.memory_space<hbm>>
    %dma_start3A_3562 = arith.constant 0 : i32
    %dma_start3A_3563 = arith.constant 0 : i32
    %dma_start3A_3564 = arith.constant 0 : i32
    %dma_start3A_3565 = tpu.memref_slice %arg5[%dma_start3A_3554, %dma_start3A_3562, %dma_start3A_3563, %dma_start3A_3564] : memref<7x2x64x4096xf32, #tpu.memory_space<vmem>> -> memref<1x2x64x4096xf32, #tpu.memory_space<vmem>>
    %dma_start3A_3566 = tpu.memref_squeeze %dma_start3A_3565 : memref<1x2x64x4096xf32, #tpu.memory_space<vmem>> -> memref<2x64x4096xf32, #tpu.memory_space<vmem>>
    tpu.enqueue_dma source(%dma_start3A_3566 : memref<2x64x4096xf32, #tpu.memory_space<vmem>>) target(%dma_start3A_3561 : memref<2x64x4096xf32, #tpu.memory_space<hbm>>) target_semaphore(%dma_start3A_3557 : memref<!tpu.dma_semaphore, #tpu.memory_space<semaphore_mem>>)
    %dma_start3A_3567 = arith.constant 3 : i32
    %dma_start3A_3568 = arith.constant 3 : i32
    %dma_start3A_3569 = tpu.memref_slice %arg6[%dma_start3A_3568] : memref<7x!tpu.dma_semaphore, #tpu.memory_space<semaphore_mem>> -> memref<1x!tpu.dma_semaphore, #tpu.memory_space<semaphore_mem>>
    %dma_start3A_3570 = tpu.memref_squeeze %dma_start3A_3569 : memref<1x!tpu.dma_semaphore, #tpu.memory_space<semaphore_mem>> -> memref<!tpu.dma_semaphore, #tpu.memory_space<semaphore_mem>>
    %dma_start3A_3571 = arith.constant 0 : i32
    %dma_start3A_3572 = arith.constant 0 : i32
    %dma_start3A_3573 = arith.constant 0 : i32
    %dma_start3A_3574 = tpu.memref_slice %arg4[%dma_start3A_3567, %dma_start3A_3571, %dma_start3A_3572, %dma_start3A_3573] : memref<7x2x64x4096xf32, #tpu.memory_space<vmem>> -> memref<1x2x64x4096xf32, #tpu.memory_space<vmem>>
    %dma_start3A_3575 = tpu.memref_squeeze %dma_start3A_3574 : memref<1x2x64x4096xf32, #tpu.memory_space<vmem>> -> memref<2x64x4096xf32, #tpu.memory_space<vmem>>
    %dma_start3A_3576 = arith.constant 104 : i32
    %dma_start3A_3577 = arith.constant 0 : i32
    %dma_start3A_3578 = arith.constant 0 : i32
    %dma_start3A_3579 = tpu.memref_slice %arg0[%dma_start3A_3576, %dma_start3A_3577, %dma_start3A_3578] : memref<128x64x4096xf32, #tpu.memory_space<hbm>> -> memref<2x64x4096xf32, #tpu.memory_space<hbm>>
    tpu.enqueue_dma source(%dma_start3A_3579 : memref<2x64x4096xf32, #tpu.memory_space<hbm>>) target(%dma_start3A_3575 : memref<2x64x4096xf32, #tpu.memory_space<vmem>>) target_semaphore(%dma_start3A_3570 : memref<!tpu.dma_semaphore, #tpu.memory_space<semaphore_mem>>)
    %dma_wait3A_3580 = arith.constant 4 : i32
    %dma_wait3A_3581 = arith.constant 4 : i32
    %dma_wait3A_3582 = tpu.memref_slice %arg6[%dma_wait3A_3581] : memref<7x!tpu.dma_semaphore, #tpu.memory_space<semaphore_mem>> -> memref<1x!tpu.dma_semaphore, #tpu.memory_space<semaphore_mem>>
    %dma_wait3A_3583 = tpu.memref_squeeze %dma_wait3A_3582 : memref<1x!tpu.dma_semaphore, #tpu.memory_space<semaphore_mem>> -> memref<!tpu.dma_semaphore, #tpu.memory_space<semaphore_mem>>
    %dma_wait3A_3584 = arith.constant 0 : i32
    %dma_wait3A_3585 = arith.constant 0 : i32
    %dma_wait3A_3586 = arith.constant 0 : i32
    %dma_wait3A_3587 = tpu.memref_slice %arg4[%dma_wait3A_3580, %dma_wait3A_3584, %dma_wait3A_3585, %dma_wait3A_3586] : memref<7x2x64x4096xf32, #tpu.memory_space<vmem>> -> memref<1x2x64x4096xf32, #tpu.memory_space<vmem>>
    %dma_wait3A_3588 = tpu.memref_squeeze %dma_wait3A_3587 : memref<1x2x64x4096xf32, #tpu.memory_space<vmem>> -> memref<2x64x4096xf32, #tpu.memory_space<vmem>>
    %dma_wait3A_3589 = arith.constant 92 : i32
    %dma_wait3A_3590 = arith.constant 0 : i32
    %dma_wait3A_3591 = arith.constant 0 : i32
    %dma_wait3A_3592 = tpu.memref_slice %arg0[%dma_wait3A_3589, %dma_wait3A_3590, %dma_wait3A_3591] : memref<128x64x4096xf32, #tpu.memory_space<hbm>> -> memref<2x64x4096xf32, #tpu.memory_space<hbm>>
    tpu.wait_dma2 semaphore(%dma_wait3A_3583 : memref<!tpu.dma_semaphore, #tpu.memory_space<semaphore_mem>>) src(%dma_wait3A_3592 : memref<2x64x4096xf32, #tpu.memory_space<hbm>>) dst(%dma_wait3A_3588 : memref<2x64x4096xf32, #tpu.memory_space<vmem>>)
    %dma_wait3A_3593 = arith.constant 4 : i32
    %dma_wait3A_3594 = arith.constant 4 : i32
    %dma_wait3A_3595 = tpu.memref_slice %arg7[%dma_wait3A_3594] : memref<7x!tpu.dma_semaphore, #tpu.memory_space<semaphore_mem>> -> memref<1x!tpu.dma_semaphore, #tpu.memory_space<semaphore_mem>>
    %dma_wait3A_3596 = tpu.memref_squeeze %dma_wait3A_3595 : memref<1x!tpu.dma_semaphore, #tpu.memory_space<semaphore_mem>> -> memref<!tpu.dma_semaphore, #tpu.memory_space<semaphore_mem>>
    %dma_wait3A_3597 = arith.constant 78 : i32
    %dma_wait3A_3598 = arith.constant 0 : i32
    %dma_wait3A_3599 = arith.constant 0 : i32
    %dma_wait3A_3600 = tpu.memref_slice %arg3[%dma_wait3A_3597, %dma_wait3A_3598, %dma_wait3A_3599] : memref<112x64x4096xf32, #tpu.memory_space<hbm>> -> memref<2x64x4096xf32, #tpu.memory_space<hbm>>
    %dma_wait3A_3601 = arith.constant 0 : i32
    %dma_wait3A_3602 = arith.constant 0 : i32
    %dma_wait3A_3603 = arith.constant 0 : i32
    %dma_wait3A_3604 = tpu.memref_slice %arg5[%dma_wait3A_3593, %dma_wait3A_3601, %dma_wait3A_3602, %dma_wait3A_3603] : memref<7x2x64x4096xf32, #tpu.memory_space<vmem>> -> memref<1x2x64x4096xf32, #tpu.memory_space<vmem>>
    %dma_wait3A_3605 = tpu.memref_squeeze %dma_wait3A_3604 : memref<1x2x64x4096xf32, #tpu.memory_space<vmem>> -> memref<2x64x4096xf32, #tpu.memory_space<vmem>>
    tpu.wait_dma2 semaphore(%dma_wait3A_3596 : memref<!tpu.dma_semaphore, #tpu.memory_space<semaphore_mem>>) src(%dma_wait3A_3605 : memref<2x64x4096xf32, #tpu.memory_space<vmem>>) dst(%dma_wait3A_3600 : memref<2x64x4096xf32, #tpu.memory_space<hbm>>)
    %get3A_3606 = arith.constant 92 : index
    %get3A_3607 = arith.constant 0 : index
    %get3A_3608 = vector.load %arg1[%get3A_3606, %get3A_3607] : memref<128x4096xf32, #tpu.memory_space<vmem>>, vector<2x4096xf32>
    %broadcast_in_dim3A_3609 = vector.shape_cast %get3A_3608 : vector<2x4096xf32> to vector<2x1x4096xf32>
    %get3A_3610 = arith.constant 0 : index
    %get3A_3611 = arith.constant 92 : index
    %get3A_3612 = vector.load %arg2[%get3A_3610, %get3A_3611] : memref<64x128xf32, #tpu.memory_space<vmem>>, vector<64x2xf32>
    %transpose3A_3613 = tpu.transpose %get3A_3612, [1, 0] : vector<64x2xf32> -> vector<2x64xf32>
    %broadcast_in_dim3A_3614 = vector.shape_cast %transpose3A_3613 : vector<2x64xf32> to vector<2x64x1xf32>
    %get3A_3615 = arith.constant 4 : index
    %get3A_3616 = arith.constant 0 : index
    %get3A_3617 = arith.constant 0 : index
    %get3A_3618 = arith.constant 0 : index
    %get3A_3619 = vector.load %arg4[%get3A_3615, %get3A_3616, %get3A_3617, %get3A_3618] : memref<7x2x64x4096xf32, #tpu.memory_space<vmem>>, vector<1x2x64x4096xf32>
    %get3A_3620 = vector.shape_cast %get3A_3619 : vector<1x2x64x4096xf32> to vector<2x64x4096xf32>
    %mul3A_3621 = vector.broadcast %broadcast_in_dim3A_3609 : vector<2x1x4096xf32> to vector<2x64x4096xf32>
    %mul3A_3622 = vector.broadcast %broadcast_in_dim3A_3614 : vector<2x64x1xf32> to vector<2x64x4096xf32>
    %mul3A_3623 = arith.mulf %mul3A_3621, %mul3A_3622 : vector<2x64x4096xf32>
    %add3A_3624 = arith.addf %get3A_3620, %mul3A_3623 : vector<2x64x4096xf32>
    %swap3A_3625 = arith.constant 4 : index
    %swap3A_3626 = arith.constant 0 : index
    %swap3A_3627 = arith.constant 0 : index
    %swap3A_3628 = arith.constant 0 : index
    %swap3A_3629 = vector.load %arg5[%swap3A_3625, %swap3A_3626, %swap3A_3627, %swap3A_3628] : memref<7x2x64x4096xf32, #tpu.memory_space<vmem>>, vector<1x2x64x4096xf32>
    %swap3A_3630 = vector.shape_cast %swap3A_3629 : vector<1x2x64x4096xf32> to vector<2x64x4096xf32>
    %swap3A_3631 = vector.shape_cast %add3A_3624 : vector<2x64x4096xf32> to vector<1x2x64x4096xf32>
    tpu.vector_store %arg5[%swap3A_3625, %swap3A_3626, %swap3A_3627, %swap3A_3628], %swap3A_3631 {strides = array<i32>} : memref<7x2x64x4096xf32, #tpu.memory_space<vmem>>, vector<1x2x64x4096xf32>,
    %dma_start3A_3632 = arith.constant 4 : i32
    %dma_start3A_3633 = arith.constant 4 : i32
    %dma_start3A_3634 = tpu.memref_slice %arg7[%dma_start3A_3633] : memref<7x!tpu.dma_semaphore, #tpu.memory_space<semaphore_mem>> -> memref<1x!tpu.dma_semaphore, #tpu.memory_space<semaphore_mem>>
    %dma_start3A_3635 = tpu.memref_squeeze %dma_start3A_3634 : memref<1x!tpu.dma_semaphore, #tpu.memory_space<semaphore_mem>> -> memref<!tpu.dma_semaphore, #tpu.memory_space<semaphore_mem>>
    %dma_start3A_3636 = arith.constant 92 : i32
    %dma_start3A_3637 = arith.constant 0 : i32
    %dma_start3A_3638 = arith.constant 0 : i32
    %dma_start3A_3639 = tpu.memref_slice %arg3[%dma_start3A_3636, %dma_start3A_3637, %dma_start3A_3638] : memref<112x64x4096xf32, #tpu.memory_space<hbm>> -> memref<2x64x4096xf32, #tpu.memory_space<hbm>>
    %dma_start3A_3640 = arith.constant 0 : i32
    %dma_start3A_3641 = arith.constant 0 : i32
    %dma_start3A_3642 = arith.constant 0 : i32
    %dma_start3A_3643 = tpu.memref_slice %arg5[%dma_start3A_3632, %dma_start3A_3640, %dma_start3A_3641, %dma_start3A_3642] : memref<7x2x64x4096xf32, #tpu.memory_space<vmem>> -> memref<1x2x64x4096xf32, #tpu.memory_space<vmem>>
    %dma_start3A_3644 = tpu.memref_squeeze %dma_start3A_3643 : memref<1x2x64x4096xf32, #tpu.memory_space<vmem>> -> memref<2x64x4096xf32, #tpu.memory_space<vmem>>
    tpu.enqueue_dma source(%dma_start3A_3644 : memref<2x64x4096xf32, #tpu.memory_space<vmem>>) target(%dma_start3A_3639 : memref<2x64x4096xf32, #tpu.memory_space<hbm>>) target_semaphore(%dma_start3A_3635 : memref<!tpu.dma_semaphore, #tpu.memory_space<semaphore_mem>>)
    %dma_start3A_3645 = arith.constant 4 : i32
    %dma_start3A_3646 = arith.constant 4 : i32
    %dma_start3A_3647 = tpu.memref_slice %arg6[%dma_start3A_3646] : memref<7x!tpu.dma_semaphore, #tpu.memory_space<semaphore_mem>> -> memref<1x!tpu.dma_semaphore, #tpu.memory_space<semaphore_mem>>
    %dma_start3A_3648 = tpu.memref_squeeze %dma_start3A_3647 : memref<1x!tpu.dma_semaphore, #tpu.memory_space<semaphore_mem>> -> memref<!tpu.dma_semaphore, #tpu.memory_space<semaphore_mem>>
    %dma_start3A_3649 = arith.constant 0 : i32
    %dma_start3A_3650 = arith.constant 0 : i32
    %dma_start3A_3651 = arith.constant 0 : i32
    %dma_start3A_3652 = tpu.memref_slice %arg4[%dma_start3A_3645, %dma_start3A_3649, %dma_start3A_3650, %dma_start3A_3651] : memref<7x2x64x4096xf32, #tpu.memory_space<vmem>> -> memref<1x2x64x4096xf32, #tpu.memory_space<vmem>>
    %dma_start3A_3653 = tpu.memref_squeeze %dma_start3A_3652 : memref<1x2x64x4096xf32, #tpu.memory_space<vmem>> -> memref<2x64x4096xf32, #tpu.memory_space<vmem>>
    %dma_start3A_3654 = arith.constant 106 : i32
    %dma_start3A_3655 = arith.constant 0 : i32
    %dma_start3A_3656 = arith.constant 0 : i32
    %dma_start3A_3657 = tpu.memref_slice %arg0[%dma_start3A_3654, %dma_start3A_3655, %dma_start3A_3656] : memref<128x64x4096xf32, #tpu.memory_space<hbm>> -> memref<2x64x4096xf32, #tpu.memory_space<hbm>>
    tpu.enqueue_dma source(%dma_start3A_3657 : memref<2x64x4096xf32, #tpu.memory_space<hbm>>) target(%dma_start3A_3653 : memref<2x64x4096xf32, #tpu.memory_space<vmem>>) target_semaphore(%dma_start3A_3648 : memref<!tpu.dma_semaphore, #tpu.memory_space<semaphore_mem>>)
    %dma_wait3A_3658 = arith.constant 5 : i32
    %dma_wait3A_3659 = arith.constant 5 : i32
    %dma_wait3A_3660 = tpu.memref_slice %arg6[%dma_wait3A_3659] : memref<7x!tpu.dma_semaphore, #tpu.memory_space<semaphore_mem>> -> memref<1x!tpu.dma_semaphore, #tpu.memory_space<semaphore_mem>>
    %dma_wait3A_3661 = tpu.memref_squeeze %dma_wait3A_3660 : memref<1x!tpu.dma_semaphore, #tpu.memory_space<semaphore_mem>> -> memref<!tpu.dma_semaphore, #tpu.memory_space<semaphore_mem>>
    %dma_wait3A_3662 = arith.constant 0 : i32
    %dma_wait3A_3663 = arith.constant 0 : i32
    %dma_wait3A_3664 = arith.constant 0 : i32
    %dma_wait3A_3665 = tpu.memref_slice %arg4[%dma_wait3A_3658, %dma_wait3A_3662, %dma_wait3A_3663, %dma_wait3A_3664] : memref<7x2x64x4096xf32, #tpu.memory_space<vmem>> -> memref<1x2x64x4096xf32, #tpu.memory_space<vmem>>
    %dma_wait3A_3666 = tpu.memref_squeeze %dma_wait3A_3665 : memref<1x2x64x4096xf32, #tpu.memory_space<vmem>> -> memref<2x64x4096xf32, #tpu.memory_space<vmem>>
    %dma_wait3A_3667 = arith.constant 94 : i32
    %dma_wait3A_3668 = arith.constant 0 : i32
    %dma_wait3A_3669 = arith.constant 0 : i32
    %dma_wait3A_3670 = tpu.memref_slice %arg0[%dma_wait3A_3667, %dma_wait3A_3668, %dma_wait3A_3669] : memref<128x64x4096xf32, #tpu.memory_space<hbm>> -> memref<2x64x4096xf32, #tpu.memory_space<hbm>>
    tpu.wait_dma2 semaphore(%dma_wait3A_3661 : memref<!tpu.dma_semaphore, #tpu.memory_space<semaphore_mem>>) src(%dma_wait3A_3670 : memref<2x64x4096xf32, #tpu.memory_space<hbm>>) dst(%dma_wait3A_3666 : memref<2x64x4096xf32, #tpu.memory_space<vmem>>)
    %dma_wait3A_3671 = arith.constant 5 : i32
    %dma_wait3A_3672 = arith.constant 5 : i32
    %dma_wait3A_3673 = tpu.memref_slice %arg7[%dma_wait3A_3672] : memref<7x!tpu.dma_semaphore, #tpu.memory_space<semaphore_mem>> -> memref<1x!tpu.dma_semaphore, #tpu.memory_space<semaphore_mem>>
    %dma_wait3A_3674 = tpu.memref_squeeze %dma_wait3A_3673 : memref<1x!tpu.dma_semaphore, #tpu.memory_space<semaphore_mem>> -> memref<!tpu.dma_semaphore, #tpu.memory_space<semaphore_mem>>
    %dma_wait3A_3675 = arith.constant 80 : i32
    %dma_wait3A_3676 = arith.constant 0 : i32
    %dma_wait3A_3677 = arith.constant 0 : i32
    %dma_wait3A_3678 = tpu.memref_slice %arg3[%dma_wait3A_3675, %dma_wait3A_3676, %dma_wait3A_3677] : memref<112x64x4096xf32, #tpu.memory_space<hbm>> -> memref<2x64x4096xf32, #tpu.memory_space<hbm>>
    %dma_wait3A_3679 = arith.constant 0 : i32
    %dma_wait3A_3680 = arith.constant 0 : i32
    %dma_wait3A_3681 = arith.constant 0 : i32
    %dma_wait3A_3682 = tpu.memref_slice %arg5[%dma_wait3A_3671, %dma_wait3A_3679, %dma_wait3A_3680, %dma_wait3A_3681] : memref<7x2x64x4096xf32, #tpu.memory_space<vmem>> -> memref<1x2x64x4096xf32, #tpu.memory_space<vmem>>
    %dma_wait3A_3683 = tpu.memref_squeeze %dma_wait3A_3682 : memref<1x2x64x4096xf32, #tpu.memory_space<vmem>> -> memref<2x64x4096xf32, #tpu.memory_space<vmem>>
    tpu.wait_dma2 semaphore(%dma_wait3A_3674 : memref<!tpu.dma_semaphore, #tpu.memory_space<semaphore_mem>>) src(%dma_wait3A_3683 : memref<2x64x4096xf32, #tpu.memory_space<vmem>>) dst(%dma_wait3A_3678 : memref<2x64x4096xf32, #tpu.memory_space<hbm>>)
    %get3A_3684 = arith.constant 94 : index
    %get3A_3685 = arith.constant 0 : index
    %get3A_3686 = vector.load %arg1[%get3A_3684, %get3A_3685] : memref<128x4096xf32, #tpu.memory_space<vmem>>, vector<2x4096xf32>
    %broadcast_in_dim3A_3687 = vector.shape_cast %get3A_3686 : vector<2x4096xf32> to vector<2x1x4096xf32>
    %get3A_3688 = arith.constant 0 : index
    %get3A_3689 = arith.constant 94 : index
    %get3A_3690 = vector.load %arg2[%get3A_3688, %get3A_3689] : memref<64x128xf32, #tpu.memory_space<vmem>>, vector<64x2xf32>
    %transpose3A_3691 = tpu.transpose %get3A_3690, [1, 0] : vector<64x2xf32> -> vector<2x64xf32>
    %broadcast_in_dim3A_3692 = vector.shape_cast %transpose3A_3691 : vector<2x64xf32> to vector<2x64x1xf32>
    %get3A_3693 = arith.constant 5 : index
    %get3A_3694 = arith.constant 0 : index
    %get3A_3695 = arith.constant 0 : index
    %get3A_3696 = arith.constant 0 : index
    %get3A_3697 = vector.load %arg4[%get3A_3693, %get3A_3694, %get3A_3695, %get3A_3696] : memref<7x2x64x4096xf32, #tpu.memory_space<vmem>>, vector<1x2x64x4096xf32>
    %get3A_3698 = vector.shape_cast %get3A_3697 : vector<1x2x64x4096xf32> to vector<2x64x4096xf32>
    %mul3A_3699 = vector.broadcast %broadcast_in_dim3A_3687 : vector<2x1x4096xf32> to vector<2x64x4096xf32>
    %mul3A_3700 = vector.broadcast %broadcast_in_dim3A_3692 : vector<2x64x1xf32> to vector<2x64x4096xf32>
    %mul3A_3701 = arith.mulf %mul3A_3699, %mul3A_3700 : vector<2x64x4096xf32>
    %add3A_3702 = arith.addf %get3A_3698, %mul3A_3701 : vector<2x64x4096xf32>
    %swap3A_3703 = arith.constant 5 : index
    %swap3A_3704 = arith.constant 0 : index
    %swap3A_3705 = arith.constant 0 : index
    %swap3A_3706 = arith.constant 0 : index
    %swap3A_3707 = vector.load %arg5[%swap3A_3703, %swap3A_3704, %swap3A_3705, %swap3A_3706] : memref<7x2x64x4096xf32, #tpu.memory_space<vmem>>, vector<1x2x64x4096xf32>
    %swap3A_3708 = vector.shape_cast %swap3A_3707 : vector<1x2x64x4096xf32> to vector<2x64x4096xf32>
    %swap3A_3709 = vector.shape_cast %add3A_3702 : vector<2x64x4096xf32> to vector<1x2x64x4096xf32>
    tpu.vector_store %arg5[%swap3A_3703, %swap3A_3704, %swap3A_3705, %swap3A_3706], %swap3A_3709 {strides = array<i32>} : memref<7x2x64x4096xf32, #tpu.memory_space<vmem>>, vector<1x2x64x4096xf32>,
    %dma_start3A_3710 = arith.constant 5 : i32
    %dma_start3A_3711 = arith.constant 5 : i32
    %dma_start3A_3712 = tpu.memref_slice %arg7[%dma_start3A_3711] : memref<7x!tpu.dma_semaphore, #tpu.memory_space<semaphore_mem>> -> memref<1x!tpu.dma_semaphore, #tpu.memory_space<semaphore_mem>>
    %dma_start3A_3713 = tpu.memref_squeeze %dma_start3A_3712 : memref<1x!tpu.dma_semaphore, #tpu.memory_space<semaphore_mem>> -> memref<!tpu.dma_semaphore, #tpu.memory_space<semaphore_mem>>
    %dma_start3A_3714 = arith.constant 94 : i32
    %dma_start3A_3715 = arith.constant 0 : i32
    %dma_start3A_3716 = arith.constant 0 : i32
    %dma_start3A_3717 = tpu.memref_slice %arg3[%dma_start3A_3714, %dma_start3A_3715, %dma_start3A_3716] : memref<112x64x4096xf32, #tpu.memory_space<hbm>> -> memref<2x64x4096xf32, #tpu.memory_space<hbm>>
    %dma_start3A_3718 = arith.constant 0 : i32
    %dma_start3A_3719 = arith.constant 0 : i32
    %dma_start3A_3720 = arith.constant 0 : i32
    %dma_start3A_3721 = tpu.memref_slice %arg5[%dma_start3A_3710, %dma_start3A_3718, %dma_start3A_3719, %dma_start3A_3720] : memref<7x2x64x4096xf32, #tpu.memory_space<vmem>> -> memref<1x2x64x4096xf32, #tpu.memory_space<vmem>>
    %dma_start3A_3722 = tpu.memref_squeeze %dma_start3A_3721 : memref<1x2x64x4096xf32, #tpu.memory_space<vmem>> -> memref<2x64x4096xf32, #tpu.memory_space<vmem>>
    tpu.enqueue_dma source(%dma_start3A_3722 : memref<2x64x4096xf32, #tpu.memory_space<vmem>>) target(%dma_start3A_3717 : memref<2x64x4096xf32, #tpu.memory_space<hbm>>) target_semaphore(%dma_start3A_3713 : memref<!tpu.dma_semaphore, #tpu.memory_space<semaphore_mem>>)
    %dma_start3A_3723 = arith.constant 5 : i32
    %dma_start3A_3724 = arith.constant 5 : i32
    %dma_start3A_3725 = tpu.memref_slice %arg6[%dma_start3A_3724] : memref<7x!tpu.dma_semaphore, #tpu.memory_space<semaphore_mem>> -> memref<1x!tpu.dma_semaphore, #tpu.memory_space<semaphore_mem>>
    %dma_start3A_3726 = tpu.memref_squeeze %dma_start3A_3725 : memref<1x!tpu.dma_semaphore, #tpu.memory_space<semaphore_mem>> -> memref<!tpu.dma_semaphore, #tpu.memory_space<semaphore_mem>>
    %dma_start3A_3727 = arith.constant 0 : i32
    %dma_start3A_3728 = arith.constant 0 : i32
    %dma_start3A_3729 = arith.constant 0 : i32
    %dma_start3A_3730 = tpu.memref_slice %arg4[%dma_start3A_3723, %dma_start3A_3727, %dma_start3A_3728, %dma_start3A_3729] : memref<7x2x64x4096xf32, #tpu.memory_space<vmem>> -> memref<1x2x64x4096xf32, #tpu.memory_space<vmem>>
    %dma_start3A_3731 = tpu.memref_squeeze %dma_start3A_3730 : memref<1x2x64x4096xf32, #tpu.memory_space<vmem>> -> memref<2x64x4096xf32, #tpu.memory_space<vmem>>
    %dma_start3A_3732 = arith.constant 108 : i32
    %dma_start3A_3733 = arith.constant 0 : i32
    %dma_start3A_3734 = arith.constant 0 : i32
    %dma_start3A_3735 = tpu.memref_slice %arg0[%dma_start3A_3732, %dma_start3A_3733, %dma_start3A_3734] : memref<128x64x4096xf32, #tpu.memory_space<hbm>> -> memref<2x64x4096xf32, #tpu.memory_space<hbm>>
    tpu.enqueue_dma source(%dma_start3A_3735 : memref<2x64x4096xf32, #tpu.memory_space<hbm>>) target(%dma_start3A_3731 : memref<2x64x4096xf32, #tpu.memory_space<vmem>>) target_semaphore(%dma_start3A_3726 : memref<!tpu.dma_semaphore, #tpu.memory_space<semaphore_mem>>)
    %dma_wait3A_3736 = arith.constant 6 : i32
    %dma_wait3A_3737 = arith.constant 6 : i32
    %dma_wait3A_3738 = tpu.memref_slice %arg6[%dma_wait3A_3737] : memref<7x!tpu.dma_semaphore, #tpu.memory_space<semaphore_mem>> -> memref<1x!tpu.dma_semaphore, #tpu.memory_space<semaphore_mem>>
    %dma_wait3A_3739 = tpu.memref_squeeze %dma_wait3A_3738 : memref<1x!tpu.dma_semaphore, #tpu.memory_space<semaphore_mem>> -> memref<!tpu.dma_semaphore, #tpu.memory_space<semaphore_mem>>
    %dma_wait3A_3740 = arith.constant 0 : i32
    %dma_wait3A_3741 = arith.constant 0 : i32
    %dma_wait3A_3742 = arith.constant 0 : i32
    %dma_wait3A_3743 = tpu.memref_slice %arg4[%dma_wait3A_3736, %dma_wait3A_3740, %dma_wait3A_3741, %dma_wait3A_3742] : memref<7x2x64x4096xf32, #tpu.memory_space<vmem>> -> memref<1x2x64x4096xf32, #tpu.memory_space<vmem>>
    %dma_wait3A_3744 = tpu.memref_squeeze %dma_wait3A_3743 : memref<1x2x64x4096xf32, #tpu.memory_space<vmem>> -> memref<2x64x4096xf32, #tpu.memory_space<vmem>>
    %dma_wait3A_3745 = arith.constant 96 : i32
    %dma_wait3A_3746 = arith.constant 0 : i32
    %dma_wait3A_3747 = arith.constant 0 : i32
    %dma_wait3A_3748 = tpu.memref_slice %arg0[%dma_wait3A_3745, %dma_wait3A_3746, %dma_wait3A_3747] : memref<128x64x4096xf32, #tpu.memory_space<hbm>> -> memref<2x64x4096xf32, #tpu.memory_space<hbm>>
    tpu.wait_dma2 semaphore(%dma_wait3A_3739 : memref<!tpu.dma_semaphore, #tpu.memory_space<semaphore_mem>>) src(%dma_wait3A_3748 : memref<2x64x4096xf32, #tpu.memory_space<hbm>>) dst(%dma_wait3A_3744 : memref<2x64x4096xf32, #tpu.memory_space<vmem>>)
    %dma_wait3A_3749 = arith.constant 6 : i32
    %dma_wait3A_3750 = arith.constant 6 : i32
    %dma_wait3A_3751 = tpu.memref_slice %arg7[%dma_wait3A_3750] : memref<7x!tpu.dma_semaphore, #tpu.memory_space<semaphore_mem>> -> memref<1x!tpu.dma_semaphore, #tpu.memory_space<semaphore_mem>>
    %dma_wait3A_3752 = tpu.memref_squeeze %dma_wait3A_3751 : memref<1x!tpu.dma_semaphore, #tpu.memory_space<semaphore_mem>> -> memref<!tpu.dma_semaphore, #tpu.memory_space<semaphore_mem>>
    %dma_wait3A_3753 = arith.constant 82 : i32
    %dma_wait3A_3754 = arith.constant 0 : i32
    %dma_wait3A_3755 = arith.constant 0 : i32
    %dma_wait3A_3756 = tpu.memref_slice %arg3[%dma_wait3A_3753, %dma_wait3A_3754, %dma_wait3A_3755] : memref<112x64x4096xf32, #tpu.memory_space<hbm>> -> memref<2x64x4096xf32, #tpu.memory_space<hbm>>
    %dma_wait3A_3757 = arith.constant 0 : i32
    %dma_wait3A_3758 = arith.constant 0 : i32
    %dma_wait3A_3759 = arith.constant 0 : i32
    %dma_wait3A_3760 = tpu.memref_slice %arg5[%dma_wait3A_3749, %dma_wait3A_3757, %dma_wait3A_3758, %dma_wait3A_3759] : memref<7x2x64x4096xf32, #tpu.memory_space<vmem>> -> memref<1x2x64x4096xf32, #tpu.memory_space<vmem>>
    %dma_wait3A_3761 = tpu.memref_squeeze %dma_wait3A_3760 : memref<1x2x64x4096xf32, #tpu.memory_space<vmem>> -> memref<2x64x4096xf32, #tpu.memory_space<vmem>>
    tpu.wait_dma2 semaphore(%dma_wait3A_3752 : memref<!tpu.dma_semaphore, #tpu.memory_space<semaphore_mem>>) src(%dma_wait3A_3761 : memref<2x64x4096xf32, #tpu.memory_space<vmem>>) dst(%dma_wait3A_3756 : memref<2x64x4096xf32, #tpu.memory_space<hbm>>)
    %get3A_3762 = arith.constant 96 : index
    %get3A_3763 = arith.constant 0 : index
    %get3A_3764 = vector.load %arg1[%get3A_3762, %get3A_3763] : memref<128x4096xf32, #tpu.memory_space<vmem>>, vector<2x4096xf32>
    %broadcast_in_dim3A_3765 = vector.shape_cast %get3A_3764 : vector<2x4096xf32> to vector<2x1x4096xf32>
    %get3A_3766 = arith.constant 0 : index
    %get3A_3767 = arith.constant 96 : index
    %get3A_3768 = vector.load %arg2[%get3A_3766, %get3A_3767] : memref<64x128xf32, #tpu.memory_space<vmem>>, vector<64x2xf32>
    %transpose3A_3769 = tpu.transpose %get3A_3768, [1, 0] : vector<64x2xf32> -> vector<2x64xf32>
    %broadcast_in_dim3A_3770 = vector.shape_cast %transpose3A_3769 : vector<2x64xf32> to vector<2x64x1xf32>
    %get3A_3771 = arith.constant 6 : index
    %get3A_3772 = arith.constant 0 : index
    %get3A_3773 = arith.constant 0 : index
    %get3A_3774 = arith.constant 0 : index
    %get3A_3775 = vector.load %arg4[%get3A_3771, %get3A_3772, %get3A_3773, %get3A_3774] : memref<7x2x64x4096xf32, #tpu.memory_space<vmem>>, vector<1x2x64x4096xf32>
    %get3A_3776 = vector.shape_cast %get3A_3775 : vector<1x2x64x4096xf32> to vector<2x64x4096xf32>
    %mul3A_3777 = vector.broadcast %broadcast_in_dim3A_3765 : vector<2x1x4096xf32> to vector<2x64x4096xf32>
    %mul3A_3778 = vector.broadcast %broadcast_in_dim3A_3770 : vector<2x64x1xf32> to vector<2x64x4096xf32>
    %mul3A_3779 = arith.mulf %mul3A_3777, %mul3A_3778 : vector<2x64x4096xf32>
    %add3A_3780 = arith.addf %get3A_3776, %mul3A_3779 : vector<2x64x4096xf32>
    %swap3A_3781 = arith.constant 6 : index
    %swap3A_3782 = arith.constant 0 : index
    %swap3A_3783 = arith.constant 0 : index
    %swap3A_3784 = arith.constant 0 : index
    %swap3A_3785 = vector.load %arg5[%swap3A_3781, %swap3A_3782, %swap3A_3783, %swap3A_3784] : memref<7x2x64x4096xf32, #tpu.memory_space<vmem>>, vector<1x2x64x4096xf32>
    %swap3A_3786 = vector.shape_cast %swap3A_3785 : vector<1x2x64x4096xf32> to vector<2x64x4096xf32>
    %swap3A_3787 = vector.shape_cast %add3A_3780 : vector<2x64x4096xf32> to vector<1x2x64x4096xf32>
    tpu.vector_store %arg5[%swap3A_3781, %swap3A_3782, %swap3A_3783, %swap3A_3784], %swap3A_3787 {strides = array<i32>} : memref<7x2x64x4096xf32, #tpu.memory_space<vmem>>, vector<1x2x64x4096xf32>,
    %dma_start3A_3788 = arith.constant 6 : i32
    %dma_start3A_3789 = arith.constant 6 : i32
    %dma_start3A_3790 = tpu.memref_slice %arg7[%dma_start3A_3789] : memref<7x!tpu.dma_semaphore, #tpu.memory_space<semaphore_mem>> -> memref<1x!tpu.dma_semaphore, #tpu.memory_space<semaphore_mem>>
    %dma_start3A_3791 = tpu.memref_squeeze %dma_start3A_3790 : memref<1x!tpu.dma_semaphore, #tpu.memory_space<semaphore_mem>> -> memref<!tpu.dma_semaphore, #tpu.memory_space<semaphore_mem>>
    %dma_start3A_3792 = arith.constant 96 : i32
    %dma_start3A_3793 = arith.constant 0 : i32
    %dma_start3A_3794 = arith.constant 0 : i32
    %dma_start3A_3795 = tpu.memref_slice %arg3[%dma_start3A_3792, %dma_start3A_3793, %dma_start3A_3794] : memref<112x64x4096xf32, #tpu.memory_space<hbm>> -> memref<2x64x4096xf32, #tpu.memory_space<hbm>>
    %dma_start3A_3796 = arith.constant 0 : i32
    %dma_start3A_3797 = arith.constant 0 : i32
    %dma_start3A_3798 = arith.constant 0 : i32
    %dma_start3A_3799 = tpu.memref_slice %arg5[%dma_start3A_3788, %dma_start3A_3796, %dma_start3A_3797, %dma_start3A_3798] : memref<7x2x64x4096xf32, #tpu.memory_space<vmem>> -> memref<1x2x64x4096xf32, #tpu.memory_space<vmem>>
    %dma_start3A_3800 = tpu.memref_squeeze %dma_start3A_3799 : memref<1x2x64x4096xf32, #tpu.memory_space<vmem>> -> memref<2x64x4096xf32, #tpu.memory_space<vmem>>
    tpu.enqueue_dma source(%dma_start3A_3800 : memref<2x64x4096xf32, #tpu.memory_space<vmem>>) target(%dma_start3A_3795 : memref<2x64x4096xf32, #tpu.memory_space<hbm>>) target_semaphore(%dma_start3A_3791 : memref<!tpu.dma_semaphore, #tpu.memory_space<semaphore_mem>>)
    %dma_start3A_3801 = arith.constant 6 : i32
    %dma_start3A_3802 = arith.constant 6 : i32
    %dma_start3A_3803 = tpu.memref_slice %arg6[%dma_start3A_3802] : memref<7x!tpu.dma_semaphore, #tpu.memory_space<semaphore_mem>> -> memref<1x!tpu.dma_semaphore, #tpu.memory_space<semaphore_mem>>
    %dma_start3A_3804 = tpu.memref_squeeze %dma_start3A_3803 : memref<1x!tpu.dma_semaphore, #tpu.memory_space<semaphore_mem>> -> memref<!tpu.dma_semaphore, #tpu.memory_space<semaphore_mem>>
    %dma_start3A_3805 = arith.constant 0 : i32
    %dma_start3A_3806 = arith.constant 0 : i32
    %dma_start3A_3807 = arith.constant 0 : i32
    %dma_start3A_3808 = tpu.memref_slice %arg4[%dma_start3A_3801, %dma_start3A_3805, %dma_start3A_3806, %dma_start3A_3807] : memref<7x2x64x4096xf32, #tpu.memory_space<vmem>> -> memref<1x2x64x4096xf32, #tpu.memory_space<vmem>>
    %dma_start3A_3809 = tpu.memref_squeeze %dma_start3A_3808 : memref<1x2x64x4096xf32, #tpu.memory_space<vmem>> -> memref<2x64x4096xf32, #tpu.memory_space<vmem>>
    %dma_start3A_3810 = arith.constant 110 : i32
    %dma_start3A_3811 = arith.constant 0 : i32
    %dma_start3A_3812 = arith.constant 0 : i32
    %dma_start3A_3813 = tpu.memref_slice %arg0[%dma_start3A_3810, %dma_start3A_3811, %dma_start3A_3812] : memref<128x64x4096xf32, #tpu.memory_space<hbm>> -> memref<2x64x4096xf32, #tpu.memory_space<hbm>>
    tpu.enqueue_dma source(%dma_start3A_3813 : memref<2x64x4096xf32, #tpu.memory_space<hbm>>) target(%dma_start3A_3809 : memref<2x64x4096xf32, #tpu.memory_space<vmem>>) target_semaphore(%dma_start3A_3804 : memref<!tpu.dma_semaphore, #tpu.memory_space<semaphore_mem>>)
    %dma_wait3A_3814 = arith.constant 0 : i32
    %dma_wait3A_3815 = arith.constant 0 : i32
    %dma_wait3A_3816 = tpu.memref_slice %arg6[%dma_wait3A_3815] : memref<7x!tpu.dma_semaphore, #tpu.memory_space<semaphore_mem>> -> memref<1x!tpu.dma_semaphore, #tpu.memory_space<semaphore_mem>>
    %dma_wait3A_3817 = tpu.memref_squeeze %dma_wait3A_3816 : memref<1x!tpu.dma_semaphore, #tpu.memory_space<semaphore_mem>> -> memref<!tpu.dma_semaphore, #tpu.memory_space<semaphore_mem>>
    %dma_wait3A_3818 = arith.constant 0 : i32
    %dma_wait3A_3819 = arith.constant 0 : i32
    %dma_wait3A_3820 = arith.constant 0 : i32
    %dma_wait3A_3821 = tpu.memref_slice %arg4[%dma_wait3A_3814, %dma_wait3A_3818, %dma_wait3A_3819, %dma_wait3A_3820] : memref<7x2x64x4096xf32, #tpu.memory_space<vmem>> -> memref<1x2x64x4096xf32, #tpu.memory_space<vmem>>
    %dma_wait3A_3822 = tpu.memref_squeeze %dma_wait3A_3821 : memref<1x2x64x4096xf32, #tpu.memory_space<vmem>> -> memref<2x64x4096xf32, #tpu.memory_space<vmem>>
    %dma_wait3A_3823 = arith.constant 98 : i32
    %dma_wait3A_3824 = arith.constant 0 : i32
    %dma_wait3A_3825 = arith.constant 0 : i32
    %dma_wait3A_3826 = tpu.memref_slice %arg0[%dma_wait3A_3823, %dma_wait3A_3824, %dma_wait3A_3825] : memref<128x64x4096xf32, #tpu.memory_space<hbm>> -> memref<2x64x4096xf32, #tpu.memory_space<hbm>>
    tpu.wait_dma2 semaphore(%dma_wait3A_3817 : memref<!tpu.dma_semaphore, #tpu.memory_space<semaphore_mem>>) src(%dma_wait3A_3826 : memref<2x64x4096xf32, #tpu.memory_space<hbm>>) dst(%dma_wait3A_3822 : memref<2x64x4096xf32, #tpu.memory_space<vmem>>)
    %dma_wait3A_3827 = arith.constant 0 : i32
    %dma_wait3A_3828 = arith.constant 0 : i32
    %dma_wait3A_3829 = tpu.memref_slice %arg7[%dma_wait3A_3828] : memref<7x!tpu.dma_semaphore, #tpu.memory_space<semaphore_mem>> -> memref<1x!tpu.dma_semaphore, #tpu.memory_space<semaphore_mem>>
    %dma_wait3A_3830 = tpu.memref_squeeze %dma_wait3A_3829 : memref<1x!tpu.dma_semaphore, #tpu.memory_space<semaphore_mem>> -> memref<!tpu.dma_semaphore, #tpu.memory_space<semaphore_mem>>
    %dma_wait3A_3831 = arith.constant 84 : i32
    %dma_wait3A_3832 = arith.constant 0 : i32
    %dma_wait3A_3833 = arith.constant 0 : i32
    %dma_wait3A_3834 = tpu.memref_slice %arg3[%dma_wait3A_3831, %dma_wait3A_3832, %dma_wait3A_3833] : memref<112x64x4096xf32, #tpu.memory_space<hbm>> -> memref<2x64x4096xf32, #tpu.memory_space<hbm>>
    %dma_wait3A_3835 = arith.constant 0 : i32
    %dma_wait3A_3836 = arith.constant 0 : i32
    %dma_wait3A_3837 = arith.constant 0 : i32
    %dma_wait3A_3838 = tpu.memref_slice %arg5[%dma_wait3A_3827, %dma_wait3A_3835, %dma_wait3A_3836, %dma_wait3A_3837] : memref<7x2x64x4096xf32, #tpu.memory_space<vmem>> -> memref<1x2x64x4096xf32, #tpu.memory_space<vmem>>
    %dma_wait3A_3839 = tpu.memref_squeeze %dma_wait3A_3838 : memref<1x2x64x4096xf32, #tpu.memory_space<vmem>> -> memref<2x64x4096xf32, #tpu.memory_space<vmem>>
    tpu.wait_dma2 semaphore(%dma_wait3A_3830 : memref<!tpu.dma_semaphore, #tpu.memory_space<semaphore_mem>>) src(%dma_wait3A_3839 : memref<2x64x4096xf32, #tpu.memory_space<vmem>>) dst(%dma_wait3A_3834 : memref<2x64x4096xf32, #tpu.memory_space<hbm>>)
    %get3A_3840 = arith.constant 98 : index
    %get3A_3841 = arith.constant 0 : index
    %get3A_3842 = vector.load %arg1[%get3A_3840, %get3A_3841] : memref<128x4096xf32, #tpu.memory_space<vmem>>, vector<2x4096xf32>
    %broadcast_in_dim3A_3843 = vector.shape_cast %get3A_3842 : vector<2x4096xf32> to vector<2x1x4096xf32>
    %get3A_3844 = arith.constant 0 : index
    %get3A_3845 = arith.constant 98 : index
    %get3A_3846 = vector.load %arg2[%get3A_3844, %get3A_3845] : memref<64x128xf32, #tpu.memory_space<vmem>>, vector<64x2xf32>
    %transpose3A_3847 = tpu.transpose %get3A_3846, [1, 0] : vector<64x2xf32> -> vector<2x64xf32>
    %broadcast_in_dim3A_3848 = vector.shape_cast %transpose3A_3847 : vector<2x64xf32> to vector<2x64x1xf32>
    %get3A_3849 = arith.constant 0 : index
    %get3A_3850 = arith.constant 0 : index
    %get3A_3851 = arith.constant 0 : index
    %get3A_3852 = arith.constant 0 : index
    %get3A_3853 = vector.load %arg4[%get3A_3849, %get3A_3850, %get3A_3851, %get3A_3852] : memref<7x2x64x4096xf32, #tpu.memory_space<vmem>>, vector<1x2x64x4096xf32>
    %get3A_3854 = vector.shape_cast %get3A_3853 : vector<1x2x64x4096xf32> to vector<2x64x4096xf32>
    %mul3A_3855 = vector.broadcast %broadcast_in_dim3A_3843 : vector<2x1x4096xf32> to vector<2x64x4096xf32>
    %mul3A_3856 = vector.broadcast %broadcast_in_dim3A_3848 : vector<2x64x1xf32> to vector<2x64x4096xf32>
    %mul3A_3857 = arith.mulf %mul3A_3855, %mul3A_3856 : vector<2x64x4096xf32>
    %add3A_3858 = arith.addf %get3A_3854, %mul3A_3857 : vector<2x64x4096xf32>
    %swap3A_3859 = arith.constant 0 : index
    %swap3A_3860 = arith.constant 0 : index
    %swap3A_3861 = arith.constant 0 : index
    %swap3A_3862 = arith.constant 0 : index
    %swap3A_3863 = vector.load %arg5[%swap3A_3859, %swap3A_3860, %swap3A_3861, %swap3A_3862] : memref<7x2x64x4096xf32, #tpu.memory_space<vmem>>, vector<1x2x64x4096xf32>
    %swap3A_3864 = vector.shape_cast %swap3A_3863 : vector<1x2x64x4096xf32> to vector<2x64x4096xf32>
    %swap3A_3865 = vector.shape_cast %add3A_3858 : vector<2x64x4096xf32> to vector<1x2x64x4096xf32>
    tpu.vector_store %arg5[%swap3A_3859, %swap3A_3860, %swap3A_3861, %swap3A_3862], %swap3A_3865 {strides = array<i32>} : memref<7x2x64x4096xf32, #tpu.memory_space<vmem>>, vector<1x2x64x4096xf32>,
    %dma_start3A_3866 = arith.constant 0 : i32
    %dma_start3A_3867 = arith.constant 0 : i32
    %dma_start3A_3868 = tpu.memref_slice %arg7[%dma_start3A_3867] : memref<7x!tpu.dma_semaphore, #tpu.memory_space<semaphore_mem>> -> memref<1x!tpu.dma_semaphore, #tpu.memory_space<semaphore_mem>>
    %dma_start3A_3869 = tpu.memref_squeeze %dma_start3A_3868 : memref<1x!tpu.dma_semaphore, #tpu.memory_space<semaphore_mem>> -> memref<!tpu.dma_semaphore, #tpu.memory_space<semaphore_mem>>
    %dma_start3A_3870 = arith.constant 98 : i32
    %dma_start3A_3871 = arith.constant 0 : i32
    %dma_start3A_3872 = arith.constant 0 : i32
    %dma_start3A_3873 = tpu.memref_slice %arg3[%dma_start3A_3870, %dma_start3A_3871, %dma_start3A_3872] : memref<112x64x4096xf32, #tpu.memory_space<hbm>> -> memref<2x64x4096xf32, #tpu.memory_space<hbm>>
    %dma_start3A_3874 = arith.constant 0 : i32
    %dma_start3A_3875 = arith.constant 0 : i32
    %dma_start3A_3876 = arith.constant 0 : i32
    %dma_start3A_3877 = tpu.memref_slice %arg5[%dma_start3A_3866, %dma_start3A_3874, %dma_start3A_3875, %dma_start3A_3876] : memref<7x2x64x4096xf32, #tpu.memory_space<vmem>> -> memref<1x2x64x4096xf32, #tpu.memory_space<vmem>>
    %dma_start3A_3878 = tpu.memref_squeeze %dma_start3A_3877 : memref<1x2x64x4096xf32, #tpu.memory_space<vmem>> -> memref<2x64x4096xf32, #tpu.memory_space<vmem>>
    tpu.enqueue_dma source(%dma_start3A_3878 : memref<2x64x4096xf32, #tpu.memory_space<vmem>>) target(%dma_start3A_3873 : memref<2x64x4096xf32, #tpu.memory_space<hbm>>) target_semaphore(%dma_start3A_3869 : memref<!tpu.dma_semaphore, #tpu.memory_space<semaphore_mem>>)
    %dma_wait3A_3879 = arith.constant 1 : i32
    %dma_wait3A_3880 = arith.constant 1 : i32
    %dma_wait3A_3881 = tpu.memref_slice %arg6[%dma_wait3A_3880] : memref<7x!tpu.dma_semaphore, #tpu.memory_space<semaphore_mem>> -> memref<1x!tpu.dma_semaphore, #tpu.memory_space<semaphore_mem>>
    %dma_wait3A_3882 = tpu.memref_squeeze %dma_wait3A_3881 : memref<1x!tpu.dma_semaphore, #tpu.memory_space<semaphore_mem>> -> memref<!tpu.dma_semaphore, #tpu.memory_space<semaphore_mem>>
    %dma_wait3A_3883 = arith.constant 0 : i32
    %dma_wait3A_3884 = arith.constant 0 : i32
    %dma_wait3A_3885 = arith.constant 0 : i32
    %dma_wait3A_3886 = tpu.memref_slice %arg4[%dma_wait3A_3879, %dma_wait3A_3883, %dma_wait3A_3884, %dma_wait3A_3885] : memref<7x2x64x4096xf32, #tpu.memory_space<vmem>> -> memref<1x2x64x4096xf32, #tpu.memory_space<vmem>>
    %dma_wait3A_3887 = tpu.memref_squeeze %dma_wait3A_3886 : memref<1x2x64x4096xf32, #tpu.memory_space<vmem>> -> memref<2x64x4096xf32, #tpu.memory_space<vmem>>
    %dma_wait3A_3888 = arith.constant 100 : i32
    %dma_wait3A_3889 = arith.constant 0 : i32
    %dma_wait3A_3890 = arith.constant 0 : i32
    %dma_wait3A_3891 = tpu.memref_slice %arg0[%dma_wait3A_3888, %dma_wait3A_3889, %dma_wait3A_3890] : memref<128x64x4096xf32, #tpu.memory_space<hbm>> -> memref<2x64x4096xf32, #tpu.memory_space<hbm>>
    tpu.wait_dma2 semaphore(%dma_wait3A_3882 : memref<!tpu.dma_semaphore, #tpu.memory_space<semaphore_mem>>) src(%dma_wait3A_3891 : memref<2x64x4096xf32, #tpu.memory_space<hbm>>) dst(%dma_wait3A_3887 : memref<2x64x4096xf32, #tpu.memory_space<vmem>>)
    %dma_wait3A_3892 = arith.constant 1 : i32
    %dma_wait3A_3893 = arith.constant 1 : i32
    %dma_wait3A_3894 = tpu.memref_slice %arg7[%dma_wait3A_3893] : memref<7x!tpu.dma_semaphore, #tpu.memory_space<semaphore_mem>> -> memref<1x!tpu.dma_semaphore, #tpu.memory_space<semaphore_mem>>
    %dma_wait3A_3895 = tpu.memref_squeeze %dma_wait3A_3894 : memref<1x!tpu.dma_semaphore, #tpu.memory_space<semaphore_mem>> -> memref<!tpu.dma_semaphore, #tpu.memory_space<semaphore_mem>>
    %dma_wait3A_3896 = arith.constant 86 : i32
    %dma_wait3A_3897 = arith.constant 0 : i32
    %dma_wait3A_3898 = arith.constant 0 : i32
    %dma_wait3A_3899 = tpu.memref_slice %arg3[%dma_wait3A_3896, %dma_wait3A_3897, %dma_wait3A_3898] : memref<112x64x4096xf32, #tpu.memory_space<hbm>> -> memref<2x64x4096xf32, #tpu.memory_space<hbm>>
    %dma_wait3A_3900 = arith.constant 0 : i32
    %dma_wait3A_3901 = arith.constant 0 : i32
    %dma_wait3A_3902 = arith.constant 0 : i32
    %dma_wait3A_3903 = tpu.memref_slice %arg5[%dma_wait3A_3892, %dma_wait3A_3900, %dma_wait3A_3901, %dma_wait3A_3902] : memref<7x2x64x4096xf32, #tpu.memory_space<vmem>> -> memref<1x2x64x4096xf32, #tpu.memory_space<vmem>>
    %dma_wait3A_3904 = tpu.memref_squeeze %dma_wait3A_3903 : memref<1x2x64x4096xf32, #tpu.memory_space<vmem>> -> memref<2x64x4096xf32, #tpu.memory_space<vmem>>
    tpu.wait_dma2 semaphore(%dma_wait3A_3895 : memref<!tpu.dma_semaphore, #tpu.memory_space<semaphore_mem>>) src(%dma_wait3A_3904 : memref<2x64x4096xf32, #tpu.memory_space<vmem>>) dst(%dma_wait3A_3899 : memref<2x64x4096xf32, #tpu.memory_space<hbm>>)
    %get3A_3905 = arith.constant 100 : index
    %get3A_3906 = arith.constant 0 : index
    %get3A_3907 = vector.load %arg1[%get3A_3905, %get3A_3906] : memref<128x4096xf32, #tpu.memory_space<vmem>>, vector<2x4096xf32>
    %broadcast_in_dim3A_3908 = vector.shape_cast %get3A_3907 : vector<2x4096xf32> to vector<2x1x4096xf32>
    %get3A_3909 = arith.constant 0 : index
    %get3A_3910 = arith.constant 100 : index
    %get3A_3911 = vector.load %arg2[%get3A_3909, %get3A_3910] : memref<64x128xf32, #tpu.memory_space<vmem>>, vector<64x2xf32>
    %transpose3A_3912 = tpu.transpose %get3A_3911, [1, 0] : vector<64x2xf32> -> vector<2x64xf32>
    %broadcast_in_dim3A_3913 = vector.shape_cast %transpose3A_3912 : vector<2x64xf32> to vector<2x64x1xf32>
    %get3A_3914 = arith.constant 1 : index
    %get3A_3915 = arith.constant 0 : index
    %get3A_3916 = arith.constant 0 : index
    %get3A_3917 = arith.constant 0 : index
    %get3A_3918 = vector.load %arg4[%get3A_3914, %get3A_3915, %get3A_3916, %get3A_3917] : memref<7x2x64x4096xf32, #tpu.memory_space<vmem>>, vector<1x2x64x4096xf32>
    %get3A_3919 = vector.shape_cast %get3A_3918 : vector<1x2x64x4096xf32> to vector<2x64x4096xf32>
    %mul3A_3920 = vector.broadcast %broadcast_in_dim3A_3908 : vector<2x1x4096xf32> to vector<2x64x4096xf32>
    %mul3A_3921 = vector.broadcast %broadcast_in_dim3A_3913 : vector<2x64x1xf32> to vector<2x64x4096xf32>
    %mul3A_3922 = arith.mulf %mul3A_3920, %mul3A_3921 : vector<2x64x4096xf32>
    %add3A_3923 = arith.addf %get3A_3919, %mul3A_3922 : vector<2x64x4096xf32>
    %swap3A_3924 = arith.constant 1 : index
    %swap3A_3925 = arith.constant 0 : index
    %swap3A_3926 = arith.constant 0 : index
    %swap3A_3927 = arith.constant 0 : index
    %swap3A_3928 = vector.load %arg5[%swap3A_3924, %swap3A_3925, %swap3A_3926, %swap3A_3927] : memref<7x2x64x4096xf32, #tpu.memory_space<vmem>>, vector<1x2x64x4096xf32>
    %swap3A_3929 = vector.shape_cast %swap3A_3928 : vector<1x2x64x4096xf32> to vector<2x64x4096xf32>
    %swap3A_3930 = vector.shape_cast %add3A_3923 : vector<2x64x4096xf32> to vector<1x2x64x4096xf32>
    tpu.vector_store %arg5[%swap3A_3924, %swap3A_3925, %swap3A_3926, %swap3A_3927], %swap3A_3930 {strides = array<i32>} : memref<7x2x64x4096xf32, #tpu.memory_space<vmem>>, vector<1x2x64x4096xf32>,
    %dma_start3A_3931 = arith.constant 1 : i32
    %dma_start3A_3932 = arith.constant 1 : i32
    %dma_start3A_3933 = tpu.memref_slice %arg7[%dma_start3A_3932] : memref<7x!tpu.dma_semaphore, #tpu.memory_space<semaphore_mem>> -> memref<1x!tpu.dma_semaphore, #tpu.memory_space<semaphore_mem>>
    %dma_start3A_3934 = tpu.memref_squeeze %dma_start3A_3933 : memref<1x!tpu.dma_semaphore, #tpu.memory_space<semaphore_mem>> -> memref<!tpu.dma_semaphore, #tpu.memory_space<semaphore_mem>>
    %dma_start3A_3935 = arith.constant 100 : i32
    %dma_start3A_3936 = arith.constant 0 : i32
    %dma_start3A_3937 = arith.constant 0 : i32
    %dma_start3A_3938 = tpu.memref_slice %arg3[%dma_start3A_3935, %dma_start3A_3936, %dma_start3A_3937] : memref<112x64x4096xf32, #tpu.memory_space<hbm>> -> memref<2x64x4096xf32, #tpu.memory_space<hbm>>
    %dma_start3A_3939 = arith.constant 0 : i32
    %dma_start3A_3940 = arith.constant 0 : i32
    %dma_start3A_3941 = arith.constant 0 : i32
    %dma_start3A_3942 = tpu.memref_slice %arg5[%dma_start3A_3931, %dma_start3A_3939, %dma_start3A_3940, %dma_start3A_3941] : memref<7x2x64x4096xf32, #tpu.memory_space<vmem>> -> memref<1x2x64x4096xf32, #tpu.memory_space<vmem>>
    %dma_start3A_3943 = tpu.memref_squeeze %dma_start3A_3942 : memref<1x2x64x4096xf32, #tpu.memory_space<vmem>> -> memref<2x64x4096xf32, #tpu.memory_space<vmem>>
    tpu.enqueue_dma source(%dma_start3A_3943 : memref<2x64x4096xf32, #tpu.memory_space<vmem>>) target(%dma_start3A_3938 : memref<2x64x4096xf32, #tpu.memory_space<hbm>>) target_semaphore(%dma_start3A_3934 : memref<!tpu.dma_semaphore, #tpu.memory_space<semaphore_mem>>)
    %dma_wait3A_3944 = arith.constant 2 : i32
    %dma_wait3A_3945 = arith.constant 2 : i32
    %dma_wait3A_3946 = tpu.memref_slice %arg6[%dma_wait3A_3945] : memref<7x!tpu.dma_semaphore, #tpu.memory_space<semaphore_mem>> -> memref<1x!tpu.dma_semaphore, #tpu.memory_space<semaphore_mem>>
    %dma_wait3A_3947 = tpu.memref_squeeze %dma_wait3A_3946 : memref<1x!tpu.dma_semaphore, #tpu.memory_space<semaphore_mem>> -> memref<!tpu.dma_semaphore, #tpu.memory_space<semaphore_mem>>
    %dma_wait3A_3948 = arith.constant 0 : i32
    %dma_wait3A_3949 = arith.constant 0 : i32
    %dma_wait3A_3950 = arith.constant 0 : i32
    %dma_wait3A_3951 = tpu.memref_slice %arg4[%dma_wait3A_3944, %dma_wait3A_3948, %dma_wait3A_3949, %dma_wait3A_3950] : memref<7x2x64x4096xf32, #tpu.memory_space<vmem>> -> memref<1x2x64x4096xf32, #tpu.memory_space<vmem>>
    %dma_wait3A_3952 = tpu.memref_squeeze %dma_wait3A_3951 : memref<1x2x64x4096xf32, #tpu.memory_space<vmem>> -> memref<2x64x4096xf32, #tpu.memory_space<vmem>>
    %dma_wait3A_3953 = arith.constant 102 : i32
    %dma_wait3A_3954 = arith.constant 0 : i32
    %dma_wait3A_3955 = arith.constant 0 : i32
    %dma_wait3A_3956 = tpu.memref_slice %arg0[%dma_wait3A_3953, %dma_wait3A_3954, %dma_wait3A_3955] : memref<128x64x4096xf32, #tpu.memory_space<hbm>> -> memref<2x64x4096xf32, #tpu.memory_space<hbm>>
    tpu.wait_dma2 semaphore(%dma_wait3A_3947 : memref<!tpu.dma_semaphore, #tpu.memory_space<semaphore_mem>>) src(%dma_wait3A_3956 : memref<2x64x4096xf32, #tpu.memory_space<hbm>>) dst(%dma_wait3A_3952 : memref<2x64x4096xf32, #tpu.memory_space<vmem>>)
    %dma_wait3A_3957 = arith.constant 2 : i32
    %dma_wait3A_3958 = arith.constant 2 : i32
    %dma_wait3A_3959 = tpu.memref_slice %arg7[%dma_wait3A_3958] : memref<7x!tpu.dma_semaphore, #tpu.memory_space<semaphore_mem>> -> memref<1x!tpu.dma_semaphore, #tpu.memory_space<semaphore_mem>>
    %dma_wait3A_3960 = tpu.memref_squeeze %dma_wait3A_3959 : memref<1x!tpu.dma_semaphore, #tpu.memory_space<semaphore_mem>> -> memref<!tpu.dma_semaphore, #tpu.memory_space<semaphore_mem>>
    %dma_wait3A_3961 = arith.constant 88 : i32
    %dma_wait3A_3962 = arith.constant 0 : i32
    %dma_wait3A_3963 = arith.constant 0 : i32
    %dma_wait3A_3964 = tpu.memref_slice %arg3[%dma_wait3A_3961, %dma_wait3A_3962, %dma_wait3A_3963] : memref<112x64x4096xf32, #tpu.memory_space<hbm>> -> memref<2x64x4096xf32, #tpu.memory_space<hbm>>
    %dma_wait3A_3965 = arith.constant 0 : i32
    %dma_wait3A_3966 = arith.constant 0 : i32
    %dma_wait3A_3967 = arith.constant 0 : i32
    %dma_wait3A_3968 = tpu.memref_slice %arg5[%dma_wait3A_3957, %dma_wait3A_3965, %dma_wait3A_3966, %dma_wait3A_3967] : memref<7x2x64x4096xf32, #tpu.memory_space<vmem>> -> memref<1x2x64x4096xf32, #tpu.memory_space<vmem>>
    %dma_wait3A_3969 = tpu.memref_squeeze %dma_wait3A_3968 : memref<1x2x64x4096xf32, #tpu.memory_space<vmem>> -> memref<2x64x4096xf32, #tpu.memory_space<vmem>>
    tpu.wait_dma2 semaphore(%dma_wait3A_3960 : memref<!tpu.dma_semaphore, #tpu.memory_space<semaphore_mem>>) src(%dma_wait3A_3969 : memref<2x64x4096xf32, #tpu.memory_space<vmem>>) dst(%dma_wait3A_3964 : memref<2x64x4096xf32, #tpu.memory_space<hbm>>)
    %get3A_3970 = arith.constant 102 : index
    %get3A_3971 = arith.constant 0 : index
    %get3A_3972 = vector.load %arg1[%get3A_3970, %get3A_3971] : memref<128x4096xf32, #tpu.memory_space<vmem>>, vector<2x4096xf32>
    %broadcast_in_dim3A_3973 = vector.shape_cast %get3A_3972 : vector<2x4096xf32> to vector<2x1x4096xf32>
    %get3A_3974 = arith.constant 0 : index
    %get3A_3975 = arith.constant 102 : index
    %get3A_3976 = vector.load %arg2[%get3A_3974, %get3A_3975] : memref<64x128xf32, #tpu.memory_space<vmem>>, vector<64x2xf32>
    %transpose3A_3977 = tpu.transpose %get3A_3976, [1, 0] : vector<64x2xf32> -> vector<2x64xf32>
    %broadcast_in_dim3A_3978 = vector.shape_cast %transpose3A_3977 : vector<2x64xf32> to vector<2x64x1xf32>
    %get3A_3979 = arith.constant 2 : index
    %get3A_3980 = arith.constant 0 : index
    %get3A_3981 = arith.constant 0 : index
    %get3A_3982 = arith.constant 0 : index
    %get3A_3983 = vector.load %arg4[%get3A_3979, %get3A_3980, %get3A_3981, %get3A_3982] : memref<7x2x64x4096xf32, #tpu.memory_space<vmem>>, vector<1x2x64x4096xf32>
    %get3A_3984 = vector.shape_cast %get3A_3983 : vector<1x2x64x4096xf32> to vector<2x64x4096xf32>
    %mul3A_3985 = vector.broadcast %broadcast_in_dim3A_3973 : vector<2x1x4096xf32> to vector<2x64x4096xf32>
    %mul3A_3986 = vector.broadcast %broadcast_in_dim3A_3978 : vector<2x64x1xf32> to vector<2x64x4096xf32>
    %mul3A_3987 = arith.mulf %mul3A_3985, %mul3A_3986 : vector<2x64x4096xf32>
    %add3A_3988 = arith.addf %get3A_3984, %mul3A_3987 : vector<2x64x4096xf32>
    %swap3A_3989 = arith.constant 2 : index
    %swap3A_3990 = arith.constant 0 : index
    %swap3A_3991 = arith.constant 0 : index
    %swap3A_3992 = arith.constant 0 : index
    %swap3A_3993 = vector.load %arg5[%swap3A_3989, %swap3A_3990, %swap3A_3991, %swap3A_3992] : memref<7x2x64x4096xf32, #tpu.memory_space<vmem>>, vector<1x2x64x4096xf32>
    %swap3A_3994 = vector.shape_cast %swap3A_3993 : vector<1x2x64x4096xf32> to vector<2x64x4096xf32>
    %swap3A_3995 = vector.shape_cast %add3A_3988 : vector<2x64x4096xf32> to vector<1x2x64x4096xf32>
    tpu.vector_store %arg5[%swap3A_3989, %swap3A_3990, %swap3A_3991, %swap3A_3992], %swap3A_3995 {strides = array<i32>} : memref<7x2x64x4096xf32, #tpu.memory_space<vmem>>, vector<1x2x64x4096xf32>,
    %dma_start3A_3996 = arith.constant 2 : i32
    %dma_start3A_3997 = arith.constant 2 : i32
    %dma_start3A_3998 = tpu.memref_slice %arg7[%dma_start3A_3997] : memref<7x!tpu.dma_semaphore, #tpu.memory_space<semaphore_mem>> -> memref<1x!tpu.dma_semaphore, #tpu.memory_space<semaphore_mem>>
    %dma_start3A_3999 = tpu.memref_squeeze %dma_start3A_3998 : memref<1x!tpu.dma_semaphore, #tpu.memory_space<semaphore_mem>> -> memref<!tpu.dma_semaphore, #tpu.memory_space<semaphore_mem>>
    %dma_start3A_4000 = arith.constant 102 : i32
    %dma_start3A_4001 = arith.constant 0 : i32
    %dma_start3A_4002 = arith.constant 0 : i32
    %dma_start3A_4003 = tpu.memref_slice %arg3[%dma_start3A_4000, %dma_start3A_4001, %dma_start3A_4002] : memref<112x64x4096xf32, #tpu.memory_space<hbm>> -> memref<2x64x4096xf32, #tpu.memory_space<hbm>>
    %dma_start3A_4004 = arith.constant 0 : i32
    %dma_start3A_4005 = arith.constant 0 : i32
    %dma_start3A_4006 = arith.constant 0 : i32
    %dma_start3A_4007 = tpu.memref_slice %arg5[%dma_start3A_3996, %dma_start3A_4004, %dma_start3A_4005, %dma_start3A_4006] : memref<7x2x64x4096xf32, #tpu.memory_space<vmem>> -> memref<1x2x64x4096xf32, #tpu.memory_space<vmem>>
    %dma_start3A_4008 = tpu.memref_squeeze %dma_start3A_4007 : memref<1x2x64x4096xf32, #tpu.memory_space<vmem>> -> memref<2x64x4096xf32, #tpu.memory_space<vmem>>
    tpu.enqueue_dma source(%dma_start3A_4008 : memref<2x64x4096xf32, #tpu.memory_space<vmem>>) target(%dma_start3A_4003 : memref<2x64x4096xf32, #tpu.memory_space<hbm>>) target_semaphore(%dma_start3A_3999 : memref<!tpu.dma_semaphore, #tpu.memory_space<semaphore_mem>>)
    %dma_wait3A_4009 = arith.constant 3 : i32
    %dma_wait3A_4010 = arith.constant 3 : i32
    %dma_wait3A_4011 = tpu.memref_slice %arg6[%dma_wait3A_4010] : memref<7x!tpu.dma_semaphore, #tpu.memory_space<semaphore_mem>> -> memref<1x!tpu.dma_semaphore, #tpu.memory_space<semaphore_mem>>
    %dma_wait3A_4012 = tpu.memref_squeeze %dma_wait3A_4011 : memref<1x!tpu.dma_semaphore, #tpu.memory_space<semaphore_mem>> -> memref<!tpu.dma_semaphore, #tpu.memory_space<semaphore_mem>>
    %dma_wait3A_4013 = arith.constant 0 : i32
    %dma_wait3A_4014 = arith.constant 0 : i32
    %dma_wait3A_4015 = arith.constant 0 : i32
    %dma_wait3A_4016 = tpu.memref_slice %arg4[%dma_wait3A_4009, %dma_wait3A_4013, %dma_wait3A_4014, %dma_wait3A_4015] : memref<7x2x64x4096xf32, #tpu.memory_space<vmem>> -> memref<1x2x64x4096xf32, #tpu.memory_space<vmem>>
    %dma_wait3A_4017 = tpu.memref_squeeze %dma_wait3A_4016 : memref<1x2x64x4096xf32, #tpu.memory_space<vmem>> -> memref<2x64x4096xf32, #tpu.memory_space<vmem>>
    %dma_wait3A_4018 = arith.constant 104 : i32
    %dma_wait3A_4019 = arith.constant 0 : i32
    %dma_wait3A_4020 = arith.constant 0 : i32
    %dma_wait3A_4021 = tpu.memref_slice %arg0[%dma_wait3A_4018, %dma_wait3A_4019, %dma_wait3A_4020] : memref<128x64x4096xf32, #tpu.memory_space<hbm>> -> memref<2x64x4096xf32, #tpu.memory_space<hbm>>
    tpu.wait_dma2 semaphore(%dma_wait3A_4012 : memref<!tpu.dma_semaphore, #tpu.memory_space<semaphore_mem>>) src(%dma_wait3A_4021 : memref<2x64x4096xf32, #tpu.memory_space<hbm>>) dst(%dma_wait3A_4017 : memref<2x64x4096xf32, #tpu.memory_space<vmem>>)
    %dma_wait3A_4022 = arith.constant 3 : i32
    %dma_wait3A_4023 = arith.constant 3 : i32
    %dma_wait3A_4024 = tpu.memref_slice %arg7[%dma_wait3A_4023] : memref<7x!tpu.dma_semaphore, #tpu.memory_space<semaphore_mem>> -> memref<1x!tpu.dma_semaphore, #tpu.memory_space<semaphore_mem>>
    %dma_wait3A_4025 = tpu.memref_squeeze %dma_wait3A_4024 : memref<1x!tpu.dma_semaphore, #tpu.memory_space<semaphore_mem>> -> memref<!tpu.dma_semaphore, #tpu.memory_space<semaphore_mem>>
    %dma_wait3A_4026 = arith.constant 90 : i32
    %dma_wait3A_4027 = arith.constant 0 : i32
    %dma_wait3A_4028 = arith.constant 0 : i32
    %dma_wait3A_4029 = tpu.memref_slice %arg3[%dma_wait3A_4026, %dma_wait3A_4027, %dma_wait3A_4028] : memref<112x64x4096xf32, #tpu.memory_space<hbm>> -> memref<2x64x4096xf32, #tpu.memory_space<hbm>>
    %dma_wait3A_4030 = arith.constant 0 : i32
    %dma_wait3A_4031 = arith.constant 0 : i32
    %dma_wait3A_4032 = arith.constant 0 : i32
    %dma_wait3A_4033 = tpu.memref_slice %arg5[%dma_wait3A_4022, %dma_wait3A_4030, %dma_wait3A_4031, %dma_wait3A_4032] : memref<7x2x64x4096xf32, #tpu.memory_space<vmem>> -> memref<1x2x64x4096xf32, #tpu.memory_space<vmem>>
    %dma_wait3A_4034 = tpu.memref_squeeze %dma_wait3A_4033 : memref<1x2x64x4096xf32, #tpu.memory_space<vmem>> -> memref<2x64x4096xf32, #tpu.memory_space<vmem>>
    tpu.wait_dma2 semaphore(%dma_wait3A_4025 : memref<!tpu.dma_semaphore, #tpu.memory_space<semaphore_mem>>) src(%dma_wait3A_4034 : memref<2x64x4096xf32, #tpu.memory_space<vmem>>) dst(%dma_wait3A_4029 : memref<2x64x4096xf32, #tpu.memory_space<hbm>>)
    %get3A_4035 = arith.constant 104 : index
    %get3A_4036 = arith.constant 0 : index
    %get3A_4037 = vector.load %arg1[%get3A_4035, %get3A_4036] : memref<128x4096xf32, #tpu.memory_space<vmem>>, vector<2x4096xf32>
    %broadcast_in_dim3A_4038 = vector.shape_cast %get3A_4037 : vector<2x4096xf32> to vector<2x1x4096xf32>
    %get3A_4039 = arith.constant 0 : index
    %get3A_4040 = arith.constant 104 : index
    %get3A_4041 = vector.load %arg2[%get3A_4039, %get3A_4040] : memref<64x128xf32, #tpu.memory_space<vmem>>, vector<64x2xf32>
    %transpose3A_4042 = tpu.transpose %get3A_4041, [1, 0] : vector<64x2xf32> -> vector<2x64xf32>
    %broadcast_in_dim3A_4043 = vector.shape_cast %transpose3A_4042 : vector<2x64xf32> to vector<2x64x1xf32>
    %get3A_4044 = arith.constant 3 : index
    %get3A_4045 = arith.constant 0 : index
    %get3A_4046 = arith.constant 0 : index
    %get3A_4047 = arith.constant 0 : index
    %get3A_4048 = vector.load %arg4[%get3A_4044, %get3A_4045, %get3A_4046, %get3A_4047] : memref<7x2x64x4096xf32, #tpu.memory_space<vmem>>, vector<1x2x64x4096xf32>
    %get3A_4049 = vector.shape_cast %get3A_4048 : vector<1x2x64x4096xf32> to vector<2x64x4096xf32>
    %mul3A_4050 = vector.broadcast %broadcast_in_dim3A_4038 : vector<2x1x4096xf32> to vector<2x64x4096xf32>
    %mul3A_4051 = vector.broadcast %broadcast_in_dim3A_4043 : vector<2x64x1xf32> to vector<2x64x4096xf32>
    %mul3A_4052 = arith.mulf %mul3A_4050, %mul3A_4051 : vector<2x64x4096xf32>
    %add3A_4053 = arith.addf %get3A_4049, %mul3A_4052 : vector<2x64x4096xf32>
    %swap3A_4054 = arith.constant 3 : index
    %swap3A_4055 = arith.constant 0 : index
    %swap3A_4056 = arith.constant 0 : index
    %swap3A_4057 = arith.constant 0 : index
    %swap3A_4058 = vector.load %arg5[%swap3A_4054, %swap3A_4055, %swap3A_4056, %swap3A_4057] : memref<7x2x64x4096xf32, #tpu.memory_space<vmem>>, vector<1x2x64x4096xf32>
    %swap3A_4059 = vector.shape_cast %swap3A_4058 : vector<1x2x64x4096xf32> to vector<2x64x4096xf32>
    %swap3A_4060 = vector.shape_cast %add3A_4053 : vector<2x64x4096xf32> to vector<1x2x64x4096xf32>
    tpu.vector_store %arg5[%swap3A_4054, %swap3A_4055, %swap3A_4056, %swap3A_4057], %swap3A_4060 {strides = array<i32>} : memref<7x2x64x4096xf32, #tpu.memory_space<vmem>>, vector<1x2x64x4096xf32>,
    %dma_start3A_4061 = arith.constant 3 : i32
    %dma_start3A_4062 = arith.constant 3 : i32
    %dma_start3A_4063 = tpu.memref_slice %arg7[%dma_start3A_4062] : memref<7x!tpu.dma_semaphore, #tpu.memory_space<semaphore_mem>> -> memref<1x!tpu.dma_semaphore, #tpu.memory_space<semaphore_mem>>
    %dma_start3A_4064 = tpu.memref_squeeze %dma_start3A_4063 : memref<1x!tpu.dma_semaphore, #tpu.memory_space<semaphore_mem>> -> memref<!tpu.dma_semaphore, #tpu.memory_space<semaphore_mem>>
    %dma_start3A_4065 = arith.constant 104 : i32
    %dma_start3A_4066 = arith.constant 0 : i32
    %dma_start3A_4067 = arith.constant 0 : i32
    %dma_start3A_4068 = tpu.memref_slice %arg3[%dma_start3A_4065, %dma_start3A_4066, %dma_start3A_4067] : memref<112x64x4096xf32, #tpu.memory_space<hbm>> -> memref<2x64x4096xf32, #tpu.memory_space<hbm>>
    %dma_start3A_4069 = arith.constant 0 : i32
    %dma_start3A_4070 = arith.constant 0 : i32
    %dma_start3A_4071 = arith.constant 0 : i32
    %dma_start3A_4072 = tpu.memref_slice %arg5[%dma_start3A_4061, %dma_start3A_4069, %dma_start3A_4070, %dma_start3A_4071] : memref<7x2x64x4096xf32, #tpu.memory_space<vmem>> -> memref<1x2x64x4096xf32, #tpu.memory_space<vmem>>
    %dma_start3A_4073 = tpu.memref_squeeze %dma_start3A_4072 : memref<1x2x64x4096xf32, #tpu.memory_space<vmem>> -> memref<2x64x4096xf32, #tpu.memory_space<vmem>>
    tpu.enqueue_dma source(%dma_start3A_4073 : memref<2x64x4096xf32, #tpu.memory_space<vmem>>) target(%dma_start3A_4068 : memref<2x64x4096xf32, #tpu.memory_space<hbm>>) target_semaphore(%dma_start3A_4064 : memref<!tpu.dma_semaphore, #tpu.memory_space<semaphore_mem>>)
    %dma_wait3A_4074 = arith.constant 4 : i32
    %dma_wait3A_4075 = arith.constant 4 : i32
    %dma_wait3A_4076 = tpu.memref_slice %arg6[%dma_wait3A_4075] : memref<7x!tpu.dma_semaphore, #tpu.memory_space<semaphore_mem>> -> memref<1x!tpu.dma_semaphore, #tpu.memory_space<semaphore_mem>>
    %dma_wait3A_4077 = tpu.memref_squeeze %dma_wait3A_4076 : memref<1x!tpu.dma_semaphore, #tpu.memory_space<semaphore_mem>> -> memref<!tpu.dma_semaphore, #tpu.memory_space<semaphore_mem>>
    %dma_wait3A_4078 = arith.constant 0 : i32
    %dma_wait3A_4079 = arith.constant 0 : i32
    %dma_wait3A_4080 = arith.constant 0 : i32
    %dma_wait3A_4081 = tpu.memref_slice %arg4[%dma_wait3A_4074, %dma_wait3A_4078, %dma_wait3A_4079, %dma_wait3A_4080] : memref<7x2x64x4096xf32, #tpu.memory_space<vmem>> -> memref<1x2x64x4096xf32, #tpu.memory_space<vmem>>
    %dma_wait3A_4082 = tpu.memref_squeeze %dma_wait3A_4081 : memref<1x2x64x4096xf32, #tpu.memory_space<vmem>> -> memref<2x64x4096xf32, #tpu.memory_space<vmem>>
    %dma_wait3A_4083 = arith.constant 106 : i32
    %dma_wait3A_4084 = arith.constant 0 : i32
    %dma_wait3A_4085 = arith.constant 0 : i32
    %dma_wait3A_4086 = tpu.memref_slice %arg0[%dma_wait3A_4083, %dma_wait3A_4084, %dma_wait3A_4085] : memref<128x64x4096xf32, #tpu.memory_space<hbm>> -> memref<2x64x4096xf32, #tpu.memory_space<hbm>>
    tpu.wait_dma2 semaphore(%dma_wait3A_4077 : memref<!tpu.dma_semaphore, #tpu.memory_space<semaphore_mem>>) src(%dma_wait3A_4086 : memref<2x64x4096xf32, #tpu.memory_space<hbm>>) dst(%dma_wait3A_4082 : memref<2x64x4096xf32, #tpu.memory_space<vmem>>)
    %dma_wait3A_4087 = arith.constant 4 : i32
    %dma_wait3A_4088 = arith.constant 4 : i32
    %dma_wait3A_4089 = tpu.memref_slice %arg7[%dma_wait3A_4088] : memref<7x!tpu.dma_semaphore, #tpu.memory_space<semaphore_mem>> -> memref<1x!tpu.dma_semaphore, #tpu.memory_space<semaphore_mem>>
    %dma_wait3A_4090 = tpu.memref_squeeze %dma_wait3A_4089 : memref<1x!tpu.dma_semaphore, #tpu.memory_space<semaphore_mem>> -> memref<!tpu.dma_semaphore, #tpu.memory_space<semaphore_mem>>
    %dma_wait3A_4091 = arith.constant 92 : i32
    %dma_wait3A_4092 = arith.constant 0 : i32
    %dma_wait3A_4093 = arith.constant 0 : i32
    %dma_wait3A_4094 = tpu.memref_slice %arg3[%dma_wait3A_4091, %dma_wait3A_4092, %dma_wait3A_4093] : memref<112x64x4096xf32, #tpu.memory_space<hbm>> -> memref<2x64x4096xf32, #tpu.memory_space<hbm>>
    %dma_wait3A_4095 = arith.constant 0 : i32
    %dma_wait3A_4096 = arith.constant 0 : i32
    %dma_wait3A_4097 = arith.constant 0 : i32
    %dma_wait3A_4098 = tpu.memref_slice %arg5[%dma_wait3A_4087, %dma_wait3A_4095, %dma_wait3A_4096, %dma_wait3A_4097] : memref<7x2x64x4096xf32, #tpu.memory_space<vmem>> -> memref<1x2x64x4096xf32, #tpu.memory_space<vmem>>
    %dma_wait3A_4099 = tpu.memref_squeeze %dma_wait3A_4098 : memref<1x2x64x4096xf32, #tpu.memory_space<vmem>> -> memref<2x64x4096xf32, #tpu.memory_space<vmem>>
    tpu.wait_dma2 semaphore(%dma_wait3A_4090 : memref<!tpu.dma_semaphore, #tpu.memory_space<semaphore_mem>>) src(%dma_wait3A_4099 : memref<2x64x4096xf32, #tpu.memory_space<vmem>>) dst(%dma_wait3A_4094 : memref<2x64x4096xf32, #tpu.memory_space<hbm>>)
    %get3A_4100 = arith.constant 106 : index
    %get3A_4101 = arith.constant 0 : index
    %get3A_4102 = vector.load %arg1[%get3A_4100, %get3A_4101] : memref<128x4096xf32, #tpu.memory_space<vmem>>, vector<2x4096xf32>
    %broadcast_in_dim3A_4103 = vector.shape_cast %get3A_4102 : vector<2x4096xf32> to vector<2x1x4096xf32>
    %get3A_4104 = arith.constant 0 : index
    %get3A_4105 = arith.constant 106 : index
    %get3A_4106 = vector.load %arg2[%get3A_4104, %get3A_4105] : memref<64x128xf32, #tpu.memory_space<vmem>>, vector<64x2xf32>
    %transpose3A_4107 = tpu.transpose %get3A_4106, [1, 0] : vector<64x2xf32> -> vector<2x64xf32>
    %broadcast_in_dim3A_4108 = vector.shape_cast %transpose3A_4107 : vector<2x64xf32> to vector<2x64x1xf32>
    %get3A_4109 = arith.constant 4 : index
    %get3A_4110 = arith.constant 0 : index
    %get3A_4111 = arith.constant 0 : index
    %get3A_4112 = arith.constant 0 : index
    %get3A_4113 = vector.load %arg4[%get3A_4109, %get3A_4110, %get3A_4111, %get3A_4112] : memref<7x2x64x4096xf32, #tpu.memory_space<vmem>>, vector<1x2x64x4096xf32>
    %get3A_4114 = vector.shape_cast %get3A_4113 : vector<1x2x64x4096xf32> to vector<2x64x4096xf32>
    %mul3A_4115 = vector.broadcast %broadcast_in_dim3A_4103 : vector<2x1x4096xf32> to vector<2x64x4096xf32>
    %mul3A_4116 = vector.broadcast %broadcast_in_dim3A_4108 : vector<2x64x1xf32> to vector<2x64x4096xf32>
    %mul3A_4117 = arith.mulf %mul3A_4115, %mul3A_4116 : vector<2x64x4096xf32>
    %add3A_4118 = arith.addf %get3A_4114, %mul3A_4117 : vector<2x64x4096xf32>
    %swap3A_4119 = arith.constant 4 : index
    %swap3A_4120 = arith.constant 0 : index
    %swap3A_4121 = arith.constant 0 : index
    %swap3A_4122 = arith.constant 0 : index
    %swap3A_4123 = vector.load %arg5[%swap3A_4119, %swap3A_4120, %swap3A_4121, %swap3A_4122] : memref<7x2x64x4096xf32, #tpu.memory_space<vmem>>, vector<1x2x64x4096xf32>
    %swap3A_4124 = vector.shape_cast %swap3A_4123 : vector<1x2x64x4096xf32> to vector<2x64x4096xf32>
    %swap3A_4125 = vector.shape_cast %add3A_4118 : vector<2x64x4096xf32> to vector<1x2x64x4096xf32>
    tpu.vector_store %arg5[%swap3A_4119, %swap3A_4120, %swap3A_4121, %swap3A_4122], %swap3A_4125 {strides = array<i32>} : memref<7x2x64x4096xf32, #tpu.memory_space<vmem>>, vector<1x2x64x4096xf32>,
    %dma_start3A_4126 = arith.constant 4 : i32
    %dma_start3A_4127 = arith.constant 4 : i32
    %dma_start3A_4128 = tpu.memref_slice %arg7[%dma_start3A_4127] : memref<7x!tpu.dma_semaphore, #tpu.memory_space<semaphore_mem>> -> memref<1x!tpu.dma_semaphore, #tpu.memory_space<semaphore_mem>>
    %dma_start3A_4129 = tpu.memref_squeeze %dma_start3A_4128 : memref<1x!tpu.dma_semaphore, #tpu.memory_space<semaphore_mem>> -> memref<!tpu.dma_semaphore, #tpu.memory_space<semaphore_mem>>
    %dma_start3A_4130 = arith.constant 106 : i32
    %dma_start3A_4131 = arith.constant 0 : i32
    %dma_start3A_4132 = arith.constant 0 : i32
    %dma_start3A_4133 = tpu.memref_slice %arg3[%dma_start3A_4130, %dma_start3A_4131, %dma_start3A_4132] : memref<112x64x4096xf32, #tpu.memory_space<hbm>> -> memref<2x64x4096xf32, #tpu.memory_space<hbm>>
    %dma_start3A_4134 = arith.constant 0 : i32
    %dma_start3A_4135 = arith.constant 0 : i32
    %dma_start3A_4136 = arith.constant 0 : i32
    %dma_start3A_4137 = tpu.memref_slice %arg5[%dma_start3A_4126, %dma_start3A_4134, %dma_start3A_4135, %dma_start3A_4136] : memref<7x2x64x4096xf32, #tpu.memory_space<vmem>> -> memref<1x2x64x4096xf32, #tpu.memory_space<vmem>>
    %dma_start3A_4138 = tpu.memref_squeeze %dma_start3A_4137 : memref<1x2x64x4096xf32, #tpu.memory_space<vmem>> -> memref<2x64x4096xf32, #tpu.memory_space<vmem>>
    tpu.enqueue_dma source(%dma_start3A_4138 : memref<2x64x4096xf32, #tpu.memory_space<vmem>>) target(%dma_start3A_4133 : memref<2x64x4096xf32, #tpu.memory_space<hbm>>) target_semaphore(%dma_start3A_4129 : memref<!tpu.dma_semaphore, #tpu.memory_space<semaphore_mem>>)
    %dma_wait3A_4139 = arith.constant 5 : i32
    %dma_wait3A_4140 = arith.constant 5 : i32
    %dma_wait3A_4141 = tpu.memref_slice %arg6[%dma_wait3A_4140] : memref<7x!tpu.dma_semaphore, #tpu.memory_space<semaphore_mem>> -> memref<1x!tpu.dma_semaphore, #tpu.memory_space<semaphore_mem>>
    %dma_wait3A_4142 = tpu.memref_squeeze %dma_wait3A_4141 : memref<1x!tpu.dma_semaphore, #tpu.memory_space<semaphore_mem>> -> memref<!tpu.dma_semaphore, #tpu.memory_space<semaphore_mem>>
    %dma_wait3A_4143 = arith.constant 0 : i32
    %dma_wait3A_4144 = arith.constant 0 : i32
    %dma_wait3A_4145 = arith.constant 0 : i32
    %dma_wait3A_4146 = tpu.memref_slice %arg4[%dma_wait3A_4139, %dma_wait3A_4143, %dma_wait3A_4144, %dma_wait3A_4145] : memref<7x2x64x4096xf32, #tpu.memory_space<vmem>> -> memref<1x2x64x4096xf32, #tpu.memory_space<vmem>>
    %dma_wait3A_4147 = tpu.memref_squeeze %dma_wait3A_4146 : memref<1x2x64x4096xf32, #tpu.memory_space<vmem>> -> memref<2x64x4096xf32, #tpu.memory_space<vmem>>
    %dma_wait3A_4148 = arith.constant 108 : i32
    %dma_wait3A_4149 = arith.constant 0 : i32
    %dma_wait3A_4150 = arith.constant 0 : i32
    %dma_wait3A_4151 = tpu.memref_slice %arg0[%dma_wait3A_4148, %dma_wait3A_4149, %dma_wait3A_4150] : memref<128x64x4096xf32, #tpu.memory_space<hbm>> -> memref<2x64x4096xf32, #tpu.memory_space<hbm>>
    tpu.wait_dma2 semaphore(%dma_wait3A_4142 : memref<!tpu.dma_semaphore, #tpu.memory_space<semaphore_mem>>) src(%dma_wait3A_4151 : memref<2x64x4096xf32, #tpu.memory_space<hbm>>) dst(%dma_wait3A_4147 : memref<2x64x4096xf32, #tpu.memory_space<vmem>>)
    %dma_wait3A_4152 = arith.constant 5 : i32
    %dma_wait3A_4153 = arith.constant 5 : i32
    %dma_wait3A_4154 = tpu.memref_slice %arg7[%dma_wait3A_4153] : memref<7x!tpu.dma_semaphore, #tpu.memory_space<semaphore_mem>> -> memref<1x!tpu.dma_semaphore, #tpu.memory_space<semaphore_mem>>
    %dma_wait3A_4155 = tpu.memref_squeeze %dma_wait3A_4154 : memref<1x!tpu.dma_semaphore, #tpu.memory_space<semaphore_mem>> -> memref<!tpu.dma_semaphore, #tpu.memory_space<semaphore_mem>>
    %dma_wait3A_4156 = arith.constant 94 : i32
    %dma_wait3A_4157 = arith.constant 0 : i32
    %dma_wait3A_4158 = arith.constant 0 : i32
    %dma_wait3A_4159 = tpu.memref_slice %arg3[%dma_wait3A_4156, %dma_wait3A_4157, %dma_wait3A_4158] : memref<112x64x4096xf32, #tpu.memory_space<hbm>> -> memref<2x64x4096xf32, #tpu.memory_space<hbm>>
    %dma_wait3A_4160 = arith.constant 0 : i32
    %dma_wait3A_4161 = arith.constant 0 : i32
    %dma_wait3A_4162 = arith.constant 0 : i32
    %dma_wait3A_4163 = tpu.memref_slice %arg5[%dma_wait3A_4152, %dma_wait3A_4160, %dma_wait3A_4161, %dma_wait3A_4162] : memref<7x2x64x4096xf32, #tpu.memory_space<vmem>> -> memref<1x2x64x4096xf32, #tpu.memory_space<vmem>>
    %dma_wait3A_4164 = tpu.memref_squeeze %dma_wait3A_4163 : memref<1x2x64x4096xf32, #tpu.memory_space<vmem>> -> memref<2x64x4096xf32, #tpu.memory_space<vmem>>
    tpu.wait_dma2 semaphore(%dma_wait3A_4155 : memref<!tpu.dma_semaphore, #tpu.memory_space<semaphore_mem>>) src(%dma_wait3A_4164 : memref<2x64x4096xf32, #tpu.memory_space<vmem>>) dst(%dma_wait3A_4159 : memref<2x64x4096xf32, #tpu.memory_space<hbm>>)
    %get3A_4165 = arith.constant 108 : index
    %get3A_4166 = arith.constant 0 : index
    %get3A_4167 = vector.load %arg1[%get3A_4165, %get3A_4166] : memref<128x4096xf32, #tpu.memory_space<vmem>>, vector<2x4096xf32>
    %broadcast_in_dim3A_4168 = vector.shape_cast %get3A_4167 : vector<2x4096xf32> to vector<2x1x4096xf32>
    %get3A_4169 = arith.constant 0 : index
    %get3A_4170 = arith.constant 108 : index
    %get3A_4171 = vector.load %arg2[%get3A_4169, %get3A_4170] : memref<64x128xf32, #tpu.memory_space<vmem>>, vector<64x2xf32>
    %transpose3A_4172 = tpu.transpose %get3A_4171, [1, 0] : vector<64x2xf32> -> vector<2x64xf32>
    %broadcast_in_dim3A_4173 = vector.shape_cast %transpose3A_4172 : vector<2x64xf32> to vector<2x64x1xf32>
    %get3A_4174 = arith.constant 5 : index
    %get3A_4175 = arith.constant 0 : index
    %get3A_4176 = arith.constant 0 : index
    %get3A_4177 = arith.constant 0 : index
    %get3A_4178 = vector.load %arg4[%get3A_4174, %get3A_4175, %get3A_4176, %get3A_4177] : memref<7x2x64x4096xf32, #tpu.memory_space<vmem>>, vector<1x2x64x4096xf32>
    %get3A_4179 = vector.shape_cast %get3A_4178 : vector<1x2x64x4096xf32> to vector<2x64x4096xf32>
    %mul3A_4180 = vector.broadcast %broadcast_in_dim3A_4168 : vector<2x1x4096xf32> to vector<2x64x4096xf32>
    %mul3A_4181 = vector.broadcast %broadcast_in_dim3A_4173 : vector<2x64x1xf32> to vector<2x64x4096xf32>
    %mul3A_4182 = arith.mulf %mul3A_4180, %mul3A_4181 : vector<2x64x4096xf32>
    %add3A_4183 = arith.addf %get3A_4179, %mul3A_4182 : vector<2x64x4096xf32>
    %swap3A_4184 = arith.constant 5 : index
    %swap3A_4185 = arith.constant 0 : index
    %swap3A_4186 = arith.constant 0 : index
    %swap3A_4187 = arith.constant 0 : index
    %swap3A_4188 = vector.load %arg5[%swap3A_4184, %swap3A_4185, %swap3A_4186, %swap3A_4187] : memref<7x2x64x4096xf32, #tpu.memory_space<vmem>>, vector<1x2x64x4096xf32>
    %swap3A_4189 = vector.shape_cast %swap3A_4188 : vector<1x2x64x4096xf32> to vector<2x64x4096xf32>
    %swap3A_4190 = vector.shape_cast %add3A_4183 : vector<2x64x4096xf32> to vector<1x2x64x4096xf32>
    tpu.vector_store %arg5[%swap3A_4184, %swap3A_4185, %swap3A_4186, %swap3A_4187], %swap3A_4190 {strides = array<i32>} : memref<7x2x64x4096xf32, #tpu.memory_space<vmem>>, vector<1x2x64x4096xf32>,
    %dma_start3A_4191 = arith.constant 5 : i32
    %dma_start3A_4192 = arith.constant 5 : i32
    %dma_start3A_4193 = tpu.memref_slice %arg7[%dma_start3A_4192] : memref<7x!tpu.dma_semaphore, #tpu.memory_space<semaphore_mem>> -> memref<1x!tpu.dma_semaphore, #tpu.memory_space<semaphore_mem>>
    %dma_start3A_4194 = tpu.memref_squeeze %dma_start3A_4193 : memref<1x!tpu.dma_semaphore, #tpu.memory_space<semaphore_mem>> -> memref<!tpu.dma_semaphore, #tpu.memory_space<semaphore_mem>>
    %dma_start3A_4195 = arith.constant 108 : i32
    %dma_start3A_4196 = arith.constant 0 : i32
    %dma_start3A_4197 = arith.constant 0 : i32
    %dma_start3A_4198 = tpu.memref_slice %arg3[%dma_start3A_4195, %dma_start3A_4196, %dma_start3A_4197] : memref<112x64x4096xf32, #tpu.memory_space<hbm>> -> memref<2x64x4096xf32, #tpu.memory_space<hbm>>
    %dma_start3A_4199 = arith.constant 0 : i32
    %dma_start3A_4200 = arith.constant 0 : i32
    %dma_start3A_4201 = arith.constant 0 : i32
    %dma_start3A_4202 = tpu.memref_slice %arg5[%dma_start3A_4191, %dma_start3A_4199, %dma_start3A_4200, %dma_start3A_4201] : memref<7x2x64x4096xf32, #tpu.memory_space<vmem>> -> memref<1x2x64x4096xf32, #tpu.memory_space<vmem>>
    %dma_start3A_4203 = tpu.memref_squeeze %dma_start3A_4202 : memref<1x2x64x4096xf32, #tpu.memory_space<vmem>> -> memref<2x64x4096xf32, #tpu.memory_space<vmem>>
    tpu.enqueue_dma source(%dma_start3A_4203 : memref<2x64x4096xf32, #tpu.memory_space<vmem>>) target(%dma_start3A_4198 : memref<2x64x4096xf32, #tpu.memory_space<hbm>>) target_semaphore(%dma_start3A_4194 : memref<!tpu.dma_semaphore, #tpu.memory_space<semaphore_mem>>)
    %dma_wait3A_4204 = arith.constant 6 : i32
    %dma_wait3A_4205 = arith.constant 6 : i32
    %dma_wait3A_4206 = tpu.memref_slice %arg6[%dma_wait3A_4205] : memref<7x!tpu.dma_semaphore, #tpu.memory_space<semaphore_mem>> -> memref<1x!tpu.dma_semaphore, #tpu.memory_space<semaphore_mem>>
    %dma_wait3A_4207 = tpu.memref_squeeze %dma_wait3A_4206 : memref<1x!tpu.dma_semaphore, #tpu.memory_space<semaphore_mem>> -> memref<!tpu.dma_semaphore, #tpu.memory_space<semaphore_mem>>
    %dma_wait3A_4208 = arith.constant 0 : i32
    %dma_wait3A_4209 = arith.constant 0 : i32
    %dma_wait3A_4210 = arith.constant 0 : i32
    %dma_wait3A_4211 = tpu.memref_slice %arg4[%dma_wait3A_4204, %dma_wait3A_4208, %dma_wait3A_4209, %dma_wait3A_4210] : memref<7x2x64x4096xf32, #tpu.memory_space<vmem>> -> memref<1x2x64x4096xf32, #tpu.memory_space<vmem>>
    %dma_wait3A_4212 = tpu.memref_squeeze %dma_wait3A_4211 : memref<1x2x64x4096xf32, #tpu.memory_space<vmem>> -> memref<2x64x4096xf32, #tpu.memory_space<vmem>>
    %dma_wait3A_4213 = arith.constant 110 : i32
    %dma_wait3A_4214 = arith.constant 0 : i32
    %dma_wait3A_4215 = arith.constant 0 : i32
    %dma_wait3A_4216 = tpu.memref_slice %arg0[%dma_wait3A_4213, %dma_wait3A_4214, %dma_wait3A_4215] : memref<128x64x4096xf32, #tpu.memory_space<hbm>> -> memref<2x64x4096xf32, #tpu.memory_space<hbm>>
    tpu.wait_dma2 semaphore(%dma_wait3A_4207 : memref<!tpu.dma_semaphore, #tpu.memory_space<semaphore_mem>>) src(%dma_wait3A_4216 : memref<2x64x4096xf32, #tpu.memory_space<hbm>>) dst(%dma_wait3A_4212 : memref<2x64x4096xf32, #tpu.memory_space<vmem>>)
    %dma_wait3A_4217 = arith.constant 6 : i32
    %dma_wait3A_4218 = arith.constant 6 : i32
    %dma_wait3A_4219 = tpu.memref_slice %arg7[%dma_wait3A_4218] : memref<7x!tpu.dma_semaphore, #tpu.memory_space<semaphore_mem>> -> memref<1x!tpu.dma_semaphore, #tpu.memory_space<semaphore_mem>>
    %dma_wait3A_4220 = tpu.memref_squeeze %dma_wait3A_4219 : memref<1x!tpu.dma_semaphore, #tpu.memory_space<semaphore_mem>> -> memref<!tpu.dma_semaphore, #tpu.memory_space<semaphore_mem>>
    %dma_wait3A_4221 = arith.constant 96 : i32
    %dma_wait3A_4222 = arith.constant 0 : i32
    %dma_wait3A_4223 = arith.constant 0 : i32
    %dma_wait3A_4224 = tpu.memref_slice %arg3[%dma_wait3A_4221, %dma_wait3A_4222, %dma_wait3A_4223] : memref<112x64x4096xf32, #tpu.memory_space<hbm>> -> memref<2x64x4096xf32, #tpu.memory_space<hbm>>
    %dma_wait3A_4225 = arith.constant 0 : i32
    %dma_wait3A_4226 = arith.constant 0 : i32
    %dma_wait3A_4227 = arith.constant 0 : i32
    %dma_wait3A_4228 = tpu.memref_slice %arg5[%dma_wait3A_4217, %dma_wait3A_4225, %dma_wait3A_4226, %dma_wait3A_4227] : memref<7x2x64x4096xf32, #tpu.memory_space<vmem>> -> memref<1x2x64x4096xf32, #tpu.memory_space<vmem>>
    %dma_wait3A_4229 = tpu.memref_squeeze %dma_wait3A_4228 : memref<1x2x64x4096xf32, #tpu.memory_space<vmem>> -> memref<2x64x4096xf32, #tpu.memory_space<vmem>>
    tpu.wait_dma2 semaphore(%dma_wait3A_4220 : memref<!tpu.dma_semaphore, #tpu.memory_space<semaphore_mem>>) src(%dma_wait3A_4229 : memref<2x64x4096xf32, #tpu.memory_space<vmem>>) dst(%dma_wait3A_4224 : memref<2x64x4096xf32, #tpu.memory_space<hbm>>)
    %get3A_4230 = arith.constant 110 : index
    %get3A_4231 = arith.constant 0 : index
    %get3A_4232 = vector.load %arg1[%get3A_4230, %get3A_4231] : memref<128x4096xf32, #tpu.memory_space<vmem>>, vector<2x4096xf32>
    %broadcast_in_dim3A_4233 = vector.shape_cast %get3A_4232 : vector<2x4096xf32> to vector<2x1x4096xf32>
    %get3A_4234 = arith.constant 0 : index
    %get3A_4235 = arith.constant 110 : index
    %get3A_4236 = vector.load %arg2[%get3A_4234, %get3A_4235] : memref<64x128xf32, #tpu.memory_space<vmem>>, vector<64x2xf32>
    %transpose3A_4237 = tpu.transpose %get3A_4236, [1, 0] : vector<64x2xf32> -> vector<2x64xf32>
    %broadcast_in_dim3A_4238 = vector.shape_cast %transpose3A_4237 : vector<2x64xf32> to vector<2x64x1xf32>
    %get3A_4239 = arith.constant 6 : index
    %get3A_4240 = arith.constant 0 : index
    %get3A_4241 = arith.constant 0 : index
    %get3A_4242 = arith.constant 0 : index
    %get3A_4243 = vector.load %arg4[%get3A_4239, %get3A_4240, %get3A_4241, %get3A_4242] : memref<7x2x64x4096xf32, #tpu.memory_space<vmem>>, vector<1x2x64x4096xf32>
    %get3A_4244 = vector.shape_cast %get3A_4243 : vector<1x2x64x4096xf32> to vector<2x64x4096xf32>
    %mul3A_4245 = vector.broadcast %broadcast_in_dim3A_4233 : vector<2x1x4096xf32> to vector<2x64x4096xf32>
    %mul3A_4246 = vector.broadcast %broadcast_in_dim3A_4238 : vector<2x64x1xf32> to vector<2x64x4096xf32>
    %mul3A_4247 = arith.mulf %mul3A_4245, %mul3A_4246 : vector<2x64x4096xf32>
    %add3A_4248 = arith.addf %get3A_4244, %mul3A_4247 : vector<2x64x4096xf32>
    %swap3A_4249 = arith.constant 6 : index
    %swap3A_4250 = arith.constant 0 : index
    %swap3A_4251 = arith.constant 0 : index
    %swap3A_4252 = arith.constant 0 : index
    %swap3A_4253 = vector.load %arg5[%swap3A_4249, %swap3A_4250, %swap3A_4251, %swap3A_4252] : memref<7x2x64x4096xf32, #tpu.memory_space<vmem>>, vector<1x2x64x4096xf32>
    %swap3A_4254 = vector.shape_cast %swap3A_4253 : vector<1x2x64x4096xf32> to vector<2x64x4096xf32>
    %swap3A_4255 = vector.shape_cast %add3A_4248 : vector<2x64x4096xf32> to vector<1x2x64x4096xf32>
    tpu.vector_store %arg5[%swap3A_4249, %swap3A_4250, %swap3A_4251, %swap3A_4252], %swap3A_4255 {strides = array<i32>} : memref<7x2x64x4096xf32, #tpu.memory_space<vmem>>, vector<1x2x64x4096xf32>,
    %dma_start3A_4256 = arith.constant 6 : i32
    %dma_start3A_4257 = arith.constant 6 : i32
    %dma_start3A_4258 = tpu.memref_slice %arg7[%dma_start3A_4257] : memref<7x!tpu.dma_semaphore, #tpu.memory_space<semaphore_mem>> -> memref<1x!tpu.dma_semaphore, #tpu.memory_space<semaphore_mem>>
    %dma_start3A_4259 = tpu.memref_squeeze %dma_start3A_4258 : memref<1x!tpu.dma_semaphore, #tpu.memory_space<semaphore_mem>> -> memref<!tpu.dma_semaphore, #tpu.memory_space<semaphore_mem>>
    %dma_start3A_4260 = arith.constant 110 : i32
    %dma_start3A_4261 = arith.constant 0 : i32
    %dma_start3A_4262 = arith.constant 0 : i32
    %dma_start3A_4263 = tpu.memref_slice %arg3[%dma_start3A_4260, %dma_start3A_4261, %dma_start3A_4262] : memref<112x64x4096xf32, #tpu.memory_space<hbm>> -> memref<2x64x4096xf32, #tpu.memory_space<hbm>>
    %dma_start3A_4264 = arith.constant 0 : i32
    %dma_start3A_4265 = arith.constant 0 : i32
    %dma_start3A_4266 = arith.constant 0 : i32
    %dma_start3A_4267 = tpu.memref_slice %arg5[%dma_start3A_4256, %dma_start3A_4264, %dma_start3A_4265, %dma_start3A_4266] : memref<7x2x64x4096xf32, #tpu.memory_space<vmem>> -> memref<1x2x64x4096xf32, #tpu.memory_space<vmem>>
    %dma_start3A_4268 = tpu.memref_squeeze %dma_start3A_4267 : memref<1x2x64x4096xf32, #tpu.memory_space<vmem>> -> memref<2x64x4096xf32, #tpu.memory_space<vmem>>
    tpu.enqueue_dma source(%dma_start3A_4268 : memref<2x64x4096xf32, #tpu.memory_space<vmem>>) target(%dma_start3A_4263 : memref<2x64x4096xf32, #tpu.memory_space<hbm>>) target_semaphore(%dma_start3A_4259 : memref<!tpu.dma_semaphore, #tpu.memory_space<semaphore_mem>>)
    %dma_wait3A_4269 = arith.constant 0 : i32
    %dma_wait3A_4270 = arith.constant 0 : i32
    %dma_wait3A_4271 = tpu.memref_slice %arg7[%dma_wait3A_4270] : memref<7x!tpu.dma_semaphore, #tpu.memory_space<semaphore_mem>> -> memref<1x!tpu.dma_semaphore, #tpu.memory_space<semaphore_mem>>
    %dma_wait3A_4272 = tpu.memref_squeeze %dma_wait3A_4271 : memref<1x!tpu.dma_semaphore, #tpu.memory_space<semaphore_mem>> -> memref<!tpu.dma_semaphore, #tpu.memory_space<semaphore_mem>>
    %dma_wait3A_4273 = arith.constant 98 : i32
    %dma_wait3A_4274 = arith.constant 0 : i32
    %dma_wait3A_4275 = arith.constant 0 : i32
    %dma_wait3A_4276 = tpu.memref_slice %arg3[%dma_wait3A_4273, %dma_wait3A_4274, %dma_wait3A_4275] : memref<112x64x4096xf32, #tpu.memory_space<hbm>> -> memref<2x64x4096xf32, #tpu.memory_space<hbm>>
    %dma_wait3A_4277 = arith.constant 0 : i32
    %dma_wait3A_4278 = arith.constant 0 : i32
    %dma_wait3A_4279 = arith.constant 0 : i32
    %dma_wait3A_4280 = tpu.memref_slice %arg5[%dma_wait3A_4269, %dma_wait3A_4277, %dma_wait3A_4278, %dma_wait3A_4279] : memref<7x2x64x4096xf32, #tpu.memory_space<vmem>> -> memref<1x2x64x4096xf32, #tpu.memory_space<vmem>>
    %dma_wait3A_4281 = tpu.memref_squeeze %dma_wait3A_4280 : memref<1x2x64x4096xf32, #tpu.memory_space<vmem>> -> memref<2x64x4096xf32, #tpu.memory_space<vmem>>
    tpu.wait_dma2 semaphore(%dma_wait3A_4272 : memref<!tpu.dma_semaphore, #tpu.memory_space<semaphore_mem>>) src(%dma_wait3A_4281 : memref<2x64x4096xf32, #tpu.memory_space<vmem>>) dst(%dma_wait3A_4276 : memref<2x64x4096xf32, #tpu.memory_space<hbm>>)
    %dma_wait3A_4282 = arith.constant 1 : i32
    %dma_wait3A_4283 = arith.constant 1 : i32
    %dma_wait3A_4284 = tpu.memref_slice %arg7[%dma_wait3A_4283] : memref<7x!tpu.dma_semaphore, #tpu.memory_space<semaphore_mem>> -> memref<1x!tpu.dma_semaphore, #tpu.memory_space<semaphore_mem>>
    %dma_wait3A_4285 = tpu.memref_squeeze %dma_wait3A_4284 : memref<1x!tpu.dma_semaphore, #tpu.memory_space<semaphore_mem>> -> memref<!tpu.dma_semaphore, #tpu.memory_space<semaphore_mem>>
    %dma_wait3A_4286 = arith.constant 100 : i32
    %dma_wait3A_4287 = arith.constant 0 : i32
    %dma_wait3A_4288 = arith.constant 0 : i32
    %dma_wait3A_4289 = tpu.memref_slice %arg3[%dma_wait3A_4286, %dma_wait3A_4287, %dma_wait3A_4288] : memref<112x64x4096xf32, #tpu.memory_space<hbm>> -> memref<2x64x4096xf32, #tpu.memory_space<hbm>>
    %dma_wait3A_4290 = arith.constant 0 : i32
    %dma_wait3A_4291 = arith.constant 0 : i32
    %dma_wait3A_4292 = arith.constant 0 : i32
    %dma_wait3A_4293 = tpu.memref_slice %arg5[%dma_wait3A_4282, %dma_wait3A_4290, %dma_wait3A_4291, %dma_wait3A_4292] : memref<7x2x64x4096xf32, #tpu.memory_space<vmem>> -> memref<1x2x64x4096xf32, #tpu.memory_space<vmem>>
    %dma_wait3A_4294 = tpu.memref_squeeze %dma_wait3A_4293 : memref<1x2x64x4096xf32, #tpu.memory_space<vmem>> -> memref<2x64x4096xf32, #tpu.memory_space<vmem>>
    tpu.wait_dma2 semaphore(%dma_wait3A_4285 : memref<!tpu.dma_semaphore, #tpu.memory_space<semaphore_mem>>) src(%dma_wait3A_4294 : memref<2x64x4096xf32, #tpu.memory_space<vmem>>) dst(%dma_wait3A_4289 : memref<2x64x4096xf32, #tpu.memory_space<hbm>>)
    %dma_wait3A_4295 = arith.constant 2 : i32
    %dma_wait3A_4296 = arith.constant 2 : i32
    %dma_wait3A_4297 = tpu.memref_slice %arg7[%dma_wait3A_4296] : memref<7x!tpu.dma_semaphore, #tpu.memory_space<semaphore_mem>> -> memref<1x!tpu.dma_semaphore, #tpu.memory_space<semaphore_mem>>
    %dma_wait3A_4298 = tpu.memref_squeeze %dma_wait3A_4297 : memref<1x!tpu.dma_semaphore, #tpu.memory_space<semaphore_mem>> -> memref<!tpu.dma_semaphore, #tpu.memory_space<semaphore_mem>>
    %dma_wait3A_4299 = arith.constant 102 : i32
    %dma_wait3A_4300 = arith.constant 0 : i32
    %dma_wait3A_4301 = arith.constant 0 : i32
    %dma_wait3A_4302 = tpu.memref_slice %arg3[%dma_wait3A_4299, %dma_wait3A_4300, %dma_wait3A_4301] : memref<112x64x4096xf32, #tpu.memory_space<hbm>> -> memref<2x64x4096xf32, #tpu.memory_space<hbm>>
    %dma_wait3A_4303 = arith.constant 0 : i32
    %dma_wait3A_4304 = arith.constant 0 : i32
    %dma_wait3A_4305 = arith.constant 0 : i32
    %dma_wait3A_4306 = tpu.memref_slice %arg5[%dma_wait3A_4295, %dma_wait3A_4303, %dma_wait3A_4304, %dma_wait3A_4305] : memref<7x2x64x4096xf32, #tpu.memory_space<vmem>> -> memref<1x2x64x4096xf32, #tpu.memory_space<vmem>>
    %dma_wait3A_4307 = tpu.memref_squeeze %dma_wait3A_4306 : memref<1x2x64x4096xf32, #tpu.memory_space<vmem>> -> memref<2x64x4096xf32, #tpu.memory_space<vmem>>
    tpu.wait_dma2 semaphore(%dma_wait3A_4298 : memref<!tpu.dma_semaphore, #tpu.memory_space<semaphore_mem>>) src(%dma_wait3A_4307 : memref<2x64x4096xf32, #tpu.memory_space<vmem>>) dst(%dma_wait3A_4302 : memref<2x64x4096xf32, #tpu.memory_space<hbm>>)
    %dma_wait3A_4308 = arith.constant 3 : i32
    %dma_wait3A_4309 = arith.constant 3 : i32
    %dma_wait3A_4310 = tpu.memref_slice %arg7[%dma_wait3A_4309] : memref<7x!tpu.dma_semaphore, #tpu.memory_space<semaphore_mem>> -> memref<1x!tpu.dma_semaphore, #tpu.memory_space<semaphore_mem>>
    %dma_wait3A_4311 = tpu.memref_squeeze %dma_wait3A_4310 : memref<1x!tpu.dma_semaphore, #tpu.memory_space<semaphore_mem>> -> memref<!tpu.dma_semaphore, #tpu.memory_space<semaphore_mem>>
    %dma_wait3A_4312 = arith.constant 104 : i32
    %dma_wait3A_4313 = arith.constant 0 : i32
    %dma_wait3A_4314 = arith.constant 0 : i32
    %dma_wait3A_4315 = tpu.memref_slice %arg3[%dma_wait3A_4312, %dma_wait3A_4313, %dma_wait3A_4314] : memref<112x64x4096xf32, #tpu.memory_space<hbm>> -> memref<2x64x4096xf32, #tpu.memory_space<hbm>>
    %dma_wait3A_4316 = arith.constant 0 : i32
    %dma_wait3A_4317 = arith.constant 0 : i32
    %dma_wait3A_4318 = arith.constant 0 : i32
    %dma_wait3A_4319 = tpu.memref_slice %arg5[%dma_wait3A_4308, %dma_wait3A_4316, %dma_wait3A_4317, %dma_wait3A_4318] : memref<7x2x64x4096xf32, #tpu.memory_space<vmem>> -> memref<1x2x64x4096xf32, #tpu.memory_space<vmem>>
    %dma_wait3A_4320 = tpu.memref_squeeze %dma_wait3A_4319 : memref<1x2x64x4096xf32, #tpu.memory_space<vmem>> -> memref<2x64x4096xf32, #tpu.memory_space<vmem>>
    tpu.wait_dma2 semaphore(%dma_wait3A_4311 : memref<!tpu.dma_semaphore, #tpu.memory_space<semaphore_mem>>) src(%dma_wait3A_4320 : memref<2x64x4096xf32, #tpu.memory_space<vmem>>) dst(%dma_wait3A_4315 : memref<2x64x4096xf32, #tpu.memory_space<hbm>>)
    %dma_wait3A_4321 = arith.constant 4 : i32
    %dma_wait3A_4322 = arith.constant 4 : i32
    %dma_wait3A_4323 = tpu.memref_slice %arg7[%dma_wait3A_4322] : memref<7x!tpu.dma_semaphore, #tpu.memory_space<semaphore_mem>> -> memref<1x!tpu.dma_semaphore, #tpu.memory_space<semaphore_mem>>
    %dma_wait3A_4324 = tpu.memref_squeeze %dma_wait3A_4323 : memref<1x!tpu.dma_semaphore, #tpu.memory_space<semaphore_mem>> -> memref<!tpu.dma_semaphore, #tpu.memory_space<semaphore_mem>>
    %dma_wait3A_4325 = arith.constant 106 : i32
    %dma_wait3A_4326 = arith.constant 0 : i32
    %dma_wait3A_4327 = arith.constant 0 : i32
    %dma_wait3A_4328 = tpu.memref_slice %arg3[%dma_wait3A_4325, %dma_wait3A_4326, %dma_wait3A_4327] : memref<112x64x4096xf32, #tpu.memory_space<hbm>> -> memref<2x64x4096xf32, #tpu.memory_space<hbm>>
    %dma_wait3A_4329 = arith.constant 0 : i32
    %dma_wait3A_4330 = arith.constant 0 : i32
    %dma_wait3A_4331 = arith.constant 0 : i32
    %dma_wait3A_4332 = tpu.memref_slice %arg5[%dma_wait3A_4321, %dma_wait3A_4329, %dma_wait3A_4330, %dma_wait3A_4331] : memref<7x2x64x4096xf32, #tpu.memory_space<vmem>> -> memref<1x2x64x4096xf32, #tpu.memory_space<vmem>>
    %dma_wait3A_4333 = tpu.memref_squeeze %dma_wait3A_4332 : memref<1x2x64x4096xf32, #tpu.memory_space<vmem>> -> memref<2x64x4096xf32, #tpu.memory_space<vmem>>
    tpu.wait_dma2 semaphore(%dma_wait3A_4324 : memref<!tpu.dma_semaphore, #tpu.memory_space<semaphore_mem>>) src(%dma_wait3A_4333 : memref<2x64x4096xf32, #tpu.memory_space<vmem>>) dst(%dma_wait3A_4328 : memref<2x64x4096xf32, #tpu.memory_space<hbm>>)
    %dma_wait3A_4334 = arith.constant 5 : i32
    %dma_wait3A_4335 = arith.constant 5 : i32
    %dma_wait3A_4336 = tpu.memref_slice %arg7[%dma_wait3A_4335] : memref<7x!tpu.dma_semaphore, #tpu.memory_space<semaphore_mem>> -> memref<1x!tpu.dma_semaphore, #tpu.memory_space<semaphore_mem>>
    %dma_wait3A_4337 = tpu.memref_squeeze %dma_wait3A_4336 : memref<1x!tpu.dma_semaphore, #tpu.memory_space<semaphore_mem>> -> memref<!tpu.dma_semaphore, #tpu.memory_space<semaphore_mem>>
    %dma_wait3A_4338 = arith.constant 108 : i32
    %dma_wait3A_4339 = arith.constant 0 : i32
    %dma_wait3A_4340 = arith.constant 0 : i32
    %dma_wait3A_4341 = tpu.memref_slice %arg3[%dma_wait3A_4338, %dma_wait3A_4339, %dma_wait3A_4340] : memref<112x64x4096xf32, #tpu.memory_space<hbm>> -> memref<2x64x4096xf32, #tpu.memory_space<hbm>>
    %dma_wait3A_4342 = arith.constant 0 : i32
    %dma_wait3A_4343 = arith.constant 0 : i32
    %dma_wait3A_4344 = arith.constant 0 : i32
    %dma_wait3A_4345 = tpu.memref_slice %arg5[%dma_wait3A_4334, %dma_wait3A_4342, %dma_wait3A_4343, %dma_wait3A_4344] : memref<7x2x64x4096xf32, #tpu.memory_space<vmem>> -> memref<1x2x64x4096xf32, #tpu.memory_space<vmem>>
    %dma_wait3A_4346 = tpu.memref_squeeze %dma_wait3A_4345 : memref<1x2x64x4096xf32, #tpu.memory_space<vmem>> -> memref<2x64x4096xf32, #tpu.memory_space<vmem>>
    tpu.wait_dma2 semaphore(%dma_wait3A_4337 : memref<!tpu.dma_semaphore, #tpu.memory_space<semaphore_mem>>) src(%dma_wait3A_4346 : memref<2x64x4096xf32, #tpu.memory_space<vmem>>) dst(%dma_wait3A_4341 : memref<2x64x4096xf32, #tpu.memory_space<hbm>>)
    %dma_wait3A_4347 = arith.constant 6 : i32
    %dma_wait3A_4348 = arith.constant 6 : i32
    %dma_wait3A_4349 = tpu.memref_slice %arg7[%dma_wait3A_4348] : memref<7x!tpu.dma_semaphore, #tpu.memory_space<semaphore_mem>> -> memref<1x!tpu.dma_semaphore, #tpu.memory_space<semaphore_mem>>
    %dma_wait3A_4350 = tpu.memref_squeeze %dma_wait3A_4349 : memref<1x!tpu.dma_semaphore, #tpu.memory_space<semaphore_mem>> -> memref<!tpu.dma_semaphore, #tpu.memory_space<semaphore_mem>>
    %dma_wait3A_4351 = arith.constant 110 : i32
    %dma_wait3A_4352 = arith.constant 0 : i32
    %dma_wait3A_4353 = arith.constant 0 : i32
    %dma_wait3A_4354 = tpu.memref_slice %arg3[%dma_wait3A_4351, %dma_wait3A_4352, %dma_wait3A_4353] : memref<112x64x4096xf32, #tpu.memory_space<hbm>> -> memref<2x64x4096xf32, #tpu.memory_space<hbm>>
    %dma_wait3A_4355 = arith.constant 0 : i32
    %dma_wait3A_4356 = arith.constant 0 : i32
    %dma_wait3A_4357 = arith.constant 0 : i32
    %dma_wait3A_4358 = tpu.memref_slice %arg5[%dma_wait3A_4347, %dma_wait3A_4355, %dma_wait3A_4356, %dma_wait3A_4357] : memref<7x2x64x4096xf32, #tpu.memory_space<vmem>> -> memref<1x2x64x4096xf32, #tpu.memory_space<vmem>>
    %dma_wait3A_4359 = tpu.memref_squeeze %dma_wait3A_4358 : memref<1x2x64x4096xf32, #tpu.memory_space<vmem>> -> memref<2x64x4096xf32, #tpu.memory_space<vmem>>
    tpu.wait_dma2 semaphore(%dma_wait3A_4350 : memref<!tpu.dma_semaphore, #tpu.memory_space<semaphore_mem>>) src(%dma_wait3A_4359 : memref<2x64x4096xf32, #tpu.memory_space<vmem>>) dst(%dma_wait3A_4354 : memref<2x64x4096xf32, #tpu.memory_space<hbm>>)
    return
  }
}

</mosaic_0001>

<sc_bundles>
// kernel: kernel.4.cloned.1.call-start
scs
__scs_entry_jumppad:
0x0: {  	(pc) =	sbr.rel $0x88, $3  }
0x1: {  	(tag) =	ssettag $0x0;
	lr =	simm.s32 $0x1  }
0x2: {  	[smem:$0x3F9E] =	sst lr;
	_ =	strace $0xD0000000  }
0x3: {  	_ = 	snop  }
0x4: {  	_ = 	snop  }
0x5: {  	_ = 	snop  }
0x6: {  	_ = 	snop  }
0x7: {  	_ = 	snop  }
__scs_overlays_trampoline_lowered:
0x8: {  	[smem:$0x3FAD] =	sst s0  }
0x9: {  	[smem:$0x3FAE] =	sst s1  }
0xa: {  	[smem:$0x3FAF] =	sst s2  }
0xb: {  	[smem:$0x3FB0] =	sst s3  }
0xc: {  	[smem:$0x3FB1] =	sst s4  }
0xd: {  	[smem:$0x3FB2] =	sst s5  }
0xe: {  	[smem:$0x3FB3] =	sst s6  }
0xf: {  	[smem:$0x3FB4] =	sst s7  }
0x10: {  	[smem:$0x3FB5] =	sst s8  }
0x11: {  	[smem:$0x3FB6] =	sst s9;
	s0 =	simm.s32 @!p0 $0x0  }
0x12: {  	s1 =	sld [smem:$0x3F9C];
	s0 =	simm.s32 @p0 $0x1  }
0x13: {  	[smem:$0x3FB7] =	sst s0;
	s0 =	simm.s32 @!p1 $0x0  }
0x14: {  	s2 =	sld [smem:$0x3F9B];
	s0 =	simm.s32 @p1 $0x1  }
0x15: {  	[smem:$0x3FB8] =	sst s0;
	s0 =	simm.s32 @!p2 $0x0  }
0x16: {  	s3 =	sld [smem:$0x3FDB];
	s0 =	simm.s32 @p2 $0x1  }
0x17: {  	s4 =	simm.s32 $0x1BF5;
	[smem:$0x3FBA] =	sst s0  }
0x18: {  	s0 =	sld [smem:$0x3F9D];
	_ =	swait.ge [sflag:s4], $0x0  }
0x19: {  	s7 =	sld [smem:$0x3F9E]  }
0x1a: {  	s8 =	sadd.s32 $0xFFFFE003, lr  }
0x1b: {  	s9 =	sadd.s32 $0xFFFFFEF7, lr;
	s5 =	simm.s32 $0xFFFFFFFF;
	p2 =	slt.u32 s8, $0xFFFFF086  }
0x1c: {  	p1 =	slt.u32 s9, $0xF7A;
	s5 =	simm.s32 @!p2 $0x0  }
0x1d: {  	s5 =	simm.s32 @p1 $0x1;
	p0 =	seq.s32 s7, s2  }
0x1e: {  	s7 =	smul.u32 @!p0 $0xF7A, s2;
	p2 =	seq.s32 @!p0 s5, $0x0  }
0x1f: {  	s9 =	smul.u32 $0xF7A, s1;
	s8 =	simm.s32 @!p0 $0x1BF5;
	p2 =	por !p2, p0  }
0x20: {  	[sflag:s8] =	ssyncset.s32 @!p0 $0xFFFFF086;
	s6 =	sadd.s32 @!p0 s3, s7;
	s7 =	simm.s32 @!p0 $0x108  }
0x21: {  	s3 =	sadd.s32 s3, s9;
	s6 =	sadd.s32 @!p0 $0x88, s6;
	s7 =	simm.s32 @p2 $0x1082  }
0x22: {  	[simem:s7], [sflag:s8] =	dma.local @!p0 [hbm:s6], $0xF7A  }
0x23: {  	s9 =	sor.u32 $0xD0000000, s2;
	s6 =	simm.s32 $0x108;
	_ =	swait.ge @!p0 [sflag:s8], $0x0  }
0x24: {  	s3 =	sadd.s32 $0x88, s3;
	s6 =	simm.s32 @!p1 $0x1082;
	[sflag:s4] =	ssyncset.s32 $0xFFFFF086  }
0x25: {  	[simem:s6], [sflag:s4] =	dma.local [hbm:s3], $0xF7A  }
0x26: {  	[smem:$0x3F9E] =	sst s1;
	(tag) =	ssettag s2;
	_ =	strace s9  }
0x27: {  	s1 =	sld [smem:$0x3FAE]  }
0x28: {  	s2 =	sld [smem:$0x3FAF]  }
0x29: {  	s4 =	sld [smem:$0x3FB1]  }
0x2a: {  	p0 =	seq.s32 s5, $0x0;
	s5 =	sld [smem:$0x3FB2]  }
0x2b: {  	s6 =	sld [smem:$0x3FB3]  }
0x2c: {  	s7 =	sld [smem:$0x3FB4]  }
0x2d: {  	s3 =	simm.s32 $0x108;
	s8 =	sld [smem:$0x3FB5]  }
0x2e: {  	s3 =	simm.s32 @!p0 $0x1082;
	s9 =	sld [smem:$0x3FB6]  }
0x2f: {  	lr =	sadd.s32 s0, s3;
	s0 =	sld [smem:$0x3FAD]  }
0x30: {  	s3 =	sld [smem:$0x3FB0]  }
0x31: {  	[smem:$0x3FB9] =	sst s10  }
0x32: {  	s10 =	sld [smem:$0x3FB7];
	_ =	sdelay $0x3  }
0x33: {  	p0 =	seq.s32 s10, $0x1;
	s10 =	sld [smem:$0x3FB9];
	_ =	sdelay $0x3  }
0x34: {  	[smem:$0x3FB9] =	sst s10  }
0x35: {  	s10 =	sld [smem:$0x3FB8];
	_ =	sdelay $0x3  }
0x36: {  	p1 =	seq.s32 s10, $0x1;
	s10 =	sld [smem:$0x3FB9];
	_ =	sdelay $0x3  }
0x37: {  	[smem:$0x3FB9] =	sst s10  }
0x38: {  	s10 =	sld [smem:$0x3FBA]  }
0x39: {  	_ = 	snop;
	(pc) =	sbr.ind lr, $3  }
0x3a: {  	_ = 	snop  }
0x3b: {  	_ = 	snop  }
0x3c: {  	p2 =	seq.s32 s10, $0x1;
	s10 =	sld [smem:$0x3FB9]  }
0x3d: {  	_ =	shalt  }
0x3e: {  	_ =	shalt  }
0x3f: {  	_ =	shalt  }
0x40: {  	_ =	shalt  }
0x41: {  	_ =	shalt  }
0x42: {  	_ =	shalt  }
0x43: {  	_ =	shalt  }
0x44: {  	_ =	shalt  }
0x45: {  	_ =	shalt  }
0x46: {  	_ =	shalt  }
0x47: {  	_ =	shalt  }
0x48: {  	_ =	shalt  }
0x49: {  	_ =	shalt  }
0x4a: {  	_ =	shalt  }
0x4b: {  	_ =	shalt  }
0x4c: {  	_ =	shalt  }
0x4d: {  	_ =	shalt  }
0x4e: {  	_ =	shalt  }
0x4f: {  	_ =	shalt  }
0x50: {  	_ =	shalt  }
0x51: {  	_ =	shalt  }
0x52: {  	_ =	shalt  }
0x53: {  	_ =	shalt  }
0x54: {  	_ =	shalt  }
0x55: {  	_ =	shalt  }
0x56: {  	_ =	shalt  }
0x57: {  	_ =	shalt  }
0x58: {  	_ =	shalt  }
0x59: {  	_ =	shalt  }
0x5a: {  	_ =	shalt  }
0x5b: {  	_ =	shalt  }
0x5c: {  	_ =	shalt  }
0x5d: {  	_ =	shalt  }
0x5e: {  	_ =	shalt  }
0x5f: {  	_ =	shalt  }
0x60: {  	_ =	shalt  }
0x61: {  	_ =	shalt  }
0x62: {  	_ =	shalt  }
0x63: {  	_ =	shalt  }
0x64: {  	_ =	shalt  }
0x65: {  	_ =	shalt  }
0x66: {  	_ =	shalt  }
0x67: {  	_ =	shalt  }
0x68: {  	_ =	shalt  }
0x69: {  	_ =	shalt  }
0x6a: {  	_ =	shalt  }
0x6b: {  	_ =	shalt  }
0x6c: {  	_ =	shalt  }
0x6d: {  	_ =	shalt  }
0x6e: {  	_ =	shalt  }
0x6f: {  	_ =	shalt  }
0x70: {  	_ =	shalt  }
0x71: {  	_ =	shalt  }
0x72: {  	_ =	shalt  }
0x73: {  	_ =	shalt  }
0x74: {  	_ =	shalt  }
0x75: {  	_ =	shalt  }
0x76: {  	_ =	shalt  }
0x77: {  	_ =	shalt  }
0x78: {  	_ =	shalt  }
0x79: {  	_ =	shalt  }
0x7a: {  	_ =	shalt  }
0x7b: {  	_ =	shalt  }
0x7c: {  	_ =	shalt  }
0x7d: {  	_ =	shalt  }
0x7e: {  	_ =	shalt  }
0x7f: {  	_ =	shalt  }
0x80: {  	_ =	shalt  }
0x81: {  	_ =	shalt  }
0x82: {  	_ =	shalt  }
0x83: {  	_ =	shalt  }
0x84: {  	_ =	shalt  }
0x85: {  	_ =	shalt  }
0x86: {  	_ =	shalt  }
0x87: {  	_ =	shalt  }
.Lfunc_end0:
.L_simem_size_0:
called_computation_lowered:
.L_overlay_start_0:
0x88: {  	s2 =	sld [smem:$0x3FD9]  }
0x89: {  	s3 =	sld [smem:$0x3FFE];
	_ =	sdelay $0x1  }
0x8a: {  	s1 =	srdreg.scid  }
0x8b: {  	s0 =	sand.u32 $0x1, s1  }
0x8c: {  	s17 =	sshll.u32 s0, $0xA;
	s2 =	sadd.s32 s3, s2  }
0x8d: {  	s2 =	sadd.s32 s2, s17  }
0x8e: {  	[smem:$0x3FC5] =	sst s2  }
0x8f: {  	_ = 	snop  }
0x90: {  	s2 =	sld [smem:$0x3FC9]  }
0x91: {  	s18 =	sld [smem:$0x3FC8]  }
0x92: {  	s4 =	sld [smem:$0x3FD0];
	(tm) =	ssettm $0x1  }
0x93: {  	s5 =	sld [smem:$0x3FFB];
	_ =	sdelay $0x3  }
0x94: {  	_ =	strace s5  }
0x95: {  	s5 =	sld [smem:$0x3FFC];
	_ =	sdelay $0x3  }
0x96: {  	_ =	strace s5  }
0x97: {  	s5 =	sld [smem:$0x3FFD];
	_ =	sdelay $0x3  }
0x98: {  	_ =	strace s5  }
0x99: {  	_ =	strace $0x8FFFFFFF  }
0x9a: {  	s19 =	sld [smem:$0x3FDB];
	_ =	sdelay $0x1  }
0x9b: {  	s6 =	simm.s32 $_scs_section_size  }
0x9c: {  	s7 =	simm.s32 $_size__tile_overlayer_lowered;
	s8 =	simm.s32 $_tile_overlayer_lowered  }
0x9d: {  	s22 =	simm.s32 $0x1BFF;
	s21 =	sshll.u32 s8, $0x1;
	s5 =	sadd.s32 s6, s19  }
0x9e: {  	s9 =	simm.s32 $0x0;
	s20 =	sshll.u32 s7, $0x1;
	s7 =	sadd.s32 s21, s5  }
0x9f: {  	[timem:s9], [sflag:s22] =	dma.local [hbm:s7], s20  }
0xa0: {  	_ =	swait.ge [sflag:s22], s20  }
0xa1: {  	s6 =	ssub.s32 $0x0, s20;
	[sflag:s22] =	ssyncset.done $0x0  }
0xa2: {  	[sflag:s22] =	ssyncadd.s32 s6;
	_ =	sdelay $0x1  }
0xa3: {  	s23 =	simm.s32 $0x1B8B  }
0xa4: {  	_ =	swait.ge [sflag:s23], $0x1  }
0xa5: {  	[sflag:s23] =	ssyncset.done $0x0  }
0xa6: {  	s25 =	simm.s32 $0x1B8E;
	s24 =	sld [smem:$0x3FFE];
	[sflag:s23] =	ssyncadd.s32 $0xFFFFFFFF  }
0xa7: {  	s26 =	simm.s32 $execute0_lowered;
	[smem:$0x3FD2] =	sst s25  }
0xa8: {  	s7 =	sshll.u32 s26, $0x1;
	_ =	strace $0x80000046;
	[dreg:$0x1] =	wrdreg $0xFFFFFFFF  }
0xa9: {  	s28 =	simm.s32 $_size_execute0_lowered;
	s5 =	sadd.s32 s5, s7;
	[dreg:$0x0] =	wrdreg $0x0  }
0xaa: {  	s7 =	sshll.u32 s28, $0x1;
	[dreg:$0x2] =	wrdreg s5  }
0xab: {  	[dreg:$0x3] =	wrdreg s7  }
0xac: {  	[dreg:$0x4] =	wrdreg $0xC0  }
0xad: {  	_ =	task [dreg:s9], $0x5FFFF  }
0xae: {  	[dreg:$0x1] =	wrdreg $0xFFFFFFFF  }
0xaf: {  	[dreg:$0x0] =	wrdreg $0x60  }
0xb0: {  	[dreg:$0x2] =	wrdreg s2  }
0xb1: {  	[dreg:$0x3] =	wrdreg s18  }
0xb2: {  	[dreg:$0x4] =	wrdreg s4  }
0xb3: {  	[dreg:$0x5] =	wrdreg s24  }
0xb4: {  	[dreg:$0x6] =	wrdreg $0x9  }
0xb5: {  	_ =	task.clear_ibuf [dreg:s9], $0x7FFFF;
	_ =	strace $0x90000046  }
0xb6: {  	s29 =	simm.s32 $0x9;
	_ =	strace $0x80000048  }
0xb7: {  	_ =	swait.ge [sflag:s29], $0x1  }
0xb8: {  	[sflag:s29] =	ssyncadd.s32 $0xFFFFFFFF  }
0xb9: {  	_ =	strace $0x90000048  }
0xba: {  	_ =	sfence  }
0xbb: {  	s30 =	sld [smem:$0x0];
	_ =	sdelay $0x2  }
0xbc: {  	s31 =	sshll.u32 s1, $0xD;
	s1 =	sshrl.u32 s1, $0x2  }
0xbd: {  	s3 =	sand.u32 $0x4000, s31;
	s1 =	sadd.s32 s1, s30  }
0xbe: {  	s0 =	sor.u32 s3, s0;
	s1 =	sshll.u32 s1, $0x11  }
0xbf: {  	s0 =	sor.u32 s1, s0  }
0xc0: {  	s0 =	sadd.s32 $0x8F2B, s0  }
0xc1: {  	[sflag:s0] =	ssyncadd.remote.s32 $0x1  }
0xc2: {  	_ =	sfence.sel $0xFFFF  }
0xc3: {  	[dreg:$0x0] =	wrdreg $0xFFFFFFFF;
	(pc) =	sbr.abs _section_cstart, $3  }
0xc4: {  	[dreg:$0x1] =	wrdreg $0xFFFFFFFF  }
0xc5: {  	_ =	task.clear_ibuf [dreg:s9], $0x2FFFF;
	_ =	strace $0x9FFFFFFF  }
0xc6: {  	(tm) =	ssettm $0x7FFFFFFF  }
0xc7: {  	_ =	shalt  }
tec
execute0_lowered:
.L_overlay_start_1:
0x0: {  	(tag) =	ssettag $0x1  }
0x1: {  	s1 =	srdreg.scid;
	s8 =	rddreg [dreg:$0x1]  }
0x2: {  	s0 =	stileid.u32;
	s3 =	rddreg [dreg:$0x2]  }
0x3: {  	s5 =	simm.s32 $0x1;
	s6 =	rddreg [dreg:$0x3];
	s7 =	sand.u32 $0x1, s1  }
0x4: {  	s4 =	simm.s32 $0x0;
	s14 =	simm.s32 $0x400;
	s2 =	sor.u32 s7, s0  }
0x5: {  	s15 =	simm.s32 $0x1000;
	p1 =	seq.s32 s7, $0x1;
	p0 =	seq.s32 s2, $0x0  }
0x6: {  	s16 =	simm.s32 $0x3000;
	s17 =	simm.s32 $0x2000;
	p0 =	por !p0, !p1  }
0x7: {  	s18 =	simm.s32 $0x0;
	s1 =	rddreg [dreg:$0x0];
	p0 =	por !p0, !p0  }
0x8: {  	[smem:$0x7FF] =	sst s4;
	s12 =	ssub.s32 $0x2, s7;
	s5 =	simm.s32 @!p0 $0x0  }
0x9: {  	s7 =	sshll.u32 s7, $0x5;
	s2 =	rddreg [dreg:$0x4];
	s11 =	ssub.s32 s0, s5  }
0xa: {  	_ =	strace $0x80000047;
	s31 =	sshrl.u32 s12, $0x1;
	s9 =	sadd.s32 $0x70, s11  }
0xb: {  	s12 =	ssub.s32 s12, s31;
	s10 =	sshll.u32 s11, $0x7;
	s30 =	sshll.u32 s9, $0xC  }
0xc: {  	s12 =	smax.u32 s12, $0x1;
	s10 =	sand.u32 $0x380, s10;
	s13 =	sand.u32 $0x7FFF8000, s30  }
0xd: {  	s5 =	sadd.s32 $0x800, s6;
	s6 =	simm.s32 $0x1;
	s10 =	sor.u32 s10, s13  }
0xe: {  	s9 =	sshll.u32 s9, $0x12;
	s13 =	simm.s32 $0x80;
	s10 =	sshrl.u32 s10, $0x3  }
0xf: {  	s8 =	sadd.s32 s8, s10;
	s10 =	sshll.u32 s11, $0xD;
	s11 =	sshll.u32 s11, $0x12  }
.LBB2_1:
0x10: {  	[tilespmem:s4], [sflag:$0x1] =	stream.strided.gather [hbm4b:s8+s13], $0x1000, s14, s13, $0x38;
	[tilespmem:$0x3080] =	vst v63  }
0x11: {  	_ =	swait.ge [sflag:s6], $0x1000  }
0x12: {  	[sflag:s6] =	ssyncset.done $0x0  }
0x13: {  	s19 =	simm.s32 $0x0;
	[sflag:s6] =	ssyncadd.s32 $0xFFFFF000  }
.LBB2_2:
0x14: {  	s22 =	sadd.s32 s7, s19  }
0x15: {  	s20 =	sshll.u32 s22, $0xC  }
0x16: {  	s21 =	sshll.u32 s19, $0x7;
	s20 =	sand.u32 $0x38000, s20  }
0x17: {  	s21 =	sand.u32 $0x380, s21;
	s23 =	sor.u32 s9, s20  }
0x18: {  	s22 =	sshll.u32 s22, $0x7;
	s23 =	sor.u32 s21, s23  }
0x19: {  	s22 =	sand.u32 $0x1C00, s22;
	s23 =	sshrl.u32 s23, $0x3  }
0x1a: {  	s22 =	sor.u32 s10, s22;
	s23 =	sadd.s32 s1, s23  }
0x1b: {  	[tilespmem:s15], [sflag:$0x1] =	stream.strided.gather [hbm4b:s23+s13], $0x1000, s14, s13, $0x38;
	[tilespmem:$0x3080] =	vst v63  }
0x1c: {  	s22 =	sor.u32 s21, s22;
	_ =	swait.ge [sflag:s6], $0x1000  }
0x1d: {  	s22 =	sshrl.u32 s22, $0x3;
	[sflag:s6] =	ssyncset.done $0x0  }
0x1e: {  	s31 =	simm.s32 $0x0;
	s22 =	sadd.s32 s3, s22;
	[sflag:s6] =	ssyncadd.s32 $0xFFFFF000  }
0x1f: {  	[tilespmem:s16], [sflag:$0x1] =	stream.linear.gather [hbm4b:s22+s31], $0x80, $0x38;
	[tilespmem:$0x3080] =	vst v63  }
0x20: {  	_ =	swait.ge [sflag:s6], $0x80  }
0x21: {  	[sflag:s6] =	ssyncset.done $0x0  }
0x22: {  	s22 =	simm.s32 $0x0;
	[sflag:s6] =	ssyncadd.s32 $0xFFFFFF80  }
0x23: {  	s23 =	simm.s32 $0x40;
	v0 =	vld [tilespmem:s22+$0x0]  }
.LBB2_3:
0x24: {  	p0 =	sne.s32 s23, $0x3FC0;
	v1 =	vld [tilespmem:$0x3000];
	_ =	sdelay $0x1  }
0x25: {  	v2 =	vld [tilespmem:s22+$0x1000];
	_ =	sdelay $0x2  }
.Ltmp0:
0x26: {  	v0 =	vmul.f32 v1, v0;
	(pc) =	sbr.rel @p0 .LBB2_3-.Ltmp0, $4  }
0x27: {  	_ = 	snop  }
0x28: {  	v1 =	vadd.f32 v0, v2  }
0x29: {  	s24 =	sshra.s32 s23, $0x2  }
0x2a: {  	s23 =	sadd.s32 $0x40, s23;
	v0 =	vld [tilespmem:s24+$0x0];
	[tilespmem:s22+$0x2000] =	vst v1;
	s22 =	smov.u32 s24  }
0x2b: {  	v1 =	vld [tilespmem:$0x3000];
	_ =	sdelay $0x1  }
0x2c: {  	v2 =	vld [tilespmem:s22+$0x1000];
	_ =	sdelay $0x2  }
0x2d: {  	v0 =	vmul.f32 v1, v0  }
0x2e: {  	s20 =	sor.u32 s11, s20  }
0x2f: {  	s19 =	sadd.s32 $0x1, s19;
	s20 =	sor.u32 s21, s20;
	v0 =	vadd.f32 v0, v2  }
0x30: {  	p0 =	sne.s32 s19, $0x20;
	s20 =	sshrl.u32 s20, $0x3  }
.Ltmp1:
0x31: {  	s20 =	sadd.s32 s5, s20;
	[tilespmem:s22+$0x2000] =	vst v0;
	(pc) =	sbr.rel @p0 .LBB2_2-.Ltmp1, $4  }
0x32: {  	[hbm4b:s20+s13] =	stream.strided.scatter [tilespmem:s17], [sflag:$0x1], $0x1000, s14, s13, $0x38;
	[tilespmem:$0x3080] =	vst v63  }
0x33: {  	_ =	swait.ge [sflag:s6], $0x1000  }
0x34: {  	[sflag:s6] =	ssyncset.done $0x0  }
0x35: {  	[sflag:s6] =	ssyncadd.s32 $0xFFFFF000  }
0x36: {  	s18 =	sadd.s32 $0x1, s18  }
0x37: {  	p0 =	sne.s32 s18, s12  }
.Ltmp2:
0x38: {  	_ = 	snop;
	(pc) =	sbr.rel @p0 .LBB2_1-.Ltmp2, $1  }
0x39: {  	_ =	sdelay $0x3  }
0x3a: {  	_ =	sfence.sel $0x180000  }
0x3b: {  	[bflag:$0x0] =	sbarrier.arrive $0xFFFF  }
0x3c: {  	p0 =	sne.s32 s0, $0x0;
	_ =	strace $0x90000047  }
0x3d: {  	s0 =	sadd.s32 @!p0 $0x100000, s2;
	[bflag:$0x2] =	sbarrier.arrive $0xFFFF  }
0x3e: {  	[sflag:s0] =	ssyncadd.tile.s32 @!p0 $0x1;
	_ =	shalt  }
.Lfunc_end2:
_tile_overlayer_lowered:
.L_overlay_start_2:
0x3f: {  	(tag) =	ssettag $0x2  }
0x40: {  	s0 =	rddreg [dreg:$0x0];
	s2 =	stileid.u32  }
0x41: {  	s1 =	rddreg [dreg:$0x1];
	p0 =	sne.s32 s2, $0x0  }
0x42: {  	s3 =	rddreg [dreg:$0x2];
	[bflag:$0x3] =	sbarrier.arrive $0xFFFF;
	s2 =	simm.s32 @!p0 $0x1C01  }
0x43: {  	[timem:s3], [sflag:s2] =	dma.local @!p0 [hbm:s0], s1  }
0x44: {  	s0 =	simm.s32 @!p0 $0x1  }
0x45: {  	_ =	swait.ge @!p0 [sflag:s0], s1  }
0x46: {  	s1 =	ssub.s32 @!p0 $0x0, s1;
	[sflag:s0] =	ssyncset.done @!p0 $0x0  }
0x47: {  	[sflag:s0] =	ssyncadd.s32 @!p0 s1  }
0x48: {  	[bflag:$0x3] =	sbarrier.arrive $0xFFFF  }
0x49: {  	_ =	shalt  }

</sc_bundles>
